<compile_context>
chip_gen: v7x
topology: tpu7x:2x2x1
jax: 0.10.2.dev20260603
libtpu: 0.0.44.dev20260713+nightly
codegen_flags: <defaults>
</compile_context>

<pallas_src>
import functools

import jax
import jax.numpy as jnp
from jax import lax
from jax.experimental import pallas as pl
from jax.experimental.pallas import tpu as pltpu
from jax.experimental.pallas import tpu_sc as plsc

N_NODES = 10000
N_EDGES = 320000
D = 128
OUT_DIM = 64

NC, NS = 2, 16
NW = NC * NS
E_PER_W = N_EDGES // NW
N_PAD = 10240
H_PER_TILE = N_PAD // NS

GCHUNK = 80
GNCHUNK = 125
WIN = 5
NWIN = GNCHUNK // WIN


def _mesh():
    return plsc.VectorSubcoreMesh(
        core_axis_name="c", subcore_axis_name="s", num_cores=NC, num_subcores=NS
    )


def _sc_hist(ei):

    @functools.partial(
        pl.kernel,
        mesh=_mesh(),
        out_type=jax.ShapeDtypeStruct((NC, 1, N_PAD), jnp.float32),
        scratch_types=[
            pltpu.VMEM((NWIN, WIN, GCHUNK), jnp.int32),
            pltpu.VMEM((GCHUNK,), jnp.float32),
            pltpu.VMEM((H_PER_TILE,), jnp.float32),
            pltpu.VMEM_SHARED((N_PAD,), jnp.float32),
        ],
    )
    def k(ei_hbm, out_hbm, dst_v, ones_v, zbuf_v, hist_sh):
        c = lax.axis_index("c")
        s = lax.axis_index("s")
        w = c * NS + s
        zeros16 = jnp.zeros((16,), jnp.float32)
        ones16 = jnp.ones((16,), jnp.float32)

        def zero_body(i, carry):
            zbuf_v[pl.ds(i * 16, 16)] = zeros16
            return carry

        lax.fori_loop(0, H_PER_TILE // 16, zero_body, 0)
        for q in range(GCHUNK // 16):
            ones_v[pl.ds(q * 16, 16)] = ones16
        pltpu.sync_copy(zbuf_v, hist_sh.at[pl.ds(s * H_PER_TILE, H_PER_TILE)])
        pltpu.sync_copy(ei_hbm.at[1, w], dst_v)
        plsc.subcore_barrier()

        def body(o, carry):
            for j in range(WIN):
                pltpu.sync_copy(ones_v, hist_sh.at[dst_v.at[o, j]], add=True)
            return carry

        lax.fori_loop(0, NWIN, body, 0)
        plsc.subcore_barrier()
        pltpu.sync_copy(
            hist_sh.at[pl.ds(s * H_PER_TILE, H_PER_TILE)],
            out_hbm.at[c, 0, pl.ds(s * H_PER_TILE, H_PER_TILE)],
        )

    return k(ei)


def _sc_scatter(hs, ei, zrows):

    @functools.partial(
        pl.kernel,
        mesh=_mesh(),
        out_type=jax.ShapeDtypeStruct((NC, N_PAD, D), jnp.float32),
        scratch_types=[
            pltpu.VMEM((3, WIN, GCHUNK), jnp.int32),
            pltpu.VMEM((3, WIN, GCHUNK), jnp.int32),
            pltpu.VMEM((4, GCHUNK, D), jnp.float32),
            pltpu.VMEM_SHARED((N_PAD, D), jnp.float32),
            pltpu.SemaphoreType.DMA((4,)),
            pltpu.SemaphoreType.DMA((4,)),
            pltpu.SemaphoreType.DMA((3,)),
        ],
    )
    def k(hs_hbm, ei_hbm, z_hbm, out_hbm, src_v, dst_v, rows_v, acc_sh, gsem, ssem, isem):
        src_hbm = ei_hbm.at[0]
        dst_hbm = ei_hbm.at[1]
        c = lax.axis_index("c")
        s = lax.axis_index("s")
        w = c * NS + s
        zcopy = pltpu.async_copy(
            z_hbm.at[pl.ds(s * H_PER_TILE, H_PER_TILE)],
            acc_sh.at[pl.ds(s * H_PER_TILE, H_PER_TILE)],
            gsem.at[2],
        )
        pltpu.sync_copy(src_hbm.at[w, 0], src_v.at[0])
        pltpu.sync_copy(dst_hbm.at[w, 0], dst_v.at[0])
        pltpu.async_copy(src_hbm.at[w, 1], src_v.at[1], isem.at[1])
        pltpu.async_copy(dst_hbm.at[w, 1], dst_v.at[1], isem.at[1])
        zcopy.wait()
        plsc.subcore_barrier()

        pltpu.async_copy(hs_hbm.at[src_v.at[0, 0]], rows_v.at[0], gsem.at[0])
        pltpu.async_copy(hs_hbm.at[src_v.at[0, 1]], rows_v.at[1], gsem.at[1])

        def outer(o, carry):
            om = lax.rem(o, 3)
            om1 = lax.rem(o + 1, 3)
            om2 = lax.rem(o + 2, 3)
            for j in range(WIN):
                cidx = o * WIN + j
                b = lax.rem(cidx, 4)

                if j == 3:
                    @pl.when(o + 1 < NWIN)
                    def _():
                        pltpu.make_async_copy(
                            src_hbm.at[w, o + 1], src_v.at[om1], isem.at[om1]
                        ).wait()
                        pltpu.make_async_copy(
                            dst_hbm.at[w, o + 1], dst_v.at[om1], isem.at[om1]
                        ).wait()

                g = cidx + 2
                bg = lax.rem(g, 4)
                gidx = src_v.at[om, j + 2] if j < 3 else src_v.at[om1, j - 3]

                @pl.when(g < GNCHUNK)
                def _():
                    @pl.when(cidx >= 2)
                    def _():
                        pltpu.make_async_copy(
                            rows_v.at[bg], acc_sh.at[dst_v.at[om, 0]], ssem.at[bg]
                        ).wait()

                    pltpu.async_copy(hs_hbm.at[gidx], rows_v.at[bg], gsem.at[bg])

                pltpu.make_async_copy(
                    hs_hbm.at[src_v.at[om, j]], rows_v.at[b], gsem.at[b]
                ).wait()
                pltpu.async_copy(
                    rows_v.at[b], acc_sh.at[dst_v.at[om, j]], ssem.at[b], add=True
                )

                if j == 4:

                    @pl.when(o + 2 < NWIN)
                    def _():
                        pltpu.async_copy(src_hbm.at[w, o + 2], src_v.at[om2], isem.at[om2])
                        pltpu.async_copy(dst_hbm.at[w, o + 2], dst_v.at[om2], isem.at[om2])

            return carry

        lax.fori_loop(0, NWIN, outer, 0)
        for b in range(4):
            pltpu.make_async_copy(
                rows_v.at[b], acc_sh.at[dst_v.at[0, 0]], ssem.at[b]
            ).wait()
        plsc.subcore_barrier()
        pltpu.sync_copy(
            acc_sh.at[pl.ds(s * H_PER_TILE, H_PER_TILE)],
            out_hbm.at[c, pl.ds(s * H_PER_TILE, H_PER_TILE)],
        )

    return k(hs, ei, zrows)


_R = 2000


def _tc_matmul(x, W1):

    def body(x_ref, w_ref, out_ref):
        out_ref[...] = jnp.dot(x_ref[...], w_ref[...], preferred_element_type=jnp.float32)

    return pl.pallas_call(
        body,
        grid=(N_NODES // _R,),
        in_specs=[
            pl.BlockSpec((_R, D), lambda i: (i, 0)),
            pl.BlockSpec((D, D), lambda i: (0, 0)),
        ],
        out_specs=pl.BlockSpec((_R, D), lambda i: (i, 0)),
        out_shape=jax.ShapeDtypeStruct((N_NODES, D), jnp.float32),
    )(x, W1)


def _tc_scale(h1, hist):

    def body(h_ref, h0_ref, h1_ref, hs_ref, dinv_ref):
        deg = h0_ref[0] + h1_ref[0] + 1.0
        dinv = lax.rsqrt(deg)
        hs_ref[...] = h_ref[...] * dinv
        dinv_ref[...] = dinv

    return pl.pallas_call(
        body,
        grid=(N_NODES // _R,),
        in_specs=[
            pl.BlockSpec((_R, D), lambda i: (i, 0)),
            pl.BlockSpec((1, _R, 1), lambda i: (0, i, 0)),
            pl.BlockSpec((1, _R, 1), lambda i: (1, i, 0)),
        ],
        out_specs=[
            pl.BlockSpec((_R, D), lambda i: (i, 0)),
            pl.BlockSpec((_R, 1), lambda i: (i, 0)),
        ],
        out_shape=[
            jax.ShapeDtypeStruct((N_NODES, D), jnp.float32),
            jax.ShapeDtypeStruct((N_NODES, 1), jnp.float32),
        ],
    )(h1, hist, hist)


def _tc_mid(agg, hs_prev, dinv, b, W):

    def body(a0_ref, a1_ref, hsp_ref, dinv_ref, b_ref, w_ref, out_ref):
        dinv = dinv_ref[...]
        pre = (a0_ref[0] + a1_ref[0] + hsp_ref[...]) * dinv + b_ref[...]
        h = jnp.maximum(pre, 0.0)
        out_ref[...] = jnp.dot(h, w_ref[...], preferred_element_type=jnp.float32) * dinv

    return pl.pallas_call(
        body,
        grid=(N_NODES // _R,),
        in_specs=[
            pl.BlockSpec((1, _R, D), lambda i: (0, i, 0)),
            pl.BlockSpec((1, _R, D), lambda i: (1, i, 0)),
            pl.BlockSpec((_R, D), lambda i: (i, 0)),
            pl.BlockSpec((_R, 1), lambda i: (i, 0)),
            pl.BlockSpec((1, D), lambda i: (0, 0)),
            pl.BlockSpec((D, D), lambda i: (0, 0)),
        ],
        out_specs=pl.BlockSpec((_R, D), lambda i: (i, 0)),
        out_shape=jax.ShapeDtypeStruct((N_NODES, D), jnp.float32),
    )(agg, agg, hs_prev, dinv, b, W)


def _tc_last(agg, hs_prev, dinv, b, Wh, bh):

    def body(a0_ref, a1_ref, hsp_ref, dinv_ref, b_ref, wh_ref, bh_ref, out_ref):
        pre = (a0_ref[0] + a1_ref[0] + hsp_ref[...]) * dinv_ref[...] + b_ref[...]
        h = jnp.maximum(pre, 0.0)
        out_ref[...] = (
            jnp.dot(h, wh_ref[...], preferred_element_type=jnp.float32) + bh_ref[...]
        )

    return pl.pallas_call(
        body,
        grid=(N_NODES // _R,),
        in_specs=[
            pl.BlockSpec((1, _R, D), lambda i: (0, i, 0)),
            pl.BlockSpec((1, _R, D), lambda i: (1, i, 0)),
            pl.BlockSpec((_R, D), lambda i: (i, 0)),
            pl.BlockSpec((_R, 1), lambda i: (i, 0)),
            pl.BlockSpec((1, D), lambda i: (0, 0)),
            pl.BlockSpec((D, OUT_DIM), lambda i: (0, 0)),
            pl.BlockSpec((1, OUT_DIM), lambda i: (0, 0)),
        ],
        out_specs=pl.BlockSpec((_R, OUT_DIM), lambda i: (i, 0)),
        out_shape=jax.ShapeDtypeStruct((N_NODES, OUT_DIM), jnp.float32),
    )(agg, agg, hs_prev, dinv, b, Wh, bh)


def kernel(x, edge_index, W1, b1, W2, b2, Wh, bh):
    ei = edge_index.astype(jnp.int32).reshape(2, NW, NWIN, WIN, GCHUNK)
    zrows = jnp.zeros((N_PAD, D), jnp.float32)

    hist = _sc_hist(ei)
    h1 = _tc_matmul(x, W1)

    hs1, dinv = _tc_scale(h1, hist.reshape(NC, N_PAD, 1))
    agg1 = _sc_scatter(hs1, ei, zrows)
    hs2 = _tc_mid(agg1, hs1, dinv, b1.reshape(1, D), W2)
    agg2 = _sc_scatter(hs2, ei, zrows)
    z = _tc_last(agg2, hs2, dinv, b2.reshape(1, D), Wh, bh.reshape(1, OUT_DIM))
    return z

# --- scband reference (transcript-rebuilt; emitter-appended) ---
"""Pipeline reference for scband-ocgcn-51616916963800 (READ-ONLY COPY).

The authoritative reference and input builder live on the scoring server;
editing this copy changes nothing except your own understanding.
"""

import jax, jax.numpy as jnp
import numpy as np

N_NODES = 10000
N_EDGES = 320000
IN_CH = 128
HIDDEN = 128
OUT_DIM = HIDDEN // 2


def setup_inputs(seed: int = 0) -> dict:
    key = jax.random.key(seed)
    k_x, k_e, k_w1, k_w2, k_wh, k_b1, k_b2, k_bh = jax.random.split(key, 8)
    x = jax.random.normal(k_x, (N_NODES, IN_CH), dtype=jnp.float32)
    edge_index = jax.random.randint(k_e, (2, N_EDGES), 0, N_NODES, dtype=jnp.int64)
    s1 = 1.0 / np.sqrt(IN_CH)
    s2 = 1.0 / np.sqrt(HIDDEN)
    W1 = jax.random.uniform(k_w1, (IN_CH, HIDDEN), dtype=jnp.float32, minval=-s1, maxval=s1)
    b1 = jax.random.uniform(k_b1, (HIDDEN,), dtype=jnp.float32, minval=-s1, maxval=s1)
    W2 = jax.random.uniform(k_w2, (HIDDEN, HIDDEN), dtype=jnp.float32, minval=-s2, maxval=s2)
    b2 = jax.random.uniform(k_b2, (HIDDEN,), dtype=jnp.float32, minval=-s2, maxval=s2)
    Wh = jax.random.uniform(k_wh, (HIDDEN, OUT_DIM), dtype=jnp.float32, minval=-s2, maxval=s2)
    bh = jax.random.uniform(k_bh, (OUT_DIM,), dtype=jnp.float32, minval=-s2, maxval=s2)
    return {"x": x, "edge_index": edge_index, "W1": W1, "b1": b1, "W2": W2, "b2": b2, "Wh": Wh, "bh": bh}


def _gcn_conv(x, edge_index, W, b, n_nodes):
    # PyG GCNConv: add self-loops, symmetric normalization D^-1/2 (A+I) D^-1/2, then linear
    loop = jnp.arange(n_nodes, dtype=edge_index.dtype)
    src = jnp.concatenate([edge_index[0], loop])
    dst = jnp.concatenate([edge_index[1], loop])
    h = x @ W
    deg = jnp.zeros((n_nodes,), dtype=h.dtype).at[dst].add(1.0)
    deg_inv_sqrt = jnp.where(deg > 0, 1.0 / jnp.sqrt(deg), 0.0)
    norm = deg_inv_sqrt[src] * deg_inv_sqrt[dst]
    msg = h[src] * norm[:, None]
    out = jnp.zeros((n_nodes, h.shape[1]), dtype=h.dtype).at[dst].add(msg)
    return out + b


def reference(x, edge_index, W1, b1, W2, b2, Wh, bh):
    n = x.shape[0]
    # eval mode: dropout is identity
    h = _gcn_conv(x, edge_index, W1, b1, n)
    h = jax.nn.relu(h)
    h = _gcn_conv(h, edge_index, W2, b2, n)
    h = jax.nn.relu(h)
    z = h @ Wh + bh
    return z

if __name__ == "__main__":
    import jax
    _d = setup_inputs()
    print(jax.jit(kernel)(*tuple(_d.values())))

</pallas_src>

<mosaic_0001>
#map = affine_map<(d0, d1) -> (0, 0, 0, 0, 0)>
#map1 = affine_map<(d0, d1) -> (0, 0, 0)>
module attributes {stable_mosaic.version = 14 : i64} {
  func.func @k(%arg0: i32, %arg1: i32, %arg2: memref<2x32x25x5x80xi32, #tpu.memory_space<hbm>>, %arg3: memref<2x1x10240xf32, #tpu.memory_space<hbm>>, %arg4: memref<25x5x80xi32, #tpu.memory_space<vmem>>, %arg5: memref<80xf32, #tpu.memory_space<vmem>>, %arg6: memref<640xf32, #tpu.memory_space<vmem>>, %arg7: memref<10240xf32, #tpu.memory_space<vmem_shared>>) attributes {dimension_semantics = [#tpu.dimension_semantics<core_parallel>, #tpu.dimension_semantics<subcore_parallel>], iteration_bounds = array<i64: 2, 16>, scalar_prefetch = 0 : i64, scratch_operands = 4 : i64, tpu.core_type = #tpu.core_type<sc_vector_subcore>, window_params = [{transform_indices = #map}, {transform_indices = #map1}]} {
    %mul3A = arith.constant 16 : i32
    %mul3A_0 = arith.muli %arg0, %mul3A : i32
    %add3A = arith.addi %mul3A_0, %arg1 : i32
    %broadcast_in_dim3A = arith.constant 0.000000e+00 : f32
    %broadcast_in_dim3A_1 = vector.broadcast %broadcast_in_dim3A : f32 to vector<16xf32>
    %broadcast_in_dim3A_2 = arith.constant 1.000000e+00 : f32
    %broadcast_in_dim3A_3 = vector.broadcast %broadcast_in_dim3A_2 : f32 to vector<16xf32>
    %scan3A = arith.constant 0 : i32
    %scan3A_4 = arith.constant 0 : i32
    %scan3A_5 = arith.constant 40 : i32
    %scan3A_6 = arith.addi %scan3A_4, %scan3A_5 : i32
    %scan3A_7 = arith.constant 1 : i32
    scf.for %scan3A_42 = %scan3A_4 to %scan3A_6 step %scan3A_7  : i32 {
      %mul3A_43 = arith.constant 16 : i32
      %mul3A_44 = arith.muli %scan3A_42, %mul3A_43 : i32
      %swap3A_45 = arith.index_cast %mul3A_44 : i32 to index
      %swap3A_46 = tpu.vector_load %arg6[%swap3A_45] {strides = array<i32>} : memref<640xf32, #tpu.memory_space<vmem>>, vector<16xf32>,
      %swap3A_47 = vector.shape_cast %swap3A_46 : vector<16xf32> to vector<16xf32>
      %swap3A_48 = vector.shape_cast %broadcast_in_dim3A_1 : vector<16xf32> to vector<16xf32>
      tpu.vector_store %arg6[%swap3A_45], %swap3A_48 {strides = array<i32>} : memref<640xf32, #tpu.memory_space<vmem>>, vector<16xf32>,
    }
    %scan3A_8 = arith.constant 40 : i32
    %swap3A = arith.constant 0 : index
    %swap3A_9 = tpu.vector_load %arg5[%swap3A] {strides = array<i32>} : memref<80xf32, #tpu.memory_space<vmem>>, vector<16xf32>,
    %swap3A_10 = vector.shape_cast %swap3A_9 : vector<16xf32> to vector<16xf32>
    %swap3A_11 = vector.shape_cast %broadcast_in_dim3A_3 : vector<16xf32> to vector<16xf32>
    tpu.vector_store %arg5[%swap3A], %swap3A_11 {strides = array<i32>} : memref<80xf32, #tpu.memory_space<vmem>>, vector<16xf32>,
    %swap3A_12 = arith.constant 16 : index
    %swap3A_13 = tpu.vector_load %arg5[%swap3A_12] {strides = array<i32>} : memref<80xf32, #tpu.memory_space<vmem>>, vector<16xf32>,
    %swap3A_14 = vector.shape_cast %swap3A_13 : vector<16xf32> to vector<16xf32>
    %swap3A_15 = vector.shape_cast %broadcast_in_dim3A_3 : vector<16xf32> to vector<16xf32>
    tpu.vector_store %arg5[%swap3A_12], %swap3A_15 {strides = array<i32>} : memref<80xf32, #tpu.memory_space<vmem>>, vector<16xf32>,
    %swap3A_16 = arith.constant 32 : index
    %swap3A_17 = tpu.vector_load %arg5[%swap3A_16] {strides = array<i32>} : memref<80xf32, #tpu.memory_space<vmem>>, vector<16xf32>,
    %swap3A_18 = vector.shape_cast %swap3A_17 : vector<16xf32> to vector<16xf32>
    %swap3A_19 = vector.shape_cast %broadcast_in_dim3A_3 : vector<16xf32> to vector<16xf32>
    tpu.vector_store %arg5[%swap3A_16], %swap3A_19 {strides = array<i32>} : memref<80xf32, #tpu.memory_space<vmem>>, vector<16xf32>,
    %swap3A_20 = arith.constant 48 : index
    %swap3A_21 = tpu.vector_load %arg5[%swap3A_20] {strides = array<i32>} : memref<80xf32, #tpu.memory_space<vmem>>, vector<16xf32>,
    %swap3A_22 = vector.shape_cast %swap3A_21 : vector<16xf32> to vector<16xf32>
    %swap3A_23 = vector.shape_cast %broadcast_in_dim3A_3 : vector<16xf32> to vector<16xf32>
    tpu.vector_store %arg5[%swap3A_20], %swap3A_23 {strides = array<i32>} : memref<80xf32, #tpu.memory_space<vmem>>, vector<16xf32>,
    %swap3A_24 = arith.constant 64 : index
    %swap3A_25 = tpu.vector_load %arg5[%swap3A_24] {strides = array<i32>} : memref<80xf32, #tpu.memory_space<vmem>>, vector<16xf32>,
    %swap3A_26 = vector.shape_cast %swap3A_25 : vector<16xf32> to vector<16xf32>
    %swap3A_27 = vector.shape_cast %broadcast_in_dim3A_3 : vector<16xf32> to vector<16xf32>
    tpu.vector_store %arg5[%swap3A_24], %swap3A_27 {strides = array<i32>} : memref<80xf32, #tpu.memory_space<vmem>>, vector<16xf32>,
    %mul3A_28 = arith.constant 640 : i32
    %mul3A_29 = arith.muli %arg1, %mul3A_28 : i32
    "tpu.region"() ({
      %run_scoped3A_42 = tpu.sem_alloc : memref<!tpu.dma_semaphore, #tpu.memory_space<semaphore_mem>>
      %dma_start3A = tpu.memref_slice %arg7[%mul3A_29] : memref<10240xf32, #tpu.memory_space<vmem_shared>> -> memref<640xf32, #tpu.memory_space<vmem_shared>>
      %dma_start3A_43 = tpu.memref_slice %arg7[%mul3A_29] : memref<10240xf32, #tpu.memory_space<vmem_shared>> -> memref<640xf32, #tpu.memory_space<vmem_shared>>
      tpu.enqueue_dma source(%arg6 : memref<640xf32, #tpu.memory_space<vmem>>) target(%dma_start3A_43 : memref<640xf32, #tpu.memory_space<vmem_shared>>) target_semaphore(%run_scoped3A_42 : memref<!tpu.dma_semaphore, #tpu.memory_space<semaphore_mem>>)
      %dma_wait3A = tpu.memref_slice %arg7[%mul3A_29] : memref<10240xf32, #tpu.memory_space<vmem_shared>> -> memref<640xf32, #tpu.memory_space<vmem_shared>>
      %dma_wait3A_44 = tpu.memref_slice %arg7[%mul3A_29] : memref<10240xf32, #tpu.memory_space<vmem_shared>> -> memref<640xf32, #tpu.memory_space<vmem_shared>>
      tpu.wait_dma2 semaphore(%run_scoped3A_42 : memref<!tpu.dma_semaphore, #tpu.memory_space<semaphore_mem>>) src(%arg6 : memref<640xf32, #tpu.memory_space<vmem>>) dst(%dma_wait3A_44 : memref<640xf32, #tpu.memory_space<vmem_shared>>)
      tpu.yield
    }) : () -> ()
    %run_scoped3A = arith.constant 1 : i32
    "tpu.region"() ({
      %run_scoped3A_42 = tpu.sem_alloc : memref<!tpu.dma_semaphore, #tpu.memory_space<semaphore_mem>>
      %dma_start3A = arith.constant 0 : i32
      %dma_start3A_43 = arith.constant 0 : i32
      %dma_start3A_44 = arith.constant 0 : i32
      %dma_start3A_45 = tpu.memref_slice %arg2[%run_scoped3A, %add3A, %dma_start3A, %dma_start3A_43, %dma_start3A_44] : memref<2x32x25x5x80xi32, #tpu.memory_space<hbm>> -> memref<1x1x25x5x80xi32, #tpu.memory_space<hbm>>
      %dma_start3A_46 = tpu.memref_squeeze %dma_start3A_45 : memref<1x1x25x5x80xi32, #tpu.memory_space<hbm>> -> memref<25x5x80xi32, #tpu.memory_space<hbm>>
      %dma_start3A_47 = arith.constant 0 : i32
      %dma_start3A_48 = arith.constant 0 : i32
      %dma_start3A_49 = arith.constant 0 : i32
      %dma_start3A_50 = tpu.memref_slice %arg2[%run_scoped3A, %add3A, %dma_start3A_47, %dma_start3A_48, %dma_start3A_49] : memref<2x32x25x5x80xi32, #tpu.memory_space<hbm>> -> memref<1x1x25x5x80xi32, #tpu.memory_space<hbm>>
      %dma_start3A_51 = tpu.memref_squeeze %dma_start3A_50 : memref<1x1x25x5x80xi32, #tpu.memory_space<hbm>> -> memref<25x5x80xi32, #tpu.memory_space<hbm>>
      tpu.enqueue_dma source(%dma_start3A_51 : memref<25x5x80xi32, #tpu.memory_space<hbm>>) target(%arg4 : memref<25x5x80xi32, #tpu.memory_space<vmem>>) target_semaphore(%run_scoped3A_42 : memref<!tpu.dma_semaphore, #tpu.memory_space<semaphore_mem>>)
      %dma_wait3A = arith.constant 0 : i32
      %dma_wait3A_52 = arith.constant 0 : i32
      %dma_wait3A_53 = arith.constant 0 : i32
      %dma_wait3A_54 = tpu.memref_slice %arg2[%run_scoped3A, %add3A, %dma_wait3A, %dma_wait3A_52, %dma_wait3A_53] : memref<2x32x25x5x80xi32, #tpu.memory_space<hbm>> -> memref<1x1x25x5x80xi32, #tpu.memory_space<hbm>>
      %dma_wait3A_55 = tpu.memref_squeeze %dma_wait3A_54 : memref<1x1x25x5x80xi32, #tpu.memory_space<hbm>> -> memref<25x5x80xi32, #tpu.memory_space<hbm>>
      %dma_wait3A_56 = arith.constant 0 : i32
      %dma_wait3A_57 = arith.constant 0 : i32
      %dma_wait3A_58 = arith.constant 0 : i32
      %dma_wait3A_59 = tpu.memref_slice %arg2[%run_scoped3A, %add3A, %dma_wait3A_56, %dma_wait3A_57, %dma_wait3A_58] : memref<2x32x25x5x80xi32, #tpu.memory_space<hbm>> -> memref<1x1x25x5x80xi32, #tpu.memory_space<hbm>>
      %dma_wait3A_60 = tpu.memref_squeeze %dma_wait3A_59 : memref<1x1x25x5x80xi32, #tpu.memory_space<hbm>> -> memref<25x5x80xi32, #tpu.memory_space<hbm>>
      tpu.wait_dma2 semaphore(%run_scoped3A_42 : memref<!tpu.dma_semaphore, #tpu.memory_space<semaphore_mem>>) src(%dma_wait3A_60 : memref<25x5x80xi32, #tpu.memory_space<hbm>>) dst(%arg4 : memref<25x5x80xi32, #tpu.memory_space<vmem>>)
      tpu.yield
    }) : () -> ()
    %barrier3A = arith.constant 0 : index
    tpu.barrier barrier_id(%barrier3A)
    %scan3A_30 = arith.constant 0 : i32
    %scan3A_31 = arith.constant 0 : i32
    %scan3A_32 = arith.constant 25 : i32
    %scan3A_33 = arith.addi %scan3A_31, %scan3A_32 : i32
    %scan3A_34 = arith.constant 1 : i32
    scf.for %scan3A_42 = %scan3A_31 to %scan3A_33 step %scan3A_34  : i32 {
      %run_scoped3A_43 = arith.constant 0 : i32
      "tpu.region"() ({
        %run_scoped3A_48 = tpu.sem_alloc : memref<!tpu.dma_semaphore, #tpu.memory_space<semaphore_mem>>
        %dma_start3A = arith.constant 0 : i32
        %dma_start3A_49 = tpu.memref_slice %arg4[%scan3A_42, %run_scoped3A_43, %dma_start3A] : memref<25x5x80xi32, #tpu.memory_space<vmem>> -> memref<1x1x80xi32, #tpu.memory_space<vmem>>
        %dma_start3A_50 = tpu.memref_squeeze %dma_start3A_49 : memref<1x1x80xi32, #tpu.memory_space<vmem>> -> memref<80xi32, #tpu.memory_space<vmem>>
        %dma_start3A_51 = arith.constant 0 : i32
        %dma_start3A_52 = tpu.memref_slice %arg7[%dma_start3A_51] : memref<10240xf32, #tpu.memory_space<vmem_shared>> -> memref<10240xf32, #tpu.memory_space<vmem_shared>>
        tpu.enqueue_indirect_dma source(%arg5 : memref<80xf32, #tpu.memory_space<vmem>>) target(%dma_start3A_52 : memref<10240xf32, #tpu.memory_space<vmem_shared>>) offsets(%dma_start3A_50 : memref<80xi32, #tpu.memory_space<vmem>>) semaphore(%run_scoped3A_48 : memref<!tpu.dma_semaphore, #tpu.memory_space<semaphore_mem>>) {add = true}
        %dma_wait3A = arith.constant 0 : i32
        %dma_wait3A_53 = tpu.memref_slice %arg4[%scan3A_42, %run_scoped3A_43, %dma_wait3A] : memref<25x5x80xi32, #tpu.memory_space<vmem>> -> memref<1x1x80xi32, #tpu.memory_space<vmem>>
        %dma_wait3A_54 = tpu.memref_squeeze %dma_wait3A_53 : memref<1x1x80xi32, #tpu.memory_space<vmem>> -> memref<80xi32, #tpu.memory_space<vmem>>
        %dma_wait3A_55 = arith.constant 0 : i32
        %dma_wait3A_56 = tpu.memref_slice %arg7[%dma_wait3A_55] : memref<10240xf32, #tpu.memory_space<vmem_shared>> -> memref<10240xf32, #tpu.memory_space<vmem_shared>>
        tpu.wait_indirect_dma semaphore(%run_scoped3A_48 : memref<!tpu.dma_semaphore, #tpu.memory_space<semaphore_mem>>) src(%arg5 : memref<80xf32, #tpu.memory_space<vmem>>) dst(%dma_wait3A_56 : memref<10240xf32, #tpu.memory_space<vmem_shared>>)
        tpu.yield
      }) : () -> ()
      %run_scoped3A_44 = arith.constant 1 : i32
      "tpu.region"() ({
        %run_scoped3A_48 = tpu.sem_alloc : memref<!tpu.dma_semaphore, #tpu.memory_space<semaphore_mem>>
        %dma_start3A = arith.constant 0 : i32
        %dma_start3A_49 = tpu.memref_slice %arg4[%scan3A_42, %run_scoped3A_44, %dma_start3A] : memref<25x5x80xi32, #tpu.memory_space<vmem>> -> memref<1x1x80xi32, #tpu.memory_space<vmem>>
        %dma_start3A_50 = tpu.memref_squeeze %dma_start3A_49 : memref<1x1x80xi32, #tpu.memory_space<vmem>> -> memref<80xi32, #tpu.memory_space<vmem>>
        %dma_start3A_51 = arith.constant 0 : i32
        %dma_start3A_52 = tpu.memref_slice %arg7[%dma_start3A_51] : memref<10240xf32, #tpu.memory_space<vmem_shared>> -> memref<10240xf32, #tpu.memory_space<vmem_shared>>
        tpu.enqueue_indirect_dma source(%arg5 : memref<80xf32, #tpu.memory_space<vmem>>) target(%dma_start3A_52 : memref<10240xf32, #tpu.memory_space<vmem_shared>>) offsets(%dma_start3A_50 : memref<80xi32, #tpu.memory_space<vmem>>) semaphore(%run_scoped3A_48 : memref<!tpu.dma_semaphore, #tpu.memory_space<semaphore_mem>>) {add = true}
        %dma_wait3A = arith.constant 0 : i32
        %dma_wait3A_53 = tpu.memref_slice %arg4[%scan3A_42, %run_scoped3A_44, %dma_wait3A] : memref<25x5x80xi32, #tpu.memory_space<vmem>> -> memref<1x1x80xi32, #tpu.memory_space<vmem>>
        %dma_wait3A_54 = tpu.memref_squeeze %dma_wait3A_53 : memref<1x1x80xi32, #tpu.memory_space<vmem>> -> memref<80xi32, #tpu.memory_space<vmem>>
        %dma_wait3A_55 = arith.constant 0 : i32
        %dma_wait3A_56 = tpu.memref_slice %arg7[%dma_wait3A_55] : memref<10240xf32, #tpu.memory_space<vmem_shared>> -> memref<10240xf32, #tpu.memory_space<vmem_shared>>
        tpu.wait_indirect_dma semaphore(%run_scoped3A_48 : memref<!tpu.dma_semaphore, #tpu.memory_space<semaphore_mem>>) src(%arg5 : memref<80xf32, #tpu.memory_space<vmem>>) dst(%dma_wait3A_56 : memref<10240xf32, #tpu.memory_space<vmem_shared>>)
        tpu.yield
      }) : () -> ()
      %run_scoped3A_45 = arith.constant 2 : i32
      "tpu.region"() ({
        %run_scoped3A_48 = tpu.sem_alloc : memref<!tpu.dma_semaphore, #tpu.memory_space<semaphore_mem>>
        %dma_start3A = arith.constant 0 : i32
        %dma_start3A_49 = tpu.memref_slice %arg4[%scan3A_42, %run_scoped3A_45, %dma_start3A] : memref<25x5x80xi32, #tpu.memory_space<vmem>> -> memref<1x1x80xi32, #tpu.memory_space<vmem>>
        %dma_start3A_50 = tpu.memref_squeeze %dma_start3A_49 : memref<1x1x80xi32, #tpu.memory_space<vmem>> -> memref<80xi32, #tpu.memory_space<vmem>>
        %dma_start3A_51 = arith.constant 0 : i32
        %dma_start3A_52 = tpu.memref_slice %arg7[%dma_start3A_51] : memref<10240xf32, #tpu.memory_space<vmem_shared>> -> memref<10240xf32, #tpu.memory_space<vmem_shared>>
        tpu.enqueue_indirect_dma source(%arg5 : memref<80xf32, #tpu.memory_space<vmem>>) target(%dma_start3A_52 : memref<10240xf32, #tpu.memory_space<vmem_shared>>) offsets(%dma_start3A_50 : memref<80xi32, #tpu.memory_space<vmem>>) semaphore(%run_scoped3A_48 : memref<!tpu.dma_semaphore, #tpu.memory_space<semaphore_mem>>) {add = true}
        %dma_wait3A = arith.constant 0 : i32
        %dma_wait3A_53 = tpu.memref_slice %arg4[%scan3A_42, %run_scoped3A_45, %dma_wait3A] : memref<25x5x80xi32, #tpu.memory_space<vmem>> -> memref<1x1x80xi32, #tpu.memory_space<vmem>>
        %dma_wait3A_54 = tpu.memref_squeeze %dma_wait3A_53 : memref<1x1x80xi32, #tpu.memory_space<vmem>> -> memref<80xi32, #tpu.memory_space<vmem>>
        %dma_wait3A_55 = arith.constant 0 : i32
        %dma_wait3A_56 = tpu.memref_slice %arg7[%dma_wait3A_55] : memref<10240xf32, #tpu.memory_space<vmem_shared>> -> memref<10240xf32, #tpu.memory_space<vmem_shared>>
        tpu.wait_indirect_dma semaphore(%run_scoped3A_48 : memref<!tpu.dma_semaphore, #tpu.memory_space<semaphore_mem>>) src(%arg5 : memref<80xf32, #tpu.memory_space<vmem>>) dst(%dma_wait3A_56 : memref<10240xf32, #tpu.memory_space<vmem_shared>>)
        tpu.yield
      }) : () -> ()
      %run_scoped3A_46 = arith.constant 3 : i32
      "tpu.region"() ({
        %run_scoped3A_48 = tpu.sem_alloc : memref<!tpu.dma_semaphore, #tpu.memory_space<semaphore_mem>>
        %dma_start3A = arith.constant 0 : i32
        %dma_start3A_49 = tpu.memref_slice %arg4[%scan3A_42, %run_scoped3A_46, %dma_start3A] : memref<25x5x80xi32, #tpu.memory_space<vmem>> -> memref<1x1x80xi32, #tpu.memory_space<vmem>>
        %dma_start3A_50 = tpu.memref_squeeze %dma_start3A_49 : memref<1x1x80xi32, #tpu.memory_space<vmem>> -> memref<80xi32, #tpu.memory_space<vmem>>
        %dma_start3A_51 = arith.constant 0 : i32
        %dma_start3A_52 = tpu.memref_slice %arg7[%dma_start3A_51] : memref<10240xf32, #tpu.memory_space<vmem_shared>> -> memref<10240xf32, #tpu.memory_space<vmem_shared>>
        tpu.enqueue_indirect_dma source(%arg5 : memref<80xf32, #tpu.memory_space<vmem>>) target(%dma_start3A_52 : memref<10240xf32, #tpu.memory_space<vmem_shared>>) offsets(%dma_start3A_50 : memref<80xi32, #tpu.memory_space<vmem>>) semaphore(%run_scoped3A_48 : memref<!tpu.dma_semaphore, #tpu.memory_space<semaphore_mem>>) {add = true}
        %dma_wait3A = arith.constant 0 : i32
        %dma_wait3A_53 = tpu.memref_slice %arg4[%scan3A_42, %run_scoped3A_46, %dma_wait3A] : memref<25x5x80xi32, #tpu.memory_space<vmem>> -> memref<1x1x80xi32, #tpu.memory_space<vmem>>
        %dma_wait3A_54 = tpu.memref_squeeze %dma_wait3A_53 : memref<1x1x80xi32, #tpu.memory_space<vmem>> -> memref<80xi32, #tpu.memory_space<vmem>>
        %dma_wait3A_55 = arith.constant 0 : i32
        %dma_wait3A_56 = tpu.memref_slice %arg7[%dma_wait3A_55] : memref<10240xf32, #tpu.memory_space<vmem_shared>> -> memref<10240xf32, #tpu.memory_space<vmem_shared>>
        tpu.wait_indirect_dma semaphore(%run_scoped3A_48 : memref<!tpu.dma_semaphore, #tpu.memory_space<semaphore_mem>>) src(%arg5 : memref<80xf32, #tpu.memory_space<vmem>>) dst(%dma_wait3A_56 : memref<10240xf32, #tpu.memory_space<vmem_shared>>)
        tpu.yield
      }) : () -> ()
      %run_scoped3A_47 = arith.constant 4 : i32
      "tpu.region"() ({
        %run_scoped3A_48 = tpu.sem_alloc : memref<!tpu.dma_semaphore, #tpu.memory_space<semaphore_mem>>
        %dma_start3A = arith.constant 0 : i32
        %dma_start3A_49 = tpu.memref_slice %arg4[%scan3A_42, %run_scoped3A_47, %dma_start3A] : memref<25x5x80xi32, #tpu.memory_space<vmem>> -> memref<1x1x80xi32, #tpu.memory_space<vmem>>
        %dma_start3A_50 = tpu.memref_squeeze %dma_start3A_49 : memref<1x1x80xi32, #tpu.memory_space<vmem>> -> memref<80xi32, #tpu.memory_space<vmem>>
        %dma_start3A_51 = arith.constant 0 : i32
        %dma_start3A_52 = tpu.memref_slice %arg7[%dma_start3A_51] : memref<10240xf32, #tpu.memory_space<vmem_shared>> -> memref<10240xf32, #tpu.memory_space<vmem_shared>>
        tpu.enqueue_indirect_dma source(%arg5 : memref<80xf32, #tpu.memory_space<vmem>>) target(%dma_start3A_52 : memref<10240xf32, #tpu.memory_space<vmem_shared>>) offsets(%dma_start3A_50 : memref<80xi32, #tpu.memory_space<vmem>>) semaphore(%run_scoped3A_48 : memref<!tpu.dma_semaphore, #tpu.memory_space<semaphore_mem>>) {add = true}
        %dma_wait3A = arith.constant 0 : i32
        %dma_wait3A_53 = tpu.memref_slice %arg4[%scan3A_42, %run_scoped3A_47, %dma_wait3A] : memref<25x5x80xi32, #tpu.memory_space<vmem>> -> memref<1x1x80xi32, #tpu.memory_space<vmem>>
        %dma_wait3A_54 = tpu.memref_squeeze %dma_wait3A_53 : memref<1x1x80xi32, #tpu.memory_space<vmem>> -> memref<80xi32, #tpu.memory_space<vmem>>
        %dma_wait3A_55 = arith.constant 0 : i32
        %dma_wait3A_56 = tpu.memref_slice %arg7[%dma_wait3A_55] : memref<10240xf32, #tpu.memory_space<vmem_shared>> -> memref<10240xf32, #tpu.memory_space<vmem_shared>>
        tpu.wait_indirect_dma semaphore(%run_scoped3A_48 : memref<!tpu.dma_semaphore, #tpu.memory_space<semaphore_mem>>) src(%arg5 : memref<80xf32, #tpu.memory_space<vmem>>) dst(%dma_wait3A_56 : memref<10240xf32, #tpu.memory_space<vmem_shared>>)
        tpu.yield
      }) : () -> ()
    }
    %scan3A_35 = arith.constant 25 : i32
    %barrier3A_36 = arith.constant 0 : index
    tpu.barrier barrier_id(%barrier3A_36)
    %mul3A_37 = arith.constant 640 : i32
    %mul3A_38 = arith.muli %arg1, %mul3A_37 : i32
    %mul3A_39 = arith.constant 640 : i32
    %mul3A_40 = arith.muli %arg1, %mul3A_39 : i32
    %run_scoped3A_41 = arith.constant 0 : i32
    "tpu.region"() ({
      %run_scoped3A_42 = tpu.sem_alloc : memref<!tpu.dma_semaphore, #tpu.memory_space<semaphore_mem>>
      %dma_start3A = tpu.memref_slice %arg3[%arg0, %run_scoped3A_41, %mul3A_40] : memref<2x1x10240xf32, #tpu.memory_space<hbm>> -> memref<1x1x640xf32, #tpu.memory_space<hbm>>
      %dma_start3A_43 = tpu.memref_squeeze %dma_start3A : memref<1x1x640xf32, #tpu.memory_space<hbm>> -> memref<640xf32, #tpu.memory_space<hbm>>
      %dma_start3A_44 = tpu.memref_slice %arg7[%mul3A_38] : memref<10240xf32, #tpu.memory_space<vmem_shared>> -> memref<640xf32, #tpu.memory_space<vmem_shared>>
      tpu.enqueue_dma source(%dma_start3A_44 : memref<640xf32, #tpu.memory_space<vmem_shared>>) target(%dma_start3A_43 : memref<640xf32, #tpu.memory_space<hbm>>) target_semaphore(%run_scoped3A_42 : memref<!tpu.dma_semaphore, #tpu.memory_space<semaphore_mem>>)
      %dma_wait3A = tpu.memref_slice %arg3[%arg0, %run_scoped3A_41, %mul3A_40] : memref<2x1x10240xf32, #tpu.memory_space<hbm>> -> memref<1x1x640xf32, #tpu.memory_space<hbm>>
      %dma_wait3A_45 = tpu.memref_squeeze %dma_wait3A : memref<1x1x640xf32, #tpu.memory_space<hbm>> -> memref<640xf32, #tpu.memory_space<hbm>>
      %dma_wait3A_46 = tpu.memref_slice %arg7[%mul3A_38] : memref<10240xf32, #tpu.memory_space<vmem_shared>> -> memref<640xf32, #tpu.memory_space<vmem_shared>>
      tpu.wait_dma2 semaphore(%run_scoped3A_42 : memref<!tpu.dma_semaphore, #tpu.memory_space<semaphore_mem>>) src(%dma_wait3A_46 : memref<640xf32, #tpu.memory_space<vmem_shared>>) dst(%dma_wait3A_45 : memref<640xf32, #tpu.memory_space<hbm>>)
      tpu.yield
    }) : () -> ()
    return
  }
}

#map = affine_map<(d0, d1) -> (0, 0)>
#map1 = affine_map<(d0, d1) -> (0, 0, 0, 0, 0)>
#map2 = affine_map<(d0, d1) -> (0, 0, 0)>
module attributes {stable_mosaic.version = 14 : i64} {
  func.func @k(%arg0: i32, %arg1: i32, %arg2: memref<10000x128xf32, #tpu.memory_space<hbm>>, %arg3: memref<2x32x25x5x80xi32, #tpu.memory_space<hbm>>, %arg4: memref<10240x128xf32, #tpu.memory_space<hbm>>, %arg5: memref<2x10240x128xf32, #tpu.memory_space<hbm>>, %arg6: memref<3x5x80xi32, #tpu.memory_space<vmem>>, %arg7: memref<3x5x80xi32, #tpu.memory_space<vmem>>, %arg8: memref<4x80x128xf32, #tpu.memory_space<vmem>>, %arg9: memref<10240x128xf32, #tpu.memory_space<vmem_shared>>, %arg10: memref<4x!tpu.dma_semaphore, #tpu.memory_space<semaphore_mem>>, %arg11: memref<4x!tpu.dma_semaphore, #tpu.memory_space<semaphore_mem>>, %arg12: memref<3x!tpu.dma_semaphore, #tpu.memory_space<semaphore_mem>>) attributes {dimension_semantics = [#tpu.dimension_semantics<core_parallel>, #tpu.dimension_semantics<subcore_parallel>], iteration_bounds = array<i64: 2, 16>, scalar_prefetch = 0 : i64, scratch_operands = 7 : i64, tpu.core_type = #tpu.core_type<sc_vector_subcore>, window_params = [{transform_indices = #map}, {transform_indices = #map1}, {transform_indices = #map}, {transform_indices = #map2}]} {
    %mul3A = arith.constant 16 : i32
    %mul3A_0 = arith.muli %arg0, %mul3A : i32
    %add3A = arith.addi %mul3A_0, %arg1 : i32
    %mul3A_1 = arith.constant 640 : i32
    %mul3A_2 = arith.muli %arg1, %mul3A_1 : i32
    %mul3A_3 = arith.constant 640 : i32
    %mul3A_4 = arith.muli %arg1, %mul3A_3 : i32
    %dma_start3A = arith.constant 2 : i32
    %dma_start3A_5 = tpu.memref_slice %arg10[%dma_start3A] : memref<4x!tpu.dma_semaphore, #tpu.memory_space<semaphore_mem>> -> memref<1x!tpu.dma_semaphore, #tpu.memory_space<semaphore_mem>>
    %dma_start3A_6 = tpu.memref_squeeze %dma_start3A_5 : memref<1x!tpu.dma_semaphore, #tpu.memory_space<semaphore_mem>> -> memref<!tpu.dma_semaphore, #tpu.memory_space<semaphore_mem>>
    %dma_start3A_7 = arith.constant 0 : i32
    %dma_start3A_8 = tpu.memref_slice %arg9[%mul3A_4, %dma_start3A_7] : memref<10240x128xf32, #tpu.memory_space<vmem_shared>> -> memref<640x128xf32, #tpu.memory_space<vmem_shared>>
    %dma_start3A_9 = arith.constant 0 : i32
    %dma_start3A_10 = tpu.memref_slice %arg4[%mul3A_2, %dma_start3A_9] : memref<10240x128xf32, #tpu.memory_space<hbm>> -> memref<640x128xf32, #tpu.memory_space<hbm>>
    tpu.enqueue_dma source(%dma_start3A_10 : memref<640x128xf32, #tpu.memory_space<hbm>>) target(%dma_start3A_8 : memref<640x128xf32, #tpu.memory_space<vmem_shared>>) target_semaphore(%dma_start3A_6 : memref<!tpu.dma_semaphore, #tpu.memory_space<semaphore_mem>>)
    %run_scoped3A = arith.constant 0 : i32
    %run_scoped3A_11 = arith.constant 0 : i32
    %run_scoped3A_12 = arith.constant 0 : i32
    "tpu.region"() ({
      %run_scoped3A_198 = tpu.sem_alloc : memref<!tpu.dma_semaphore, #tpu.memory_space<semaphore_mem>>
      %dma_start3A_199 = arith.constant 0 : i32
      %dma_start3A_200 = arith.constant 0 : i32
      %dma_start3A_201 = tpu.memref_slice %arg6[%run_scoped3A_12, %dma_start3A_199, %dma_start3A_200] : memref<3x5x80xi32, #tpu.memory_space<vmem>> -> memref<1x5x80xi32, #tpu.memory_space<vmem>>
      %dma_start3A_202 = tpu.memref_squeeze %dma_start3A_201 : memref<1x5x80xi32, #tpu.memory_space<vmem>> -> memref<5x80xi32, #tpu.memory_space<vmem>>
      %dma_start3A_203 = arith.constant 0 : i32
      %dma_start3A_204 = arith.constant 0 : i32
      %dma_start3A_205 = arith.constant 0 : i32
      %dma_start3A_206 = arith.constant 0 : i32
      %dma_start3A_207 = tpu.memref_slice %arg3[%run_scoped3A, %dma_start3A_203, %dma_start3A_204, %dma_start3A_205, %dma_start3A_206] : memref<2x32x25x5x80xi32, #tpu.memory_space<hbm>> -> memref<1x32x25x5x80xi32, #tpu.memory_space<hbm>>
      %dma_start3A_208 = tpu.memref_squeeze %dma_start3A_207 : memref<1x32x25x5x80xi32, #tpu.memory_space<hbm>> -> memref<32x25x5x80xi32, #tpu.memory_space<hbm>>
      %dma_start3A_209 = arith.constant 0 : i32
      %dma_start3A_210 = arith.constant 0 : i32
      %dma_start3A_211 = tpu.memref_slice %dma_start3A_208[%add3A, %run_scoped3A_11, %dma_start3A_209, %dma_start3A_210] : memref<32x25x5x80xi32, #tpu.memory_space<hbm>> -> memref<1x1x5x80xi32, #tpu.memory_space<hbm>>
      %dma_start3A_212 = tpu.memref_squeeze %dma_start3A_211 : memref<1x1x5x80xi32, #tpu.memory_space<hbm>> -> memref<5x80xi32, #tpu.memory_space<hbm>>
      %dma_start3A_213 = arith.constant 0 : i32
      %dma_start3A_214 = arith.constant 0 : i32
      %dma_start3A_215 = tpu.memref_slice %arg6[%run_scoped3A_12, %dma_start3A_213, %dma_start3A_214] : memref<3x5x80xi32, #tpu.memory_space<vmem>> -> memref<1x5x80xi32, #tpu.memory_space<vmem>>
      %dma_start3A_216 = tpu.memref_squeeze %dma_start3A_215 : memref<1x5x80xi32, #tpu.memory_space<vmem>> -> memref<5x80xi32, #tpu.memory_space<vmem>>
      %dma_start3A_217 = arith.constant 0 : i32
      %dma_start3A_218 = arith.constant 0 : i32
      %dma_start3A_219 = arith.constant 0 : i32
      %dma_start3A_220 = arith.constant 0 : i32
      %dma_start3A_221 = tpu.memref_slice %arg3[%run_scoped3A, %dma_start3A_217, %dma_start3A_218, %dma_start3A_219, %dma_start3A_220] : memref<2x32x25x5x80xi32, #tpu.memory_space<hbm>> -> memref<1x32x25x5x80xi32, #tpu.memory_space<hbm>>
      %dma_start3A_222 = tpu.memref_squeeze %dma_start3A_221 : memref<1x32x25x5x80xi32, #tpu.memory_space<hbm>> -> memref<32x25x5x80xi32, #tpu.memory_space<hbm>>
      %dma_start3A_223 = arith.constant 0 : i32
      %dma_start3A_224 = arith.constant 0 : i32
      %dma_start3A_225 = tpu.memref_slice %dma_start3A_222[%add3A, %run_scoped3A_11, %dma_start3A_223, %dma_start3A_224] : memref<32x25x5x80xi32, #tpu.memory_space<hbm>> -> memref<1x1x5x80xi32, #tpu.memory_space<hbm>>
      %dma_start3A_226 = tpu.memref_squeeze %dma_start3A_225 : memref<1x1x5x80xi32, #tpu.memory_space<hbm>> -> memref<5x80xi32, #tpu.memory_space<hbm>>
      tpu.enqueue_dma source(%dma_start3A_226 : memref<5x80xi32, #tpu.memory_space<hbm>>) target(%dma_start3A_216 : memref<5x80xi32, #tpu.memory_space<vmem>>) target_semaphore(%run_scoped3A_198 : memref<!tpu.dma_semaphore, #tpu.memory_space<semaphore_mem>>)
      %dma_wait3A_227 = arith.constant 0 : i32
      %dma_wait3A_228 = arith.constant 0 : i32
      %dma_wait3A_229 = tpu.memref_slice %arg6[%run_scoped3A_12, %dma_wait3A_227, %dma_wait3A_228] : memref<3x5x80xi32, #tpu.memory_space<vmem>> -> memref<1x5x80xi32, #tpu.memory_space<vmem>>
      %dma_wait3A_230 = tpu.memref_squeeze %dma_wait3A_229 : memref<1x5x80xi32, #tpu.memory_space<vmem>> -> memref<5x80xi32, #tpu.memory_space<vmem>>
      %dma_wait3A_231 = arith.constant 0 : i32
      %dma_wait3A_232 = arith.constant 0 : i32
      %dma_wait3A_233 = arith.constant 0 : i32
      %dma_wait3A_234 = arith.constant 0 : i32
      %dma_wait3A_235 = tpu.memref_slice %arg3[%run_scoped3A, %dma_wait3A_231, %dma_wait3A_232, %dma_wait3A_233, %dma_wait3A_234] : memref<2x32x25x5x80xi32, #tpu.memory_space<hbm>> -> memref<1x32x25x5x80xi32, #tpu.memory_space<hbm>>
      %dma_wait3A_236 = tpu.memref_squeeze %dma_wait3A_235 : memref<1x32x25x5x80xi32, #tpu.memory_space<hbm>> -> memref<32x25x5x80xi32, #tpu.memory_space<hbm>>
      %dma_wait3A_237 = arith.constant 0 : i32
      %dma_wait3A_238 = arith.constant 0 : i32
      %dma_wait3A_239 = tpu.memref_slice %dma_wait3A_236[%add3A, %run_scoped3A_11, %dma_wait3A_237, %dma_wait3A_238] : memref<32x25x5x80xi32, #tpu.memory_space<hbm>> -> memref<1x1x5x80xi32, #tpu.memory_space<hbm>>
      %dma_wait3A_240 = tpu.memref_squeeze %dma_wait3A_239 : memref<1x1x5x80xi32, #tpu.memory_space<hbm>> -> memref<5x80xi32, #tpu.memory_space<hbm>>
      %dma_wait3A_241 = arith.constant 0 : i32
      %dma_wait3A_242 = arith.constant 0 : i32
      %dma_wait3A_243 = tpu.memref_slice %arg6[%run_scoped3A_12, %dma_wait3A_241, %dma_wait3A_242] : memref<3x5x80xi32, #tpu.memory_space<vmem>> -> memref<1x5x80xi32, #tpu.memory_space<vmem>>
      %dma_wait3A_244 = tpu.memref_squeeze %dma_wait3A_243 : memref<1x5x80xi32, #tpu.memory_space<vmem>> -> memref<5x80xi32, #tpu.memory_space<vmem>>
      %dma_wait3A_245 = arith.constant 0 : i32
      %dma_wait3A_246 = arith.constant 0 : i32
      %dma_wait3A_247 = arith.constant 0 : i32
      %dma_wait3A_248 = arith.constant 0 : i32
      %dma_wait3A_249 = tpu.memref_slice %arg3[%run_scoped3A, %dma_wait3A_245, %dma_wait3A_246, %dma_wait3A_247, %dma_wait3A_248] : memref<2x32x25x5x80xi32, #tpu.memory_space<hbm>> -> memref<1x32x25x5x80xi32, #tpu.memory_space<hbm>>
      %dma_wait3A_250 = tpu.memref_squeeze %dma_wait3A_249 : memref<1x32x25x5x80xi32, #tpu.memory_space<hbm>> -> memref<32x25x5x80xi32, #tpu.memory_space<hbm>>
      %dma_wait3A_251 = arith.constant 0 : i32
      %dma_wait3A_252 = arith.constant 0 : i32
      %dma_wait3A_253 = tpu.memref_slice %dma_wait3A_250[%add3A, %run_scoped3A_11, %dma_wait3A_251, %dma_wait3A_252] : memref<32x25x5x80xi32, #tpu.memory_space<hbm>> -> memref<1x1x5x80xi32, #tpu.memory_space<hbm>>
      %dma_wait3A_254 = tpu.memref_squeeze %dma_wait3A_253 : memref<1x1x5x80xi32, #tpu.memory_space<hbm>> -> memref<5x80xi32, #tpu.memory_space<hbm>>
      tpu.wait_dma2 semaphore(%run_scoped3A_198 : memref<!tpu.dma_semaphore, #tpu.memory_space<semaphore_mem>>) src(%dma_wait3A_254 : memref<5x80xi32, #tpu.memory_space<hbm>>) dst(%dma_wait3A_244 : memref<5x80xi32, #tpu.memory_space<vmem>>)
      tpu.yield
    }) : () -> ()
    %run_scoped3A_13 = arith.constant 1 : i32
    %run_scoped3A_14 = arith.constant 0 : i32
    %run_scoped3A_15 = arith.constant 0 : i32
    "tpu.region"() ({
      %run_scoped3A_198 = tpu.sem_alloc : memref<!tpu.dma_semaphore, #tpu.memory_space<semaphore_mem>>
      %dma_start3A_199 = arith.constant 0 : i32
      %dma_start3A_200 = arith.constant 0 : i32
      %dma_start3A_201 = tpu.memref_slice %arg7[%run_scoped3A_15, %dma_start3A_199, %dma_start3A_200] : memref<3x5x80xi32, #tpu.memory_space<vmem>> -> memref<1x5x80xi32, #tpu.memory_space<vmem>>
      %dma_start3A_202 = tpu.memref_squeeze %dma_start3A_201 : memref<1x5x80xi32, #tpu.memory_space<vmem>> -> memref<5x80xi32, #tpu.memory_space<vmem>>
      %dma_start3A_203 = arith.constant 0 : i32
      %dma_start3A_204 = arith.constant 0 : i32
      %dma_start3A_205 = arith.constant 0 : i32
      %dma_start3A_206 = arith.constant 0 : i32
      %dma_start3A_207 = tpu.memref_slice %arg3[%run_scoped3A_13, %dma_start3A_203, %dma_start3A_204, %dma_start3A_205, %dma_start3A_206] : memref<2x32x25x5x80xi32, #tpu.memory_space<hbm>> -> memref<1x32x25x5x80xi32, #tpu.memory_space<hbm>>
      %dma_start3A_208 = tpu.memref_squeeze %dma_start3A_207 : memref<1x32x25x5x80xi32, #tpu.memory_space<hbm>> -> memref<32x25x5x80xi32, #tpu.memory_space<hbm>>
      %dma_start3A_209 = arith.constant 0 : i32
      %dma_start3A_210 = arith.constant 0 : i32
      %dma_start3A_211 = tpu.memref_slice %dma_start3A_208[%add3A, %run_scoped3A_14, %dma_start3A_209, %dma_start3A_210] : memref<32x25x5x80xi32, #tpu.memory_space<hbm>> -> memref<1x1x5x80xi32, #tpu.memory_space<hbm>>
      %dma_start3A_212 = tpu.memref_squeeze %dma_start3A_211 : memref<1x1x5x80xi32, #tpu.memory_space<hbm>> -> memref<5x80xi32, #tpu.memory_space<hbm>>
      %dma_start3A_213 = arith.constant 0 : i32
      %dma_start3A_214 = arith.constant 0 : i32
      %dma_start3A_215 = tpu.memref_slice %arg7[%run_scoped3A_15, %dma_start3A_213, %dma_start3A_214] : memref<3x5x80xi32, #tpu.memory_space<vmem>> -> memref<1x5x80xi32, #tpu.memory_space<vmem>>
      %dma_start3A_216 = tpu.memref_squeeze %dma_start3A_215 : memref<1x5x80xi32, #tpu.memory_space<vmem>> -> memref<5x80xi32, #tpu.memory_space<vmem>>
      %dma_start3A_217 = arith.constant 0 : i32
      %dma_start3A_218 = arith.constant 0 : i32
      %dma_start3A_219 = arith.constant 0 : i32
      %dma_start3A_220 = arith.constant 0 : i32
      %dma_start3A_221 = tpu.memref_slice %arg3[%run_scoped3A_13, %dma_start3A_217, %dma_start3A_218, %dma_start3A_219, %dma_start3A_220] : memref<2x32x25x5x80xi32, #tpu.memory_space<hbm>> -> memref<1x32x25x5x80xi32, #tpu.memory_space<hbm>>
      %dma_start3A_222 = tpu.memref_squeeze %dma_start3A_221 : memref<1x32x25x5x80xi32, #tpu.memory_space<hbm>> -> memref<32x25x5x80xi32, #tpu.memory_space<hbm>>
      %dma_start3A_223 = arith.constant 0 : i32
      %dma_start3A_224 = arith.constant 0 : i32
      %dma_start3A_225 = tpu.memref_slice %dma_start3A_222[%add3A, %run_scoped3A_14, %dma_start3A_223, %dma_start3A_224] : memref<32x25x5x80xi32, #tpu.memory_space<hbm>> -> memref<1x1x5x80xi32, #tpu.memory_space<hbm>>
      %dma_start3A_226 = tpu.memref_squeeze %dma_start3A_225 : memref<1x1x5x80xi32, #tpu.memory_space<hbm>> -> memref<5x80xi32, #tpu.memory_space<hbm>>
      tpu.enqueue_dma source(%dma_start3A_226 : memref<5x80xi32, #tpu.memory_space<hbm>>) target(%dma_start3A_216 : memref<5x80xi32, #tpu.memory_space<vmem>>) target_semaphore(%run_scoped3A_198 : memref<!tpu.dma_semaphore, #tpu.memory_space<semaphore_mem>>)
      %dma_wait3A_227 = arith.constant 0 : i32
      %dma_wait3A_228 = arith.constant 0 : i32
      %dma_wait3A_229 = tpu.memref_slice %arg7[%run_scoped3A_15, %dma_wait3A_227, %dma_wait3A_228] : memref<3x5x80xi32, #tpu.memory_space<vmem>> -> memref<1x5x80xi32, #tpu.memory_space<vmem>>
      %dma_wait3A_230 = tpu.memref_squeeze %dma_wait3A_229 : memref<1x5x80xi32, #tpu.memory_space<vmem>> -> memref<5x80xi32, #tpu.memory_space<vmem>>
      %dma_wait3A_231 = arith.constant 0 : i32
      %dma_wait3A_232 = arith.constant 0 : i32
      %dma_wait3A_233 = arith.constant 0 : i32
      %dma_wait3A_234 = arith.constant 0 : i32
      %dma_wait3A_235 = tpu.memref_slice %arg3[%run_scoped3A_13, %dma_wait3A_231, %dma_wait3A_232, %dma_wait3A_233, %dma_wait3A_234] : memref<2x32x25x5x80xi32, #tpu.memory_space<hbm>> -> memref<1x32x25x5x80xi32, #tpu.memory_space<hbm>>
      %dma_wait3A_236 = tpu.memref_squeeze %dma_wait3A_235 : memref<1x32x25x5x80xi32, #tpu.memory_space<hbm>> -> memref<32x25x5x80xi32, #tpu.memory_space<hbm>>
      %dma_wait3A_237 = arith.constant 0 : i32
      %dma_wait3A_238 = arith.constant 0 : i32
      %dma_wait3A_239 = tpu.memref_slice %dma_wait3A_236[%add3A, %run_scoped3A_14, %dma_wait3A_237, %dma_wait3A_238] : memref<32x25x5x80xi32, #tpu.memory_space<hbm>> -> memref<1x1x5x80xi32, #tpu.memory_space<hbm>>
      %dma_wait3A_240 = tpu.memref_squeeze %dma_wait3A_239 : memref<1x1x5x80xi32, #tpu.memory_space<hbm>> -> memref<5x80xi32, #tpu.memory_space<hbm>>
      %dma_wait3A_241 = arith.constant 0 : i32
      %dma_wait3A_242 = arith.constant 0 : i32
      %dma_wait3A_243 = tpu.memref_slice %arg7[%run_scoped3A_15, %dma_wait3A_241, %dma_wait3A_242] : memref<3x5x80xi32, #tpu.memory_space<vmem>> -> memref<1x5x80xi32, #tpu.memory_space<vmem>>
      %dma_wait3A_244 = tpu.memref_squeeze %dma_wait3A_243 : memref<1x5x80xi32, #tpu.memory_space<vmem>> -> memref<5x80xi32, #tpu.memory_space<vmem>>
      %dma_wait3A_245 = arith.constant 0 : i32
      %dma_wait3A_246 = arith.constant 0 : i32
      %dma_wait3A_247 = arith.constant 0 : i32
      %dma_wait3A_248 = arith.constant 0 : i32
      %dma_wait3A_249 = tpu.memref_slice %arg3[%run_scoped3A_13, %dma_wait3A_245, %dma_wait3A_246, %dma_wait3A_247, %dma_wait3A_248] : memref<2x32x25x5x80xi32, #tpu.memory_space<hbm>> -> memref<1x32x25x5x80xi32, #tpu.memory_space<hbm>>
      %dma_wait3A_250 = tpu.memref_squeeze %dma_wait3A_249 : memref<1x32x25x5x80xi32, #tpu.memory_space<hbm>> -> memref<32x25x5x80xi32, #tpu.memory_space<hbm>>
      %dma_wait3A_251 = arith.constant 0 : i32
      %dma_wait3A_252 = arith.constant 0 : i32
      %dma_wait3A_253 = tpu.memref_slice %dma_wait3A_250[%add3A, %run_scoped3A_14, %dma_wait3A_251, %dma_wait3A_252] : memref<32x25x5x80xi32, #tpu.memory_space<hbm>> -> memref<1x1x5x80xi32, #tpu.memory_space<hbm>>
      %dma_wait3A_254 = tpu.memref_squeeze %dma_wait3A_253 : memref<1x1x5x80xi32, #tpu.memory_space<hbm>> -> memref<5x80xi32, #tpu.memory_space<hbm>>
      tpu.wait_dma2 semaphore(%run_scoped3A_198 : memref<!tpu.dma_semaphore, #tpu.memory_space<semaphore_mem>>) src(%dma_wait3A_254 : memref<5x80xi32, #tpu.memory_space<hbm>>) dst(%dma_wait3A_244 : memref<5x80xi32, #tpu.memory_space<vmem>>)
      tpu.yield
    }) : () -> ()
    %dma_start3A_16 = arith.constant 0 : i32
    %dma_start3A_17 = arith.constant 1 : i32
    %dma_start3A_18 = arith.constant 1 : i32
    %dma_start3A_19 = arith.constant 1 : i32
    %dma_start3A_20 = arith.constant 0 : i32
    %dma_start3A_21 = arith.constant 0 : i32
    %dma_start3A_22 = tpu.memref_slice %arg6[%dma_start3A_18, %dma_start3A_20, %dma_start3A_21] : memref<3x5x80xi32, #tpu.memory_space<vmem>> -> memref<1x5x80xi32, #tpu.memory_space<vmem>>
    %dma_start3A_23 = tpu.memref_squeeze %dma_start3A_22 : memref<1x5x80xi32, #tpu.memory_space<vmem>> -> memref<5x80xi32, #tpu.memory_space<vmem>>
    %dma_start3A_24 = arith.constant 0 : i32
    %dma_start3A_25 = arith.constant 0 : i32
    %dma_start3A_26 = arith.constant 0 : i32
    %dma_start3A_27 = arith.constant 0 : i32
    %dma_start3A_28 = tpu.memref_slice %arg3[%dma_start3A_16, %dma_start3A_24, %dma_start3A_25, %dma_start3A_26, %dma_start3A_27] : memref<2x32x25x5x80xi32, #tpu.memory_space<hbm>> -> memref<1x32x25x5x80xi32, #tpu.memory_space<hbm>>
    %dma_start3A_29 = tpu.memref_squeeze %dma_start3A_28 : memref<1x32x25x5x80xi32, #tpu.memory_space<hbm>> -> memref<32x25x5x80xi32, #tpu.memory_space<hbm>>
    %dma_start3A_30 = arith.constant 0 : i32
    %dma_start3A_31 = arith.constant 0 : i32
    %dma_start3A_32 = tpu.memref_slice %dma_start3A_29[%add3A, %dma_start3A_17, %dma_start3A_30, %dma_start3A_31] : memref<32x25x5x80xi32, #tpu.memory_space<hbm>> -> memref<1x1x5x80xi32, #tpu.memory_space<hbm>>
    %dma_start3A_33 = tpu.memref_squeeze %dma_start3A_32 : memref<1x1x5x80xi32, #tpu.memory_space<hbm>> -> memref<5x80xi32, #tpu.memory_space<hbm>>
    %dma_start3A_34 = tpu.memref_slice %arg12[%dma_start3A_19] : memref<3x!tpu.dma_semaphore, #tpu.memory_space<semaphore_mem>> -> memref<1x!tpu.dma_semaphore, #tpu.memory_space<semaphore_mem>>
    %dma_start3A_35 = tpu.memref_squeeze %dma_start3A_34 : memref<1x!tpu.dma_semaphore, #tpu.memory_space<semaphore_mem>> -> memref<!tpu.dma_semaphore, #tpu.memory_space<semaphore_mem>>
    %dma_start3A_36 = arith.constant 0 : i32
    %dma_start3A_37 = arith.constant 0 : i32
    %dma_start3A_38 = tpu.memref_slice %arg6[%dma_start3A_18, %dma_start3A_36, %dma_start3A_37] : memref<3x5x80xi32, #tpu.memory_space<vmem>> -> memref<1x5x80xi32, #tpu.memory_space<vmem>>
    %dma_start3A_39 = tpu.memref_squeeze %dma_start3A_38 : memref<1x5x80xi32, #tpu.memory_space<vmem>> -> memref<5x80xi32, #tpu.memory_space<vmem>>
    %dma_start3A_40 = arith.constant 0 : i32
    %dma_start3A_41 = arith.constant 0 : i32
    %dma_start3A_42 = arith.constant 0 : i32
    %dma_start3A_43 = arith.constant 0 : i32
    %dma_start3A_44 = tpu.memref_slice %arg3[%dma_start3A_16, %dma_start3A_40, %dma_start3A_41, %dma_start3A_42, %dma_start3A_43] : memref<2x32x25x5x80xi32, #tpu.memory_space<hbm>> -> memref<1x32x25x5x80xi32, #tpu.memory_space<hbm>>
    %dma_start3A_45 = tpu.memref_squeeze %dma_start3A_44 : memref<1x32x25x5x80xi32, #tpu.memory_space<hbm>> -> memref<32x25x5x80xi32, #tpu.memory_space<hbm>>
    %dma_start3A_46 = arith.constant 0 : i32
    %dma_start3A_47 = arith.constant 0 : i32
    %dma_start3A_48 = tpu.memref_slice %dma_start3A_45[%add3A, %dma_start3A_17, %dma_start3A_46, %dma_start3A_47] : memref<32x25x5x80xi32, #tpu.memory_space<hbm>> -> memref<1x1x5x80xi32, #tpu.memory_space<hbm>>
    %dma_start3A_49 = tpu.memref_squeeze %dma_start3A_48 : memref<1x1x5x80xi32, #tpu.memory_space<hbm>> -> memref<5x80xi32, #tpu.memory_space<hbm>>
    tpu.enqueue_dma source(%dma_start3A_49 : memref<5x80xi32, #tpu.memory_space<hbm>>) target(%dma_start3A_39 : memref<5x80xi32, #tpu.memory_space<vmem>>) target_semaphore(%dma_start3A_35 : memref<!tpu.dma_semaphore, #tpu.memory_space<semaphore_mem>>)
    %dma_start3A_50 = arith.constant 1 : i32
    %dma_start3A_51 = arith.constant 1 : i32
    %dma_start3A_52 = arith.constant 1 : i32
    %dma_start3A_53 = arith.constant 1 : i32
    %dma_start3A_54 = arith.constant 0 : i32
    %dma_start3A_55 = arith.constant 0 : i32
    %dma_start3A_56 = tpu.memref_slice %arg7[%dma_start3A_52, %dma_start3A_54, %dma_start3A_55] : memref<3x5x80xi32, #tpu.memory_space<vmem>> -> memref<1x5x80xi32, #tpu.memory_space<vmem>>
    %dma_start3A_57 = tpu.memref_squeeze %dma_start3A_56 : memref<1x5x80xi32, #tpu.memory_space<vmem>> -> memref<5x80xi32, #tpu.memory_space<vmem>>
    %dma_start3A_58 = arith.constant 0 : i32
    %dma_start3A_59 = arith.constant 0 : i32
    %dma_start3A_60 = arith.constant 0 : i32
    %dma_start3A_61 = arith.constant 0 : i32
    %dma_start3A_62 = tpu.memref_slice %arg3[%dma_start3A_50, %dma_start3A_58, %dma_start3A_59, %dma_start3A_60, %dma_start3A_61] : memref<2x32x25x5x80xi32, #tpu.memory_space<hbm>> -> memref<1x32x25x5x80xi32, #tpu.memory_space<hbm>>
    %dma_start3A_63 = tpu.memref_squeeze %dma_start3A_62 : memref<1x32x25x5x80xi32, #tpu.memory_space<hbm>> -> memref<32x25x5x80xi32, #tpu.memory_space<hbm>>
    %dma_start3A_64 = arith.constant 0 : i32
    %dma_start3A_65 = arith.constant 0 : i32
    %dma_start3A_66 = tpu.memref_slice %dma_start3A_63[%add3A, %dma_start3A_51, %dma_start3A_64, %dma_start3A_65] : memref<32x25x5x80xi32, #tpu.memory_space<hbm>> -> memref<1x1x5x80xi32, #tpu.memory_space<hbm>>
    %dma_start3A_67 = tpu.memref_squeeze %dma_start3A_66 : memref<1x1x5x80xi32, #tpu.memory_space<hbm>> -> memref<5x80xi32, #tpu.memory_space<hbm>>
    %dma_start3A_68 = tpu.memref_slice %arg12[%dma_start3A_53] : memref<3x!tpu.dma_semaphore, #tpu.memory_space<semaphore_mem>> -> memref<1x!tpu.dma_semaphore, #tpu.memory_space<semaphore_mem>>
    %dma_start3A_69 = tpu.memref_squeeze %dma_start3A_68 : memref<1x!tpu.dma_semaphore, #tpu.memory_space<semaphore_mem>> -> memref<!tpu.dma_semaphore, #tpu.memory_space<semaphore_mem>>
    %dma_start3A_70 = arith.constant 0 : i32
    %dma_start3A_71 = arith.constant 0 : i32
    %dma_start3A_72 = tpu.memref_slice %arg7[%dma_start3A_52, %dma_start3A_70, %dma_start3A_71] : memref<3x5x80xi32, #tpu.memory_space<vmem>> -> memref<1x5x80xi32, #tpu.memory_space<vmem>>
    %dma_start3A_73 = tpu.memref_squeeze %dma_start3A_72 : memref<1x5x80xi32, #tpu.memory_space<vmem>> -> memref<5x80xi32, #tpu.memory_space<vmem>>
    %dma_start3A_74 = arith.constant 0 : i32
    %dma_start3A_75 = arith.constant 0 : i32
    %dma_start3A_76 = arith.constant 0 : i32
    %dma_start3A_77 = arith.constant 0 : i32
    %dma_start3A_78 = tpu.memref_slice %arg3[%dma_start3A_50, %dma_start3A_74, %dma_start3A_75, %dma_start3A_76, %dma_start3A_77] : memref<2x32x25x5x80xi32, #tpu.memory_space<hbm>> -> memref<1x32x25x5x80xi32, #tpu.memory_space<hbm>>
    %dma_start3A_79 = tpu.memref_squeeze %dma_start3A_78 : memref<1x32x25x5x80xi32, #tpu.memory_space<hbm>> -> memref<32x25x5x80xi32, #tpu.memory_space<hbm>>
    %dma_start3A_80 = arith.constant 0 : i32
    %dma_start3A_81 = arith.constant 0 : i32
    %dma_start3A_82 = tpu.memref_slice %dma_start3A_79[%add3A, %dma_start3A_51, %dma_start3A_80, %dma_start3A_81] : memref<32x25x5x80xi32, #tpu.memory_space<hbm>> -> memref<1x1x5x80xi32, #tpu.memory_space<hbm>>
    %dma_start3A_83 = tpu.memref_squeeze %dma_start3A_82 : memref<1x1x5x80xi32, #tpu.memory_space<hbm>> -> memref<5x80xi32, #tpu.memory_space<hbm>>
    tpu.enqueue_dma source(%dma_start3A_83 : memref<5x80xi32, #tpu.memory_space<hbm>>) target(%dma_start3A_73 : memref<5x80xi32, #tpu.memory_space<vmem>>) target_semaphore(%dma_start3A_69 : memref<!tpu.dma_semaphore, #tpu.memory_space<semaphore_mem>>)
    %dma_wait3A = arith.constant 2 : i32
    %dma_wait3A_84 = tpu.memref_slice %arg10[%dma_wait3A] : memref<4x!tpu.dma_semaphore, #tpu.memory_space<semaphore_mem>> -> memref<1x!tpu.dma_semaphore, #tpu.memory_space<semaphore_mem>>
    %dma_wait3A_85 = tpu.memref_squeeze %dma_wait3A_84 : memref<1x!tpu.dma_semaphore, #tpu.memory_space<semaphore_mem>> -> memref<!tpu.dma_semaphore, #tpu.memory_space<semaphore_mem>>
    %dma_wait3A_86 = arith.constant 0 : i32
    %dma_wait3A_87 = tpu.memref_slice %arg9[%mul3A_4, %dma_wait3A_86] : memref<10240x128xf32, #tpu.memory_space<vmem_shared>> -> memref<640x128xf32, #tpu.memory_space<vmem_shared>>
    %dma_wait3A_88 = arith.constant 0 : i32
    %dma_wait3A_89 = tpu.memref_slice %arg4[%mul3A_2, %dma_wait3A_88] : memref<10240x128xf32, #tpu.memory_space<hbm>> -> memref<640x128xf32, #tpu.memory_space<hbm>>
    tpu.wait_dma2 semaphore(%dma_wait3A_85 : memref<!tpu.dma_semaphore, #tpu.memory_space<semaphore_mem>>) src(%dma_wait3A_89 : memref<640x128xf32, #tpu.memory_space<hbm>>) dst(%dma_wait3A_87 : memref<640x128xf32, #tpu.memory_space<vmem_shared>>)
    %barrier3A = arith.constant 0 : index
    tpu.barrier barrier_id(%barrier3A)
    %dma_start3A_90 = arith.constant 0 : i32
    %dma_start3A_91 = arith.constant 0 : i32
    %dma_start3A_92 = arith.constant 0 : i32
    %dma_start3A_93 = arith.constant 0 : i32
    %dma_start3A_94 = arith.constant 0 : i32
    %dma_start3A_95 = arith.constant 0 : i32
    %dma_start3A_96 = tpu.memref_slice %arg8[%dma_start3A_92, %dma_start3A_94, %dma_start3A_95] : memref<4x80x128xf32, #tpu.memory_space<vmem>> -> memref<1x80x128xf32, #tpu.memory_space<vmem>>
    %dma_start3A_97 = tpu.memref_squeeze %dma_start3A_96 : memref<1x80x128xf32, #tpu.memory_space<vmem>> -> memref<80x128xf32, #tpu.memory_space<vmem>>
    %dma_start3A_98 = arith.constant 0 : i32
    %dma_start3A_99 = tpu.memref_slice %arg6[%dma_start3A_90, %dma_start3A_91, %dma_start3A_98] : memref<3x5x80xi32, #tpu.memory_space<vmem>> -> memref<1x1x80xi32, #tpu.memory_space<vmem>>
    %dma_start3A_100 = tpu.memref_squeeze %dma_start3A_99 : memref<1x1x80xi32, #tpu.memory_space<vmem>> -> memref<80xi32, #tpu.memory_space<vmem>>
    %dma_start3A_101 = arith.constant 0 : i32
    %dma_start3A_102 = arith.constant 0 : i32
    %dma_start3A_103 = tpu.memref_slice %arg2[%dma_start3A_101, %dma_start3A_102] : memref<10000x128xf32, #tpu.memory_space<hbm>> -> memref<10000x128xf32, #tpu.memory_space<hbm>>
    %dma_start3A_104 = tpu.memref_slice %arg10[%dma_start3A_93] : memref<4x!tpu.dma_semaphore, #tpu.memory_space<semaphore_mem>> -> memref<1x!tpu.dma_semaphore, #tpu.memory_space<semaphore_mem>>
    %dma_start3A_105 = tpu.memref_squeeze %dma_start3A_104 : memref<1x!tpu.dma_semaphore, #tpu.memory_space<semaphore_mem>> -> memref<!tpu.dma_semaphore, #tpu.memory_space<semaphore_mem>>
    tpu.enqueue_indirect_dma source(%dma_start3A_103 : memref<10000x128xf32, #tpu.memory_space<hbm>>) target(%dma_start3A_97 : memref<80x128xf32, #tpu.memory_space<vmem>>) offsets(%dma_start3A_100 : memref<80xi32, #tpu.memory_space<vmem>>) semaphore(%dma_start3A_105 : memref<!tpu.dma_semaphore, #tpu.memory_space<semaphore_mem>>)
    %dma_start3A_106 = arith.constant 0 : i32
    %dma_start3A_107 = arith.constant 1 : i32
    %dma_start3A_108 = arith.constant 1 : i32
    %dma_start3A_109 = arith.constant 1 : i32
    %dma_start3A_110 = arith.constant 0 : i32
    %dma_start3A_111 = arith.constant 0 : i32
    %dma_start3A_112 = tpu.memref_slice %arg8[%dma_start3A_108, %dma_start3A_110, %dma_start3A_111] : memref<4x80x128xf32, #tpu.memory_space<vmem>> -> memref<1x80x128xf32, #tpu.memory_space<vmem>>
    %dma_start3A_113 = tpu.memref_squeeze %dma_start3A_112 : memref<1x80x128xf32, #tpu.memory_space<vmem>> -> memref<80x128xf32, #tpu.memory_space<vmem>>
    %dma_start3A_114 = arith.constant 0 : i32
    %dma_start3A_115 = tpu.memref_slice %arg6[%dma_start3A_106, %dma_start3A_107, %dma_start3A_114] : memref<3x5x80xi32, #tpu.memory_space<vmem>> -> memref<1x1x80xi32, #tpu.memory_space<vmem>>
    %dma_start3A_116 = tpu.memref_squeeze %dma_start3A_115 : memref<1x1x80xi32, #tpu.memory_space<vmem>> -> memref<80xi32, #tpu.memory_space<vmem>>
    %dma_start3A_117 = arith.constant 0 : i32
    %dma_start3A_118 = arith.constant 0 : i32
    %dma_start3A_119 = tpu.memref_slice %arg2[%dma_start3A_117, %dma_start3A_118] : memref<10000x128xf32, #tpu.memory_space<hbm>> -> memref<10000x128xf32, #tpu.memory_space<hbm>>
    %dma_start3A_120 = tpu.memref_slice %arg10[%dma_start3A_109] : memref<4x!tpu.dma_semaphore, #tpu.memory_space<semaphore_mem>> -> memref<1x!tpu.dma_semaphore, #tpu.memory_space<semaphore_mem>>
    %dma_start3A_121 = tpu.memref_squeeze %dma_start3A_120 : memref<1x!tpu.dma_semaphore, #tpu.memory_space<semaphore_mem>> -> memref<!tpu.dma_semaphore, #tpu.memory_space<semaphore_mem>>
    tpu.enqueue_indirect_dma source(%dma_start3A_119 : memref<10000x128xf32, #tpu.memory_space<hbm>>) target(%dma_start3A_113 : memref<80x128xf32, #tpu.memory_space<vmem>>) offsets(%dma_start3A_116 : memref<80xi32, #tpu.memory_space<vmem>>) semaphore(%dma_start3A_121 : memref<!tpu.dma_semaphore, #tpu.memory_space<semaphore_mem>>)
    %scan3A = arith.constant 0 : i32
    %scan3A_122 = arith.constant 0 : i32
    %scan3A_123 = arith.constant 1 : i32
    %scan3A_124 = arith.constant 0 : i32
    %scan3A_125 = arith.constant 25 : i32
    %scan3A_126 = arith.addi %scan3A_124, %scan3A_125 : i32
    %scan3A_127 = arith.constant 1 : i32
    scf.for %scan3A_198 = %scan3A_124 to %scan3A_126 step %scan3A_127  : i32 {
      %rem3A = arith.constant 3 : i32
      %rem3A_199 = arith.remsi %scan3A_198, %rem3A : i32
      %add3A_200 = arith.constant 1 : i32
      %add3A_201 = arith.addi %scan3A_198, %add3A_200 : i32
      %rem3A_202 = arith.constant 3 : i32
      %rem3A_203 = arith.remsi %add3A_201, %rem3A_202 : i32
      %add3A_204 = arith.constant 2 : i32
      %add3A_205 = arith.addi %scan3A_198, %add3A_204 : i32
      %rem3A_206 = arith.constant 3 : i32
      %rem3A_207 = arith.remsi %add3A_205, %rem3A_206 : i32
      %mul3A_208 = arith.constant 5 : i32
      %mul3A_209 = arith.muli %scan3A_198, %mul3A_208 : i32
      %add3A_210 = arith.constant 0 : i32
      %add3A_211 = arith.addi %mul3A_209, %add3A_210 : i32
      %rem3A_212 = arith.constant 4 : i32
      %rem3A_213 = arith.remsi %add3A_211, %rem3A_212 : i32
      %add3A_214 = arith.constant 2 : i32
      %add3A_215 = arith.addi %add3A_211, %add3A_214 : i32
      %rem3A_216 = arith.constant 4 : i32
      %rem3A_217 = arith.remsi %add3A_215, %rem3A_216 : i32
      %lt3A = arith.constant 125 : i32
      %lt3A_218 = arith.cmpi slt, %add3A_215, %lt3A : i32
      %convert_element_type3A = arith.extui %lt3A_218 : i1 to i32
      %cond3A = arith.constant 2 : i32
      %cond3A_219 = arith.constant 0 : i32
      %cond3A_220 = arith.cmpi ne, %convert_element_type3A, %cond3A_219 : i32
      scf.if %cond3A_220 {
        %ge3A = arith.constant 2 : i32
        %ge3A_429 = arith.cmpi sge, %add3A_211, %ge3A : i32
        %convert_element_type3A_430 = arith.extui %ge3A_429 : i1 to i32
        %cond3A_431 = arith.constant 0 : i32
        %cond3A_432 = arith.cmpi ne, %convert_element_type3A_430, %cond3A_431 : i32
        scf.if %cond3A_432 {
          %dma_wait3A_445 = arith.constant 0 : i32
          %dma_wait3A_446 = arith.constant 0 : i32
          %dma_wait3A_447 = arith.constant 0 : i32
          %dma_wait3A_448 = tpu.memref_slice %arg8[%rem3A_217, %dma_wait3A_446, %dma_wait3A_447] : memref<4x80x128xf32, #tpu.memory_space<vmem>> -> memref<1x80x128xf32, #tpu.memory_space<vmem>>
          %dma_wait3A_449 = tpu.memref_squeeze %dma_wait3A_448 : memref<1x80x128xf32, #tpu.memory_space<vmem>> -> memref<80x128xf32, #tpu.memory_space<vmem>>
          %dma_wait3A_450 = arith.constant 0 : i32
          %dma_wait3A_451 = tpu.memref_slice %arg7[%rem3A_199, %dma_wait3A_445, %dma_wait3A_450] : memref<3x5x80xi32, #tpu.memory_space<vmem>> -> memref<1x1x80xi32, #tpu.memory_space<vmem>>
          %dma_wait3A_452 = tpu.memref_squeeze %dma_wait3A_451 : memref<1x1x80xi32, #tpu.memory_space<vmem>> -> memref<80xi32, #tpu.memory_space<vmem>>
          %dma_wait3A_453 = arith.constant 0 : i32
          %dma_wait3A_454 = arith.constant 0 : i32
          %dma_wait3A_455 = tpu.memref_slice %arg9[%dma_wait3A_453, %dma_wait3A_454] : memref<10240x128xf32, #tpu.memory_space<vmem_shared>> -> memref<10240x128xf32, #tpu.memory_space<vmem_shared>>
          %dma_wait3A_456 = tpu.memref_slice %arg11[%rem3A_217] : memref<4x!tpu.dma_semaphore, #tpu.memory_space<semaphore_mem>> -> memref<1x!tpu.dma_semaphore, #tpu.memory_space<semaphore_mem>>
          %dma_wait3A_457 = tpu.memref_squeeze %dma_wait3A_456 : memref<1x!tpu.dma_semaphore, #tpu.memory_space<semaphore_mem>> -> memref<!tpu.dma_semaphore, #tpu.memory_space<semaphore_mem>>
          tpu.wait_indirect_dma semaphore(%dma_wait3A_457 : memref<!tpu.dma_semaphore, #tpu.memory_space<semaphore_mem>>) src(%dma_wait3A_449 : memref<80x128xf32, #tpu.memory_space<vmem>>) dst(%dma_wait3A_455 : memref<10240x128xf32, #tpu.memory_space<vmem_shared>>)
        } else {
        }
        %dma_start3A_433 = arith.constant 0 : i32
        %dma_start3A_434 = arith.constant 0 : i32
        %dma_start3A_435 = tpu.memref_slice %arg8[%rem3A_217, %dma_start3A_433, %dma_start3A_434] : memref<4x80x128xf32, #tpu.memory_space<vmem>> -> memref<1x80x128xf32, #tpu.memory_space<vmem>>
        %dma_start3A_436 = tpu.memref_squeeze %dma_start3A_435 : memref<1x80x128xf32, #tpu.memory_space<vmem>> -> memref<80x128xf32, #tpu.memory_space<vmem>>
        %dma_start3A_437 = arith.constant 0 : i32
        %dma_start3A_438 = tpu.memref_slice %arg6[%rem3A_199, %cond3A, %dma_start3A_437] : memref<3x5x80xi32, #tpu.memory_space<vmem>> -> memref<1x1x80xi32, #tpu.memory_space<vmem>>
        %dma_start3A_439 = tpu.memref_squeeze %dma_start3A_438 : memref<1x1x80xi32, #tpu.memory_space<vmem>> -> memref<80xi32, #tpu.memory_space<vmem>>
        %dma_start3A_440 = arith.constant 0 : i32
        %dma_start3A_441 = arith.constant 0 : i32
        %dma_start3A_442 = tpu.memref_slice %arg2[%dma_start3A_440, %dma_start3A_441] : memref<10000x128xf32, #tpu.memory_space<hbm>> -> memref<10000x128xf32, #tpu.memory_space<hbm>>
        %dma_start3A_443 = tpu.memref_slice %arg10[%rem3A_217] : memref<4x!tpu.dma_semaphore, #tpu.memory_space<semaphore_mem>> -> memref<1x!tpu.dma_semaphore, #tpu.memory_space<semaphore_mem>>
        %dma_start3A_444 = tpu.memref_squeeze %dma_start3A_443 : memref<1x!tpu.dma_semaphore, #tpu.memory_space<semaphore_mem>> -> memref<!tpu.dma_semaphore, #tpu.memory_space<semaphore_mem>>
        tpu.enqueue_indirect_dma source(%dma_start3A_442 : memref<10000x128xf32, #tpu.memory_space<hbm>>) target(%dma_start3A_436 : memref<80x128xf32, #tpu.memory_space<vmem>>) offsets(%dma_start3A_439 : memref<80xi32, #tpu.memory_space<vmem>>) semaphore(%dma_start3A_444 : memref<!tpu.dma_semaphore, #tpu.memory_space<semaphore_mem>>)
      } else {
      }
      %dma_wait3A_221 = arith.constant 0 : i32
      %dma_wait3A_222 = arith.constant 0 : i32
      %dma_wait3A_223 = arith.constant 0 : i32
      %dma_wait3A_224 = tpu.memref_slice %arg8[%rem3A_213, %dma_wait3A_222, %dma_wait3A_223] : memref<4x80x128xf32, #tpu.memory_space<vmem>> -> memref<1x80x128xf32, #tpu.memory_space<vmem>>
      %dma_wait3A_225 = tpu.memref_squeeze %dma_wait3A_224 : memref<1x80x128xf32, #tpu.memory_space<vmem>> -> memref<80x128xf32, #tpu.memory_space<vmem>>
      %dma_wait3A_226 = arith.constant 0 : i32
      %dma_wait3A_227 = tpu.memref_slice %arg6[%rem3A_199, %dma_wait3A_221, %dma_wait3A_226] : memref<3x5x80xi32, #tpu.memory_space<vmem>> -> memref<1x1x80xi32, #tpu.memory_space<vmem>>
      %dma_wait3A_228 = tpu.memref_squeeze %dma_wait3A_227 : memref<1x1x80xi32, #tpu.memory_space<vmem>> -> memref<80xi32, #tpu.memory_space<vmem>>
      %dma_wait3A_229 = arith.constant 0 : i32
      %dma_wait3A_230 = arith.constant 0 : i32
      %dma_wait3A_231 = tpu.memref_slice %arg2[%dma_wait3A_229, %dma_wait3A_230] : memref<10000x128xf32, #tpu.memory_space<hbm>> -> memref<10000x128xf32, #tpu.memory_space<hbm>>
      %dma_wait3A_232 = tpu.memref_slice %arg10[%rem3A_213] : memref<4x!tpu.dma_semaphore, #tpu.memory_space<semaphore_mem>> -> memref<1x!tpu.dma_semaphore, #tpu.memory_space<semaphore_mem>>
      %dma_wait3A_233 = tpu.memref_squeeze %dma_wait3A_232 : memref<1x!tpu.dma_semaphore, #tpu.memory_space<semaphore_mem>> -> memref<!tpu.dma_semaphore, #tpu.memory_space<semaphore_mem>>
      tpu.wait_indirect_dma semaphore(%dma_wait3A_233 : memref<!tpu.dma_semaphore, #tpu.memory_space<semaphore_mem>>) src(%dma_wait3A_231 : memref<10000x128xf32, #tpu.memory_space<hbm>>) dst(%dma_wait3A_225 : memref<80x128xf32, #tpu.memory_space<vmem>>)
      %dma_start3A_234 = arith.constant 0 : i32
      %dma_start3A_235 = arith.constant 0 : i32
      %dma_start3A_236 = arith.constant 0 : i32
      %dma_start3A_237 = tpu.memref_slice %arg8[%rem3A_213, %dma_start3A_235, %dma_start3A_236] : memref<4x80x128xf32, #tpu.memory_space<vmem>> -> memref<1x80x128xf32, #tpu.memory_space<vmem>>
      %dma_start3A_238 = tpu.memref_squeeze %dma_start3A_237 : memref<1x80x128xf32, #tpu.memory_space<vmem>> -> memref<80x128xf32, #tpu.memory_space<vmem>>
      %dma_start3A_239 = arith.constant 0 : i32
      %dma_start3A_240 = tpu.memref_slice %arg7[%rem3A_199, %dma_start3A_234, %dma_start3A_239] : memref<3x5x80xi32, #tpu.memory_space<vmem>> -> memref<1x1x80xi32, #tpu.memory_space<vmem>>
      %dma_start3A_241 = tpu.memref_squeeze %dma_start3A_240 : memref<1x1x80xi32, #tpu.memory_space<vmem>> -> memref<80xi32, #tpu.memory_space<vmem>>
      %dma_start3A_242 = arith.constant 0 : i32
      %dma_start3A_243 = arith.constant 0 : i32
      %dma_start3A_244 = tpu.memref_slice %arg9[%dma_start3A_242, %dma_start3A_243] : memref<10240x128xf32, #tpu.memory_space<vmem_shared>> -> memref<10240x128xf32, #tpu.memory_space<vmem_shared>>
      %dma_start3A_245 = tpu.memref_slice %arg11[%rem3A_213] : memref<4x!tpu.dma_semaphore, #tpu.memory_space<semaphore_mem>> -> memref<1x!tpu.dma_semaphore, #tpu.memory_space<semaphore_mem>>
      %dma_start3A_246 = tpu.memref_squeeze %dma_start3A_245 : memref<1x!tpu.dma_semaphore, #tpu.memory_space<semaphore_mem>> -> memref<!tpu.dma_semaphore, #tpu.memory_space<semaphore_mem>>
      tpu.enqueue_indirect_dma source(%dma_start3A_238 : memref<80x128xf32, #tpu.memory_space<vmem>>) target(%dma_start3A_244 : memref<10240x128xf32, #tpu.memory_space<vmem_shared>>) offsets(%dma_start3A_241 : memref<80xi32, #tpu.memory_space<vmem>>) semaphore(%dma_start3A_246 : memref<!tpu.dma_semaphore, #tpu.memory_space<semaphore_mem>>) {add = true}
      %mul3A_247 = arith.constant 5 : i32
      %mul3A_248 = arith.muli %scan3A_198, %mul3A_247 : i32
      %add3A_249 = arith.constant 1 : i32
      %add3A_250 = arith.addi %mul3A_248, %add3A_249 : i32
      %rem3A_251 = arith.constant 4 : i32
      %rem3A_252 = arith.remsi %add3A_250, %rem3A_251 : i32
      %add3A_253 = arith.constant 2 : i32
      %add3A_254 = arith.addi %add3A_250, %add3A_253 : i32
      %rem3A_255 = arith.constant 4 : i32
      %rem3A_256 = arith.remsi %add3A_254, %rem3A_255 : i32
      %lt3A_257 = arith.constant 125 : i32
      %lt3A_258 = arith.cmpi slt, %add3A_254, %lt3A_257 : i32
      %convert_element_type3A_259 = arith.extui %lt3A_258 : i1 to i32
      %cond3A_260 = arith.constant 3 : i32
      %cond3A_261 = arith.constant 0 : i32
      %cond3A_262 = arith.cmpi ne, %convert_element_type3A_259, %cond3A_261 : i32
      scf.if %cond3A_262 {
        %ge3A = arith.constant 2 : i32
        %ge3A_429 = arith.cmpi sge, %add3A_250, %ge3A : i32
        %convert_element_type3A_430 = arith.extui %ge3A_429 : i1 to i32
        %cond3A_431 = arith.constant 0 : i32
        %cond3A_432 = arith.cmpi ne, %convert_element_type3A_430, %cond3A_431 : i32
        scf.if %cond3A_432 {
          %dma_wait3A_445 = arith.constant 0 : i32
          %dma_wait3A_446 = arith.constant 0 : i32
          %dma_wait3A_447 = arith.constant 0 : i32
          %dma_wait3A_448 = tpu.memref_slice %arg8[%rem3A_256, %dma_wait3A_446, %dma_wait3A_447] : memref<4x80x128xf32, #tpu.memory_space<vmem>> -> memref<1x80x128xf32, #tpu.memory_space<vmem>>
          %dma_wait3A_449 = tpu.memref_squeeze %dma_wait3A_448 : memref<1x80x128xf32, #tpu.memory_space<vmem>> -> memref<80x128xf32, #tpu.memory_space<vmem>>
          %dma_wait3A_450 = arith.constant 0 : i32
          %dma_wait3A_451 = tpu.memref_slice %arg7[%rem3A_199, %dma_wait3A_445, %dma_wait3A_450] : memref<3x5x80xi32, #tpu.memory_space<vmem>> -> memref<1x1x80xi32, #tpu.memory_space<vmem>>
          %dma_wait3A_452 = tpu.memref_squeeze %dma_wait3A_451 : memref<1x1x80xi32, #tpu.memory_space<vmem>> -> memref<80xi32, #tpu.memory_space<vmem>>
          %dma_wait3A_453 = arith.constant 0 : i32
          %dma_wait3A_454 = arith.constant 0 : i32
          %dma_wait3A_455 = tpu.memref_slice %arg9[%dma_wait3A_453, %dma_wait3A_454] : memref<10240x128xf32, #tpu.memory_space<vmem_shared>> -> memref<10240x128xf32, #tpu.memory_space<vmem_shared>>
          %dma_wait3A_456 = tpu.memref_slice %arg11[%rem3A_256] : memref<4x!tpu.dma_semaphore, #tpu.memory_space<semaphore_mem>> -> memref<1x!tpu.dma_semaphore, #tpu.memory_space<semaphore_mem>>
          %dma_wait3A_457 = tpu.memref_squeeze %dma_wait3A_456 : memref<1x!tpu.dma_semaphore, #tpu.memory_space<semaphore_mem>> -> memref<!tpu.dma_semaphore, #tpu.memory_space<semaphore_mem>>
          tpu.wait_indirect_dma semaphore(%dma_wait3A_457 : memref<!tpu.dma_semaphore, #tpu.memory_space<semaphore_mem>>) src(%dma_wait3A_449 : memref<80x128xf32, #tpu.memory_space<vmem>>) dst(%dma_wait3A_455 : memref<10240x128xf32, #tpu.memory_space<vmem_shared>>)
        } else {
        }
        %dma_start3A_433 = arith.constant 0 : i32
        %dma_start3A_434 = arith.constant 0 : i32
        %dma_start3A_435 = tpu.memref_slice %arg8[%rem3A_256, %dma_start3A_433, %dma_start3A_434] : memref<4x80x128xf32, #tpu.memory_space<vmem>> -> memref<1x80x128xf32, #tpu.memory_space<vmem>>
        %dma_start3A_436 = tpu.memref_squeeze %dma_start3A_435 : memref<1x80x128xf32, #tpu.memory_space<vmem>> -> memref<80x128xf32, #tpu.memory_space<vmem>>
        %dma_start3A_437 = arith.constant 0 : i32
        %dma_start3A_438 = tpu.memref_slice %arg6[%rem3A_199, %cond3A_260, %dma_start3A_437] : memref<3x5x80xi32, #tpu.memory_space<vmem>> -> memref<1x1x80xi32, #tpu.memory_space<vmem>>
        %dma_start3A_439 = tpu.memref_squeeze %dma_start3A_438 : memref<1x1x80xi32, #tpu.memory_space<vmem>> -> memref<80xi32, #tpu.memory_space<vmem>>
        %dma_start3A_440 = arith.constant 0 : i32
        %dma_start3A_441 = arith.constant 0 : i32
        %dma_start3A_442 = tpu.memref_slice %arg2[%dma_start3A_440, %dma_start3A_441] : memref<10000x128xf32, #tpu.memory_space<hbm>> -> memref<10000x128xf32, #tpu.memory_space<hbm>>
        %dma_start3A_443 = tpu.memref_slice %arg10[%rem3A_256] : memref<4x!tpu.dma_semaphore, #tpu.memory_space<semaphore_mem>> -> memref<1x!tpu.dma_semaphore, #tpu.memory_space<semaphore_mem>>
        %dma_start3A_444 = tpu.memref_squeeze %dma_start3A_443 : memref<1x!tpu.dma_semaphore, #tpu.memory_space<semaphore_mem>> -> memref<!tpu.dma_semaphore, #tpu.memory_space<semaphore_mem>>
        tpu.enqueue_indirect_dma source(%dma_start3A_442 : memref<10000x128xf32, #tpu.memory_space<hbm>>) target(%dma_start3A_436 : memref<80x128xf32, #tpu.memory_space<vmem>>) offsets(%dma_start3A_439 : memref<80xi32, #tpu.memory_space<vmem>>) semaphore(%dma_start3A_444 : memref<!tpu.dma_semaphore, #tpu.memory_space<semaphore_mem>>)
      } else {
      }
      %dma_wait3A_263 = arith.constant 1 : i32
      %dma_wait3A_264 = arith.constant 0 : i32
      %dma_wait3A_265 = arith.constant 0 : i32
      %dma_wait3A_266 = tpu.memref_slice %arg8[%rem3A_252, %dma_wait3A_264, %dma_wait3A_265] : memref<4x80x128xf32, #tpu.memory_space<vmem>> -> memref<1x80x128xf32, #tpu.memory_space<vmem>>
      %dma_wait3A_267 = tpu.memref_squeeze %dma_wait3A_266 : memref<1x80x128xf32, #tpu.memory_space<vmem>> -> memref<80x128xf32, #tpu.memory_space<vmem>>
      %dma_wait3A_268 = arith.constant 0 : i32
      %dma_wait3A_269 = tpu.memref_slice %arg6[%rem3A_199, %dma_wait3A_263, %dma_wait3A_268] : memref<3x5x80xi32, #tpu.memory_space<vmem>> -> memref<1x1x80xi32, #tpu.memory_space<vmem>>
      %dma_wait3A_270 = tpu.memref_squeeze %dma_wait3A_269 : memref<1x1x80xi32, #tpu.memory_space<vmem>> -> memref<80xi32, #tpu.memory_space<vmem>>
      %dma_wait3A_271 = arith.constant 0 : i32
      %dma_wait3A_272 = arith.constant 0 : i32
      %dma_wait3A_273 = tpu.memref_slice %arg2[%dma_wait3A_271, %dma_wait3A_272] : memref<10000x128xf32, #tpu.memory_space<hbm>> -> memref<10000x128xf32, #tpu.memory_space<hbm>>
      %dma_wait3A_274 = tpu.memref_slice %arg10[%rem3A_252] : memref<4x!tpu.dma_semaphore, #tpu.memory_space<semaphore_mem>> -> memref<1x!tpu.dma_semaphore, #tpu.memory_space<semaphore_mem>>
      %dma_wait3A_275 = tpu.memref_squeeze %dma_wait3A_274 : memref<1x!tpu.dma_semaphore, #tpu.memory_space<semaphore_mem>> -> memref<!tpu.dma_semaphore, #tpu.memory_space<semaphore_mem>>
      tpu.wait_indirect_dma semaphore(%dma_wait3A_275 : memref<!tpu.dma_semaphore, #tpu.memory_space<semaphore_mem>>) src(%dma_wait3A_273 : memref<10000x128xf32, #tpu.memory_space<hbm>>) dst(%dma_wait3A_267 : memref<80x128xf32, #tpu.memory_space<vmem>>)
      %dma_start3A_276 = arith.constant 1 : i32
      %dma_start3A_277 = arith.constant 0 : i32
      %dma_start3A_278 = arith.constant 0 : i32
      %dma_start3A_279 = tpu.memref_slice %arg8[%rem3A_252, %dma_start3A_277, %dma_start3A_278] : memref<4x80x128xf32, #tpu.memory_space<vmem>> -> memref<1x80x128xf32, #tpu.memory_space<vmem>>
      %dma_start3A_280 = tpu.memref_squeeze %dma_start3A_279 : memref<1x80x128xf32, #tpu.memory_space<vmem>> -> memref<80x128xf32, #tpu.memory_space<vmem>>
      %dma_start3A_281 = arith.constant 0 : i32
      %dma_start3A_282 = tpu.memref_slice %arg7[%rem3A_199, %dma_start3A_276, %dma_start3A_281] : memref<3x5x80xi32, #tpu.memory_space<vmem>> -> memref<1x1x80xi32, #tpu.memory_space<vmem>>
      %dma_start3A_283 = tpu.memref_squeeze %dma_start3A_282 : memref<1x1x80xi32, #tpu.memory_space<vmem>> -> memref<80xi32, #tpu.memory_space<vmem>>
      %dma_start3A_284 = arith.constant 0 : i32
      %dma_start3A_285 = arith.constant 0 : i32
      %dma_start3A_286 = tpu.memref_slice %arg9[%dma_start3A_284, %dma_start3A_285] : memref<10240x128xf32, #tpu.memory_space<vmem_shared>> -> memref<10240x128xf32, #tpu.memory_space<vmem_shared>>
      %dma_start3A_287 = tpu.memref_slice %arg11[%rem3A_252] : memref<4x!tpu.dma_semaphore, #tpu.memory_space<semaphore_mem>> -> memref<1x!tpu.dma_semaphore, #tpu.memory_space<semaphore_mem>>
      %dma_start3A_288 = tpu.memref_squeeze %dma_start3A_287 : memref<1x!tpu.dma_semaphore, #tpu.memory_space<semaphore_mem>> -> memref<!tpu.dma_semaphore, #tpu.memory_space<semaphore_mem>>
      tpu.enqueue_indirect_dma source(%dma_start3A_280 : memref<80x128xf32, #tpu.memory_space<vmem>>) target(%dma_start3A_286 : memref<10240x128xf32, #tpu.memory_space<vmem_shared>>) offsets(%dma_start3A_283 : memref<80xi32, #tpu.memory_space<vmem>>) semaphore(%dma_start3A_288 : memref<!tpu.dma_semaphore, #tpu.memory_space<semaphore_mem>>) {add = true}
      %mul3A_289 = arith.constant 5 : i32
      %mul3A_290 = arith.muli %scan3A_198, %mul3A_289 : i32
      %add3A_291 = arith.constant 2 : i32
      %add3A_292 = arith.addi %mul3A_290, %add3A_291 : i32
      %rem3A_293 = arith.constant 4 : i32
      %rem3A_294 = arith.remsi %add3A_292, %rem3A_293 : i32
      %add3A_295 = arith.constant 2 : i32
      %add3A_296 = arith.addi %add3A_292, %add3A_295 : i32
      %rem3A_297 = arith.constant 4 : i32
      %rem3A_298 = arith.remsi %add3A_296, %rem3A_297 : i32
      %lt3A_299 = arith.constant 125 : i32
      %lt3A_300 = arith.cmpi slt, %add3A_296, %lt3A_299 : i32
      %convert_element_type3A_301 = arith.extui %lt3A_300 : i1 to i32
      %cond3A_302 = arith.constant 4 : i32
      %cond3A_303 = arith.constant 0 : i32
      %cond3A_304 = arith.cmpi ne, %convert_element_type3A_301, %cond3A_303 : i32
      scf.if %cond3A_304 {
        %ge3A = arith.constant 2 : i32
        %ge3A_429 = arith.cmpi sge, %add3A_292, %ge3A : i32
        %convert_element_type3A_430 = arith.extui %ge3A_429 : i1 to i32
        %cond3A_431 = arith.constant 0 : i32
        %cond3A_432 = arith.cmpi ne, %convert_element_type3A_430, %cond3A_431 : i32
        scf.if %cond3A_432 {
          %dma_wait3A_445 = arith.constant 0 : i32
          %dma_wait3A_446 = arith.constant 0 : i32
          %dma_wait3A_447 = arith.constant 0 : i32
          %dma_wait3A_448 = tpu.memref_slice %arg8[%rem3A_298, %dma_wait3A_446, %dma_wait3A_447] : memref<4x80x128xf32, #tpu.memory_space<vmem>> -> memref<1x80x128xf32, #tpu.memory_space<vmem>>
          %dma_wait3A_449 = tpu.memref_squeeze %dma_wait3A_448 : memref<1x80x128xf32, #tpu.memory_space<vmem>> -> memref<80x128xf32, #tpu.memory_space<vmem>>
          %dma_wait3A_450 = arith.constant 0 : i32
          %dma_wait3A_451 = tpu.memref_slice %arg7[%rem3A_199, %dma_wait3A_445, %dma_wait3A_450] : memref<3x5x80xi32, #tpu.memory_space<vmem>> -> memref<1x1x80xi32, #tpu.memory_space<vmem>>
          %dma_wait3A_452 = tpu.memref_squeeze %dma_wait3A_451 : memref<1x1x80xi32, #tpu.memory_space<vmem>> -> memref<80xi32, #tpu.memory_space<vmem>>
          %dma_wait3A_453 = arith.constant 0 : i32
          %dma_wait3A_454 = arith.constant 0 : i32
          %dma_wait3A_455 = tpu.memref_slice %arg9[%dma_wait3A_453, %dma_wait3A_454] : memref<10240x128xf32, #tpu.memory_space<vmem_shared>> -> memref<10240x128xf32, #tpu.memory_space<vmem_shared>>
          %dma_wait3A_456 = tpu.memref_slice %arg11[%rem3A_298] : memref<4x!tpu.dma_semaphore, #tpu.memory_space<semaphore_mem>> -> memref<1x!tpu.dma_semaphore, #tpu.memory_space<semaphore_mem>>
          %dma_wait3A_457 = tpu.memref_squeeze %dma_wait3A_456 : memref<1x!tpu.dma_semaphore, #tpu.memory_space<semaphore_mem>> -> memref<!tpu.dma_semaphore, #tpu.memory_space<semaphore_mem>>
          tpu.wait_indirect_dma semaphore(%dma_wait3A_457 : memref<!tpu.dma_semaphore, #tpu.memory_space<semaphore_mem>>) src(%dma_wait3A_449 : memref<80x128xf32, #tpu.memory_space<vmem>>) dst(%dma_wait3A_455 : memref<10240x128xf32, #tpu.memory_space<vmem_shared>>)
        } else {
        }
        %dma_start3A_433 = arith.constant 0 : i32
        %dma_start3A_434 = arith.constant 0 : i32
        %dma_start3A_435 = tpu.memref_slice %arg8[%rem3A_298, %dma_start3A_433, %dma_start3A_434] : memref<4x80x128xf32, #tpu.memory_space<vmem>> -> memref<1x80x128xf32, #tpu.memory_space<vmem>>
        %dma_start3A_436 = tpu.memref_squeeze %dma_start3A_435 : memref<1x80x128xf32, #tpu.memory_space<vmem>> -> memref<80x128xf32, #tpu.memory_space<vmem>>
        %dma_start3A_437 = arith.constant 0 : i32
        %dma_start3A_438 = tpu.memref_slice %arg6[%rem3A_199, %cond3A_302, %dma_start3A_437] : memref<3x5x80xi32, #tpu.memory_space<vmem>> -> memref<1x1x80xi32, #tpu.memory_space<vmem>>
        %dma_start3A_439 = tpu.memref_squeeze %dma_start3A_438 : memref<1x1x80xi32, #tpu.memory_space<vmem>> -> memref<80xi32, #tpu.memory_space<vmem>>
        %dma_start3A_440 = arith.constant 0 : i32
        %dma_start3A_441 = arith.constant 0 : i32
        %dma_start3A_442 = tpu.memref_slice %arg2[%dma_start3A_440, %dma_start3A_441] : memref<10000x128xf32, #tpu.memory_space<hbm>> -> memref<10000x128xf32, #tpu.memory_space<hbm>>
        %dma_start3A_443 = tpu.memref_slice %arg10[%rem3A_298] : memref<4x!tpu.dma_semaphore, #tpu.memory_space<semaphore_mem>> -> memref<1x!tpu.dma_semaphore, #tpu.memory_space<semaphore_mem>>
        %dma_start3A_444 = tpu.memref_squeeze %dma_start3A_443 : memref<1x!tpu.dma_semaphore, #tpu.memory_space<semaphore_mem>> -> memref<!tpu.dma_semaphore, #tpu.memory_space<semaphore_mem>>
        tpu.enqueue_indirect_dma source(%dma_start3A_442 : memref<10000x128xf32, #tpu.memory_space<hbm>>) target(%dma_start3A_436 : memref<80x128xf32, #tpu.memory_space<vmem>>) offsets(%dma_start3A_439 : memref<80xi32, #tpu.memory_space<vmem>>) semaphore(%dma_start3A_444 : memref<!tpu.dma_semaphore, #tpu.memory_space<semaphore_mem>>)
      } else {
      }
      %dma_wait3A_305 = arith.constant 2 : i32
      %dma_wait3A_306 = arith.constant 0 : i32
      %dma_wait3A_307 = arith.constant 0 : i32
      %dma_wait3A_308 = tpu.memref_slice %arg8[%rem3A_294, %dma_wait3A_306, %dma_wait3A_307] : memref<4x80x128xf32, #tpu.memory_space<vmem>> -> memref<1x80x128xf32, #tpu.memory_space<vmem>>
      %dma_wait3A_309 = tpu.memref_squeeze %dma_wait3A_308 : memref<1x80x128xf32, #tpu.memory_space<vmem>> -> memref<80x128xf32, #tpu.memory_space<vmem>>
      %dma_wait3A_310 = arith.constant 0 : i32
      %dma_wait3A_311 = tpu.memref_slice %arg6[%rem3A_199, %dma_wait3A_305, %dma_wait3A_310] : memref<3x5x80xi32, #tpu.memory_space<vmem>> -> memref<1x1x80xi32, #tpu.memory_space<vmem>>
      %dma_wait3A_312 = tpu.memref_squeeze %dma_wait3A_311 : memref<1x1x80xi32, #tpu.memory_space<vmem>> -> memref<80xi32, #tpu.memory_space<vmem>>
      %dma_wait3A_313 = arith.constant 0 : i32
      %dma_wait3A_314 = arith.constant 0 : i32
      %dma_wait3A_315 = tpu.memref_slice %arg2[%dma_wait3A_313, %dma_wait3A_314] : memref<10000x128xf32, #tpu.memory_space<hbm>> -> memref<10000x128xf32, #tpu.memory_space<hbm>>
      %dma_wait3A_316 = tpu.memref_slice %arg10[%rem3A_294] : memref<4x!tpu.dma_semaphore, #tpu.memory_space<semaphore_mem>> -> memref<1x!tpu.dma_semaphore, #tpu.memory_space<semaphore_mem>>
      %dma_wait3A_317 = tpu.memref_squeeze %dma_wait3A_316 : memref<1x!tpu.dma_semaphore, #tpu.memory_space<semaphore_mem>> -> memref<!tpu.dma_semaphore, #tpu.memory_space<semaphore_mem>>
      tpu.wait_indirect_dma semaphore(%dma_wait3A_317 : memref<!tpu.dma_semaphore, #tpu.memory_space<semaphore_mem>>) src(%dma_wait3A_315 : memref<10000x128xf32, #tpu.memory_space<hbm>>) dst(%dma_wait3A_309 : memref<80x128xf32, #tpu.memory_space<vmem>>)
      %dma_start3A_318 = arith.constant 2 : i32
      %dma_start3A_319 = arith.constant 0 : i32
      %dma_start3A_320 = arith.constant 0 : i32
      %dma_start3A_321 = tpu.memref_slice %arg8[%rem3A_294, %dma_start3A_319, %dma_start3A_320] : memref<4x80x128xf32, #tpu.memory_space<vmem>> -> memref<1x80x128xf32, #tpu.memory_space<vmem>>
      %dma_start3A_322 = tpu.memref_squeeze %dma_start3A_321 : memref<1x80x128xf32, #tpu.memory_space<vmem>> -> memref<80x128xf32, #tpu.memory_space<vmem>>
      %dma_start3A_323 = arith.constant 0 : i32
      %dma_start3A_324 = tpu.memref_slice %arg7[%rem3A_199, %dma_start3A_318, %dma_start3A_323] : memref<3x5x80xi32, #tpu.memory_space<vmem>> -> memref<1x1x80xi32, #tpu.memory_space<vmem>>
      %dma_start3A_325 = tpu.memref_squeeze %dma_start3A_324 : memref<1x1x80xi32, #tpu.memory_space<vmem>> -> memref<80xi32, #tpu.memory_space<vmem>>
      %dma_start3A_326 = arith.constant 0 : i32
      %dma_start3A_327 = arith.constant 0 : i32
      %dma_start3A_328 = tpu.memref_slice %arg9[%dma_start3A_326, %dma_start3A_327] : memref<10240x128xf32, #tpu.memory_space<vmem_shared>> -> memref<10240x128xf32, #tpu.memory_space<vmem_shared>>
      %dma_start3A_329 = tpu.memref_slice %arg11[%rem3A_294] : memref<4x!tpu.dma_semaphore, #tpu.memory_space<semaphore_mem>> -> memref<1x!tpu.dma_semaphore, #tpu.memory_space<semaphore_mem>>
      %dma_start3A_330 = tpu.memref_squeeze %dma_start3A_329 : memref<1x!tpu.dma_semaphore, #tpu.memory_space<semaphore_mem>> -> memref<!tpu.dma_semaphore, #tpu.memory_space<semaphore_mem>>
      tpu.enqueue_indirect_dma source(%dma_start3A_322 : memref<80x128xf32, #tpu.memory_space<vmem>>) target(%dma_start3A_328 : memref<10240x128xf32, #tpu.memory_space<vmem_shared>>) offsets(%dma_start3A_325 : memref<80xi32, #tpu.memory_space<vmem>>) semaphore(%dma_start3A_330 : memref<!tpu.dma_semaphore, #tpu.memory_space<semaphore_mem>>) {add = true}
      %mul3A_331 = arith.constant 5 : i32
      %mul3A_332 = arith.muli %scan3A_198, %mul3A_331 : i32
      %add3A_333 = arith.constant 3 : i32
      %add3A_334 = arith.addi %mul3A_332, %add3A_333 : i32
      %rem3A_335 = arith.constant 4 : i32
      %rem3A_336 = arith.remsi %add3A_334, %rem3A_335 : i32
      %add3A_337 = arith.constant 1 : i32
      %add3A_338 = arith.addi %scan3A_198, %add3A_337 : i32
      %lt3A_339 = arith.constant 25 : i32
      %lt3A_340 = arith.cmpi slt, %add3A_338, %lt3A_339 : i32
      %convert_element_type3A_341 = arith.extui %lt3A_340 : i1 to i32
      %cond3A_342 = arith.constant 0 : i32
      %cond3A_343 = arith.cmpi ne, %convert_element_type3A_341, %cond3A_342 : i32
      scf.if %cond3A_343 {
        %add3A_429 = arith.constant 1 : i32
        %add3A_430 = arith.addi %scan3A_198, %add3A_429 : i32
        %dma_wait3A_431 = arith.constant 0 : i32
        %dma_wait3A_432 = arith.constant 0 : i32
        %dma_wait3A_433 = tpu.memref_slice %arg6[%rem3A_203, %dma_wait3A_431, %dma_wait3A_432] : memref<3x5x80xi32, #tpu.memory_space<vmem>> -> memref<1x5x80xi32, #tpu.memory_space<vmem>>
        %dma_wait3A_434 = tpu.memref_squeeze %dma_wait3A_433 : memref<1x5x80xi32, #tpu.memory_space<vmem>> -> memref<5x80xi32, #tpu.memory_space<vmem>>
        %dma_wait3A_435 = arith.constant 0 : i32
        %dma_wait3A_436 = arith.constant 0 : i32
        %dma_wait3A_437 = arith.constant 0 : i32
        %dma_wait3A_438 = arith.constant 0 : i32
        %dma_wait3A_439 = tpu.memref_slice %arg3[%scan3A_122, %dma_wait3A_435, %dma_wait3A_436, %dma_wait3A_437, %dma_wait3A_438] : memref<2x32x25x5x80xi32, #tpu.memory_space<hbm>> -> memref<1x32x25x5x80xi32, #tpu.memory_space<hbm>>
        %dma_wait3A_440 = tpu.memref_squeeze %dma_wait3A_439 : memref<1x32x25x5x80xi32, #tpu.memory_space<hbm>> -> memref<32x25x5x80xi32, #tpu.memory_space<hbm>>
        %dma_wait3A_441 = arith.constant 0 : i32
        %dma_wait3A_442 = arith.constant 0 : i32
        %dma_wait3A_443 = tpu.memref_slice %dma_wait3A_440[%add3A, %add3A_430, %dma_wait3A_441, %dma_wait3A_442] : memref<32x25x5x80xi32, #tpu.memory_space<hbm>> -> memref<1x1x5x80xi32, #tpu.memory_space<hbm>>
        %dma_wait3A_444 = tpu.memref_squeeze %dma_wait3A_443 : memref<1x1x5x80xi32, #tpu.memory_space<hbm>> -> memref<5x80xi32, #tpu.memory_space<hbm>>
        %dma_wait3A_445 = tpu.memref_slice %arg12[%rem3A_203] : memref<3x!tpu.dma_semaphore, #tpu.memory_space<semaphore_mem>> -> memref<1x!tpu.dma_semaphore, #tpu.memory_space<semaphore_mem>>
        %dma_wait3A_446 = tpu.memref_squeeze %dma_wait3A_445 : memref<1x!tpu.dma_semaphore, #tpu.memory_space<semaphore_mem>> -> memref<!tpu.dma_semaphore, #tpu.memory_space<semaphore_mem>>
        %dma_wait3A_447 = arith.constant 0 : i32
        %dma_wait3A_448 = arith.constant 0 : i32
        %dma_wait3A_449 = tpu.memref_slice %arg6[%rem3A_203, %dma_wait3A_447, %dma_wait3A_448] : memref<3x5x80xi32, #tpu.memory_space<vmem>> -> memref<1x5x80xi32, #tpu.memory_space<vmem>>
        %dma_wait3A_450 = tpu.memref_squeeze %dma_wait3A_449 : memref<1x5x80xi32, #tpu.memory_space<vmem>> -> memref<5x80xi32, #tpu.memory_space<vmem>>
        %dma_wait3A_451 = arith.constant 0 : i32
        %dma_wait3A_452 = arith.constant 0 : i32
        %dma_wait3A_453 = arith.constant 0 : i32
        %dma_wait3A_454 = arith.constant 0 : i32
        %dma_wait3A_455 = tpu.memref_slice %arg3[%scan3A_122, %dma_wait3A_451, %dma_wait3A_452, %dma_wait3A_453, %dma_wait3A_454] : memref<2x32x25x5x80xi32, #tpu.memory_space<hbm>> -> memref<1x32x25x5x80xi32, #tpu.memory_space<hbm>>
        %dma_wait3A_456 = tpu.memref_squeeze %dma_wait3A_455 : memref<1x32x25x5x80xi32, #tpu.memory_space<hbm>> -> memref<32x25x5x80xi32, #tpu.memory_space<hbm>>
        %dma_wait3A_457 = arith.constant 0 : i32
        %dma_wait3A_458 = arith.constant 0 : i32
        %dma_wait3A_459 = tpu.memref_slice %dma_wait3A_456[%add3A, %add3A_430, %dma_wait3A_457, %dma_wait3A_458] : memref<32x25x5x80xi32, #tpu.memory_space<hbm>> -> memref<1x1x5x80xi32, #tpu.memory_space<hbm>>
        %dma_wait3A_460 = tpu.memref_squeeze %dma_wait3A_459 : memref<1x1x5x80xi32, #tpu.memory_space<hbm>> -> memref<5x80xi32, #tpu.memory_space<hbm>>
        tpu.wait_dma2 semaphore(%dma_wait3A_446 : memref<!tpu.dma_semaphore, #tpu.memory_space<semaphore_mem>>) src(%dma_wait3A_460 : memref<5x80xi32, #tpu.memory_space<hbm>>) dst(%dma_wait3A_450 : memref<5x80xi32, #tpu.memory_space<vmem>>)
        %add3A_461 = arith.constant 1 : i32
        %add3A_462 = arith.addi %scan3A_198, %add3A_461 : i32
        %dma_wait3A_463 = arith.constant 0 : i32
        %dma_wait3A_464 = arith.constant 0 : i32
        %dma_wait3A_465 = tpu.memref_slice %arg7[%rem3A_203, %dma_wait3A_463, %dma_wait3A_464] : memref<3x5x80xi32, #tpu.memory_space<vmem>> -> memref<1x5x80xi32, #tpu.memory_space<vmem>>
        %dma_wait3A_466 = tpu.memref_squeeze %dma_wait3A_465 : memref<1x5x80xi32, #tpu.memory_space<vmem>> -> memref<5x80xi32, #tpu.memory_space<vmem>>
        %dma_wait3A_467 = arith.constant 0 : i32
        %dma_wait3A_468 = arith.constant 0 : i32
        %dma_wait3A_469 = arith.constant 0 : i32
        %dma_wait3A_470 = arith.constant 0 : i32
        %dma_wait3A_471 = tpu.memref_slice %arg3[%scan3A_123, %dma_wait3A_467, %dma_wait3A_468, %dma_wait3A_469, %dma_wait3A_470] : memref<2x32x25x5x80xi32, #tpu.memory_space<hbm>> -> memref<1x32x25x5x80xi32, #tpu.memory_space<hbm>>
        %dma_wait3A_472 = tpu.memref_squeeze %dma_wait3A_471 : memref<1x32x25x5x80xi32, #tpu.memory_space<hbm>> -> memref<32x25x5x80xi32, #tpu.memory_space<hbm>>
        %dma_wait3A_473 = arith.constant 0 : i32
        %dma_wait3A_474 = arith.constant 0 : i32
        %dma_wait3A_475 = tpu.memref_slice %dma_wait3A_472[%add3A, %add3A_462, %dma_wait3A_473, %dma_wait3A_474] : memref<32x25x5x80xi32, #tpu.memory_space<hbm>> -> memref<1x1x5x80xi32, #tpu.memory_space<hbm>>
        %dma_wait3A_476 = tpu.memref_squeeze %dma_wait3A_475 : memref<1x1x5x80xi32, #tpu.memory_space<hbm>> -> memref<5x80xi32, #tpu.memory_space<hbm>>
        %dma_wait3A_477 = tpu.memref_slice %arg12[%rem3A_203] : memref<3x!tpu.dma_semaphore, #tpu.memory_space<semaphore_mem>> -> memref<1x!tpu.dma_semaphore, #tpu.memory_space<semaphore_mem>>
        %dma_wait3A_478 = tpu.memref_squeeze %dma_wait3A_477 : memref<1x!tpu.dma_semaphore, #tpu.memory_space<semaphore_mem>> -> memref<!tpu.dma_semaphore, #tpu.memory_space<semaphore_mem>>
        %dma_wait3A_479 = arith.constant 0 : i32
        %dma_wait3A_480 = arith.constant 0 : i32
        %dma_wait3A_481 = tpu.memref_slice %arg7[%rem3A_203, %dma_wait3A_479, %dma_wait3A_480] : memref<3x5x80xi32, #tpu.memory_space<vmem>> -> memref<1x5x80xi32, #tpu.memory_space<vmem>>
        %dma_wait3A_482 = tpu.memref_squeeze %dma_wait3A_481 : memref<1x5x80xi32, #tpu.memory_space<vmem>> -> memref<5x80xi32, #tpu.memory_space<vmem>>
        %dma_wait3A_483 = arith.constant 0 : i32
        %dma_wait3A_484 = arith.constant 0 : i32
        %dma_wait3A_485 = arith.constant 0 : i32
        %dma_wait3A_486 = arith.constant 0 : i32
        %dma_wait3A_487 = tpu.memref_slice %arg3[%scan3A_123, %dma_wait3A_483, %dma_wait3A_484, %dma_wait3A_485, %dma_wait3A_486] : memref<2x32x25x5x80xi32, #tpu.memory_space<hbm>> -> memref<1x32x25x5x80xi32, #tpu.memory_space<hbm>>
        %dma_wait3A_488 = tpu.memref_squeeze %dma_wait3A_487 : memref<1x32x25x5x80xi32, #tpu.memory_space<hbm>> -> memref<32x25x5x80xi32, #tpu.memory_space<hbm>>
        %dma_wait3A_489 = arith.constant 0 : i32
        %dma_wait3A_490 = arith.constant 0 : i32
        %dma_wait3A_491 = tpu.memref_slice %dma_wait3A_488[%add3A, %add3A_462, %dma_wait3A_489, %dma_wait3A_490] : memref<32x25x5x80xi32, #tpu.memory_space<hbm>> -> memref<1x1x5x80xi32, #tpu.memory_space<hbm>>
        %dma_wait3A_492 = tpu.memref_squeeze %dma_wait3A_491 : memref<1x1x5x80xi32, #tpu.memory_space<hbm>> -> memref<5x80xi32, #tpu.memory_space<hbm>>
        tpu.wait_dma2 semaphore(%dma_wait3A_478 : memref<!tpu.dma_semaphore, #tpu.memory_space<semaphore_mem>>) src(%dma_wait3A_492 : memref<5x80xi32, #tpu.memory_space<hbm>>) dst(%dma_wait3A_482 : memref<5x80xi32, #tpu.memory_space<vmem>>)
      } else {
      }
      %add3A_344 = arith.constant 2 : i32
      %add3A_345 = arith.addi %add3A_334, %add3A_344 : i32
      %rem3A_346 = arith.constant 4 : i32
      %rem3A_347 = arith.remsi %add3A_345, %rem3A_346 : i32
      %lt3A_348 = arith.constant 125 : i32
      %lt3A_349 = arith.cmpi slt, %add3A_345, %lt3A_348 : i32
      %convert_element_type3A_350 = arith.extui %lt3A_349 : i1 to i32
      %cond3A_351 = arith.constant 0 : i32
      %cond3A_352 = arith.constant 0 : i32
      %cond3A_353 = arith.cmpi ne, %convert_element_type3A_350, %cond3A_352 : i32
      scf.if %cond3A_353 {
        %ge3A = arith.constant 2 : i32
        %ge3A_429 = arith.cmpi sge, %add3A_334, %ge3A : i32
        %convert_element_type3A_430 = arith.extui %ge3A_429 : i1 to i32
        %cond3A_431 = arith.constant 0 : i32
        %cond3A_432 = arith.cmpi ne, %convert_element_type3A_430, %cond3A_431 : i32
        scf.if %cond3A_432 {
          %dma_wait3A_445 = arith.constant 0 : i32
          %dma_wait3A_446 = arith.constant 0 : i32
          %dma_wait3A_447 = arith.constant 0 : i32
          %dma_wait3A_448 = tpu.memref_slice %arg8[%rem3A_347, %dma_wait3A_446, %dma_wait3A_447] : memref<4x80x128xf32, #tpu.memory_space<vmem>> -> memref<1x80x128xf32, #tpu.memory_space<vmem>>
          %dma_wait3A_449 = tpu.memref_squeeze %dma_wait3A_448 : memref<1x80x128xf32, #tpu.memory_space<vmem>> -> memref<80x128xf32, #tpu.memory_space<vmem>>
          %dma_wait3A_450 = arith.constant 0 : i32
          %dma_wait3A_451 = tpu.memref_slice %arg7[%rem3A_199, %dma_wait3A_445, %dma_wait3A_450] : memref<3x5x80xi32, #tpu.memory_space<vmem>> -> memref<1x1x80xi32, #tpu.memory_space<vmem>>
          %dma_wait3A_452 = tpu.memref_squeeze %dma_wait3A_451 : memref<1x1x80xi32, #tpu.memory_space<vmem>> -> memref<80xi32, #tpu.memory_space<vmem>>
          %dma_wait3A_453 = arith.constant 0 : i32
          %dma_wait3A_454 = arith.constant 0 : i32
          %dma_wait3A_455 = tpu.memref_slice %arg9[%dma_wait3A_453, %dma_wait3A_454] : memref<10240x128xf32, #tpu.memory_space<vmem_shared>> -> memref<10240x128xf32, #tpu.memory_space<vmem_shared>>
          %dma_wait3A_456 = tpu.memref_slice %arg11[%rem3A_347] : memref<4x!tpu.dma_semaphore, #tpu.memory_space<semaphore_mem>> -> memref<1x!tpu.dma_semaphore, #tpu.memory_space<semaphore_mem>>
          %dma_wait3A_457 = tpu.memref_squeeze %dma_wait3A_456 : memref<1x!tpu.dma_semaphore, #tpu.memory_space<semaphore_mem>> -> memref<!tpu.dma_semaphore, #tpu.memory_space<semaphore_mem>>
          tpu.wait_indirect_dma semaphore(%dma_wait3A_457 : memref<!tpu.dma_semaphore, #tpu.memory_space<semaphore_mem>>) src(%dma_wait3A_449 : memref<80x128xf32, #tpu.memory_space<vmem>>) dst(%dma_wait3A_455 : memref<10240x128xf32, #tpu.memory_space<vmem_shared>>)
        } else {
        }
        %dma_start3A_433 = arith.constant 0 : i32
        %dma_start3A_434 = arith.constant 0 : i32
        %dma_start3A_435 = tpu.memref_slice %arg8[%rem3A_347, %dma_start3A_433, %dma_start3A_434] : memref<4x80x128xf32, #tpu.memory_space<vmem>> -> memref<1x80x128xf32, #tpu.memory_space<vmem>>
        %dma_start3A_436 = tpu.memref_squeeze %dma_start3A_435 : memref<1x80x128xf32, #tpu.memory_space<vmem>> -> memref<80x128xf32, #tpu.memory_space<vmem>>
        %dma_start3A_437 = arith.constant 0 : i32
        %dma_start3A_438 = tpu.memref_slice %arg6[%rem3A_203, %cond3A_351, %dma_start3A_437] : memref<3x5x80xi32, #tpu.memory_space<vmem>> -> memref<1x1x80xi32, #tpu.memory_space<vmem>>
        %dma_start3A_439 = tpu.memref_squeeze %dma_start3A_438 : memref<1x1x80xi32, #tpu.memory_space<vmem>> -> memref<80xi32, #tpu.memory_space<vmem>>
        %dma_start3A_440 = arith.constant 0 : i32
        %dma_start3A_441 = arith.constant 0 : i32
        %dma_start3A_442 = tpu.memref_slice %arg2[%dma_start3A_440, %dma_start3A_441] : memref<10000x128xf32, #tpu.memory_space<hbm>> -> memref<10000x128xf32, #tpu.memory_space<hbm>>
        %dma_start3A_443 = tpu.memref_slice %arg10[%rem3A_347] : memref<4x!tpu.dma_semaphore, #tpu.memory_space<semaphore_mem>> -> memref<1x!tpu.dma_semaphore, #tpu.memory_space<semaphore_mem>>
        %dma_start3A_444 = tpu.memref_squeeze %dma_start3A_443 : memref<1x!tpu.dma_semaphore, #tpu.memory_space<semaphore_mem>> -> memref<!tpu.dma_semaphore, #tpu.memory_space<semaphore_mem>>
        tpu.enqueue_indirect_dma source(%dma_start3A_442 : memref<10000x128xf32, #tpu.memory_space<hbm>>) target(%dma_start3A_436 : memref<80x128xf32, #tpu.memory_space<vmem>>) offsets(%dma_start3A_439 : memref<80xi32, #tpu.memory_space<vmem>>) semaphore(%dma_start3A_444 : memref<!tpu.dma_semaphore, #tpu.memory_space<semaphore_mem>>)
      } else {
      }
      %dma_wait3A_354 = arith.constant 3 : i32
      %dma_wait3A_355 = arith.constant 0 : i32
      %dma_wait3A_356 = arith.constant 0 : i32
      %dma_wait3A_357 = tpu.memref_slice %arg8[%rem3A_336, %dma_wait3A_355, %dma_wait3A_356] : memref<4x80x128xf32, #tpu.memory_space<vmem>> -> memref<1x80x128xf32, #tpu.memory_space<vmem>>
      %dma_wait3A_358 = tpu.memref_squeeze %dma_wait3A_357 : memref<1x80x128xf32, #tpu.memory_space<vmem>> -> memref<80x128xf32, #tpu.memory_space<vmem>>
      %dma_wait3A_359 = arith.constant 0 : i32
      %dma_wait3A_360 = tpu.memref_slice %arg6[%rem3A_199, %dma_wait3A_354, %dma_wait3A_359] : memref<3x5x80xi32, #tpu.memory_space<vmem>> -> memref<1x1x80xi32, #tpu.memory_space<vmem>>
      %dma_wait3A_361 = tpu.memref_squeeze %dma_wait3A_360 : memref<1x1x80xi32, #tpu.memory_space<vmem>> -> memref<80xi32, #tpu.memory_space<vmem>>
      %dma_wait3A_362 = arith.constant 0 : i32
      %dma_wait3A_363 = arith.constant 0 : i32
      %dma_wait3A_364 = tpu.memref_slice %arg2[%dma_wait3A_362, %dma_wait3A_363] : memref<10000x128xf32, #tpu.memory_space<hbm>> -> memref<10000x128xf32, #tpu.memory_space<hbm>>
      %dma_wait3A_365 = tpu.memref_slice %arg10[%rem3A_336] : memref<4x!tpu.dma_semaphore, #tpu.memory_space<semaphore_mem>> -> memref<1x!tpu.dma_semaphore, #tpu.memory_space<semaphore_mem>>
      %dma_wait3A_366 = tpu.memref_squeeze %dma_wait3A_365 : memref<1x!tpu.dma_semaphore, #tpu.memory_space<semaphore_mem>> -> memref<!tpu.dma_semaphore, #tpu.memory_space<semaphore_mem>>
      tpu.wait_indirect_dma semaphore(%dma_wait3A_366 : memref<!tpu.dma_semaphore, #tpu.memory_space<semaphore_mem>>) src(%dma_wait3A_364 : memref<10000x128xf32, #tpu.memory_space<hbm>>) dst(%dma_wait3A_358 : memref<80x128xf32, #tpu.memory_space<vmem>>)
      %dma_start3A_367 = arith.constant 3 : i32
      %dma_start3A_368 = arith.constant 0 : i32
      %dma_start3A_369 = arith.constant 0 : i32
      %dma_start3A_370 = tpu.memref_slice %arg8[%rem3A_336, %dma_start3A_368, %dma_start3A_369] : memref<4x80x128xf32, #tpu.memory_space<vmem>> -> memref<1x80x128xf32, #tpu.memory_space<vmem>>
      %dma_start3A_371 = tpu.memref_squeeze %dma_start3A_370 : memref<1x80x128xf32, #tpu.memory_space<vmem>> -> memref<80x128xf32, #tpu.memory_space<vmem>>
      %dma_start3A_372 = arith.constant 0 : i32
      %dma_start3A_373 = tpu.memref_slice %arg7[%rem3A_199, %dma_start3A_367, %dma_start3A_372] : memref<3x5x80xi32, #tpu.memory_space<vmem>> -> memref<1x1x80xi32, #tpu.memory_space<vmem>>
      %dma_start3A_374 = tpu.memref_squeeze %dma_start3A_373 : memref<1x1x80xi32, #tpu.memory_space<vmem>> -> memref<80xi32, #tpu.memory_space<vmem>>
      %dma_start3A_375 = arith.constant 0 : i32
      %dma_start3A_376 = arith.constant 0 : i32
      %dma_start3A_377 = tpu.memref_slice %arg9[%dma_start3A_375, %dma_start3A_376] : memref<10240x128xf32, #tpu.memory_space<vmem_shared>> -> memref<10240x128xf32, #tpu.memory_space<vmem_shared>>
      %dma_start3A_378 = tpu.memref_slice %arg11[%rem3A_336] : memref<4x!tpu.dma_semaphore, #tpu.memory_space<semaphore_mem>> -> memref<1x!tpu.dma_semaphore, #tpu.memory_space<semaphore_mem>>
      %dma_start3A_379 = tpu.memref_squeeze %dma_start3A_378 : memref<1x!tpu.dma_semaphore, #tpu.memory_space<semaphore_mem>> -> memref<!tpu.dma_semaphore, #tpu.memory_space<semaphore_mem>>
      tpu.enqueue_indirect_dma source(%dma_start3A_371 : memref<80x128xf32, #tpu.memory_space<vmem>>) target(%dma_start3A_377 : memref<10240x128xf32, #tpu.memory_space<vmem_shared>>) offsets(%dma_start3A_374 : memref<80xi32, #tpu.memory_space<vmem>>) semaphore(%dma_start3A_379 : memref<!tpu.dma_semaphore, #tpu.memory_space<semaphore_mem>>) {add = true}
      %mul3A_380 = arith.constant 5 : i32
      %mul3A_381 = arith.muli %scan3A_198, %mul3A_380 : i32
      %add3A_382 = arith.constant 4 : i32
      %add3A_383 = arith.addi %mul3A_381, %add3A_382 : i32
      %rem3A_384 = arith.constant 4 : i32
      %rem3A_385 = arith.remsi %add3A_383, %rem3A_384 : i32
      %add3A_386 = arith.constant 2 : i32
      %add3A_387 = arith.addi %add3A_383, %add3A_386 : i32
      %rem3A_388 = arith.constant 4 : i32
      %rem3A_389 = arith.remsi %add3A_387, %rem3A_388 : i32
      %lt3A_390 = arith.constant 125 : i32
      %lt3A_391 = arith.cmpi slt, %add3A_387, %lt3A_390 : i32
      %convert_element_type3A_392 = arith.extui %lt3A_391 : i1 to i32
      %cond3A_393 = arith.constant 1 : i32
      %cond3A_394 = arith.constant 0 : i32
      %cond3A_395 = arith.cmpi ne, %convert_element_type3A_392, %cond3A_394 : i32
      scf.if %cond3A_395 {
        %ge3A = arith.constant 2 : i32
        %ge3A_429 = arith.cmpi sge, %add3A_383, %ge3A : i32
        %convert_element_type3A_430 = arith.extui %ge3A_429 : i1 to i32
        %cond3A_431 = arith.constant 0 : i32
        %cond3A_432 = arith.cmpi ne, %convert_element_type3A_430, %cond3A_431 : i32
        scf.if %cond3A_432 {
          %dma_wait3A_445 = arith.constant 0 : i32
          %dma_wait3A_446 = arith.constant 0 : i32
          %dma_wait3A_447 = arith.constant 0 : i32
          %dma_wait3A_448 = tpu.memref_slice %arg8[%rem3A_389, %dma_wait3A_446, %dma_wait3A_447] : memref<4x80x128xf32, #tpu.memory_space<vmem>> -> memref<1x80x128xf32, #tpu.memory_space<vmem>>
          %dma_wait3A_449 = tpu.memref_squeeze %dma_wait3A_448 : memref<1x80x128xf32, #tpu.memory_space<vmem>> -> memref<80x128xf32, #tpu.memory_space<vmem>>
          %dma_wait3A_450 = arith.constant 0 : i32
          %dma_wait3A_451 = tpu.memref_slice %arg7[%rem3A_199, %dma_wait3A_445, %dma_wait3A_450] : memref<3x5x80xi32, #tpu.memory_space<vmem>> -> memref<1x1x80xi32, #tpu.memory_space<vmem>>
          %dma_wait3A_452 = tpu.memref_squeeze %dma_wait3A_451 : memref<1x1x80xi32, #tpu.memory_space<vmem>> -> memref<80xi32, #tpu.memory_space<vmem>>
          %dma_wait3A_453 = arith.constant 0 : i32
          %dma_wait3A_454 = arith.constant 0 : i32
          %dma_wait3A_455 = tpu.memref_slice %arg9[%dma_wait3A_453, %dma_wait3A_454] : memref<10240x128xf32, #tpu.memory_space<vmem_shared>> -> memref<10240x128xf32, #tpu.memory_space<vmem_shared>>
          %dma_wait3A_456 = tpu.memref_slice %arg11[%rem3A_389] : memref<4x!tpu.dma_semaphore, #tpu.memory_space<semaphore_mem>> -> memref<1x!tpu.dma_semaphore, #tpu.memory_space<semaphore_mem>>
          %dma_wait3A_457 = tpu.memref_squeeze %dma_wait3A_456 : memref<1x!tpu.dma_semaphore, #tpu.memory_space<semaphore_mem>> -> memref<!tpu.dma_semaphore, #tpu.memory_space<semaphore_mem>>
          tpu.wait_indirect_dma semaphore(%dma_wait3A_457 : memref<!tpu.dma_semaphore, #tpu.memory_space<semaphore_mem>>) src(%dma_wait3A_449 : memref<80x128xf32, #tpu.memory_space<vmem>>) dst(%dma_wait3A_455 : memref<10240x128xf32, #tpu.memory_space<vmem_shared>>)
        } else {
        }
        %dma_start3A_433 = arith.constant 0 : i32
        %dma_start3A_434 = arith.constant 0 : i32
        %dma_start3A_435 = tpu.memref_slice %arg8[%rem3A_389, %dma_start3A_433, %dma_start3A_434] : memref<4x80x128xf32, #tpu.memory_space<vmem>> -> memref<1x80x128xf32, #tpu.memory_space<vmem>>
        %dma_start3A_436 = tpu.memref_squeeze %dma_start3A_435 : memref<1x80x128xf32, #tpu.memory_space<vmem>> -> memref<80x128xf32, #tpu.memory_space<vmem>>
        %dma_start3A_437 = arith.constant 0 : i32
        %dma_start3A_438 = tpu.memref_slice %arg6[%rem3A_203, %cond3A_393, %dma_start3A_437] : memref<3x5x80xi32, #tpu.memory_space<vmem>> -> memref<1x1x80xi32, #tpu.memory_space<vmem>>
        %dma_start3A_439 = tpu.memref_squeeze %dma_start3A_438 : memref<1x1x80xi32, #tpu.memory_space<vmem>> -> memref<80xi32, #tpu.memory_space<vmem>>
        %dma_start3A_440 = arith.constant 0 : i32
        %dma_start3A_441 = arith.constant 0 : i32
        %dma_start3A_442 = tpu.memref_slice %arg2[%dma_start3A_440, %dma_start3A_441] : memref<10000x128xf32, #tpu.memory_space<hbm>> -> memref<10000x128xf32, #tpu.memory_space<hbm>>
        %dma_start3A_443 = tpu.memref_slice %arg10[%rem3A_389] : memref<4x!tpu.dma_semaphore, #tpu.memory_space<semaphore_mem>> -> memref<1x!tpu.dma_semaphore, #tpu.memory_space<semaphore_mem>>
        %dma_start3A_444 = tpu.memref_squeeze %dma_start3A_443 : memref<1x!tpu.dma_semaphore, #tpu.memory_space<semaphore_mem>> -> memref<!tpu.dma_semaphore, #tpu.memory_space<semaphore_mem>>
        tpu.enqueue_indirect_dma source(%dma_start3A_442 : memref<10000x128xf32, #tpu.memory_space<hbm>>) target(%dma_start3A_436 : memref<80x128xf32, #tpu.memory_space<vmem>>) offsets(%dma_start3A_439 : memref<80xi32, #tpu.memory_space<vmem>>) semaphore(%dma_start3A_444 : memref<!tpu.dma_semaphore, #tpu.memory_space<semaphore_mem>>)
      } else {
      }
      %dma_wait3A_396 = arith.constant 4 : i32
      %dma_wait3A_397 = arith.constant 0 : i32
      %dma_wait3A_398 = arith.constant 0 : i32
      %dma_wait3A_399 = tpu.memref_slice %arg8[%rem3A_385, %dma_wait3A_397, %dma_wait3A_398] : memref<4x80x128xf32, #tpu.memory_space<vmem>> -> memref<1x80x128xf32, #tpu.memory_space<vmem>>
      %dma_wait3A_400 = tpu.memref_squeeze %dma_wait3A_399 : memref<1x80x128xf32, #tpu.memory_space<vmem>> -> memref<80x128xf32, #tpu.memory_space<vmem>>
      %dma_wait3A_401 = arith.constant 0 : i32
      %dma_wait3A_402 = tpu.memref_slice %arg6[%rem3A_199, %dma_wait3A_396, %dma_wait3A_401] : memref<3x5x80xi32, #tpu.memory_space<vmem>> -> memref<1x1x80xi32, #tpu.memory_space<vmem>>
      %dma_wait3A_403 = tpu.memref_squeeze %dma_wait3A_402 : memref<1x1x80xi32, #tpu.memory_space<vmem>> -> memref<80xi32, #tpu.memory_space<vmem>>
      %dma_wait3A_404 = arith.constant 0 : i32
      %dma_wait3A_405 = arith.constant 0 : i32
      %dma_wait3A_406 = tpu.memref_slice %arg2[%dma_wait3A_404, %dma_wait3A_405] : memref<10000x128xf32, #tpu.memory_space<hbm>> -> memref<10000x128xf32, #tpu.memory_space<hbm>>
      %dma_wait3A_407 = tpu.memref_slice %arg10[%rem3A_385] : memref<4x!tpu.dma_semaphore, #tpu.memory_space<semaphore_mem>> -> memref<1x!tpu.dma_semaphore, #tpu.memory_space<semaphore_mem>>
      %dma_wait3A_408 = tpu.memref_squeeze %dma_wait3A_407 : memref<1x!tpu.dma_semaphore, #tpu.memory_space<semaphore_mem>> -> memref<!tpu.dma_semaphore, #tpu.memory_space<semaphore_mem>>
      tpu.wait_indirect_dma semaphore(%dma_wait3A_408 : memref<!tpu.dma_semaphore, #tpu.memory_space<semaphore_mem>>) src(%dma_wait3A_406 : memref<10000x128xf32, #tpu.memory_space<hbm>>) dst(%dma_wait3A_400 : memref<80x128xf32, #tpu.memory_space<vmem>>)
      %dma_start3A_409 = arith.constant 4 : i32
      %dma_start3A_410 = arith.constant 0 : i32
      %dma_start3A_411 = arith.constant 0 : i32
      %dma_start3A_412 = tpu.memref_slice %arg8[%rem3A_385, %dma_start3A_410, %dma_start3A_411] : memref<4x80x128xf32, #tpu.memory_space<vmem>> -> memref<1x80x128xf32, #tpu.memory_space<vmem>>
      %dma_start3A_413 = tpu.memref_squeeze %dma_start3A_412 : memref<1x80x128xf32, #tpu.memory_space<vmem>> -> memref<80x128xf32, #tpu.memory_space<vmem>>
      %dma_start3A_414 = arith.constant 0 : i32
      %dma_start3A_415 = tpu.memref_slice %arg7[%rem3A_199, %dma_start3A_409, %dma_start3A_414] : memref<3x5x80xi32, #tpu.memory_space<vmem>> -> memref<1x1x80xi32, #tpu.memory_space<vmem>>
      %dma_start3A_416 = tpu.memref_squeeze %dma_start3A_415 : memref<1x1x80xi32, #tpu.memory_space<vmem>> -> memref<80xi32, #tpu.memory_space<vmem>>
      %dma_start3A_417 = arith.constant 0 : i32
      %dma_start3A_418 = arith.constant 0 : i32
      %dma_start3A_419 = tpu.memref_slice %arg9[%dma_start3A_417, %dma_start3A_418] : memref<10240x128xf32, #tpu.memory_space<vmem_shared>> -> memref<10240x128xf32, #tpu.memory_space<vmem_shared>>
      %dma_start3A_420 = tpu.memref_slice %arg11[%rem3A_385] : memref<4x!tpu.dma_semaphore, #tpu.memory_space<semaphore_mem>> -> memref<1x!tpu.dma_semaphore, #tpu.memory_space<semaphore_mem>>
      %dma_start3A_421 = tpu.memref_squeeze %dma_start3A_420 : memref<1x!tpu.dma_semaphore, #tpu.memory_space<semaphore_mem>> -> memref<!tpu.dma_semaphore, #tpu.memory_space<semaphore_mem>>
      tpu.enqueue_indirect_dma source(%dma_start3A_413 : memref<80x128xf32, #tpu.memory_space<vmem>>) target(%dma_start3A_419 : memref<10240x128xf32, #tpu.memory_space<vmem_shared>>) offsets(%dma_start3A_416 : memref<80xi32, #tpu.memory_space<vmem>>) semaphore(%dma_start3A_421 : memref<!tpu.dma_semaphore, #tpu.memory_space<semaphore_mem>>) {add = true}
      %add3A_422 = arith.constant 2 : i32
      %add3A_423 = arith.addi %scan3A_198, %add3A_422 : i32
      %lt3A_424 = arith.constant 25 : i32
      %lt3A_425 = arith.cmpi slt, %add3A_423, %lt3A_424 : i32
      %convert_element_type3A_426 = arith.extui %lt3A_425 : i1 to i32
      %cond3A_427 = arith.constant 0 : i32
      %cond3A_428 = arith.cmpi ne, %convert_element_type3A_426, %cond3A_427 : i32
      scf.if %cond3A_428 {
        %add3A_429 = arith.constant 2 : i32
        %add3A_430 = arith.addi %scan3A_198, %add3A_429 : i32
        %dma_start3A_431 = arith.constant 0 : i32
        %dma_start3A_432 = arith.constant 0 : i32
        %dma_start3A_433 = tpu.memref_slice %arg6[%rem3A_207, %dma_start3A_431, %dma_start3A_432] : memref<3x5x80xi32, #tpu.memory_space<vmem>> -> memref<1x5x80xi32, #tpu.memory_space<vmem>>
        %dma_start3A_434 = tpu.memref_squeeze %dma_start3A_433 : memref<1x5x80xi32, #tpu.memory_space<vmem>> -> memref<5x80xi32, #tpu.memory_space<vmem>>
        %dma_start3A_435 = arith.constant 0 : i32
        %dma_start3A_436 = arith.constant 0 : i32
        %dma_start3A_437 = arith.constant 0 : i32
        %dma_start3A_438 = arith.constant 0 : i32
        %dma_start3A_439 = tpu.memref_slice %arg3[%scan3A_122, %dma_start3A_435, %dma_start3A_436, %dma_start3A_437, %dma_start3A_438] : memref<2x32x25x5x80xi32, #tpu.memory_space<hbm>> -> memref<1x32x25x5x80xi32, #tpu.memory_space<hbm>>
        %dma_start3A_440 = tpu.memref_squeeze %dma_start3A_439 : memref<1x32x25x5x80xi32, #tpu.memory_space<hbm>> -> memref<32x25x5x80xi32, #tpu.memory_space<hbm>>
        %dma_start3A_441 = arith.constant 0 : i32
        %dma_start3A_442 = arith.constant 0 : i32
        %dma_start3A_443 = tpu.memref_slice %dma_start3A_440[%add3A, %add3A_430, %dma_start3A_441, %dma_start3A_442] : memref<32x25x5x80xi32, #tpu.memory_space<hbm>> -> memref<1x1x5x80xi32, #tpu.memory_space<hbm>>
        %dma_start3A_444 = tpu.memref_squeeze %dma_start3A_443 : memref<1x1x5x80xi32, #tpu.memory_space<hbm>> -> memref<5x80xi32, #tpu.memory_space<hbm>>
        %dma_start3A_445 = tpu.memref_slice %arg12[%rem3A_207] : memref<3x!tpu.dma_semaphore, #tpu.memory_space<semaphore_mem>> -> memref<1x!tpu.dma_semaphore, #tpu.memory_space<semaphore_mem>>
        %dma_start3A_446 = tpu.memref_squeeze %dma_start3A_445 : memref<1x!tpu.dma_semaphore, #tpu.memory_space<semaphore_mem>> -> memref<!tpu.dma_semaphore, #tpu.memory_space<semaphore_mem>>
        %dma_start3A_447 = arith.constant 0 : i32
        %dma_start3A_448 = arith.constant 0 : i32
        %dma_start3A_449 = tpu.memref_slice %arg6[%rem3A_207, %dma_start3A_447, %dma_start3A_448] : memref<3x5x80xi32, #tpu.memory_space<vmem>> -> memref<1x5x80xi32, #tpu.memory_space<vmem>>
        %dma_start3A_450 = tpu.memref_squeeze %dma_start3A_449 : memref<1x5x80xi32, #tpu.memory_space<vmem>> -> memref<5x80xi32, #tpu.memory_space<vmem>>
        %dma_start3A_451 = arith.constant 0 : i32
        %dma_start3A_452 = arith.constant 0 : i32
        %dma_start3A_453 = arith.constant 0 : i32
        %dma_start3A_454 = arith.constant 0 : i32
        %dma_start3A_455 = tpu.memref_slice %arg3[%scan3A_122, %dma_start3A_451, %dma_start3A_452, %dma_start3A_453, %dma_start3A_454] : memref<2x32x25x5x80xi32, #tpu.memory_space<hbm>> -> memref<1x32x25x5x80xi32, #tpu.memory_space<hbm>>
        %dma_start3A_456 = tpu.memref_squeeze %dma_start3A_455 : memref<1x32x25x5x80xi32, #tpu.memory_space<hbm>> -> memref<32x25x5x80xi32, #tpu.memory_space<hbm>>
        %dma_start3A_457 = arith.constant 0 : i32
        %dma_start3A_458 = arith.constant 0 : i32
        %dma_start3A_459 = tpu.memref_slice %dma_start3A_456[%add3A, %add3A_430, %dma_start3A_457, %dma_start3A_458] : memref<32x25x5x80xi32, #tpu.memory_space<hbm>> -> memref<1x1x5x80xi32, #tpu.memory_space<hbm>>
        %dma_start3A_460 = tpu.memref_squeeze %dma_start3A_459 : memref<1x1x5x80xi32, #tpu.memory_space<hbm>> -> memref<5x80xi32, #tpu.memory_space<hbm>>
        tpu.enqueue_dma source(%dma_start3A_460 : memref<5x80xi32, #tpu.memory_space<hbm>>) target(%dma_start3A_450 : memref<5x80xi32, #tpu.memory_space<vmem>>) target_semaphore(%dma_start3A_446 : memref<!tpu.dma_semaphore, #tpu.memory_space<semaphore_mem>>)
        %add3A_461 = arith.constant 2 : i32
        %add3A_462 = arith.addi %scan3A_198, %add3A_461 : i32
        %dma_start3A_463 = arith.constant 0 : i32
        %dma_start3A_464 = arith.constant 0 : i32
        %dma_start3A_465 = tpu.memref_slice %arg7[%rem3A_207, %dma_start3A_463, %dma_start3A_464] : memref<3x5x80xi32, #tpu.memory_space<vmem>> -> memref<1x5x80xi32, #tpu.memory_space<vmem>>
        %dma_start3A_466 = tpu.memref_squeeze %dma_start3A_465 : memref<1x5x80xi32, #tpu.memory_space<vmem>> -> memref<5x80xi32, #tpu.memory_space<vmem>>
        %dma_start3A_467 = arith.constant 0 : i32
        %dma_start3A_468 = arith.constant 0 : i32
        %dma_start3A_469 = arith.constant 0 : i32
        %dma_start3A_470 = arith.constant 0 : i32
        %dma_start3A_471 = tpu.memref_slice %arg3[%scan3A_123, %dma_start3A_467, %dma_start3A_468, %dma_start3A_469, %dma_start3A_470] : memref<2x32x25x5x80xi32, #tpu.memory_space<hbm>> -> memref<1x32x25x5x80xi32, #tpu.memory_space<hbm>>
        %dma_start3A_472 = tpu.memref_squeeze %dma_start3A_471 : memref<1x32x25x5x80xi32, #tpu.memory_space<hbm>> -> memref<32x25x5x80xi32, #tpu.memory_space<hbm>>
        %dma_start3A_473 = arith.constant 0 : i32
        %dma_start3A_474 = arith.constant 0 : i32
        %dma_start3A_475 = tpu.memref_slice %dma_start3A_472[%add3A, %add3A_462, %dma_start3A_473, %dma_start3A_474] : memref<32x25x5x80xi32, #tpu.memory_space<hbm>> -> memref<1x1x5x80xi32, #tpu.memory_space<hbm>>
        %dma_start3A_476 = tpu.memref_squeeze %dma_start3A_475 : memref<1x1x5x80xi32, #tpu.memory_space<hbm>> -> memref<5x80xi32, #tpu.memory_space<hbm>>
        %dma_start3A_477 = tpu.memref_slice %arg12[%rem3A_207] : memref<3x!tpu.dma_semaphore, #tpu.memory_space<semaphore_mem>> -> memref<1x!tpu.dma_semaphore, #tpu.memory_space<semaphore_mem>>
        %dma_start3A_478 = tpu.memref_squeeze %dma_start3A_477 : memref<1x!tpu.dma_semaphore, #tpu.memory_space<semaphore_mem>> -> memref<!tpu.dma_semaphore, #tpu.memory_space<semaphore_mem>>
        %dma_start3A_479 = arith.constant 0 : i32
        %dma_start3A_480 = arith.constant 0 : i32
        %dma_start3A_481 = tpu.memref_slice %arg7[%rem3A_207, %dma_start3A_479, %dma_start3A_480] : memref<3x5x80xi32, #tpu.memory_space<vmem>> -> memref<1x5x80xi32, #tpu.memory_space<vmem>>
        %dma_start3A_482 = tpu.memref_squeeze %dma_start3A_481 : memref<1x5x80xi32, #tpu.memory_space<vmem>> -> memref<5x80xi32, #tpu.memory_space<vmem>>
        %dma_start3A_483 = arith.constant 0 : i32
        %dma_start3A_484 = arith.constant 0 : i32
        %dma_start3A_485 = arith.constant 0 : i32
        %dma_start3A_486 = arith.constant 0 : i32
        %dma_start3A_487 = tpu.memref_slice %arg3[%scan3A_123, %dma_start3A_483, %dma_start3A_484, %dma_start3A_485, %dma_start3A_486] : memref<2x32x25x5x80xi32, #tpu.memory_space<hbm>> -> memref<1x32x25x5x80xi32, #tpu.memory_space<hbm>>
        %dma_start3A_488 = tpu.memref_squeeze %dma_start3A_487 : memref<1x32x25x5x80xi32, #tpu.memory_space<hbm>> -> memref<32x25x5x80xi32, #tpu.memory_space<hbm>>
        %dma_start3A_489 = arith.constant 0 : i32
        %dma_start3A_490 = arith.constant 0 : i32
        %dma_start3A_491 = tpu.memref_slice %dma_start3A_488[%add3A, %add3A_462, %dma_start3A_489, %dma_start3A_490] : memref<32x25x5x80xi32, #tpu.memory_space<hbm>> -> memref<1x1x5x80xi32, #tpu.memory_space<hbm>>
        %dma_start3A_492 = tpu.memref_squeeze %dma_start3A_491 : memref<1x1x5x80xi32, #tpu.memory_space<hbm>> -> memref<5x80xi32, #tpu.memory_space<hbm>>
        tpu.enqueue_dma source(%dma_start3A_492 : memref<5x80xi32, #tpu.memory_space<hbm>>) target(%dma_start3A_482 : memref<5x80xi32, #tpu.memory_space<vmem>>) target_semaphore(%dma_start3A_478 : memref<!tpu.dma_semaphore, #tpu.memory_space<semaphore_mem>>)
      } else {
      }
    }
    %scan3A_128 = arith.constant 25 : i32
    %dma_wait3A_129 = arith.constant 0 : i32
    %dma_wait3A_130 = arith.constant 0 : i32
    %dma_wait3A_131 = arith.constant 0 : i32
    %dma_wait3A_132 = arith.constant 0 : i32
    %dma_wait3A_133 = arith.constant 0 : i32
    %dma_wait3A_134 = arith.constant 0 : i32
    %dma_wait3A_135 = tpu.memref_slice %arg8[%dma_wait3A_129, %dma_wait3A_133, %dma_wait3A_134] : memref<4x80x128xf32, #tpu.memory_space<vmem>> -> memref<1x80x128xf32, #tpu.memory_space<vmem>>
    %dma_wait3A_136 = tpu.memref_squeeze %dma_wait3A_135 : memref<1x80x128xf32, #tpu.memory_space<vmem>> -> memref<80x128xf32, #tpu.memory_space<vmem>>
    %dma_wait3A_137 = arith.constant 0 : i32
    %dma_wait3A_138 = tpu.memref_slice %arg7[%dma_wait3A_130, %dma_wait3A_131, %dma_wait3A_137] : memref<3x5x80xi32, #tpu.memory_space<vmem>> -> memref<1x1x80xi32, #tpu.memory_space<vmem>>
    %dma_wait3A_139 = tpu.memref_squeeze %dma_wait3A_138 : memref<1x1x80xi32, #tpu.memory_space<vmem>> -> memref<80xi32, #tpu.memory_space<vmem>>
    %dma_wait3A_140 = arith.constant 0 : i32
    %dma_wait3A_141 = arith.constant 0 : i32
    %dma_wait3A_142 = tpu.memref_slice %arg9[%dma_wait3A_140, %dma_wait3A_141] : memref<10240x128xf32, #tpu.memory_space<vmem_shared>> -> memref<10240x128xf32, #tpu.memory_space<vmem_shared>>
    %dma_wait3A_143 = tpu.memref_slice %arg11[%dma_wait3A_132] : memref<4x!tpu.dma_semaphore, #tpu.memory_space<semaphore_mem>> -> memref<1x!tpu.dma_semaphore, #tpu.memory_space<semaphore_mem>>
    %dma_wait3A_144 = tpu.memref_squeeze %dma_wait3A_143 : memref<1x!tpu.dma_semaphore, #tpu.memory_space<semaphore_mem>> -> memref<!tpu.dma_semaphore, #tpu.memory_space<semaphore_mem>>
    tpu.wait_indirect_dma semaphore(%dma_wait3A_144 : memref<!tpu.dma_semaphore, #tpu.memory_space<semaphore_mem>>) src(%dma_wait3A_136 : memref<80x128xf32, #tpu.memory_space<vmem>>) dst(%dma_wait3A_142 : memref<10240x128xf32, #tpu.memory_space<vmem_shared>>)
    %dma_wait3A_145 = arith.constant 1 : i32
    %dma_wait3A_146 = arith.constant 0 : i32
    %dma_wait3A_147 = arith.constant 0 : i32
    %dma_wait3A_148 = arith.constant 1 : i32
    %dma_wait3A_149 = arith.constant 0 : i32
    %dma_wait3A_150 = arith.constant 0 : i32
    %dma_wait3A_151 = tpu.memref_slice %arg8[%dma_wait3A_145, %dma_wait3A_149, %dma_wait3A_150] : memref<4x80x128xf32, #tpu.memory_space<vmem>> -> memref<1x80x128xf32, #tpu.memory_space<vmem>>
    %dma_wait3A_152 = tpu.memref_squeeze %dma_wait3A_151 : memref<1x80x128xf32, #tpu.memory_space<vmem>> -> memref<80x128xf32, #tpu.memory_space<vmem>>
    %dma_wait3A_153 = arith.constant 0 : i32
    %dma_wait3A_154 = tpu.memref_slice %arg7[%dma_wait3A_146, %dma_wait3A_147, %dma_wait3A_153] : memref<3x5x80xi32, #tpu.memory_space<vmem>> -> memref<1x1x80xi32, #tpu.memory_space<vmem>>
    %dma_wait3A_155 = tpu.memref_squeeze %dma_wait3A_154 : memref<1x1x80xi32, #tpu.memory_space<vmem>> -> memref<80xi32, #tpu.memory_space<vmem>>
    %dma_wait3A_156 = arith.constant 0 : i32
    %dma_wait3A_157 = arith.constant 0 : i32
    %dma_wait3A_158 = tpu.memref_slice %arg9[%dma_wait3A_156, %dma_wait3A_157] : memref<10240x128xf32, #tpu.memory_space<vmem_shared>> -> memref<10240x128xf32, #tpu.memory_space<vmem_shared>>
    %dma_wait3A_159 = tpu.memref_slice %arg11[%dma_wait3A_148] : memref<4x!tpu.dma_semaphore, #tpu.memory_space<semaphore_mem>> -> memref<1x!tpu.dma_semaphore, #tpu.memory_space<semaphore_mem>>
    %dma_wait3A_160 = tpu.memref_squeeze %dma_wait3A_159 : memref<1x!tpu.dma_semaphore, #tpu.memory_space<semaphore_mem>> -> memref<!tpu.dma_semaphore, #tpu.memory_space<semaphore_mem>>
    tpu.wait_indirect_dma semaphore(%dma_wait3A_160 : memref<!tpu.dma_semaphore, #tpu.memory_space<semaphore_mem>>) src(%dma_wait3A_152 : memref<80x128xf32, #tpu.memory_space<vmem>>) dst(%dma_wait3A_158 : memref<10240x128xf32, #tpu.memory_space<vmem_shared>>)
    %dma_wait3A_161 = arith.constant 2 : i32
    %dma_wait3A_162 = arith.constant 0 : i32
    %dma_wait3A_163 = arith.constant 0 : i32
    %dma_wait3A_164 = arith.constant 2 : i32
    %dma_wait3A_165 = arith.constant 0 : i32
    %dma_wait3A_166 = arith.constant 0 : i32
    %dma_wait3A_167 = tpu.memref_slice %arg8[%dma_wait3A_161, %dma_wait3A_165, %dma_wait3A_166] : memref<4x80x128xf32, #tpu.memory_space<vmem>> -> memref<1x80x128xf32, #tpu.memory_space<vmem>>
    %dma_wait3A_168 = tpu.memref_squeeze %dma_wait3A_167 : memref<1x80x128xf32, #tpu.memory_space<vmem>> -> memref<80x128xf32, #tpu.memory_space<vmem>>
    %dma_wait3A_169 = arith.constant 0 : i32
    %dma_wait3A_170 = tpu.memref_slice %arg7[%dma_wait3A_162, %dma_wait3A_163, %dma_wait3A_169] : memref<3x5x80xi32, #tpu.memory_space<vmem>> -> memref<1x1x80xi32, #tpu.memory_space<vmem>>
    %dma_wait3A_171 = tpu.memref_squeeze %dma_wait3A_170 : memref<1x1x80xi32, #tpu.memory_space<vmem>> -> memref<80xi32, #tpu.memory_space<vmem>>
    %dma_wait3A_172 = arith.constant 0 : i32
    %dma_wait3A_173 = arith.constant 0 : i32
    %dma_wait3A_174 = tpu.memref_slice %arg9[%dma_wait3A_172, %dma_wait3A_173] : memref<10240x128xf32, #tpu.memory_space<vmem_shared>> -> memref<10240x128xf32, #tpu.memory_space<vmem_shared>>
    %dma_wait3A_175 = tpu.memref_slice %arg11[%dma_wait3A_164] : memref<4x!tpu.dma_semaphore, #tpu.memory_space<semaphore_mem>> -> memref<1x!tpu.dma_semaphore, #tpu.memory_space<semaphore_mem>>
    %dma_wait3A_176 = tpu.memref_squeeze %dma_wait3A_175 : memref<1x!tpu.dma_semaphore, #tpu.memory_space<semaphore_mem>> -> memref<!tpu.dma_semaphore, #tpu.memory_space<semaphore_mem>>
    tpu.wait_indirect_dma semaphore(%dma_wait3A_176 : memref<!tpu.dma_semaphore, #tpu.memory_space<semaphore_mem>>) src(%dma_wait3A_168 : memref<80x128xf32, #tpu.memory_space<vmem>>) dst(%dma_wait3A_174 : memref<10240x128xf32, #tpu.memory_space<vmem_shared>>)
    %dma_wait3A_177 = arith.constant 3 : i32
    %dma_wait3A_178 = arith.constant 0 : i32
    %dma_wait3A_179 = arith.constant 0 : i32
    %dma_wait3A_180 = arith.constant 3 : i32
    %dma_wait3A_181 = arith.constant 0 : i32
    %dma_wait3A_182 = arith.constant 0 : i32
    %dma_wait3A_183 = tpu.memref_slice %arg8[%dma_wait3A_177, %dma_wait3A_181, %dma_wait3A_182] : memref<4x80x128xf32, #tpu.memory_space<vmem>> -> memref<1x80x128xf32, #tpu.memory_space<vmem>>
    %dma_wait3A_184 = tpu.memref_squeeze %dma_wait3A_183 : memref<1x80x128xf32, #tpu.memory_space<vmem>> -> memref<80x128xf32, #tpu.memory_space<vmem>>
    %dma_wait3A_185 = arith.constant 0 : i32
    %dma_wait3A_186 = tpu.memref_slice %arg7[%dma_wait3A_178, %dma_wait3A_179, %dma_wait3A_185] : memref<3x5x80xi32, #tpu.memory_space<vmem>> -> memref<1x1x80xi32, #tpu.memory_space<vmem>>
    %dma_wait3A_187 = tpu.memref_squeeze %dma_wait3A_186 : memref<1x1x80xi32, #tpu.memory_space<vmem>> -> memref<80xi32, #tpu.memory_space<vmem>>
    %dma_wait3A_188 = arith.constant 0 : i32
    %dma_wait3A_189 = arith.constant 0 : i32
    %dma_wait3A_190 = tpu.memref_slice %arg9[%dma_wait3A_188, %dma_wait3A_189] : memref<10240x128xf32, #tpu.memory_space<vmem_shared>> -> memref<10240x128xf32, #tpu.memory_space<vmem_shared>>
    %dma_wait3A_191 = tpu.memref_slice %arg11[%dma_wait3A_180] : memref<4x!tpu.dma_semaphore, #tpu.memory_space<semaphore_mem>> -> memref<1x!tpu.dma_semaphore, #tpu.memory_space<semaphore_mem>>
    %dma_wait3A_192 = tpu.memref_squeeze %dma_wait3A_191 : memref<1x!tpu.dma_semaphore, #tpu.memory_space<semaphore_mem>> -> memref<!tpu.dma_semaphore, #tpu.memory_space<semaphore_mem>>
    tpu.wait_indirect_dma semaphore(%dma_wait3A_192 : memref<!tpu.dma_semaphore, #tpu.memory_space<semaphore_mem>>) src(%dma_wait3A_184 : memref<80x128xf32, #tpu.memory_space<vmem>>) dst(%dma_wait3A_190 : memref<10240x128xf32, #tpu.memory_space<vmem_shared>>)
    %barrier3A_193 = arith.constant 0 : index
    tpu.barrier barrier_id(%barrier3A_193)
    %mul3A_194 = arith.constant 640 : i32
    %mul3A_195 = arith.muli %arg1, %mul3A_194 : i32
    %mul3A_196 = arith.constant 640 : i32
    %mul3A_197 = arith.muli %arg1, %mul3A_196 : i32
    "tpu.region"() ({
      %run_scoped3A_198 = tpu.sem_alloc : memref<!tpu.dma_semaphore, #tpu.memory_space<semaphore_mem>>
      %dma_start3A_199 = arith.constant 0 : i32
      %dma_start3A_200 = tpu.memref_slice %arg5[%arg0, %mul3A_197, %dma_start3A_199] : memref<2x10240x128xf32, #tpu.memory_space<hbm>> -> memref<1x640x128xf32, #tpu.memory_space<hbm>>
      %dma_start3A_201 = tpu.memref_squeeze %dma_start3A_200 : memref<1x640x128xf32, #tpu.memory_space<hbm>> -> memref<640x128xf32, #tpu.memory_space<hbm>>
      %dma_start3A_202 = arith.constant 0 : i32
      %dma_start3A_203 = tpu.memref_slice %arg9[%mul3A_195, %dma_start3A_202] : memref<10240x128xf32, #tpu.memory_space<vmem_shared>> -> memref<640x128xf32, #tpu.memory_space<vmem_shared>>
      tpu.enqueue_dma source(%dma_start3A_203 : memref<640x128xf32, #tpu.memory_space<vmem_shared>>) target(%dma_start3A_201 : memref<640x128xf32, #tpu.memory_space<hbm>>) target_semaphore(%run_scoped3A_198 : memref<!tpu.dma_semaphore, #tpu.memory_space<semaphore_mem>>)
      %dma_wait3A_204 = arith.constant 0 : i32
      %dma_wait3A_205 = tpu.memref_slice %arg5[%arg0, %mul3A_197, %dma_wait3A_204] : memref<2x10240x128xf32, #tpu.memory_space<hbm>> -> memref<1x640x128xf32, #tpu.memory_space<hbm>>
      %dma_wait3A_206 = tpu.memref_squeeze %dma_wait3A_205 : memref<1x640x128xf32, #tpu.memory_space<hbm>> -> memref<640x128xf32, #tpu.memory_space<hbm>>
      %dma_wait3A_207 = arith.constant 0 : i32
      %dma_wait3A_208 = tpu.memref_slice %arg9[%mul3A_195, %dma_wait3A_207] : memref<10240x128xf32, #tpu.memory_space<vmem_shared>> -> memref<640x128xf32, #tpu.memory_space<vmem_shared>>
      tpu.wait_dma2 semaphore(%run_scoped3A_198 : memref<!tpu.dma_semaphore, #tpu.memory_space<semaphore_mem>>) src(%dma_wait3A_208 : memref<640x128xf32, #tpu.memory_space<vmem_shared>>) dst(%dma_wait3A_206 : memref<640x128xf32, #tpu.memory_space<hbm>>)
      tpu.yield
    }) : () -> ()
    return
  }
}

#map = affine_map<(d0, d1) -> (0, 0)>
#map1 = affine_map<(d0, d1) -> (0, 0, 0, 0, 0)>
#map2 = affine_map<(d0, d1) -> (0, 0, 0)>
module attributes {stable_mosaic.version = 14 : i64} {
  func.func @k(%arg0: i32, %arg1: i32, %arg2: memref<10000x128xf32, #tpu.memory_space<hbm>>, %arg3: memref<2x32x25x5x80xi32, #tpu.memory_space<hbm>>, %arg4: memref<10240x128xf32, #tpu.memory_space<hbm>>, %arg5: memref<2x10240x128xf32, #tpu.memory_space<hbm>>, %arg6: memref<3x5x80xi32, #tpu.memory_space<vmem>>, %arg7: memref<3x5x80xi32, #tpu.memory_space<vmem>>, %arg8: memref<4x80x128xf32, #tpu.memory_space<vmem>>, %arg9: memref<10240x128xf32, #tpu.memory_space<vmem_shared>>, %arg10: memref<4x!tpu.dma_semaphore, #tpu.memory_space<semaphore_mem>>, %arg11: memref<4x!tpu.dma_semaphore, #tpu.memory_space<semaphore_mem>>, %arg12: memref<3x!tpu.dma_semaphore, #tpu.memory_space<semaphore_mem>>) attributes {dimension_semantics = [#tpu.dimension_semantics<core_parallel>, #tpu.dimension_semantics<subcore_parallel>], iteration_bounds = array<i64: 2, 16>, scalar_prefetch = 0 : i64, scratch_operands = 7 : i64, tpu.core_type = #tpu.core_type<sc_vector_subcore>, window_params = [{transform_indices = #map}, {transform_indices = #map1}, {transform_indices = #map}, {transform_indices = #map2}]} {
    %mul3A = arith.constant 16 : i32
    %mul3A_0 = arith.muli %arg0, %mul3A : i32
    %add3A = arith.addi %mul3A_0, %arg1 : i32
    %mul3A_1 = arith.constant 640 : i32
    %mul3A_2 = arith.muli %arg1, %mul3A_1 : i32
    %mul3A_3 = arith.constant 640 : i32
    %mul3A_4 = arith.muli %arg1, %mul3A_3 : i32
    %dma_start3A = arith.constant 2 : i32
    %dma_start3A_5 = tpu.memref_slice %arg10[%dma_start3A] : memref<4x!tpu.dma_semaphore, #tpu.memory_space<semaphore_mem>> -> memref<1x!tpu.dma_semaphore, #tpu.memory_space<semaphore_mem>>
    %dma_start3A_6 = tpu.memref_squeeze %dma_start3A_5 : memref<1x!tpu.dma_semaphore, #tpu.memory_space<semaphore_mem>> -> memref<!tpu.dma_semaphore, #tpu.memory_space<semaphore_mem>>
    %dma_start3A_7 = arith.constant 0 : i32
    %dma_start3A_8 = tpu.memref_slice %arg9[%mul3A_4, %dma_start3A_7] : memref<10240x128xf32, #tpu.memory_space<vmem_shared>> -> memref<640x128xf32, #tpu.memory_space<vmem_shared>>
    %dma_start3A_9 = arith.constant 0 : i32
    %dma_start3A_10 = tpu.memref_slice %arg4[%mul3A_2, %dma_start3A_9] : memref<10240x128xf32, #tpu.memory_space<hbm>> -> memref<640x128xf32, #tpu.memory_space<hbm>>
    tpu.enqueue_dma source(%dma_start3A_10 : memref<640x128xf32, #tpu.memory_space<hbm>>) target(%dma_start3A_8 : memref<640x128xf32, #tpu.memory_space<vmem_shared>>) target_semaphore(%dma_start3A_6 : memref<!tpu.dma_semaphore, #tpu.memory_space<semaphore_mem>>)
    %run_scoped3A = arith.constant 0 : i32
    %run_scoped3A_11 = arith.constant 0 : i32
    %run_scoped3A_12 = arith.constant 0 : i32
    "tpu.region"() ({
      %run_scoped3A_198 = tpu.sem_alloc : memref<!tpu.dma_semaphore, #tpu.memory_space<semaphore_mem>>
      %dma_start3A_199 = arith.constant 0 : i32
      %dma_start3A_200 = arith.constant 0 : i32
      %dma_start3A_201 = tpu.memref_slice %arg6[%run_scoped3A_12, %dma_start3A_199, %dma_start3A_200] : memref<3x5x80xi32, #tpu.memory_space<vmem>> -> memref<1x5x80xi32, #tpu.memory_space<vmem>>
      %dma_start3A_202 = tpu.memref_squeeze %dma_start3A_201 : memref<1x5x80xi32, #tpu.memory_space<vmem>> -> memref<5x80xi32, #tpu.memory_space<vmem>>
      %dma_start3A_203 = arith.constant 0 : i32
      %dma_start3A_204 = arith.constant 0 : i32
      %dma_start3A_205 = arith.constant 0 : i32
      %dma_start3A_206 = arith.constant 0 : i32
      %dma_start3A_207 = tpu.memref_slice %arg3[%run_scoped3A, %dma_start3A_203, %dma_start3A_204, %dma_start3A_205, %dma_start3A_206] : memref<2x32x25x5x80xi32, #tpu.memory_space<hbm>> -> memref<1x32x25x5x80xi32, #tpu.memory_space<hbm>>
      %dma_start3A_208 = tpu.memref_squeeze %dma_start3A_207 : memref<1x32x25x5x80xi32, #tpu.memory_space<hbm>> -> memref<32x25x5x80xi32, #tpu.memory_space<hbm>>
      %dma_start3A_209 = arith.constant 0 : i32
      %dma_start3A_210 = arith.constant 0 : i32
      %dma_start3A_211 = tpu.memref_slice %dma_start3A_208[%add3A, %run_scoped3A_11, %dma_start3A_209, %dma_start3A_210] : memref<32x25x5x80xi32, #tpu.memory_space<hbm>> -> memref<1x1x5x80xi32, #tpu.memory_space<hbm>>
      %dma_start3A_212 = tpu.memref_squeeze %dma_start3A_211 : memref<1x1x5x80xi32, #tpu.memory_space<hbm>> -> memref<5x80xi32, #tpu.memory_space<hbm>>
      %dma_start3A_213 = arith.constant 0 : i32
      %dma_start3A_214 = arith.constant 0 : i32
      %dma_start3A_215 = tpu.memref_slice %arg6[%run_scoped3A_12, %dma_start3A_213, %dma_start3A_214] : memref<3x5x80xi32, #tpu.memory_space<vmem>> -> memref<1x5x80xi32, #tpu.memory_space<vmem>>
      %dma_start3A_216 = tpu.memref_squeeze %dma_start3A_215 : memref<1x5x80xi32, #tpu.memory_space<vmem>> -> memref<5x80xi32, #tpu.memory_space<vmem>>
      %dma_start3A_217 = arith.constant 0 : i32
      %dma_start3A_218 = arith.constant 0 : i32
      %dma_start3A_219 = arith.constant 0 : i32
      %dma_start3A_220 = arith.constant 0 : i32
      %dma_start3A_221 = tpu.memref_slice %arg3[%run_scoped3A, %dma_start3A_217, %dma_start3A_218, %dma_start3A_219, %dma_start3A_220] : memref<2x32x25x5x80xi32, #tpu.memory_space<hbm>> -> memref<1x32x25x5x80xi32, #tpu.memory_space<hbm>>
      %dma_start3A_222 = tpu.memref_squeeze %dma_start3A_221 : memref<1x32x25x5x80xi32, #tpu.memory_space<hbm>> -> memref<32x25x5x80xi32, #tpu.memory_space<hbm>>
      %dma_start3A_223 = arith.constant 0 : i32
      %dma_start3A_224 = arith.constant 0 : i32
      %dma_start3A_225 = tpu.memref_slice %dma_start3A_222[%add3A, %run_scoped3A_11, %dma_start3A_223, %dma_start3A_224] : memref<32x25x5x80xi32, #tpu.memory_space<hbm>> -> memref<1x1x5x80xi32, #tpu.memory_space<hbm>>
      %dma_start3A_226 = tpu.memref_squeeze %dma_start3A_225 : memref<1x1x5x80xi32, #tpu.memory_space<hbm>> -> memref<5x80xi32, #tpu.memory_space<hbm>>
      tpu.enqueue_dma source(%dma_start3A_226 : memref<5x80xi32, #tpu.memory_space<hbm>>) target(%dma_start3A_216 : memref<5x80xi32, #tpu.memory_space<vmem>>) target_semaphore(%run_scoped3A_198 : memref<!tpu.dma_semaphore, #tpu.memory_space<semaphore_mem>>)
      %dma_wait3A_227 = arith.constant 0 : i32
      %dma_wait3A_228 = arith.constant 0 : i32
      %dma_wait3A_229 = tpu.memref_slice %arg6[%run_scoped3A_12, %dma_wait3A_227, %dma_wait3A_228] : memref<3x5x80xi32, #tpu.memory_space<vmem>> -> memref<1x5x80xi32, #tpu.memory_space<vmem>>
      %dma_wait3A_230 = tpu.memref_squeeze %dma_wait3A_229 : memref<1x5x80xi32, #tpu.memory_space<vmem>> -> memref<5x80xi32, #tpu.memory_space<vmem>>
      %dma_wait3A_231 = arith.constant 0 : i32
      %dma_wait3A_232 = arith.constant 0 : i32
      %dma_wait3A_233 = arith.constant 0 : i32
      %dma_wait3A_234 = arith.constant 0 : i32
      %dma_wait3A_235 = tpu.memref_slice %arg3[%run_scoped3A, %dma_wait3A_231, %dma_wait3A_232, %dma_wait3A_233, %dma_wait3A_234] : memref<2x32x25x5x80xi32, #tpu.memory_space<hbm>> -> memref<1x32x25x5x80xi32, #tpu.memory_space<hbm>>
      %dma_wait3A_236 = tpu.memref_squeeze %dma_wait3A_235 : memref<1x32x25x5x80xi32, #tpu.memory_space<hbm>> -> memref<32x25x5x80xi32, #tpu.memory_space<hbm>>
      %dma_wait3A_237 = arith.constant 0 : i32
      %dma_wait3A_238 = arith.constant 0 : i32
      %dma_wait3A_239 = tpu.memref_slice %dma_wait3A_236[%add3A, %run_scoped3A_11, %dma_wait3A_237, %dma_wait3A_238] : memref<32x25x5x80xi32, #tpu.memory_space<hbm>> -> memref<1x1x5x80xi32, #tpu.memory_space<hbm>>
      %dma_wait3A_240 = tpu.memref_squeeze %dma_wait3A_239 : memref<1x1x5x80xi32, #tpu.memory_space<hbm>> -> memref<5x80xi32, #tpu.memory_space<hbm>>
      %dma_wait3A_241 = arith.constant 0 : i32
      %dma_wait3A_242 = arith.constant 0 : i32
      %dma_wait3A_243 = tpu.memref_slice %arg6[%run_scoped3A_12, %dma_wait3A_241, %dma_wait3A_242] : memref<3x5x80xi32, #tpu.memory_space<vmem>> -> memref<1x5x80xi32, #tpu.memory_space<vmem>>
      %dma_wait3A_244 = tpu.memref_squeeze %dma_wait3A_243 : memref<1x5x80xi32, #tpu.memory_space<vmem>> -> memref<5x80xi32, #tpu.memory_space<vmem>>
      %dma_wait3A_245 = arith.constant 0 : i32
      %dma_wait3A_246 = arith.constant 0 : i32
      %dma_wait3A_247 = arith.constant 0 : i32
      %dma_wait3A_248 = arith.constant 0 : i32
      %dma_wait3A_249 = tpu.memref_slice %arg3[%run_scoped3A, %dma_wait3A_245, %dma_wait3A_246, %dma_wait3A_247, %dma_wait3A_248] : memref<2x32x25x5x80xi32, #tpu.memory_space<hbm>> -> memref<1x32x25x5x80xi32, #tpu.memory_space<hbm>>
      %dma_wait3A_250 = tpu.memref_squeeze %dma_wait3A_249 : memref<1x32x25x5x80xi32, #tpu.memory_space<hbm>> -> memref<32x25x5x80xi32, #tpu.memory_space<hbm>>
      %dma_wait3A_251 = arith.constant 0 : i32
      %dma_wait3A_252 = arith.constant 0 : i32
      %dma_wait3A_253 = tpu.memref_slice %dma_wait3A_250[%add3A, %run_scoped3A_11, %dma_wait3A_251, %dma_wait3A_252] : memref<32x25x5x80xi32, #tpu.memory_space<hbm>> -> memref<1x1x5x80xi32, #tpu.memory_space<hbm>>
      %dma_wait3A_254 = tpu.memref_squeeze %dma_wait3A_253 : memref<1x1x5x80xi32, #tpu.memory_space<hbm>> -> memref<5x80xi32, #tpu.memory_space<hbm>>
      tpu.wait_dma2 semaphore(%run_scoped3A_198 : memref<!tpu.dma_semaphore, #tpu.memory_space<semaphore_mem>>) src(%dma_wait3A_254 : memref<5x80xi32, #tpu.memory_space<hbm>>) dst(%dma_wait3A_244 : memref<5x80xi32, #tpu.memory_space<vmem>>)
      tpu.yield
    }) : () -> ()
    %run_scoped3A_13 = arith.constant 1 : i32
    %run_scoped3A_14 = arith.constant 0 : i32
    %run_scoped3A_15 = arith.constant 0 : i32
    "tpu.region"() ({
      %run_scoped3A_198 = tpu.sem_alloc : memref<!tpu.dma_semaphore, #tpu.memory_space<semaphore_mem>>
      %dma_start3A_199 = arith.constant 0 : i32
      %dma_start3A_200 = arith.constant 0 : i32
      %dma_start3A_201 = tpu.memref_slice %arg7[%run_scoped3A_15, %dma_start3A_199, %dma_start3A_200] : memref<3x5x80xi32, #tpu.memory_space<vmem>> -> memref<1x5x80xi32, #tpu.memory_space<vmem>>
      %dma_start3A_202 = tpu.memref_squeeze %dma_start3A_201 : memref<1x5x80xi32, #tpu.memory_space<vmem>> -> memref<5x80xi32, #tpu.memory_space<vmem>>
      %dma_start3A_203 = arith.constant 0 : i32
      %dma_start3A_204 = arith.constant 0 : i32
      %dma_start3A_205 = arith.constant 0 : i32
      %dma_start3A_206 = arith.constant 0 : i32
      %dma_start3A_207 = tpu.memref_slice %arg3[%run_scoped3A_13, %dma_start3A_203, %dma_start3A_204, %dma_start3A_205, %dma_start3A_206] : memref<2x32x25x5x80xi32, #tpu.memory_space<hbm>> -> memref<1x32x25x5x80xi32, #tpu.memory_space<hbm>>
      %dma_start3A_208 = tpu.memref_squeeze %dma_start3A_207 : memref<1x32x25x5x80xi32, #tpu.memory_space<hbm>> -> memref<32x25x5x80xi32, #tpu.memory_space<hbm>>
      %dma_start3A_209 = arith.constant 0 : i32
      %dma_start3A_210 = arith.constant 0 : i32
      %dma_start3A_211 = tpu.memref_slice %dma_start3A_208[%add3A, %run_scoped3A_14, %dma_start3A_209, %dma_start3A_210] : memref<32x25x5x80xi32, #tpu.memory_space<hbm>> -> memref<1x1x5x80xi32, #tpu.memory_space<hbm>>
      %dma_start3A_212 = tpu.memref_squeeze %dma_start3A_211 : memref<1x1x5x80xi32, #tpu.memory_space<hbm>> -> memref<5x80xi32, #tpu.memory_space<hbm>>
      %dma_start3A_213 = arith.constant 0 : i32
      %dma_start3A_214 = arith.constant 0 : i32
      %dma_start3A_215 = tpu.memref_slice %arg7[%run_scoped3A_15, %dma_start3A_213, %dma_start3A_214] : memref<3x5x80xi32, #tpu.memory_space<vmem>> -> memref<1x5x80xi32, #tpu.memory_space<vmem>>
      %dma_start3A_216 = tpu.memref_squeeze %dma_start3A_215 : memref<1x5x80xi32, #tpu.memory_space<vmem>> -> memref<5x80xi32, #tpu.memory_space<vmem>>
      %dma_start3A_217 = arith.constant 0 : i32
      %dma_start3A_218 = arith.constant 0 : i32
      %dma_start3A_219 = arith.constant 0 : i32
      %dma_start3A_220 = arith.constant 0 : i32
      %dma_start3A_221 = tpu.memref_slice %arg3[%run_scoped3A_13, %dma_start3A_217, %dma_start3A_218, %dma_start3A_219, %dma_start3A_220] : memref<2x32x25x5x80xi32, #tpu.memory_space<hbm>> -> memref<1x32x25x5x80xi32, #tpu.memory_space<hbm>>
      %dma_start3A_222 = tpu.memref_squeeze %dma_start3A_221 : memref<1x32x25x5x80xi32, #tpu.memory_space<hbm>> -> memref<32x25x5x80xi32, #tpu.memory_space<hbm>>
      %dma_start3A_223 = arith.constant 0 : i32
      %dma_start3A_224 = arith.constant 0 : i32
      %dma_start3A_225 = tpu.memref_slice %dma_start3A_222[%add3A, %run_scoped3A_14, %dma_start3A_223, %dma_start3A_224] : memref<32x25x5x80xi32, #tpu.memory_space<hbm>> -> memref<1x1x5x80xi32, #tpu.memory_space<hbm>>
      %dma_start3A_226 = tpu.memref_squeeze %dma_start3A_225 : memref<1x1x5x80xi32, #tpu.memory_space<hbm>> -> memref<5x80xi32, #tpu.memory_space<hbm>>
      tpu.enqueue_dma source(%dma_start3A_226 : memref<5x80xi32, #tpu.memory_space<hbm>>) target(%dma_start3A_216 : memref<5x80xi32, #tpu.memory_space<vmem>>) target_semaphore(%run_scoped3A_198 : memref<!tpu.dma_semaphore, #tpu.memory_space<semaphore_mem>>)
      %dma_wait3A_227 = arith.constant 0 : i32
      %dma_wait3A_228 = arith.constant 0 : i32
      %dma_wait3A_229 = tpu.memref_slice %arg7[%run_scoped3A_15, %dma_wait3A_227, %dma_wait3A_228] : memref<3x5x80xi32, #tpu.memory_space<vmem>> -> memref<1x5x80xi32, #tpu.memory_space<vmem>>
      %dma_wait3A_230 = tpu.memref_squeeze %dma_wait3A_229 : memref<1x5x80xi32, #tpu.memory_space<vmem>> -> memref<5x80xi32, #tpu.memory_space<vmem>>
      %dma_wait3A_231 = arith.constant 0 : i32
      %dma_wait3A_232 = arith.constant 0 : i32
      %dma_wait3A_233 = arith.constant 0 : i32
      %dma_wait3A_234 = arith.constant 0 : i32
      %dma_wait3A_235 = tpu.memref_slice %arg3[%run_scoped3A_13, %dma_wait3A_231, %dma_wait3A_232, %dma_wait3A_233, %dma_wait3A_234] : memref<2x32x25x5x80xi32, #tpu.memory_space<hbm>> -> memref<1x32x25x5x80xi32, #tpu.memory_space<hbm>>
      %dma_wait3A_236 = tpu.memref_squeeze %dma_wait3A_235 : memref<1x32x25x5x80xi32, #tpu.memory_space<hbm>> -> memref<32x25x5x80xi32, #tpu.memory_space<hbm>>
      %dma_wait3A_237 = arith.constant 0 : i32
      %dma_wait3A_238 = arith.constant 0 : i32
      %dma_wait3A_239 = tpu.memref_slice %dma_wait3A_236[%add3A, %run_scoped3A_14, %dma_wait3A_237, %dma_wait3A_238] : memref<32x25x5x80xi32, #tpu.memory_space<hbm>> -> memref<1x1x5x80xi32, #tpu.memory_space<hbm>>
      %dma_wait3A_240 = tpu.memref_squeeze %dma_wait3A_239 : memref<1x1x5x80xi32, #tpu.memory_space<hbm>> -> memref<5x80xi32, #tpu.memory_space<hbm>>
      %dma_wait3A_241 = arith.constant 0 : i32
      %dma_wait3A_242 = arith.constant 0 : i32
      %dma_wait3A_243 = tpu.memref_slice %arg7[%run_scoped3A_15, %dma_wait3A_241, %dma_wait3A_242] : memref<3x5x80xi32, #tpu.memory_space<vmem>> -> memref<1x5x80xi32, #tpu.memory_space<vmem>>
      %dma_wait3A_244 = tpu.memref_squeeze %dma_wait3A_243 : memref<1x5x80xi32, #tpu.memory_space<vmem>> -> memref<5x80xi32, #tpu.memory_space<vmem>>
      %dma_wait3A_245 = arith.constant 0 : i32
      %dma_wait3A_246 = arith.constant 0 : i32
      %dma_wait3A_247 = arith.constant 0 : i32
      %dma_wait3A_248 = arith.constant 0 : i32
      %dma_wait3A_249 = tpu.memref_slice %arg3[%run_scoped3A_13, %dma_wait3A_245, %dma_wait3A_246, %dma_wait3A_247, %dma_wait3A_248] : memref<2x32x25x5x80xi32, #tpu.memory_space<hbm>> -> memref<1x32x25x5x80xi32, #tpu.memory_space<hbm>>
      %dma_wait3A_250 = tpu.memref_squeeze %dma_wait3A_249 : memref<1x32x25x5x80xi32, #tpu.memory_space<hbm>> -> memref<32x25x5x80xi32, #tpu.memory_space<hbm>>
      %dma_wait3A_251 = arith.constant 0 : i32
      %dma_wait3A_252 = arith.constant 0 : i32
      %dma_wait3A_253 = tpu.memref_slice %dma_wait3A_250[%add3A, %run_scoped3A_14, %dma_wait3A_251, %dma_wait3A_252] : memref<32x25x5x80xi32, #tpu.memory_space<hbm>> -> memref<1x1x5x80xi32, #tpu.memory_space<hbm>>
      %dma_wait3A_254 = tpu.memref_squeeze %dma_wait3A_253 : memref<1x1x5x80xi32, #tpu.memory_space<hbm>> -> memref<5x80xi32, #tpu.memory_space<hbm>>
      tpu.wait_dma2 semaphore(%run_scoped3A_198 : memref<!tpu.dma_semaphore, #tpu.memory_space<semaphore_mem>>) src(%dma_wait3A_254 : memref<5x80xi32, #tpu.memory_space<hbm>>) dst(%dma_wait3A_244 : memref<5x80xi32, #tpu.memory_space<vmem>>)
      tpu.yield
    }) : () -> ()
    %dma_start3A_16 = arith.constant 0 : i32
    %dma_start3A_17 = arith.constant 1 : i32
    %dma_start3A_18 = arith.constant 1 : i32
    %dma_start3A_19 = arith.constant 1 : i32
    %dma_start3A_20 = arith.constant 0 : i32
    %dma_start3A_21 = arith.constant 0 : i32
    %dma_start3A_22 = tpu.memref_slice %arg6[%dma_start3A_18, %dma_start3A_20, %dma_start3A_21] : memref<3x5x80xi32, #tpu.memory_space<vmem>> -> memref<1x5x80xi32, #tpu.memory_space<vmem>>
    %dma_start3A_23 = tpu.memref_squeeze %dma_start3A_22 : memref<1x5x80xi32, #tpu.memory_space<vmem>> -> memref<5x80xi32, #tpu.memory_space<vmem>>
    %dma_start3A_24 = arith.constant 0 : i32
    %dma_start3A_25 = arith.constant 0 : i32
    %dma_start3A_26 = arith.constant 0 : i32
    %dma_start3A_27 = arith.constant 0 : i32
    %dma_start3A_28 = tpu.memref_slice %arg3[%dma_start3A_16, %dma_start3A_24, %dma_start3A_25, %dma_start3A_26, %dma_start3A_27] : memref<2x32x25x5x80xi32, #tpu.memory_space<hbm>> -> memref<1x32x25x5x80xi32, #tpu.memory_space<hbm>>
    %dma_start3A_29 = tpu.memref_squeeze %dma_start3A_28 : memref<1x32x25x5x80xi32, #tpu.memory_space<hbm>> -> memref<32x25x5x80xi32, #tpu.memory_space<hbm>>
    %dma_start3A_30 = arith.constant 0 : i32
    %dma_start3A_31 = arith.constant 0 : i32
    %dma_start3A_32 = tpu.memref_slice %dma_start3A_29[%add3A, %dma_start3A_17, %dma_start3A_30, %dma_start3A_31] : memref<32x25x5x80xi32, #tpu.memory_space<hbm>> -> memref<1x1x5x80xi32, #tpu.memory_space<hbm>>
    %dma_start3A_33 = tpu.memref_squeeze %dma_start3A_32 : memref<1x1x5x80xi32, #tpu.memory_space<hbm>> -> memref<5x80xi32, #tpu.memory_space<hbm>>
    %dma_start3A_34 = tpu.memref_slice %arg12[%dma_start3A_19] : memref<3x!tpu.dma_semaphore, #tpu.memory_space<semaphore_mem>> -> memref<1x!tpu.dma_semaphore, #tpu.memory_space<semaphore_mem>>
    %dma_start3A_35 = tpu.memref_squeeze %dma_start3A_34 : memref<1x!tpu.dma_semaphore, #tpu.memory_space<semaphore_mem>> -> memref<!tpu.dma_semaphore, #tpu.memory_space<semaphore_mem>>
    %dma_start3A_36 = arith.constant 0 : i32
    %dma_start3A_37 = arith.constant 0 : i32
    %dma_start3A_38 = tpu.memref_slice %arg6[%dma_start3A_18, %dma_start3A_36, %dma_start3A_37] : memref<3x5x80xi32, #tpu.memory_space<vmem>> -> memref<1x5x80xi32, #tpu.memory_space<vmem>>
    %dma_start3A_39 = tpu.memref_squeeze %dma_start3A_38 : memref<1x5x80xi32, #tpu.memory_space<vmem>> -> memref<5x80xi32, #tpu.memory_space<vmem>>
    %dma_start3A_40 = arith.constant 0 : i32
    %dma_start3A_41 = arith.constant 0 : i32
    %dma_start3A_42 = arith.constant 0 : i32
    %dma_start3A_43 = arith.constant 0 : i32
    %dma_start3A_44 = tpu.memref_slice %arg3[%dma_start3A_16, %dma_start3A_40, %dma_start3A_41, %dma_start3A_42, %dma_start3A_43] : memref<2x32x25x5x80xi32, #tpu.memory_space<hbm>> -> memref<1x32x25x5x80xi32, #tpu.memory_space<hbm>>
    %dma_start3A_45 = tpu.memref_squeeze %dma_start3A_44 : memref<1x32x25x5x80xi32, #tpu.memory_space<hbm>> -> memref<32x25x5x80xi32, #tpu.memory_space<hbm>>
    %dma_start3A_46 = arith.constant 0 : i32
    %dma_start3A_47 = arith.constant 0 : i32
    %dma_start3A_48 = tpu.memref_slice %dma_start3A_45[%add3A, %dma_start3A_17, %dma_start3A_46, %dma_start3A_47] : memref<32x25x5x80xi32, #tpu.memory_space<hbm>> -> memref<1x1x5x80xi32, #tpu.memory_space<hbm>>
    %dma_start3A_49 = tpu.memref_squeeze %dma_start3A_48 : memref<1x1x5x80xi32, #tpu.memory_space<hbm>> -> memref<5x80xi32, #tpu.memory_space<hbm>>
    tpu.enqueue_dma source(%dma_start3A_49 : memref<5x80xi32, #tpu.memory_space<hbm>>) target(%dma_start3A_39 : memref<5x80xi32, #tpu.memory_space<vmem>>) target_semaphore(%dma_start3A_35 : memref<!tpu.dma_semaphore, #tpu.memory_space<semaphore_mem>>)
    %dma_start3A_50 = arith.constant 1 : i32
    %dma_start3A_51 = arith.constant 1 : i32
    %dma_start3A_52 = arith.constant 1 : i32
    %dma_start3A_53 = arith.constant 1 : i32
    %dma_start3A_54 = arith.constant 0 : i32
    %dma_start3A_55 = arith.constant 0 : i32
    %dma_start3A_56 = tpu.memref_slice %arg7[%dma_start3A_52, %dma_start3A_54, %dma_start3A_55] : memref<3x5x80xi32, #tpu.memory_space<vmem>> -> memref<1x5x80xi32, #tpu.memory_space<vmem>>
    %dma_start3A_57 = tpu.memref_squeeze %dma_start3A_56 : memref<1x5x80xi32, #tpu.memory_space<vmem>> -> memref<5x80xi32, #tpu.memory_space<vmem>>
    %dma_start3A_58 = arith.constant 0 : i32
    %dma_start3A_59 = arith.constant 0 : i32
    %dma_start3A_60 = arith.constant 0 : i32
    %dma_start3A_61 = arith.constant 0 : i32
    %dma_start3A_62 = tpu.memref_slice %arg3[%dma_start3A_50, %dma_start3A_58, %dma_start3A_59, %dma_start3A_60, %dma_start3A_61] : memref<2x32x25x5x80xi32, #tpu.memory_space<hbm>> -> memref<1x32x25x5x80xi32, #tpu.memory_space<hbm>>
    %dma_start3A_63 = tpu.memref_squeeze %dma_start3A_62 : memref<1x32x25x5x80xi32, #tpu.memory_space<hbm>> -> memref<32x25x5x80xi32, #tpu.memory_space<hbm>>
    %dma_start3A_64 = arith.constant 0 : i32
    %dma_start3A_65 = arith.constant 0 : i32
    %dma_start3A_66 = tpu.memref_slice %dma_start3A_63[%add3A, %dma_start3A_51, %dma_start3A_64, %dma_start3A_65] : memref<32x25x5x80xi32, #tpu.memory_space<hbm>> -> memref<1x1x5x80xi32, #tpu.memory_space<hbm>>
    %dma_start3A_67 = tpu.memref_squeeze %dma_start3A_66 : memref<1x1x5x80xi32, #tpu.memory_space<hbm>> -> memref<5x80xi32, #tpu.memory_space<hbm>>
    %dma_start3A_68 = tpu.memref_slice %arg12[%dma_start3A_53] : memref<3x!tpu.dma_semaphore, #tpu.memory_space<semaphore_mem>> -> memref<1x!tpu.dma_semaphore, #tpu.memory_space<semaphore_mem>>
    %dma_start3A_69 = tpu.memref_squeeze %dma_start3A_68 : memref<1x!tpu.dma_semaphore, #tpu.memory_space<semaphore_mem>> -> memref<!tpu.dma_semaphore, #tpu.memory_space<semaphore_mem>>
    %dma_start3A_70 = arith.constant 0 : i32
    %dma_start3A_71 = arith.constant 0 : i32
    %dma_start3A_72 = tpu.memref_slice %arg7[%dma_start3A_52, %dma_start3A_70, %dma_start3A_71] : memref<3x5x80xi32, #tpu.memory_space<vmem>> -> memref<1x5x80xi32, #tpu.memory_space<vmem>>
    %dma_start3A_73 = tpu.memref_squeeze %dma_start3A_72 : memref<1x5x80xi32, #tpu.memory_space<vmem>> -> memref<5x80xi32, #tpu.memory_space<vmem>>
    %dma_start3A_74 = arith.constant 0 : i32
    %dma_start3A_75 = arith.constant 0 : i32
    %dma_start3A_76 = arith.constant 0 : i32
    %dma_start3A_77 = arith.constant 0 : i32
    %dma_start3A_78 = tpu.memref_slice %arg3[%dma_start3A_50, %dma_start3A_74, %dma_start3A_75, %dma_start3A_76, %dma_start3A_77] : memref<2x32x25x5x80xi32, #tpu.memory_space<hbm>> -> memref<1x32x25x5x80xi32, #tpu.memory_space<hbm>>
    %dma_start3A_79 = tpu.memref_squeeze %dma_start3A_78 : memref<1x32x25x5x80xi32, #tpu.memory_space<hbm>> -> memref<32x25x5x80xi32, #tpu.memory_space<hbm>>
    %dma_start3A_80 = arith.constant 0 : i32
    %dma_start3A_81 = arith.constant 0 : i32
    %dma_start3A_82 = tpu.memref_slice %dma_start3A_79[%add3A, %dma_start3A_51, %dma_start3A_80, %dma_start3A_81] : memref<32x25x5x80xi32, #tpu.memory_space<hbm>> -> memref<1x1x5x80xi32, #tpu.memory_space<hbm>>
    %dma_start3A_83 = tpu.memref_squeeze %dma_start3A_82 : memref<1x1x5x80xi32, #tpu.memory_space<hbm>> -> memref<5x80xi32, #tpu.memory_space<hbm>>
    tpu.enqueue_dma source(%dma_start3A_83 : memref<5x80xi32, #tpu.memory_space<hbm>>) target(%dma_start3A_73 : memref<5x80xi32, #tpu.memory_space<vmem>>) target_semaphore(%dma_start3A_69 : memref<!tpu.dma_semaphore, #tpu.memory_space<semaphore_mem>>)
    %dma_wait3A = arith.constant 2 : i32
    %dma_wait3A_84 = tpu.memref_slice %arg10[%dma_wait3A] : memref<4x!tpu.dma_semaphore, #tpu.memory_space<semaphore_mem>> -> memref<1x!tpu.dma_semaphore, #tpu.memory_space<semaphore_mem>>
    %dma_wait3A_85 = tpu.memref_squeeze %dma_wait3A_84 : memref<1x!tpu.dma_semaphore, #tpu.memory_space<semaphore_mem>> -> memref<!tpu.dma_semaphore, #tpu.memory_space<semaphore_mem>>
    %dma_wait3A_86 = arith.constant 0 : i32
    %dma_wait3A_87 = tpu.memref_slice %arg9[%mul3A_4, %dma_wait3A_86] : memref<10240x128xf32, #tpu.memory_space<vmem_shared>> -> memref<640x128xf32, #tpu.memory_space<vmem_shared>>
    %dma_wait3A_88 = arith.constant 0 : i32
    %dma_wait3A_89 = tpu.memref_slice %arg4[%mul3A_2, %dma_wait3A_88] : memref<10240x128xf32, #tpu.memory_space<hbm>> -> memref<640x128xf32, #tpu.memory_space<hbm>>
    tpu.wait_dma2 semaphore(%dma_wait3A_85 : memref<!tpu.dma_semaphore, #tpu.memory_space<semaphore_mem>>) src(%dma_wait3A_89 : memref<640x128xf32, #tpu.memory_space<hbm>>) dst(%dma_wait3A_87 : memref<640x128xf32, #tpu.memory_space<vmem_shared>>)
    %barrier3A = arith.constant 0 : index
    tpu.barrier barrier_id(%barrier3A)
    %dma_start3A_90 = arith.constant 0 : i32
    %dma_start3A_91 = arith.constant 0 : i32
    %dma_start3A_92 = arith.constant 0 : i32
    %dma_start3A_93 = arith.constant 0 : i32
    %dma_start3A_94 = arith.constant 0 : i32
    %dma_start3A_95 = arith.constant 0 : i32
    %dma_start3A_96 = tpu.memref_slice %arg8[%dma_start3A_92, %dma_start3A_94, %dma_start3A_95] : memref<4x80x128xf32, #tpu.memory_space<vmem>> -> memref<1x80x128xf32, #tpu.memory_space<vmem>>
    %dma_start3A_97 = tpu.memref_squeeze %dma_start3A_96 : memref<1x80x128xf32, #tpu.memory_space<vmem>> -> memref<80x128xf32, #tpu.memory_space<vmem>>
    %dma_start3A_98 = arith.constant 0 : i32
    %dma_start3A_99 = tpu.memref_slice %arg6[%dma_start3A_90, %dma_start3A_91, %dma_start3A_98] : memref<3x5x80xi32, #tpu.memory_space<vmem>> -> memref<1x1x80xi32, #tpu.memory_space<vmem>>
    %dma_start3A_100 = tpu.memref_squeeze %dma_start3A_99 : memref<1x1x80xi32, #tpu.memory_space<vmem>> -> memref<80xi32, #tpu.memory_space<vmem>>
    %dma_start3A_101 = arith.constant 0 : i32
    %dma_start3A_102 = arith.constant 0 : i32
    %dma_start3A_103 = tpu.memref_slice %arg2[%dma_start3A_101, %dma_start3A_102] : memref<10000x128xf32, #tpu.memory_space<hbm>> -> memref<10000x128xf32, #tpu.memory_space<hbm>>
    %dma_start3A_104 = tpu.memref_slice %arg10[%dma_start3A_93] : memref<4x!tpu.dma_semaphore, #tpu.memory_space<semaphore_mem>> -> memref<1x!tpu.dma_semaphore, #tpu.memory_space<semaphore_mem>>
    %dma_start3A_105 = tpu.memref_squeeze %dma_start3A_104 : memref<1x!tpu.dma_semaphore, #tpu.memory_space<semaphore_mem>> -> memref<!tpu.dma_semaphore, #tpu.memory_space<semaphore_mem>>
    tpu.enqueue_indirect_dma source(%dma_start3A_103 : memref<10000x128xf32, #tpu.memory_space<hbm>>) target(%dma_start3A_97 : memref<80x128xf32, #tpu.memory_space<vmem>>) offsets(%dma_start3A_100 : memref<80xi32, #tpu.memory_space<vmem>>) semaphore(%dma_start3A_105 : memref<!tpu.dma_semaphore, #tpu.memory_space<semaphore_mem>>)
    %dma_start3A_106 = arith.constant 0 : i32
    %dma_start3A_107 = arith.constant 1 : i32
    %dma_start3A_108 = arith.constant 1 : i32
    %dma_start3A_109 = arith.constant 1 : i32
    %dma_start3A_110 = arith.constant 0 : i32
    %dma_start3A_111 = arith.constant 0 : i32
    %dma_start3A_112 = tpu.memref_slice %arg8[%dma_start3A_108, %dma_start3A_110, %dma_start3A_111] : memref<4x80x128xf32, #tpu.memory_space<vmem>> -> memref<1x80x128xf32, #tpu.memory_space<vmem>>
    %dma_start3A_113 = tpu.memref_squeeze %dma_start3A_112 : memref<1x80x128xf32, #tpu.memory_space<vmem>> -> memref<80x128xf32, #tpu.memory_space<vmem>>
    %dma_start3A_114 = arith.constant 0 : i32
    %dma_start3A_115 = tpu.memref_slice %arg6[%dma_start3A_106, %dma_start3A_107, %dma_start3A_114] : memref<3x5x80xi32, #tpu.memory_space<vmem>> -> memref<1x1x80xi32, #tpu.memory_space<vmem>>
    %dma_start3A_116 = tpu.memref_squeeze %dma_start3A_115 : memref<1x1x80xi32, #tpu.memory_space<vmem>> -> memref<80xi32, #tpu.memory_space<vmem>>
    %dma_start3A_117 = arith.constant 0 : i32
    %dma_start3A_118 = arith.constant 0 : i32
    %dma_start3A_119 = tpu.memref_slice %arg2[%dma_start3A_117, %dma_start3A_118] : memref<10000x128xf32, #tpu.memory_space<hbm>> -> memref<10000x128xf32, #tpu.memory_space<hbm>>
    %dma_start3A_120 = tpu.memref_slice %arg10[%dma_start3A_109] : memref<4x!tpu.dma_semaphore, #tpu.memory_space<semaphore_mem>> -> memref<1x!tpu.dma_semaphore, #tpu.memory_space<semaphore_mem>>
    %dma_start3A_121 = tpu.memref_squeeze %dma_start3A_120 : memref<1x!tpu.dma_semaphore, #tpu.memory_space<semaphore_mem>> -> memref<!tpu.dma_semaphore, #tpu.memory_space<semaphore_mem>>
    tpu.enqueue_indirect_dma source(%dma_start3A_119 : memref<10000x128xf32, #tpu.memory_space<hbm>>) target(%dma_start3A_113 : memref<80x128xf32, #tpu.memory_space<vmem>>) offsets(%dma_start3A_116 : memref<80xi32, #tpu.memory_space<vmem>>) semaphore(%dma_start3A_121 : memref<!tpu.dma_semaphore, #tpu.memory_space<semaphore_mem>>)
    %scan3A = arith.constant 0 : i32
    %scan3A_122 = arith.constant 0 : i32
    %scan3A_123 = arith.constant 1 : i32
    %scan3A_124 = arith.constant 0 : i32
    %scan3A_125 = arith.constant 25 : i32
    %scan3A_126 = arith.addi %scan3A_124, %scan3A_125 : i32
    %scan3A_127 = arith.constant 1 : i32
    scf.for %scan3A_198 = %scan3A_124 to %scan3A_126 step %scan3A_127  : i32 {
      %rem3A = arith.constant 3 : i32
      %rem3A_199 = arith.remsi %scan3A_198, %rem3A : i32
      %add3A_200 = arith.constant 1 : i32
      %add3A_201 = arith.addi %scan3A_198, %add3A_200 : i32
      %rem3A_202 = arith.constant 3 : i32
      %rem3A_203 = arith.remsi %add3A_201, %rem3A_202 : i32
      %add3A_204 = arith.constant 2 : i32
      %add3A_205 = arith.addi %scan3A_198, %add3A_204 : i32
      %rem3A_206 = arith.constant 3 : i32
      %rem3A_207 = arith.remsi %add3A_205, %rem3A_206 : i32
      %mul3A_208 = arith.constant 5 : i32
      %mul3A_209 = arith.muli %scan3A_198, %mul3A_208 : i32
      %add3A_210 = arith.constant 0 : i32
      %add3A_211 = arith.addi %mul3A_209, %add3A_210 : i32
      %rem3A_212 = arith.constant 4 : i32
      %rem3A_213 = arith.remsi %add3A_211, %rem3A_212 : i32
      %add3A_214 = arith.constant 2 : i32
      %add3A_215 = arith.addi %add3A_211, %add3A_214 : i32
      %rem3A_216 = arith.constant 4 : i32
      %rem3A_217 = arith.remsi %add3A_215, %rem3A_216 : i32
      %lt3A = arith.constant 125 : i32
      %lt3A_218 = arith.cmpi slt, %add3A_215, %lt3A : i32
      %convert_element_type3A = arith.extui %lt3A_218 : i1 to i32
      %cond3A = arith.constant 2 : i32
      %cond3A_219 = arith.constant 0 : i32
      %cond3A_220 = arith.cmpi ne, %convert_element_type3A, %cond3A_219 : i32
      scf.if %cond3A_220 {
        %ge3A = arith.constant 2 : i32
        %ge3A_429 = arith.cmpi sge, %add3A_211, %ge3A : i32
        %convert_element_type3A_430 = arith.extui %ge3A_429 : i1 to i32
        %cond3A_431 = arith.constant 0 : i32
        %cond3A_432 = arith.cmpi ne, %convert_element_type3A_430, %cond3A_431 : i32
        scf.if %cond3A_432 {
          %dma_wait3A_445 = arith.constant 0 : i32
          %dma_wait3A_446 = arith.constant 0 : i32
          %dma_wait3A_447 = arith.constant 0 : i32
          %dma_wait3A_448 = tpu.memref_slice %arg8[%rem3A_217, %dma_wait3A_446, %dma_wait3A_447] : memref<4x80x128xf32, #tpu.memory_space<vmem>> -> memref<1x80x128xf32, #tpu.memory_space<vmem>>
          %dma_wait3A_449 = tpu.memref_squeeze %dma_wait3A_448 : memref<1x80x128xf32, #tpu.memory_space<vmem>> -> memref<80x128xf32, #tpu.memory_space<vmem>>
          %dma_wait3A_450 = arith.constant 0 : i32
          %dma_wait3A_451 = tpu.memref_slice %arg7[%rem3A_199, %dma_wait3A_445, %dma_wait3A_450] : memref<3x5x80xi32, #tpu.memory_space<vmem>> -> memref<1x1x80xi32, #tpu.memory_space<vmem>>
          %dma_wait3A_452 = tpu.memref_squeeze %dma_wait3A_451 : memref<1x1x80xi32, #tpu.memory_space<vmem>> -> memref<80xi32, #tpu.memory_space<vmem>>
          %dma_wait3A_453 = arith.constant 0 : i32
          %dma_wait3A_454 = arith.constant 0 : i32
          %dma_wait3A_455 = tpu.memref_slice %arg9[%dma_wait3A_453, %dma_wait3A_454] : memref<10240x128xf32, #tpu.memory_space<vmem_shared>> -> memref<10240x128xf32, #tpu.memory_space<vmem_shared>>
          %dma_wait3A_456 = tpu.memref_slice %arg11[%rem3A_217] : memref<4x!tpu.dma_semaphore, #tpu.memory_space<semaphore_mem>> -> memref<1x!tpu.dma_semaphore, #tpu.memory_space<semaphore_mem>>
          %dma_wait3A_457 = tpu.memref_squeeze %dma_wait3A_456 : memref<1x!tpu.dma_semaphore, #tpu.memory_space<semaphore_mem>> -> memref<!tpu.dma_semaphore, #tpu.memory_space<semaphore_mem>>
          tpu.wait_indirect_dma semaphore(%dma_wait3A_457 : memref<!tpu.dma_semaphore, #tpu.memory_space<semaphore_mem>>) src(%dma_wait3A_449 : memref<80x128xf32, #tpu.memory_space<vmem>>) dst(%dma_wait3A_455 : memref<10240x128xf32, #tpu.memory_space<vmem_shared>>)
        } else {
        }
        %dma_start3A_433 = arith.constant 0 : i32
        %dma_start3A_434 = arith.constant 0 : i32
        %dma_start3A_435 = tpu.memref_slice %arg8[%rem3A_217, %dma_start3A_433, %dma_start3A_434] : memref<4x80x128xf32, #tpu.memory_space<vmem>> -> memref<1x80x128xf32, #tpu.memory_space<vmem>>
        %dma_start3A_436 = tpu.memref_squeeze %dma_start3A_435 : memref<1x80x128xf32, #tpu.memory_space<vmem>> -> memref<80x128xf32, #tpu.memory_space<vmem>>
        %dma_start3A_437 = arith.constant 0 : i32
        %dma_start3A_438 = tpu.memref_slice %arg6[%rem3A_199, %cond3A, %dma_start3A_437] : memref<3x5x80xi32, #tpu.memory_space<vmem>> -> memref<1x1x80xi32, #tpu.memory_space<vmem>>
        %dma_start3A_439 = tpu.memref_squeeze %dma_start3A_438 : memref<1x1x80xi32, #tpu.memory_space<vmem>> -> memref<80xi32, #tpu.memory_space<vmem>>
        %dma_start3A_440 = arith.constant 0 : i32
        %dma_start3A_441 = arith.constant 0 : i32
        %dma_start3A_442 = tpu.memref_slice %arg2[%dma_start3A_440, %dma_start3A_441] : memref<10000x128xf32, #tpu.memory_space<hbm>> -> memref<10000x128xf32, #tpu.memory_space<hbm>>
        %dma_start3A_443 = tpu.memref_slice %arg10[%rem3A_217] : memref<4x!tpu.dma_semaphore, #tpu.memory_space<semaphore_mem>> -> memref<1x!tpu.dma_semaphore, #tpu.memory_space<semaphore_mem>>
        %dma_start3A_444 = tpu.memref_squeeze %dma_start3A_443 : memref<1x!tpu.dma_semaphore, #tpu.memory_space<semaphore_mem>> -> memref<!tpu.dma_semaphore, #tpu.memory_space<semaphore_mem>>
        tpu.enqueue_indirect_dma source(%dma_start3A_442 : memref<10000x128xf32, #tpu.memory_space<hbm>>) target(%dma_start3A_436 : memref<80x128xf32, #tpu.memory_space<vmem>>) offsets(%dma_start3A_439 : memref<80xi32, #tpu.memory_space<vmem>>) semaphore(%dma_start3A_444 : memref<!tpu.dma_semaphore, #tpu.memory_space<semaphore_mem>>)
      } else {
      }
      %dma_wait3A_221 = arith.constant 0 : i32
      %dma_wait3A_222 = arith.constant 0 : i32
      %dma_wait3A_223 = arith.constant 0 : i32
      %dma_wait3A_224 = tpu.memref_slice %arg8[%rem3A_213, %dma_wait3A_222, %dma_wait3A_223] : memref<4x80x128xf32, #tpu.memory_space<vmem>> -> memref<1x80x128xf32, #tpu.memory_space<vmem>>
      %dma_wait3A_225 = tpu.memref_squeeze %dma_wait3A_224 : memref<1x80x128xf32, #tpu.memory_space<vmem>> -> memref<80x128xf32, #tpu.memory_space<vmem>>
      %dma_wait3A_226 = arith.constant 0 : i32
      %dma_wait3A_227 = tpu.memref_slice %arg6[%rem3A_199, %dma_wait3A_221, %dma_wait3A_226] : memref<3x5x80xi32, #tpu.memory_space<vmem>> -> memref<1x1x80xi32, #tpu.memory_space<vmem>>
      %dma_wait3A_228 = tpu.memref_squeeze %dma_wait3A_227 : memref<1x1x80xi32, #tpu.memory_space<vmem>> -> memref<80xi32, #tpu.memory_space<vmem>>
      %dma_wait3A_229 = arith.constant 0 : i32
      %dma_wait3A_230 = arith.constant 0 : i32
      %dma_wait3A_231 = tpu.memref_slice %arg2[%dma_wait3A_229, %dma_wait3A_230] : memref<10000x128xf32, #tpu.memory_space<hbm>> -> memref<10000x128xf32, #tpu.memory_space<hbm>>
      %dma_wait3A_232 = tpu.memref_slice %arg10[%rem3A_213] : memref<4x!tpu.dma_semaphore, #tpu.memory_space<semaphore_mem>> -> memref<1x!tpu.dma_semaphore, #tpu.memory_space<semaphore_mem>>
      %dma_wait3A_233 = tpu.memref_squeeze %dma_wait3A_232 : memref<1x!tpu.dma_semaphore, #tpu.memory_space<semaphore_mem>> -> memref<!tpu.dma_semaphore, #tpu.memory_space<semaphore_mem>>
      tpu.wait_indirect_dma semaphore(%dma_wait3A_233 : memref<!tpu.dma_semaphore, #tpu.memory_space<semaphore_mem>>) src(%dma_wait3A_231 : memref<10000x128xf32, #tpu.memory_space<hbm>>) dst(%dma_wait3A_225 : memref<80x128xf32, #tpu.memory_space<vmem>>)
      %dma_start3A_234 = arith.constant 0 : i32
      %dma_start3A_235 = arith.constant 0 : i32
      %dma_start3A_236 = arith.constant 0 : i32
      %dma_start3A_237 = tpu.memref_slice %arg8[%rem3A_213, %dma_start3A_235, %dma_start3A_236] : memref<4x80x128xf32, #tpu.memory_space<vmem>> -> memref<1x80x128xf32, #tpu.memory_space<vmem>>
      %dma_start3A_238 = tpu.memref_squeeze %dma_start3A_237 : memref<1x80x128xf32, #tpu.memory_space<vmem>> -> memref<80x128xf32, #tpu.memory_space<vmem>>
      %dma_start3A_239 = arith.constant 0 : i32
      %dma_start3A_240 = tpu.memref_slice %arg7[%rem3A_199, %dma_start3A_234, %dma_start3A_239] : memref<3x5x80xi32, #tpu.memory_space<vmem>> -> memref<1x1x80xi32, #tpu.memory_space<vmem>>
      %dma_start3A_241 = tpu.memref_squeeze %dma_start3A_240 : memref<1x1x80xi32, #tpu.memory_space<vmem>> -> memref<80xi32, #tpu.memory_space<vmem>>
      %dma_start3A_242 = arith.constant 0 : i32
      %dma_start3A_243 = arith.constant 0 : i32
      %dma_start3A_244 = tpu.memref_slice %arg9[%dma_start3A_242, %dma_start3A_243] : memref<10240x128xf32, #tpu.memory_space<vmem_shared>> -> memref<10240x128xf32, #tpu.memory_space<vmem_shared>>
      %dma_start3A_245 = tpu.memref_slice %arg11[%rem3A_213] : memref<4x!tpu.dma_semaphore, #tpu.memory_space<semaphore_mem>> -> memref<1x!tpu.dma_semaphore, #tpu.memory_space<semaphore_mem>>
      %dma_start3A_246 = tpu.memref_squeeze %dma_start3A_245 : memref<1x!tpu.dma_semaphore, #tpu.memory_space<semaphore_mem>> -> memref<!tpu.dma_semaphore, #tpu.memory_space<semaphore_mem>>
      tpu.enqueue_indirect_dma source(%dma_start3A_238 : memref<80x128xf32, #tpu.memory_space<vmem>>) target(%dma_start3A_244 : memref<10240x128xf32, #tpu.memory_space<vmem_shared>>) offsets(%dma_start3A_241 : memref<80xi32, #tpu.memory_space<vmem>>) semaphore(%dma_start3A_246 : memref<!tpu.dma_semaphore, #tpu.memory_space<semaphore_mem>>) {add = true}
      %mul3A_247 = arith.constant 5 : i32
      %mul3A_248 = arith.muli %scan3A_198, %mul3A_247 : i32
      %add3A_249 = arith.constant 1 : i32
      %add3A_250 = arith.addi %mul3A_248, %add3A_249 : i32
      %rem3A_251 = arith.constant 4 : i32
      %rem3A_252 = arith.remsi %add3A_250, %rem3A_251 : i32
      %add3A_253 = arith.constant 2 : i32
      %add3A_254 = arith.addi %add3A_250, %add3A_253 : i32
      %rem3A_255 = arith.constant 4 : i32
      %rem3A_256 = arith.remsi %add3A_254, %rem3A_255 : i32
      %lt3A_257 = arith.constant 125 : i32
      %lt3A_258 = arith.cmpi slt, %add3A_254, %lt3A_257 : i32
      %convert_element_type3A_259 = arith.extui %lt3A_258 : i1 to i32
      %cond3A_260 = arith.constant 3 : i32
      %cond3A_261 = arith.constant 0 : i32
      %cond3A_262 = arith.cmpi ne, %convert_element_type3A_259, %cond3A_261 : i32
      scf.if %cond3A_262 {
        %ge3A = arith.constant 2 : i32
        %ge3A_429 = arith.cmpi sge, %add3A_250, %ge3A : i32
        %convert_element_type3A_430 = arith.extui %ge3A_429 : i1 to i32
        %cond3A_431 = arith.constant 0 : i32
        %cond3A_432 = arith.cmpi ne, %convert_element_type3A_430, %cond3A_431 : i32
        scf.if %cond3A_432 {
          %dma_wait3A_445 = arith.constant 0 : i32
          %dma_wait3A_446 = arith.constant 0 : i32
          %dma_wait3A_447 = arith.constant 0 : i32
          %dma_wait3A_448 = tpu.memref_slice %arg8[%rem3A_256, %dma_wait3A_446, %dma_wait3A_447] : memref<4x80x128xf32, #tpu.memory_space<vmem>> -> memref<1x80x128xf32, #tpu.memory_space<vmem>>
          %dma_wait3A_449 = tpu.memref_squeeze %dma_wait3A_448 : memref<1x80x128xf32, #tpu.memory_space<vmem>> -> memref<80x128xf32, #tpu.memory_space<vmem>>
          %dma_wait3A_450 = arith.constant 0 : i32
          %dma_wait3A_451 = tpu.memref_slice %arg7[%rem3A_199, %dma_wait3A_445, %dma_wait3A_450] : memref<3x5x80xi32, #tpu.memory_space<vmem>> -> memref<1x1x80xi32, #tpu.memory_space<vmem>>
          %dma_wait3A_452 = tpu.memref_squeeze %dma_wait3A_451 : memref<1x1x80xi32, #tpu.memory_space<vmem>> -> memref<80xi32, #tpu.memory_space<vmem>>
          %dma_wait3A_453 = arith.constant 0 : i32
          %dma_wait3A_454 = arith.constant 0 : i32
          %dma_wait3A_455 = tpu.memref_slice %arg9[%dma_wait3A_453, %dma_wait3A_454] : memref<10240x128xf32, #tpu.memory_space<vmem_shared>> -> memref<10240x128xf32, #tpu.memory_space<vmem_shared>>
          %dma_wait3A_456 = tpu.memref_slice %arg11[%rem3A_256] : memref<4x!tpu.dma_semaphore, #tpu.memory_space<semaphore_mem>> -> memref<1x!tpu.dma_semaphore, #tpu.memory_space<semaphore_mem>>
          %dma_wait3A_457 = tpu.memref_squeeze %dma_wait3A_456 : memref<1x!tpu.dma_semaphore, #tpu.memory_space<semaphore_mem>> -> memref<!tpu.dma_semaphore, #tpu.memory_space<semaphore_mem>>
          tpu.wait_indirect_dma semaphore(%dma_wait3A_457 : memref<!tpu.dma_semaphore, #tpu.memory_space<semaphore_mem>>) src(%dma_wait3A_449 : memref<80x128xf32, #tpu.memory_space<vmem>>) dst(%dma_wait3A_455 : memref<10240x128xf32, #tpu.memory_space<vmem_shared>>)
        } else {
        }
        %dma_start3A_433 = arith.constant 0 : i32
        %dma_start3A_434 = arith.constant 0 : i32
        %dma_start3A_435 = tpu.memref_slice %arg8[%rem3A_256, %dma_start3A_433, %dma_start3A_434] : memref<4x80x128xf32, #tpu.memory_space<vmem>> -> memref<1x80x128xf32, #tpu.memory_space<vmem>>
        %dma_start3A_436 = tpu.memref_squeeze %dma_start3A_435 : memref<1x80x128xf32, #tpu.memory_space<vmem>> -> memref<80x128xf32, #tpu.memory_space<vmem>>
        %dma_start3A_437 = arith.constant 0 : i32
        %dma_start3A_438 = tpu.memref_slice %arg6[%rem3A_199, %cond3A_260, %dma_start3A_437] : memref<3x5x80xi32, #tpu.memory_space<vmem>> -> memref<1x1x80xi32, #tpu.memory_space<vmem>>
        %dma_start3A_439 = tpu.memref_squeeze %dma_start3A_438 : memref<1x1x80xi32, #tpu.memory_space<vmem>> -> memref<80xi32, #tpu.memory_space<vmem>>
        %dma_start3A_440 = arith.constant 0 : i32
        %dma_start3A_441 = arith.constant 0 : i32
        %dma_start3A_442 = tpu.memref_slice %arg2[%dma_start3A_440, %dma_start3A_441] : memref<10000x128xf32, #tpu.memory_space<hbm>> -> memref<10000x128xf32, #tpu.memory_space<hbm>>
        %dma_start3A_443 = tpu.memref_slice %arg10[%rem3A_256] : memref<4x!tpu.dma_semaphore, #tpu.memory_space<semaphore_mem>> -> memref<1x!tpu.dma_semaphore, #tpu.memory_space<semaphore_mem>>
        %dma_start3A_444 = tpu.memref_squeeze %dma_start3A_443 : memref<1x!tpu.dma_semaphore, #tpu.memory_space<semaphore_mem>> -> memref<!tpu.dma_semaphore, #tpu.memory_space<semaphore_mem>>
        tpu.enqueue_indirect_dma source(%dma_start3A_442 : memref<10000x128xf32, #tpu.memory_space<hbm>>) target(%dma_start3A_436 : memref<80x128xf32, #tpu.memory_space<vmem>>) offsets(%dma_start3A_439 : memref<80xi32, #tpu.memory_space<vmem>>) semaphore(%dma_start3A_444 : memref<!tpu.dma_semaphore, #tpu.memory_space<semaphore_mem>>)
      } else {
      }
      %dma_wait3A_263 = arith.constant 1 : i32
      %dma_wait3A_264 = arith.constant 0 : i32
      %dma_wait3A_265 = arith.constant 0 : i32
      %dma_wait3A_266 = tpu.memref_slice %arg8[%rem3A_252, %dma_wait3A_264, %dma_wait3A_265] : memref<4x80x128xf32, #tpu.memory_space<vmem>> -> memref<1x80x128xf32, #tpu.memory_space<vmem>>
      %dma_wait3A_267 = tpu.memref_squeeze %dma_wait3A_266 : memref<1x80x128xf32, #tpu.memory_space<vmem>> -> memref<80x128xf32, #tpu.memory_space<vmem>>
      %dma_wait3A_268 = arith.constant 0 : i32
      %dma_wait3A_269 = tpu.memref_slice %arg6[%rem3A_199, %dma_wait3A_263, %dma_wait3A_268] : memref<3x5x80xi32, #tpu.memory_space<vmem>> -> memref<1x1x80xi32, #tpu.memory_space<vmem>>
      %dma_wait3A_270 = tpu.memref_squeeze %dma_wait3A_269 : memref<1x1x80xi32, #tpu.memory_space<vmem>> -> memref<80xi32, #tpu.memory_space<vmem>>
      %dma_wait3A_271 = arith.constant 0 : i32
      %dma_wait3A_272 = arith.constant 0 : i32
      %dma_wait3A_273 = tpu.memref_slice %arg2[%dma_wait3A_271, %dma_wait3A_272] : memref<10000x128xf32, #tpu.memory_space<hbm>> -> memref<10000x128xf32, #tpu.memory_space<hbm>>
      %dma_wait3A_274 = tpu.memref_slice %arg10[%rem3A_252] : memref<4x!tpu.dma_semaphore, #tpu.memory_space<semaphore_mem>> -> memref<1x!tpu.dma_semaphore, #tpu.memory_space<semaphore_mem>>
      %dma_wait3A_275 = tpu.memref_squeeze %dma_wait3A_274 : memref<1x!tpu.dma_semaphore, #tpu.memory_space<semaphore_mem>> -> memref<!tpu.dma_semaphore, #tpu.memory_space<semaphore_mem>>
      tpu.wait_indirect_dma semaphore(%dma_wait3A_275 : memref<!tpu.dma_semaphore, #tpu.memory_space<semaphore_mem>>) src(%dma_wait3A_273 : memref<10000x128xf32, #tpu.memory_space<hbm>>) dst(%dma_wait3A_267 : memref<80x128xf32, #tpu.memory_space<vmem>>)
      %dma_start3A_276 = arith.constant 1 : i32
      %dma_start3A_277 = arith.constant 0 : i32
      %dma_start3A_278 = arith.constant 0 : i32
      %dma_start3A_279 = tpu.memref_slice %arg8[%rem3A_252, %dma_start3A_277, %dma_start3A_278] : memref<4x80x128xf32, #tpu.memory_space<vmem>> -> memref<1x80x128xf32, #tpu.memory_space<vmem>>
      %dma_start3A_280 = tpu.memref_squeeze %dma_start3A_279 : memref<1x80x128xf32, #tpu.memory_space<vmem>> -> memref<80x128xf32, #tpu.memory_space<vmem>>
      %dma_start3A_281 = arith.constant 0 : i32
      %dma_start3A_282 = tpu.memref_slice %arg7[%rem3A_199, %dma_start3A_276, %dma_start3A_281] : memref<3x5x80xi32, #tpu.memory_space<vmem>> -> memref<1x1x80xi32, #tpu.memory_space<vmem>>
      %dma_start3A_283 = tpu.memref_squeeze %dma_start3A_282 : memref<1x1x80xi32, #tpu.memory_space<vmem>> -> memref<80xi32, #tpu.memory_space<vmem>>
      %dma_start3A_284 = arith.constant 0 : i32
      %dma_start3A_285 = arith.constant 0 : i32
      %dma_start3A_286 = tpu.memref_slice %arg9[%dma_start3A_284, %dma_start3A_285] : memref<10240x128xf32, #tpu.memory_space<vmem_shared>> -> memref<10240x128xf32, #tpu.memory_space<vmem_shared>>
      %dma_start3A_287 = tpu.memref_slice %arg11[%rem3A_252] : memref<4x!tpu.dma_semaphore, #tpu.memory_space<semaphore_mem>> -> memref<1x!tpu.dma_semaphore, #tpu.memory_space<semaphore_mem>>
      %dma_start3A_288 = tpu.memref_squeeze %dma_start3A_287 : memref<1x!tpu.dma_semaphore, #tpu.memory_space<semaphore_mem>> -> memref<!tpu.dma_semaphore, #tpu.memory_space<semaphore_mem>>
      tpu.enqueue_indirect_dma source(%dma_start3A_280 : memref<80x128xf32, #tpu.memory_space<vmem>>) target(%dma_start3A_286 : memref<10240x128xf32, #tpu.memory_space<vmem_shared>>) offsets(%dma_start3A_283 : memref<80xi32, #tpu.memory_space<vmem>>) semaphore(%dma_start3A_288 : memref<!tpu.dma_semaphore, #tpu.memory_space<semaphore_mem>>) {add = true}
      %mul3A_289 = arith.constant 5 : i32
      %mul3A_290 = arith.muli %scan3A_198, %mul3A_289 : i32
      %add3A_291 = arith.constant 2 : i32
      %add3A_292 = arith.addi %mul3A_290, %add3A_291 : i32
      %rem3A_293 = arith.constant 4 : i32
      %rem3A_294 = arith.remsi %add3A_292, %rem3A_293 : i32
      %add3A_295 = arith.constant 2 : i32
      %add3A_296 = arith.addi %add3A_292, %add3A_295 : i32
      %rem3A_297 = arith.constant 4 : i32
      %rem3A_298 = arith.remsi %add3A_296, %rem3A_297 : i32
      %lt3A_299 = arith.constant 125 : i32
      %lt3A_300 = arith.cmpi slt, %add3A_296, %lt3A_299 : i32
      %convert_element_type3A_301 = arith.extui %lt3A_300 : i1 to i32
      %cond3A_302 = arith.constant 4 : i32
      %cond3A_303 = arith.constant 0 : i32
      %cond3A_304 = arith.cmpi ne, %convert_element_type3A_301, %cond3A_303 : i32
      scf.if %cond3A_304 {
        %ge3A = arith.constant 2 : i32
        %ge3A_429 = arith.cmpi sge, %add3A_292, %ge3A : i32
        %convert_element_type3A_430 = arith.extui %ge3A_429 : i1 to i32
        %cond3A_431 = arith.constant 0 : i32
        %cond3A_432 = arith.cmpi ne, %convert_element_type3A_430, %cond3A_431 : i32
        scf.if %cond3A_432 {
          %dma_wait3A_445 = arith.constant 0 : i32
          %dma_wait3A_446 = arith.constant 0 : i32
          %dma_wait3A_447 = arith.constant 0 : i32
          %dma_wait3A_448 = tpu.memref_slice %arg8[%rem3A_298, %dma_wait3A_446, %dma_wait3A_447] : memref<4x80x128xf32, #tpu.memory_space<vmem>> -> memref<1x80x128xf32, #tpu.memory_space<vmem>>
          %dma_wait3A_449 = tpu.memref_squeeze %dma_wait3A_448 : memref<1x80x128xf32, #tpu.memory_space<vmem>> -> memref<80x128xf32, #tpu.memory_space<vmem>>
          %dma_wait3A_450 = arith.constant 0 : i32
          %dma_wait3A_451 = tpu.memref_slice %arg7[%rem3A_199, %dma_wait3A_445, %dma_wait3A_450] : memref<3x5x80xi32, #tpu.memory_space<vmem>> -> memref<1x1x80xi32, #tpu.memory_space<vmem>>
          %dma_wait3A_452 = tpu.memref_squeeze %dma_wait3A_451 : memref<1x1x80xi32, #tpu.memory_space<vmem>> -> memref<80xi32, #tpu.memory_space<vmem>>
          %dma_wait3A_453 = arith.constant 0 : i32
          %dma_wait3A_454 = arith.constant 0 : i32
          %dma_wait3A_455 = tpu.memref_slice %arg9[%dma_wait3A_453, %dma_wait3A_454] : memref<10240x128xf32, #tpu.memory_space<vmem_shared>> -> memref<10240x128xf32, #tpu.memory_space<vmem_shared>>
          %dma_wait3A_456 = tpu.memref_slice %arg11[%rem3A_298] : memref<4x!tpu.dma_semaphore, #tpu.memory_space<semaphore_mem>> -> memref<1x!tpu.dma_semaphore, #tpu.memory_space<semaphore_mem>>
          %dma_wait3A_457 = tpu.memref_squeeze %dma_wait3A_456 : memref<1x!tpu.dma_semaphore, #tpu.memory_space<semaphore_mem>> -> memref<!tpu.dma_semaphore, #tpu.memory_space<semaphore_mem>>
          tpu.wait_indirect_dma semaphore(%dma_wait3A_457 : memref<!tpu.dma_semaphore, #tpu.memory_space<semaphore_mem>>) src(%dma_wait3A_449 : memref<80x128xf32, #tpu.memory_space<vmem>>) dst(%dma_wait3A_455 : memref<10240x128xf32, #tpu.memory_space<vmem_shared>>)
        } else {
        }
        %dma_start3A_433 = arith.constant 0 : i32
        %dma_start3A_434 = arith.constant 0 : i32
        %dma_start3A_435 = tpu.memref_slice %arg8[%rem3A_298, %dma_start3A_433, %dma_start3A_434] : memref<4x80x128xf32, #tpu.memory_space<vmem>> -> memref<1x80x128xf32, #tpu.memory_space<vmem>>
        %dma_start3A_436 = tpu.memref_squeeze %dma_start3A_435 : memref<1x80x128xf32, #tpu.memory_space<vmem>> -> memref<80x128xf32, #tpu.memory_space<vmem>>
        %dma_start3A_437 = arith.constant 0 : i32
        %dma_start3A_438 = tpu.memref_slice %arg6[%rem3A_199, %cond3A_302, %dma_start3A_437] : memref<3x5x80xi32, #tpu.memory_space<vmem>> -> memref<1x1x80xi32, #tpu.memory_space<vmem>>
        %dma_start3A_439 = tpu.memref_squeeze %dma_start3A_438 : memref<1x1x80xi32, #tpu.memory_space<vmem>> -> memref<80xi32, #tpu.memory_space<vmem>>
        %dma_start3A_440 = arith.constant 0 : i32
        %dma_start3A_441 = arith.constant 0 : i32
        %dma_start3A_442 = tpu.memref_slice %arg2[%dma_start3A_440, %dma_start3A_441] : memref<10000x128xf32, #tpu.memory_space<hbm>> -> memref<10000x128xf32, #tpu.memory_space<hbm>>
        %dma_start3A_443 = tpu.memref_slice %arg10[%rem3A_298] : memref<4x!tpu.dma_semaphore, #tpu.memory_space<semaphore_mem>> -> memref<1x!tpu.dma_semaphore, #tpu.memory_space<semaphore_mem>>
        %dma_start3A_444 = tpu.memref_squeeze %dma_start3A_443 : memref<1x!tpu.dma_semaphore, #tpu.memory_space<semaphore_mem>> -> memref<!tpu.dma_semaphore, #tpu.memory_space<semaphore_mem>>
        tpu.enqueue_indirect_dma source(%dma_start3A_442 : memref<10000x128xf32, #tpu.memory_space<hbm>>) target(%dma_start3A_436 : memref<80x128xf32, #tpu.memory_space<vmem>>) offsets(%dma_start3A_439 : memref<80xi32, #tpu.memory_space<vmem>>) semaphore(%dma_start3A_444 : memref<!tpu.dma_semaphore, #tpu.memory_space<semaphore_mem>>)
      } else {
      }
      %dma_wait3A_305 = arith.constant 2 : i32
      %dma_wait3A_306 = arith.constant 0 : i32
      %dma_wait3A_307 = arith.constant 0 : i32
      %dma_wait3A_308 = tpu.memref_slice %arg8[%rem3A_294, %dma_wait3A_306, %dma_wait3A_307] : memref<4x80x128xf32, #tpu.memory_space<vmem>> -> memref<1x80x128xf32, #tpu.memory_space<vmem>>
      %dma_wait3A_309 = tpu.memref_squeeze %dma_wait3A_308 : memref<1x80x128xf32, #tpu.memory_space<vmem>> -> memref<80x128xf32, #tpu.memory_space<vmem>>
      %dma_wait3A_310 = arith.constant 0 : i32
      %dma_wait3A_311 = tpu.memref_slice %arg6[%rem3A_199, %dma_wait3A_305, %dma_wait3A_310] : memref<3x5x80xi32, #tpu.memory_space<vmem>> -> memref<1x1x80xi32, #tpu.memory_space<vmem>>
      %dma_wait3A_312 = tpu.memref_squeeze %dma_wait3A_311 : memref<1x1x80xi32, #tpu.memory_space<vmem>> -> memref<80xi32, #tpu.memory_space<vmem>>
      %dma_wait3A_313 = arith.constant 0 : i32
      %dma_wait3A_314 = arith.constant 0 : i32
      %dma_wait3A_315 = tpu.memref_slice %arg2[%dma_wait3A_313, %dma_wait3A_314] : memref<10000x128xf32, #tpu.memory_space<hbm>> -> memref<10000x128xf32, #tpu.memory_space<hbm>>
      %dma_wait3A_316 = tpu.memref_slice %arg10[%rem3A_294] : memref<4x!tpu.dma_semaphore, #tpu.memory_space<semaphore_mem>> -> memref<1x!tpu.dma_semaphore, #tpu.memory_space<semaphore_mem>>
      %dma_wait3A_317 = tpu.memref_squeeze %dma_wait3A_316 : memref<1x!tpu.dma_semaphore, #tpu.memory_space<semaphore_mem>> -> memref<!tpu.dma_semaphore, #tpu.memory_space<semaphore_mem>>
      tpu.wait_indirect_dma semaphore(%dma_wait3A_317 : memref<!tpu.dma_semaphore, #tpu.memory_space<semaphore_mem>>) src(%dma_wait3A_315 : memref<10000x128xf32, #tpu.memory_space<hbm>>) dst(%dma_wait3A_309 : memref<80x128xf32, #tpu.memory_space<vmem>>)
      %dma_start3A_318 = arith.constant 2 : i32
      %dma_start3A_319 = arith.constant 0 : i32
      %dma_start3A_320 = arith.constant 0 : i32
      %dma_start3A_321 = tpu.memref_slice %arg8[%rem3A_294, %dma_start3A_319, %dma_start3A_320] : memref<4x80x128xf32, #tpu.memory_space<vmem>> -> memref<1x80x128xf32, #tpu.memory_space<vmem>>
      %dma_start3A_322 = tpu.memref_squeeze %dma_start3A_321 : memref<1x80x128xf32, #tpu.memory_space<vmem>> -> memref<80x128xf32, #tpu.memory_space<vmem>>
      %dma_start3A_323 = arith.constant 0 : i32
      %dma_start3A_324 = tpu.memref_slice %arg7[%rem3A_199, %dma_start3A_318, %dma_start3A_323] : memref<3x5x80xi32, #tpu.memory_space<vmem>> -> memref<1x1x80xi32, #tpu.memory_space<vmem>>
      %dma_start3A_325 = tpu.memref_squeeze %dma_start3A_324 : memref<1x1x80xi32, #tpu.memory_space<vmem>> -> memref<80xi32, #tpu.memory_space<vmem>>
      %dma_start3A_326 = arith.constant 0 : i32
      %dma_start3A_327 = arith.constant 0 : i32
      %dma_start3A_328 = tpu.memref_slice %arg9[%dma_start3A_326, %dma_start3A_327] : memref<10240x128xf32, #tpu.memory_space<vmem_shared>> -> memref<10240x128xf32, #tpu.memory_space<vmem_shared>>
      %dma_start3A_329 = tpu.memref_slice %arg11[%rem3A_294] : memref<4x!tpu.dma_semaphore, #tpu.memory_space<semaphore_mem>> -> memref<1x!tpu.dma_semaphore, #tpu.memory_space<semaphore_mem>>
      %dma_start3A_330 = tpu.memref_squeeze %dma_start3A_329 : memref<1x!tpu.dma_semaphore, #tpu.memory_space<semaphore_mem>> -> memref<!tpu.dma_semaphore, #tpu.memory_space<semaphore_mem>>
      tpu.enqueue_indirect_dma source(%dma_start3A_322 : memref<80x128xf32, #tpu.memory_space<vmem>>) target(%dma_start3A_328 : memref<10240x128xf32, #tpu.memory_space<vmem_shared>>) offsets(%dma_start3A_325 : memref<80xi32, #tpu.memory_space<vmem>>) semaphore(%dma_start3A_330 : memref<!tpu.dma_semaphore, #tpu.memory_space<semaphore_mem>>) {add = true}
      %mul3A_331 = arith.constant 5 : i32
      %mul3A_332 = arith.muli %scan3A_198, %mul3A_331 : i32
      %add3A_333 = arith.constant 3 : i32
      %add3A_334 = arith.addi %mul3A_332, %add3A_333 : i32
      %rem3A_335 = arith.constant 4 : i32
      %rem3A_336 = arith.remsi %add3A_334, %rem3A_335 : i32
      %add3A_337 = arith.constant 1 : i32
      %add3A_338 = arith.addi %scan3A_198, %add3A_337 : i32
      %lt3A_339 = arith.constant 25 : i32
      %lt3A_340 = arith.cmpi slt, %add3A_338, %lt3A_339 : i32
      %convert_element_type3A_341 = arith.extui %lt3A_340 : i1 to i32
      %cond3A_342 = arith.constant 0 : i32
      %cond3A_343 = arith.cmpi ne, %convert_element_type3A_341, %cond3A_342 : i32
      scf.if %cond3A_343 {
        %add3A_429 = arith.constant 1 : i32
        %add3A_430 = arith.addi %scan3A_198, %add3A_429 : i32
        %dma_wait3A_431 = arith.constant 0 : i32
        %dma_wait3A_432 = arith.constant 0 : i32
        %dma_wait3A_433 = tpu.memref_slice %arg6[%rem3A_203, %dma_wait3A_431, %dma_wait3A_432] : memref<3x5x80xi32, #tpu.memory_space<vmem>> -> memref<1x5x80xi32, #tpu.memory_space<vmem>>
        %dma_wait3A_434 = tpu.memref_squeeze %dma_wait3A_433 : memref<1x5x80xi32, #tpu.memory_space<vmem>> -> memref<5x80xi32, #tpu.memory_space<vmem>>
        %dma_wait3A_435 = arith.constant 0 : i32
        %dma_wait3A_436 = arith.constant 0 : i32
        %dma_wait3A_437 = arith.constant 0 : i32
        %dma_wait3A_438 = arith.constant 0 : i32
        %dma_wait3A_439 = tpu.memref_slice %arg3[%scan3A_122, %dma_wait3A_435, %dma_wait3A_436, %dma_wait3A_437, %dma_wait3A_438] : memref<2x32x25x5x80xi32, #tpu.memory_space<hbm>> -> memref<1x32x25x5x80xi32, #tpu.memory_space<hbm>>
        %dma_wait3A_440 = tpu.memref_squeeze %dma_wait3A_439 : memref<1x32x25x5x80xi32, #tpu.memory_space<hbm>> -> memref<32x25x5x80xi32, #tpu.memory_space<hbm>>
        %dma_wait3A_441 = arith.constant 0 : i32
        %dma_wait3A_442 = arith.constant 0 : i32
        %dma_wait3A_443 = tpu.memref_slice %dma_wait3A_440[%add3A, %add3A_430, %dma_wait3A_441, %dma_wait3A_442] : memref<32x25x5x80xi32, #tpu.memory_space<hbm>> -> memref<1x1x5x80xi32, #tpu.memory_space<hbm>>
        %dma_wait3A_444 = tpu.memref_squeeze %dma_wait3A_443 : memref<1x1x5x80xi32, #tpu.memory_space<hbm>> -> memref<5x80xi32, #tpu.memory_space<hbm>>
        %dma_wait3A_445 = tpu.memref_slice %arg12[%rem3A_203] : memref<3x!tpu.dma_semaphore, #tpu.memory_space<semaphore_mem>> -> memref<1x!tpu.dma_semaphore, #tpu.memory_space<semaphore_mem>>
        %dma_wait3A_446 = tpu.memref_squeeze %dma_wait3A_445 : memref<1x!tpu.dma_semaphore, #tpu.memory_space<semaphore_mem>> -> memref<!tpu.dma_semaphore, #tpu.memory_space<semaphore_mem>>
        %dma_wait3A_447 = arith.constant 0 : i32
        %dma_wait3A_448 = arith.constant 0 : i32
        %dma_wait3A_449 = tpu.memref_slice %arg6[%rem3A_203, %dma_wait3A_447, %dma_wait3A_448] : memref<3x5x80xi32, #tpu.memory_space<vmem>> -> memref<1x5x80xi32, #tpu.memory_space<vmem>>
        %dma_wait3A_450 = tpu.memref_squeeze %dma_wait3A_449 : memref<1x5x80xi32, #tpu.memory_space<vmem>> -> memref<5x80xi32, #tpu.memory_space<vmem>>
        %dma_wait3A_451 = arith.constant 0 : i32
        %dma_wait3A_452 = arith.constant 0 : i32
        %dma_wait3A_453 = arith.constant 0 : i32
        %dma_wait3A_454 = arith.constant 0 : i32
        %dma_wait3A_455 = tpu.memref_slice %arg3[%scan3A_122, %dma_wait3A_451, %dma_wait3A_452, %dma_wait3A_453, %dma_wait3A_454] : memref<2x32x25x5x80xi32, #tpu.memory_space<hbm>> -> memref<1x32x25x5x80xi32, #tpu.memory_space<hbm>>
        %dma_wait3A_456 = tpu.memref_squeeze %dma_wait3A_455 : memref<1x32x25x5x80xi32, #tpu.memory_space<hbm>> -> memref<32x25x5x80xi32, #tpu.memory_space<hbm>>
        %dma_wait3A_457 = arith.constant 0 : i32
        %dma_wait3A_458 = arith.constant 0 : i32
        %dma_wait3A_459 = tpu.memref_slice %dma_wait3A_456[%add3A, %add3A_430, %dma_wait3A_457, %dma_wait3A_458] : memref<32x25x5x80xi32, #tpu.memory_space<hbm>> -> memref<1x1x5x80xi32, #tpu.memory_space<hbm>>
        %dma_wait3A_460 = tpu.memref_squeeze %dma_wait3A_459 : memref<1x1x5x80xi32, #tpu.memory_space<hbm>> -> memref<5x80xi32, #tpu.memory_space<hbm>>
        tpu.wait_dma2 semaphore(%dma_wait3A_446 : memref<!tpu.dma_semaphore, #tpu.memory_space<semaphore_mem>>) src(%dma_wait3A_460 : memref<5x80xi32, #tpu.memory_space<hbm>>) dst(%dma_wait3A_450 : memref<5x80xi32, #tpu.memory_space<vmem>>)
        %add3A_461 = arith.constant 1 : i32
        %add3A_462 = arith.addi %scan3A_198, %add3A_461 : i32
        %dma_wait3A_463 = arith.constant 0 : i32
        %dma_wait3A_464 = arith.constant 0 : i32
        %dma_wait3A_465 = tpu.memref_slice %arg7[%rem3A_203, %dma_wait3A_463, %dma_wait3A_464] : memref<3x5x80xi32, #tpu.memory_space<vmem>> -> memref<1x5x80xi32, #tpu.memory_space<vmem>>
        %dma_wait3A_466 = tpu.memref_squeeze %dma_wait3A_465 : memref<1x5x80xi32, #tpu.memory_space<vmem>> -> memref<5x80xi32, #tpu.memory_space<vmem>>
        %dma_wait3A_467 = arith.constant 0 : i32
        %dma_wait3A_468 = arith.constant 0 : i32
        %dma_wait3A_469 = arith.constant 0 : i32
        %dma_wait3A_470 = arith.constant 0 : i32
        %dma_wait3A_471 = tpu.memref_slice %arg3[%scan3A_123, %dma_wait3A_467, %dma_wait3A_468, %dma_wait3A_469, %dma_wait3A_470] : memref<2x32x25x5x80xi32, #tpu.memory_space<hbm>> -> memref<1x32x25x5x80xi32, #tpu.memory_space<hbm>>
        %dma_wait3A_472 = tpu.memref_squeeze %dma_wait3A_471 : memref<1x32x25x5x80xi32, #tpu.memory_space<hbm>> -> memref<32x25x5x80xi32, #tpu.memory_space<hbm>>
        %dma_wait3A_473 = arith.constant 0 : i32
        %dma_wait3A_474 = arith.constant 0 : i32
        %dma_wait3A_475 = tpu.memref_slice %dma_wait3A_472[%add3A, %add3A_462, %dma_wait3A_473, %dma_wait3A_474] : memref<32x25x5x80xi32, #tpu.memory_space<hbm>> -> memref<1x1x5x80xi32, #tpu.memory_space<hbm>>
        %dma_wait3A_476 = tpu.memref_squeeze %dma_wait3A_475 : memref<1x1x5x80xi32, #tpu.memory_space<hbm>> -> memref<5x80xi32, #tpu.memory_space<hbm>>
        %dma_wait3A_477 = tpu.memref_slice %arg12[%rem3A_203] : memref<3x!tpu.dma_semaphore, #tpu.memory_space<semaphore_mem>> -> memref<1x!tpu.dma_semaphore, #tpu.memory_space<semaphore_mem>>
        %dma_wait3A_478 = tpu.memref_squeeze %dma_wait3A_477 : memref<1x!tpu.dma_semaphore, #tpu.memory_space<semaphore_mem>> -> memref<!tpu.dma_semaphore, #tpu.memory_space<semaphore_mem>>
        %dma_wait3A_479 = arith.constant 0 : i32
        %dma_wait3A_480 = arith.constant 0 : i32
        %dma_wait3A_481 = tpu.memref_slice %arg7[%rem3A_203, %dma_wait3A_479, %dma_wait3A_480] : memref<3x5x80xi32, #tpu.memory_space<vmem>> -> memref<1x5x80xi32, #tpu.memory_space<vmem>>
        %dma_wait3A_482 = tpu.memref_squeeze %dma_wait3A_481 : memref<1x5x80xi32, #tpu.memory_space<vmem>> -> memref<5x80xi32, #tpu.memory_space<vmem>>
        %dma_wait3A_483 = arith.constant 0 : i32
        %dma_wait3A_484 = arith.constant 0 : i32
        %dma_wait3A_485 = arith.constant 0 : i32
        %dma_wait3A_486 = arith.constant 0 : i32
        %dma_wait3A_487 = tpu.memref_slice %arg3[%scan3A_123, %dma_wait3A_483, %dma_wait3A_484, %dma_wait3A_485, %dma_wait3A_486] : memref<2x32x25x5x80xi32, #tpu.memory_space<hbm>> -> memref<1x32x25x5x80xi32, #tpu.memory_space<hbm>>
        %dma_wait3A_488 = tpu.memref_squeeze %dma_wait3A_487 : memref<1x32x25x5x80xi32, #tpu.memory_space<hbm>> -> memref<32x25x5x80xi32, #tpu.memory_space<hbm>>
        %dma_wait3A_489 = arith.constant 0 : i32
        %dma_wait3A_490 = arith.constant 0 : i32
        %dma_wait3A_491 = tpu.memref_slice %dma_wait3A_488[%add3A, %add3A_462, %dma_wait3A_489, %dma_wait3A_490] : memref<32x25x5x80xi32, #tpu.memory_space<hbm>> -> memref<1x1x5x80xi32, #tpu.memory_space<hbm>>
        %dma_wait3A_492 = tpu.memref_squeeze %dma_wait3A_491 : memref<1x1x5x80xi32, #tpu.memory_space<hbm>> -> memref<5x80xi32, #tpu.memory_space<hbm>>
        tpu.wait_dma2 semaphore(%dma_wait3A_478 : memref<!tpu.dma_semaphore, #tpu.memory_space<semaphore_mem>>) src(%dma_wait3A_492 : memref<5x80xi32, #tpu.memory_space<hbm>>) dst(%dma_wait3A_482 : memref<5x80xi32, #tpu.memory_space<vmem>>)
      } else {
      }
      %add3A_344 = arith.constant 2 : i32
      %add3A_345 = arith.addi %add3A_334, %add3A_344 : i32
      %rem3A_346 = arith.constant 4 : i32
      %rem3A_347 = arith.remsi %add3A_345, %rem3A_346 : i32
      %lt3A_348 = arith.constant 125 : i32
      %lt3A_349 = arith.cmpi slt, %add3A_345, %lt3A_348 : i32
      %convert_element_type3A_350 = arith.extui %lt3A_349 : i1 to i32
      %cond3A_351 = arith.constant 0 : i32
      %cond3A_352 = arith.constant 0 : i32
      %cond3A_353 = arith.cmpi ne, %convert_element_type3A_350, %cond3A_352 : i32
      scf.if %cond3A_353 {
        %ge3A = arith.constant 2 : i32
        %ge3A_429 = arith.cmpi sge, %add3A_334, %ge3A : i32
        %convert_element_type3A_430 = arith.extui %ge3A_429 : i1 to i32
        %cond3A_431 = arith.constant 0 : i32
        %cond3A_432 = arith.cmpi ne, %convert_element_type3A_430, %cond3A_431 : i32
        scf.if %cond3A_432 {
          %dma_wait3A_445 = arith.constant 0 : i32
          %dma_wait3A_446 = arith.constant 0 : i32
          %dma_wait3A_447 = arith.constant 0 : i32
          %dma_wait3A_448 = tpu.memref_slice %arg8[%rem3A_347, %dma_wait3A_446, %dma_wait3A_447] : memref<4x80x128xf32, #tpu.memory_space<vmem>> -> memref<1x80x128xf32, #tpu.memory_space<vmem>>
          %dma_wait3A_449 = tpu.memref_squeeze %dma_wait3A_448 : memref<1x80x128xf32, #tpu.memory_space<vmem>> -> memref<80x128xf32, #tpu.memory_space<vmem>>
          %dma_wait3A_450 = arith.constant 0 : i32
          %dma_wait3A_451 = tpu.memref_slice %arg7[%rem3A_199, %dma_wait3A_445, %dma_wait3A_450] : memref<3x5x80xi32, #tpu.memory_space<vmem>> -> memref<1x1x80xi32, #tpu.memory_space<vmem>>
          %dma_wait3A_452 = tpu.memref_squeeze %dma_wait3A_451 : memref<1x1x80xi32, #tpu.memory_space<vmem>> -> memref<80xi32, #tpu.memory_space<vmem>>
          %dma_wait3A_453 = arith.constant 0 : i32
          %dma_wait3A_454 = arith.constant 0 : i32
          %dma_wait3A_455 = tpu.memref_slice %arg9[%dma_wait3A_453, %dma_wait3A_454] : memref<10240x128xf32, #tpu.memory_space<vmem_shared>> -> memref<10240x128xf32, #tpu.memory_space<vmem_shared>>
          %dma_wait3A_456 = tpu.memref_slice %arg11[%rem3A_347] : memref<4x!tpu.dma_semaphore, #tpu.memory_space<semaphore_mem>> -> memref<1x!tpu.dma_semaphore, #tpu.memory_space<semaphore_mem>>
          %dma_wait3A_457 = tpu.memref_squeeze %dma_wait3A_456 : memref<1x!tpu.dma_semaphore, #tpu.memory_space<semaphore_mem>> -> memref<!tpu.dma_semaphore, #tpu.memory_space<semaphore_mem>>
          tpu.wait_indirect_dma semaphore(%dma_wait3A_457 : memref<!tpu.dma_semaphore, #tpu.memory_space<semaphore_mem>>) src(%dma_wait3A_449 : memref<80x128xf32, #tpu.memory_space<vmem>>) dst(%dma_wait3A_455 : memref<10240x128xf32, #tpu.memory_space<vmem_shared>>)
        } else {
        }
        %dma_start3A_433 = arith.constant 0 : i32
        %dma_start3A_434 = arith.constant 0 : i32
        %dma_start3A_435 = tpu.memref_slice %arg8[%rem3A_347, %dma_start3A_433, %dma_start3A_434] : memref<4x80x128xf32, #tpu.memory_space<vmem>> -> memref<1x80x128xf32, #tpu.memory_space<vmem>>
        %dma_start3A_436 = tpu.memref_squeeze %dma_start3A_435 : memref<1x80x128xf32, #tpu.memory_space<vmem>> -> memref<80x128xf32, #tpu.memory_space<vmem>>
        %dma_start3A_437 = arith.constant 0 : i32
        %dma_start3A_438 = tpu.memref_slice %arg6[%rem3A_203, %cond3A_351, %dma_start3A_437] : memref<3x5x80xi32, #tpu.memory_space<vmem>> -> memref<1x1x80xi32, #tpu.memory_space<vmem>>
        %dma_start3A_439 = tpu.memref_squeeze %dma_start3A_438 : memref<1x1x80xi32, #tpu.memory_space<vmem>> -> memref<80xi32, #tpu.memory_space<vmem>>
        %dma_start3A_440 = arith.constant 0 : i32
        %dma_start3A_441 = arith.constant 0 : i32
        %dma_start3A_442 = tpu.memref_slice %arg2[%dma_start3A_440, %dma_start3A_441] : memref<10000x128xf32, #tpu.memory_space<hbm>> -> memref<10000x128xf32, #tpu.memory_space<hbm>>
        %dma_start3A_443 = tpu.memref_slice %arg10[%rem3A_347] : memref<4x!tpu.dma_semaphore, #tpu.memory_space<semaphore_mem>> -> memref<1x!tpu.dma_semaphore, #tpu.memory_space<semaphore_mem>>
        %dma_start3A_444 = tpu.memref_squeeze %dma_start3A_443 : memref<1x!tpu.dma_semaphore, #tpu.memory_space<semaphore_mem>> -> memref<!tpu.dma_semaphore, #tpu.memory_space<semaphore_mem>>
        tpu.enqueue_indirect_dma source(%dma_start3A_442 : memref<10000x128xf32, #tpu.memory_space<hbm>>) target(%dma_start3A_436 : memref<80x128xf32, #tpu.memory_space<vmem>>) offsets(%dma_start3A_439 : memref<80xi32, #tpu.memory_space<vmem>>) semaphore(%dma_start3A_444 : memref<!tpu.dma_semaphore, #tpu.memory_space<semaphore_mem>>)
      } else {
      }
      %dma_wait3A_354 = arith.constant 3 : i32
      %dma_wait3A_355 = arith.constant 0 : i32
      %dma_wait3A_356 = arith.constant 0 : i32
      %dma_wait3A_357 = tpu.memref_slice %arg8[%rem3A_336, %dma_wait3A_355, %dma_wait3A_356] : memref<4x80x128xf32, #tpu.memory_space<vmem>> -> memref<1x80x128xf32, #tpu.memory_space<vmem>>
      %dma_wait3A_358 = tpu.memref_squeeze %dma_wait3A_357 : memref<1x80x128xf32, #tpu.memory_space<vmem>> -> memref<80x128xf32, #tpu.memory_space<vmem>>
      %dma_wait3A_359 = arith.constant 0 : i32
      %dma_wait3A_360 = tpu.memref_slice %arg6[%rem3A_199, %dma_wait3A_354, %dma_wait3A_359] : memref<3x5x80xi32, #tpu.memory_space<vmem>> -> memref<1x1x80xi32, #tpu.memory_space<vmem>>
      %dma_wait3A_361 = tpu.memref_squeeze %dma_wait3A_360 : memref<1x1x80xi32, #tpu.memory_space<vmem>> -> memref<80xi32, #tpu.memory_space<vmem>>
      %dma_wait3A_362 = arith.constant 0 : i32
      %dma_wait3A_363 = arith.constant 0 : i32
      %dma_wait3A_364 = tpu.memref_slice %arg2[%dma_wait3A_362, %dma_wait3A_363] : memref<10000x128xf32, #tpu.memory_space<hbm>> -> memref<10000x128xf32, #tpu.memory_space<hbm>>
      %dma_wait3A_365 = tpu.memref_slice %arg10[%rem3A_336] : memref<4x!tpu.dma_semaphore, #tpu.memory_space<semaphore_mem>> -> memref<1x!tpu.dma_semaphore, #tpu.memory_space<semaphore_mem>>
      %dma_wait3A_366 = tpu.memref_squeeze %dma_wait3A_365 : memref<1x!tpu.dma_semaphore, #tpu.memory_space<semaphore_mem>> -> memref<!tpu.dma_semaphore, #tpu.memory_space<semaphore_mem>>
      tpu.wait_indirect_dma semaphore(%dma_wait3A_366 : memref<!tpu.dma_semaphore, #tpu.memory_space<semaphore_mem>>) src(%dma_wait3A_364 : memref<10000x128xf32, #tpu.memory_space<hbm>>) dst(%dma_wait3A_358 : memref<80x128xf32, #tpu.memory_space<vmem>>)
      %dma_start3A_367 = arith.constant 3 : i32
      %dma_start3A_368 = arith.constant 0 : i32
      %dma_start3A_369 = arith.constant 0 : i32
      %dma_start3A_370 = tpu.memref_slice %arg8[%rem3A_336, %dma_start3A_368, %dma_start3A_369] : memref<4x80x128xf32, #tpu.memory_space<vmem>> -> memref<1x80x128xf32, #tpu.memory_space<vmem>>
      %dma_start3A_371 = tpu.memref_squeeze %dma_start3A_370 : memref<1x80x128xf32, #tpu.memory_space<vmem>> -> memref<80x128xf32, #tpu.memory_space<vmem>>
      %dma_start3A_372 = arith.constant 0 : i32
      %dma_start3A_373 = tpu.memref_slice %arg7[%rem3A_199, %dma_start3A_367, %dma_start3A_372] : memref<3x5x80xi32, #tpu.memory_space<vmem>> -> memref<1x1x80xi32, #tpu.memory_space<vmem>>
      %dma_start3A_374 = tpu.memref_squeeze %dma_start3A_373 : memref<1x1x80xi32, #tpu.memory_space<vmem>> -> memref<80xi32, #tpu.memory_space<vmem>>
      %dma_start3A_375 = arith.constant 0 : i32
      %dma_start3A_376 = arith.constant 0 : i32
      %dma_start3A_377 = tpu.memref_slice %arg9[%dma_start3A_375, %dma_start3A_376] : memref<10240x128xf32, #tpu.memory_space<vmem_shared>> -> memref<10240x128xf32, #tpu.memory_space<vmem_shared>>
      %dma_start3A_378 = tpu.memref_slice %arg11[%rem3A_336] : memref<4x!tpu.dma_semaphore, #tpu.memory_space<semaphore_mem>> -> memref<1x!tpu.dma_semaphore, #tpu.memory_space<semaphore_mem>>
      %dma_start3A_379 = tpu.memref_squeeze %dma_start3A_378 : memref<1x!tpu.dma_semaphore, #tpu.memory_space<semaphore_mem>> -> memref<!tpu.dma_semaphore, #tpu.memory_space<semaphore_mem>>
      tpu.enqueue_indirect_dma source(%dma_start3A_371 : memref<80x128xf32, #tpu.memory_space<vmem>>) target(%dma_start3A_377 : memref<10240x128xf32, #tpu.memory_space<vmem_shared>>) offsets(%dma_start3A_374 : memref<80xi32, #tpu.memory_space<vmem>>) semaphore(%dma_start3A_379 : memref<!tpu.dma_semaphore, #tpu.memory_space<semaphore_mem>>) {add = true}
      %mul3A_380 = arith.constant 5 : i32
      %mul3A_381 = arith.muli %scan3A_198, %mul3A_380 : i32
      %add3A_382 = arith.constant 4 : i32
      %add3A_383 = arith.addi %mul3A_381, %add3A_382 : i32
      %rem3A_384 = arith.constant 4 : i32
      %rem3A_385 = arith.remsi %add3A_383, %rem3A_384 : i32
      %add3A_386 = arith.constant 2 : i32
      %add3A_387 = arith.addi %add3A_383, %add3A_386 : i32
      %rem3A_388 = arith.constant 4 : i32
      %rem3A_389 = arith.remsi %add3A_387, %rem3A_388 : i32
      %lt3A_390 = arith.constant 125 : i32
      %lt3A_391 = arith.cmpi slt, %add3A_387, %lt3A_390 : i32
      %convert_element_type3A_392 = arith.extui %lt3A_391 : i1 to i32
      %cond3A_393 = arith.constant 1 : i32
      %cond3A_394 = arith.constant 0 : i32
      %cond3A_395 = arith.cmpi ne, %convert_element_type3A_392, %cond3A_394 : i32
      scf.if %cond3A_395 {
        %ge3A = arith.constant 2 : i32
        %ge3A_429 = arith.cmpi sge, %add3A_383, %ge3A : i32
        %convert_element_type3A_430 = arith.extui %ge3A_429 : i1 to i32
        %cond3A_431 = arith.constant 0 : i32
        %cond3A_432 = arith.cmpi ne, %convert_element_type3A_430, %cond3A_431 : i32
        scf.if %cond3A_432 {
          %dma_wait3A_445 = arith.constant 0 : i32
          %dma_wait3A_446 = arith.constant 0 : i32
          %dma_wait3A_447 = arith.constant 0 : i32
          %dma_wait3A_448 = tpu.memref_slice %arg8[%rem3A_389, %dma_wait3A_446, %dma_wait3A_447] : memref<4x80x128xf32, #tpu.memory_space<vmem>> -> memref<1x80x128xf32, #tpu.memory_space<vmem>>
          %dma_wait3A_449 = tpu.memref_squeeze %dma_wait3A_448 : memref<1x80x128xf32, #tpu.memory_space<vmem>> -> memref<80x128xf32, #tpu.memory_space<vmem>>
          %dma_wait3A_450 = arith.constant 0 : i32
          %dma_wait3A_451 = tpu.memref_slice %arg7[%rem3A_199, %dma_wait3A_445, %dma_wait3A_450] : memref<3x5x80xi32, #tpu.memory_space<vmem>> -> memref<1x1x80xi32, #tpu.memory_space<vmem>>
          %dma_wait3A_452 = tpu.memref_squeeze %dma_wait3A_451 : memref<1x1x80xi32, #tpu.memory_space<vmem>> -> memref<80xi32, #tpu.memory_space<vmem>>
          %dma_wait3A_453 = arith.constant 0 : i32
          %dma_wait3A_454 = arith.constant 0 : i32
          %dma_wait3A_455 = tpu.memref_slice %arg9[%dma_wait3A_453, %dma_wait3A_454] : memref<10240x128xf32, #tpu.memory_space<vmem_shared>> -> memref<10240x128xf32, #tpu.memory_space<vmem_shared>>
          %dma_wait3A_456 = tpu.memref_slice %arg11[%rem3A_389] : memref<4x!tpu.dma_semaphore, #tpu.memory_space<semaphore_mem>> -> memref<1x!tpu.dma_semaphore, #tpu.memory_space<semaphore_mem>>
          %dma_wait3A_457 = tpu.memref_squeeze %dma_wait3A_456 : memref<1x!tpu.dma_semaphore, #tpu.memory_space<semaphore_mem>> -> memref<!tpu.dma_semaphore, #tpu.memory_space<semaphore_mem>>
          tpu.wait_indirect_dma semaphore(%dma_wait3A_457 : memref<!tpu.dma_semaphore, #tpu.memory_space<semaphore_mem>>) src(%dma_wait3A_449 : memref<80x128xf32, #tpu.memory_space<vmem>>) dst(%dma_wait3A_455 : memref<10240x128xf32, #tpu.memory_space<vmem_shared>>)
        } else {
        }
        %dma_start3A_433 = arith.constant 0 : i32
        %dma_start3A_434 = arith.constant 0 : i32
        %dma_start3A_435 = tpu.memref_slice %arg8[%rem3A_389, %dma_start3A_433, %dma_start3A_434] : memref<4x80x128xf32, #tpu.memory_space<vmem>> -> memref<1x80x128xf32, #tpu.memory_space<vmem>>
        %dma_start3A_436 = tpu.memref_squeeze %dma_start3A_435 : memref<1x80x128xf32, #tpu.memory_space<vmem>> -> memref<80x128xf32, #tpu.memory_space<vmem>>
        %dma_start3A_437 = arith.constant 0 : i32
        %dma_start3A_438 = tpu.memref_slice %arg6[%rem3A_203, %cond3A_393, %dma_start3A_437] : memref<3x5x80xi32, #tpu.memory_space<vmem>> -> memref<1x1x80xi32, #tpu.memory_space<vmem>>
        %dma_start3A_439 = tpu.memref_squeeze %dma_start3A_438 : memref<1x1x80xi32, #tpu.memory_space<vmem>> -> memref<80xi32, #tpu.memory_space<vmem>>
        %dma_start3A_440 = arith.constant 0 : i32
        %dma_start3A_441 = arith.constant 0 : i32
        %dma_start3A_442 = tpu.memref_slice %arg2[%dma_start3A_440, %dma_start3A_441] : memref<10000x128xf32, #tpu.memory_space<hbm>> -> memref<10000x128xf32, #tpu.memory_space<hbm>>
        %dma_start3A_443 = tpu.memref_slice %arg10[%rem3A_389] : memref<4x!tpu.dma_semaphore, #tpu.memory_space<semaphore_mem>> -> memref<1x!tpu.dma_semaphore, #tpu.memory_space<semaphore_mem>>
        %dma_start3A_444 = tpu.memref_squeeze %dma_start3A_443 : memref<1x!tpu.dma_semaphore, #tpu.memory_space<semaphore_mem>> -> memref<!tpu.dma_semaphore, #tpu.memory_space<semaphore_mem>>
        tpu.enqueue_indirect_dma source(%dma_start3A_442 : memref<10000x128xf32, #tpu.memory_space<hbm>>) target(%dma_start3A_436 : memref<80x128xf32, #tpu.memory_space<vmem>>) offsets(%dma_start3A_439 : memref<80xi32, #tpu.memory_space<vmem>>) semaphore(%dma_start3A_444 : memref<!tpu.dma_semaphore, #tpu.memory_space<semaphore_mem>>)
      } else {
      }
      %dma_wait3A_396 = arith.constant 4 : i32
      %dma_wait3A_397 = arith.constant 0 : i32
      %dma_wait3A_398 = arith.constant 0 : i32
      %dma_wait3A_399 = tpu.memref_slice %arg8[%rem3A_385, %dma_wait3A_397, %dma_wait3A_398] : memref<4x80x128xf32, #tpu.memory_space<vmem>> -> memref<1x80x128xf32, #tpu.memory_space<vmem>>
      %dma_wait3A_400 = tpu.memref_squeeze %dma_wait3A_399 : memref<1x80x128xf32, #tpu.memory_space<vmem>> -> memref<80x128xf32, #tpu.memory_space<vmem>>
      %dma_wait3A_401 = arith.constant 0 : i32
      %dma_wait3A_402 = tpu.memref_slice %arg6[%rem3A_199, %dma_wait3A_396, %dma_wait3A_401] : memref<3x5x80xi32, #tpu.memory_space<vmem>> -> memref<1x1x80xi32, #tpu.memory_space<vmem>>
      %dma_wait3A_403 = tpu.memref_squeeze %dma_wait3A_402 : memref<1x1x80xi32, #tpu.memory_space<vmem>> -> memref<80xi32, #tpu.memory_space<vmem>>
      %dma_wait3A_404 = arith.constant 0 : i32
      %dma_wait3A_405 = arith.constant 0 : i32
      %dma_wait3A_406 = tpu.memref_slice %arg2[%dma_wait3A_404, %dma_wait3A_405] : memref<10000x128xf32, #tpu.memory_space<hbm>> -> memref<10000x128xf32, #tpu.memory_space<hbm>>
      %dma_wait3A_407 = tpu.memref_slice %arg10[%rem3A_385] : memref<4x!tpu.dma_semaphore, #tpu.memory_space<semaphore_mem>> -> memref<1x!tpu.dma_semaphore, #tpu.memory_space<semaphore_mem>>
      %dma_wait3A_408 = tpu.memref_squeeze %dma_wait3A_407 : memref<1x!tpu.dma_semaphore, #tpu.memory_space<semaphore_mem>> -> memref<!tpu.dma_semaphore, #tpu.memory_space<semaphore_mem>>
      tpu.wait_indirect_dma semaphore(%dma_wait3A_408 : memref<!tpu.dma_semaphore, #tpu.memory_space<semaphore_mem>>) src(%dma_wait3A_406 : memref<10000x128xf32, #tpu.memory_space<hbm>>) dst(%dma_wait3A_400 : memref<80x128xf32, #tpu.memory_space<vmem>>)
      %dma_start3A_409 = arith.constant 4 : i32
      %dma_start3A_410 = arith.constant 0 : i32
      %dma_start3A_411 = arith.constant 0 : i32
      %dma_start3A_412 = tpu.memref_slice %arg8[%rem3A_385, %dma_start3A_410, %dma_start3A_411] : memref<4x80x128xf32, #tpu.memory_space<vmem>> -> memref<1x80x128xf32, #tpu.memory_space<vmem>>
      %dma_start3A_413 = tpu.memref_squeeze %dma_start3A_412 : memref<1x80x128xf32, #tpu.memory_space<vmem>> -> memref<80x128xf32, #tpu.memory_space<vmem>>
      %dma_start3A_414 = arith.constant 0 : i32
      %dma_start3A_415 = tpu.memref_slice %arg7[%rem3A_199, %dma_start3A_409, %dma_start3A_414] : memref<3x5x80xi32, #tpu.memory_space<vmem>> -> memref<1x1x80xi32, #tpu.memory_space<vmem>>
      %dma_start3A_416 = tpu.memref_squeeze %dma_start3A_415 : memref<1x1x80xi32, #tpu.memory_space<vmem>> -> memref<80xi32, #tpu.memory_space<vmem>>
      %dma_start3A_417 = arith.constant 0 : i32
      %dma_start3A_418 = arith.constant 0 : i32
      %dma_start3A_419 = tpu.memref_slice %arg9[%dma_start3A_417, %dma_start3A_418] : memref<10240x128xf32, #tpu.memory_space<vmem_shared>> -> memref<10240x128xf32, #tpu.memory_space<vmem_shared>>
      %dma_start3A_420 = tpu.memref_slice %arg11[%rem3A_385] : memref<4x!tpu.dma_semaphore, #tpu.memory_space<semaphore_mem>> -> memref<1x!tpu.dma_semaphore, #tpu.memory_space<semaphore_mem>>
      %dma_start3A_421 = tpu.memref_squeeze %dma_start3A_420 : memref<1x!tpu.dma_semaphore, #tpu.memory_space<semaphore_mem>> -> memref<!tpu.dma_semaphore, #tpu.memory_space<semaphore_mem>>
      tpu.enqueue_indirect_dma source(%dma_start3A_413 : memref<80x128xf32, #tpu.memory_space<vmem>>) target(%dma_start3A_419 : memref<10240x128xf32, #tpu.memory_space<vmem_shared>>) offsets(%dma_start3A_416 : memref<80xi32, #tpu.memory_space<vmem>>) semaphore(%dma_start3A_421 : memref<!tpu.dma_semaphore, #tpu.memory_space<semaphore_mem>>) {add = true}
      %add3A_422 = arith.constant 2 : i32
      %add3A_423 = arith.addi %scan3A_198, %add3A_422 : i32
      %lt3A_424 = arith.constant 25 : i32
      %lt3A_425 = arith.cmpi slt, %add3A_423, %lt3A_424 : i32
      %convert_element_type3A_426 = arith.extui %lt3A_425 : i1 to i32
      %cond3A_427 = arith.constant 0 : i32
      %cond3A_428 = arith.cmpi ne, %convert_element_type3A_426, %cond3A_427 : i32
      scf.if %cond3A_428 {
        %add3A_429 = arith.constant 2 : i32
        %add3A_430 = arith.addi %scan3A_198, %add3A_429 : i32
        %dma_start3A_431 = arith.constant 0 : i32
        %dma_start3A_432 = arith.constant 0 : i32
        %dma_start3A_433 = tpu.memref_slice %arg6[%rem3A_207, %dma_start3A_431, %dma_start3A_432] : memref<3x5x80xi32, #tpu.memory_space<vmem>> -> memref<1x5x80xi32, #tpu.memory_space<vmem>>
        %dma_start3A_434 = tpu.memref_squeeze %dma_start3A_433 : memref<1x5x80xi32, #tpu.memory_space<vmem>> -> memref<5x80xi32, #tpu.memory_space<vmem>>
        %dma_start3A_435 = arith.constant 0 : i32
        %dma_start3A_436 = arith.constant 0 : i32
        %dma_start3A_437 = arith.constant 0 : i32
        %dma_start3A_438 = arith.constant 0 : i32
        %dma_start3A_439 = tpu.memref_slice %arg3[%scan3A_122, %dma_start3A_435, %dma_start3A_436, %dma_start3A_437, %dma_start3A_438] : memref<2x32x25x5x80xi32, #tpu.memory_space<hbm>> -> memref<1x32x25x5x80xi32, #tpu.memory_space<hbm>>
        %dma_start3A_440 = tpu.memref_squeeze %dma_start3A_439 : memref<1x32x25x5x80xi32, #tpu.memory_space<hbm>> -> memref<32x25x5x80xi32, #tpu.memory_space<hbm>>
        %dma_start3A_441 = arith.constant 0 : i32
        %dma_start3A_442 = arith.constant 0 : i32
        %dma_start3A_443 = tpu.memref_slice %dma_start3A_440[%add3A, %add3A_430, %dma_start3A_441, %dma_start3A_442] : memref<32x25x5x80xi32, #tpu.memory_space<hbm>> -> memref<1x1x5x80xi32, #tpu.memory_space<hbm>>
        %dma_start3A_444 = tpu.memref_squeeze %dma_start3A_443 : memref<1x1x5x80xi32, #tpu.memory_space<hbm>> -> memref<5x80xi32, #tpu.memory_space<hbm>>
        %dma_start3A_445 = tpu.memref_slice %arg12[%rem3A_207] : memref<3x!tpu.dma_semaphore, #tpu.memory_space<semaphore_mem>> -> memref<1x!tpu.dma_semaphore, #tpu.memory_space<semaphore_mem>>
        %dma_start3A_446 = tpu.memref_squeeze %dma_start3A_445 : memref<1x!tpu.dma_semaphore, #tpu.memory_space<semaphore_mem>> -> memref<!tpu.dma_semaphore, #tpu.memory_space<semaphore_mem>>
        %dma_start3A_447 = arith.constant 0 : i32
        %dma_start3A_448 = arith.constant 0 : i32
        %dma_start3A_449 = tpu.memref_slice %arg6[%rem3A_207, %dma_start3A_447, %dma_start3A_448] : memref<3x5x80xi32, #tpu.memory_space<vmem>> -> memref<1x5x80xi32, #tpu.memory_space<vmem>>
        %dma_start3A_450 = tpu.memref_squeeze %dma_start3A_449 : memref<1x5x80xi32, #tpu.memory_space<vmem>> -> memref<5x80xi32, #tpu.memory_space<vmem>>
        %dma_start3A_451 = arith.constant 0 : i32
        %dma_start3A_452 = arith.constant 0 : i32
        %dma_start3A_453 = arith.constant 0 : i32
        %dma_start3A_454 = arith.constant 0 : i32
        %dma_start3A_455 = tpu.memref_slice %arg3[%scan3A_122, %dma_start3A_451, %dma_start3A_452, %dma_start3A_453, %dma_start3A_454] : memref<2x32x25x5x80xi32, #tpu.memory_space<hbm>> -> memref<1x32x25x5x80xi32, #tpu.memory_space<hbm>>
        %dma_start3A_456 = tpu.memref_squeeze %dma_start3A_455 : memref<1x32x25x5x80xi32, #tpu.memory_space<hbm>> -> memref<32x25x5x80xi32, #tpu.memory_space<hbm>>
        %dma_start3A_457 = arith.constant 0 : i32
        %dma_start3A_458 = arith.constant 0 : i32
        %dma_start3A_459 = tpu.memref_slice %dma_start3A_456[%add3A, %add3A_430, %dma_start3A_457, %dma_start3A_458] : memref<32x25x5x80xi32, #tpu.memory_space<hbm>> -> memref<1x1x5x80xi32, #tpu.memory_space<hbm>>
        %dma_start3A_460 = tpu.memref_squeeze %dma_start3A_459 : memref<1x1x5x80xi32, #tpu.memory_space<hbm>> -> memref<5x80xi32, #tpu.memory_space<hbm>>
        tpu.enqueue_dma source(%dma_start3A_460 : memref<5x80xi32, #tpu.memory_space<hbm>>) target(%dma_start3A_450 : memref<5x80xi32, #tpu.memory_space<vmem>>) target_semaphore(%dma_start3A_446 : memref<!tpu.dma_semaphore, #tpu.memory_space<semaphore_mem>>)
        %add3A_461 = arith.constant 2 : i32
        %add3A_462 = arith.addi %scan3A_198, %add3A_461 : i32
        %dma_start3A_463 = arith.constant 0 : i32
        %dma_start3A_464 = arith.constant 0 : i32
        %dma_start3A_465 = tpu.memref_slice %arg7[%rem3A_207, %dma_start3A_463, %dma_start3A_464] : memref<3x5x80xi32, #tpu.memory_space<vmem>> -> memref<1x5x80xi32, #tpu.memory_space<vmem>>
        %dma_start3A_466 = tpu.memref_squeeze %dma_start3A_465 : memref<1x5x80xi32, #tpu.memory_space<vmem>> -> memref<5x80xi32, #tpu.memory_space<vmem>>
        %dma_start3A_467 = arith.constant 0 : i32
        %dma_start3A_468 = arith.constant 0 : i32
        %dma_start3A_469 = arith.constant 0 : i32
        %dma_start3A_470 = arith.constant 0 : i32
        %dma_start3A_471 = tpu.memref_slice %arg3[%scan3A_123, %dma_start3A_467, %dma_start3A_468, %dma_start3A_469, %dma_start3A_470] : memref<2x32x25x5x80xi32, #tpu.memory_space<hbm>> -> memref<1x32x25x5x80xi32, #tpu.memory_space<hbm>>
        %dma_start3A_472 = tpu.memref_squeeze %dma_start3A_471 : memref<1x32x25x5x80xi32, #tpu.memory_space<hbm>> -> memref<32x25x5x80xi32, #tpu.memory_space<hbm>>
        %dma_start3A_473 = arith.constant 0 : i32
        %dma_start3A_474 = arith.constant 0 : i32
        %dma_start3A_475 = tpu.memref_slice %dma_start3A_472[%add3A, %add3A_462, %dma_start3A_473, %dma_start3A_474] : memref<32x25x5x80xi32, #tpu.memory_space<hbm>> -> memref<1x1x5x80xi32, #tpu.memory_space<hbm>>
        %dma_start3A_476 = tpu.memref_squeeze %dma_start3A_475 : memref<1x1x5x80xi32, #tpu.memory_space<hbm>> -> memref<5x80xi32, #tpu.memory_space<hbm>>
        %dma_start3A_477 = tpu.memref_slice %arg12[%rem3A_207] : memref<3x!tpu.dma_semaphore, #tpu.memory_space<semaphore_mem>> -> memref<1x!tpu.dma_semaphore, #tpu.memory_space<semaphore_mem>>
        %dma_start3A_478 = tpu.memref_squeeze %dma_start3A_477 : memref<1x!tpu.dma_semaphore, #tpu.memory_space<semaphore_mem>> -> memref<!tpu.dma_semaphore, #tpu.memory_space<semaphore_mem>>
        %dma_start3A_479 = arith.constant 0 : i32
        %dma_start3A_480 = arith.constant 0 : i32
        %dma_start3A_481 = tpu.memref_slice %arg7[%rem3A_207, %dma_start3A_479, %dma_start3A_480] : memref<3x5x80xi32, #tpu.memory_space<vmem>> -> memref<1x5x80xi32, #tpu.memory_space<vmem>>
        %dma_start3A_482 = tpu.memref_squeeze %dma_start3A_481 : memref<1x5x80xi32, #tpu.memory_space<vmem>> -> memref<5x80xi32, #tpu.memory_space<vmem>>
        %dma_start3A_483 = arith.constant 0 : i32
        %dma_start3A_484 = arith.constant 0 : i32
        %dma_start3A_485 = arith.constant 0 : i32
        %dma_start3A_486 = arith.constant 0 : i32
        %dma_start3A_487 = tpu.memref_slice %arg3[%scan3A_123, %dma_start3A_483, %dma_start3A_484, %dma_start3A_485, %dma_start3A_486] : memref<2x32x25x5x80xi32, #tpu.memory_space<hbm>> -> memref<1x32x25x5x80xi32, #tpu.memory_space<hbm>>
        %dma_start3A_488 = tpu.memref_squeeze %dma_start3A_487 : memref<1x32x25x5x80xi32, #tpu.memory_space<hbm>> -> memref<32x25x5x80xi32, #tpu.memory_space<hbm>>
        %dma_start3A_489 = arith.constant 0 : i32
        %dma_start3A_490 = arith.constant 0 : i32
        %dma_start3A_491 = tpu.memref_slice %dma_start3A_488[%add3A, %add3A_462, %dma_start3A_489, %dma_start3A_490] : memref<32x25x5x80xi32, #tpu.memory_space<hbm>> -> memref<1x1x5x80xi32, #tpu.memory_space<hbm>>
        %dma_start3A_492 = tpu.memref_squeeze %dma_start3A_491 : memref<1x1x5x80xi32, #tpu.memory_space<hbm>> -> memref<5x80xi32, #tpu.memory_space<hbm>>
        tpu.enqueue_dma source(%dma_start3A_492 : memref<5x80xi32, #tpu.memory_space<hbm>>) target(%dma_start3A_482 : memref<5x80xi32, #tpu.memory_space<vmem>>) target_semaphore(%dma_start3A_478 : memref<!tpu.dma_semaphore, #tpu.memory_space<semaphore_mem>>)
      } else {
      }
    }
    %scan3A_128 = arith.constant 25 : i32
    %dma_wait3A_129 = arith.constant 0 : i32
    %dma_wait3A_130 = arith.constant 0 : i32
    %dma_wait3A_131 = arith.constant 0 : i32
    %dma_wait3A_132 = arith.constant 0 : i32
    %dma_wait3A_133 = arith.constant 0 : i32
    %dma_wait3A_134 = arith.constant 0 : i32
    %dma_wait3A_135 = tpu.memref_slice %arg8[%dma_wait3A_129, %dma_wait3A_133, %dma_wait3A_134] : memref<4x80x128xf32, #tpu.memory_space<vmem>> -> memref<1x80x128xf32, #tpu.memory_space<vmem>>
    %dma_wait3A_136 = tpu.memref_squeeze %dma_wait3A_135 : memref<1x80x128xf32, #tpu.memory_space<vmem>> -> memref<80x128xf32, #tpu.memory_space<vmem>>
    %dma_wait3A_137 = arith.constant 0 : i32
    %dma_wait3A_138 = tpu.memref_slice %arg7[%dma_wait3A_130, %dma_wait3A_131, %dma_wait3A_137] : memref<3x5x80xi32, #tpu.memory_space<vmem>> -> memref<1x1x80xi32, #tpu.memory_space<vmem>>
    %dma_wait3A_139 = tpu.memref_squeeze %dma_wait3A_138 : memref<1x1x80xi32, #tpu.memory_space<vmem>> -> memref<80xi32, #tpu.memory_space<vmem>>
    %dma_wait3A_140 = arith.constant 0 : i32
    %dma_wait3A_141 = arith.constant 0 : i32
    %dma_wait3A_142 = tpu.memref_slice %arg9[%dma_wait3A_140, %dma_wait3A_141] : memref<10240x128xf32, #tpu.memory_space<vmem_shared>> -> memref<10240x128xf32, #tpu.memory_space<vmem_shared>>
    %dma_wait3A_143 = tpu.memref_slice %arg11[%dma_wait3A_132] : memref<4x!tpu.dma_semaphore, #tpu.memory_space<semaphore_mem>> -> memref<1x!tpu.dma_semaphore, #tpu.memory_space<semaphore_mem>>
    %dma_wait3A_144 = tpu.memref_squeeze %dma_wait3A_143 : memref<1x!tpu.dma_semaphore, #tpu.memory_space<semaphore_mem>> -> memref<!tpu.dma_semaphore, #tpu.memory_space<semaphore_mem>>
    tpu.wait_indirect_dma semaphore(%dma_wait3A_144 : memref<!tpu.dma_semaphore, #tpu.memory_space<semaphore_mem>>) src(%dma_wait3A_136 : memref<80x128xf32, #tpu.memory_space<vmem>>) dst(%dma_wait3A_142 : memref<10240x128xf32, #tpu.memory_space<vmem_shared>>)
    %dma_wait3A_145 = arith.constant 1 : i32
    %dma_wait3A_146 = arith.constant 0 : i32
    %dma_wait3A_147 = arith.constant 0 : i32
    %dma_wait3A_148 = arith.constant 1 : i32
    %dma_wait3A_149 = arith.constant 0 : i32
    %dma_wait3A_150 = arith.constant 0 : i32
    %dma_wait3A_151 = tpu.memref_slice %arg8[%dma_wait3A_145, %dma_wait3A_149, %dma_wait3A_150] : memref<4x80x128xf32, #tpu.memory_space<vmem>> -> memref<1x80x128xf32, #tpu.memory_space<vmem>>
    %dma_wait3A_152 = tpu.memref_squeeze %dma_wait3A_151 : memref<1x80x128xf32, #tpu.memory_space<vmem>> -> memref<80x128xf32, #tpu.memory_space<vmem>>
    %dma_wait3A_153 = arith.constant 0 : i32
    %dma_wait3A_154 = tpu.memref_slice %arg7[%dma_wait3A_146, %dma_wait3A_147, %dma_wait3A_153] : memref<3x5x80xi32, #tpu.memory_space<vmem>> -> memref<1x1x80xi32, #tpu.memory_space<vmem>>
    %dma_wait3A_155 = tpu.memref_squeeze %dma_wait3A_154 : memref<1x1x80xi32, #tpu.memory_space<vmem>> -> memref<80xi32, #tpu.memory_space<vmem>>
    %dma_wait3A_156 = arith.constant 0 : i32
    %dma_wait3A_157 = arith.constant 0 : i32
    %dma_wait3A_158 = tpu.memref_slice %arg9[%dma_wait3A_156, %dma_wait3A_157] : memref<10240x128xf32, #tpu.memory_space<vmem_shared>> -> memref<10240x128xf32, #tpu.memory_space<vmem_shared>>
    %dma_wait3A_159 = tpu.memref_slice %arg11[%dma_wait3A_148] : memref<4x!tpu.dma_semaphore, #tpu.memory_space<semaphore_mem>> -> memref<1x!tpu.dma_semaphore, #tpu.memory_space<semaphore_mem>>
    %dma_wait3A_160 = tpu.memref_squeeze %dma_wait3A_159 : memref<1x!tpu.dma_semaphore, #tpu.memory_space<semaphore_mem>> -> memref<!tpu.dma_semaphore, #tpu.memory_space<semaphore_mem>>
    tpu.wait_indirect_dma semaphore(%dma_wait3A_160 : memref<!tpu.dma_semaphore, #tpu.memory_space<semaphore_mem>>) src(%dma_wait3A_152 : memref<80x128xf32, #tpu.memory_space<vmem>>) dst(%dma_wait3A_158 : memref<10240x128xf32, #tpu.memory_space<vmem_shared>>)
    %dma_wait3A_161 = arith.constant 2 : i32
    %dma_wait3A_162 = arith.constant 0 : i32
    %dma_wait3A_163 = arith.constant 0 : i32
    %dma_wait3A_164 = arith.constant 2 : i32
    %dma_wait3A_165 = arith.constant 0 : i32
    %dma_wait3A_166 = arith.constant 0 : i32
    %dma_wait3A_167 = tpu.memref_slice %arg8[%dma_wait3A_161, %dma_wait3A_165, %dma_wait3A_166] : memref<4x80x128xf32, #tpu.memory_space<vmem>> -> memref<1x80x128xf32, #tpu.memory_space<vmem>>
    %dma_wait3A_168 = tpu.memref_squeeze %dma_wait3A_167 : memref<1x80x128xf32, #tpu.memory_space<vmem>> -> memref<80x128xf32, #tpu.memory_space<vmem>>
    %dma_wait3A_169 = arith.constant 0 : i32
    %dma_wait3A_170 = tpu.memref_slice %arg7[%dma_wait3A_162, %dma_wait3A_163, %dma_wait3A_169] : memref<3x5x80xi32, #tpu.memory_space<vmem>> -> memref<1x1x80xi32, #tpu.memory_space<vmem>>
    %dma_wait3A_171 = tpu.memref_squeeze %dma_wait3A_170 : memref<1x1x80xi32, #tpu.memory_space<vmem>> -> memref<80xi32, #tpu.memory_space<vmem>>
    %dma_wait3A_172 = arith.constant 0 : i32
    %dma_wait3A_173 = arith.constant 0 : i32
    %dma_wait3A_174 = tpu.memref_slice %arg9[%dma_wait3A_172, %dma_wait3A_173] : memref<10240x128xf32, #tpu.memory_space<vmem_shared>> -> memref<10240x128xf32, #tpu.memory_space<vmem_shared>>
    %dma_wait3A_175 = tpu.memref_slice %arg11[%dma_wait3A_164] : memref<4x!tpu.dma_semaphore, #tpu.memory_space<semaphore_mem>> -> memref<1x!tpu.dma_semaphore, #tpu.memory_space<semaphore_mem>>
    %dma_wait3A_176 = tpu.memref_squeeze %dma_wait3A_175 : memref<1x!tpu.dma_semaphore, #tpu.memory_space<semaphore_mem>> -> memref<!tpu.dma_semaphore, #tpu.memory_space<semaphore_mem>>
    tpu.wait_indirect_dma semaphore(%dma_wait3A_176 : memref<!tpu.dma_semaphore, #tpu.memory_space<semaphore_mem>>) src(%dma_wait3A_168 : memref<80x128xf32, #tpu.memory_space<vmem>>) dst(%dma_wait3A_174 : memref<10240x128xf32, #tpu.memory_space<vmem_shared>>)
    %dma_wait3A_177 = arith.constant 3 : i32
    %dma_wait3A_178 = arith.constant 0 : i32
    %dma_wait3A_179 = arith.constant 0 : i32
    %dma_wait3A_180 = arith.constant 3 : i32
    %dma_wait3A_181 = arith.constant 0 : i32
    %dma_wait3A_182 = arith.constant 0 : i32
    %dma_wait3A_183 = tpu.memref_slice %arg8[%dma_wait3A_177, %dma_wait3A_181, %dma_wait3A_182] : memref<4x80x128xf32, #tpu.memory_space<vmem>> -> memref<1x80x128xf32, #tpu.memory_space<vmem>>
    %dma_wait3A_184 = tpu.memref_squeeze %dma_wait3A_183 : memref<1x80x128xf32, #tpu.memory_space<vmem>> -> memref<80x128xf32, #tpu.memory_space<vmem>>
    %dma_wait3A_185 = arith.constant 0 : i32
    %dma_wait3A_186 = tpu.memref_slice %arg7[%dma_wait3A_178, %dma_wait3A_179, %dma_wait3A_185] : memref<3x5x80xi32, #tpu.memory_space<vmem>> -> memref<1x1x80xi32, #tpu.memory_space<vmem>>
    %dma_wait3A_187 = tpu.memref_squeeze %dma_wait3A_186 : memref<1x1x80xi32, #tpu.memory_space<vmem>> -> memref<80xi32, #tpu.memory_space<vmem>>
    %dma_wait3A_188 = arith.constant 0 : i32
    %dma_wait3A_189 = arith.constant 0 : i32
    %dma_wait3A_190 = tpu.memref_slice %arg9[%dma_wait3A_188, %dma_wait3A_189] : memref<10240x128xf32, #tpu.memory_space<vmem_shared>> -> memref<10240x128xf32, #tpu.memory_space<vmem_shared>>
    %dma_wait3A_191 = tpu.memref_slice %arg11[%dma_wait3A_180] : memref<4x!tpu.dma_semaphore, #tpu.memory_space<semaphore_mem>> -> memref<1x!tpu.dma_semaphore, #tpu.memory_space<semaphore_mem>>
    %dma_wait3A_192 = tpu.memref_squeeze %dma_wait3A_191 : memref<1x!tpu.dma_semaphore, #tpu.memory_space<semaphore_mem>> -> memref<!tpu.dma_semaphore, #tpu.memory_space<semaphore_mem>>
    tpu.wait_indirect_dma semaphore(%dma_wait3A_192 : memref<!tpu.dma_semaphore, #tpu.memory_space<semaphore_mem>>) src(%dma_wait3A_184 : memref<80x128xf32, #tpu.memory_space<vmem>>) dst(%dma_wait3A_190 : memref<10240x128xf32, #tpu.memory_space<vmem_shared>>)
    %barrier3A_193 = arith.constant 0 : index
    tpu.barrier barrier_id(%barrier3A_193)
    %mul3A_194 = arith.constant 640 : i32
    %mul3A_195 = arith.muli %arg1, %mul3A_194 : i32
    %mul3A_196 = arith.constant 640 : i32
    %mul3A_197 = arith.muli %arg1, %mul3A_196 : i32
    "tpu.region"() ({
      %run_scoped3A_198 = tpu.sem_alloc : memref<!tpu.dma_semaphore, #tpu.memory_space<semaphore_mem>>
      %dma_start3A_199 = arith.constant 0 : i32
      %dma_start3A_200 = tpu.memref_slice %arg5[%arg0, %mul3A_197, %dma_start3A_199] : memref<2x10240x128xf32, #tpu.memory_space<hbm>> -> memref<1x640x128xf32, #tpu.memory_space<hbm>>
      %dma_start3A_201 = tpu.memref_squeeze %dma_start3A_200 : memref<1x640x128xf32, #tpu.memory_space<hbm>> -> memref<640x128xf32, #tpu.memory_space<hbm>>
      %dma_start3A_202 = arith.constant 0 : i32
      %dma_start3A_203 = tpu.memref_slice %arg9[%mul3A_195, %dma_start3A_202] : memref<10240x128xf32, #tpu.memory_space<vmem_shared>> -> memref<640x128xf32, #tpu.memory_space<vmem_shared>>
      tpu.enqueue_dma source(%dma_start3A_203 : memref<640x128xf32, #tpu.memory_space<vmem_shared>>) target(%dma_start3A_201 : memref<640x128xf32, #tpu.memory_space<hbm>>) target_semaphore(%run_scoped3A_198 : memref<!tpu.dma_semaphore, #tpu.memory_space<semaphore_mem>>)
      %dma_wait3A_204 = arith.constant 0 : i32
      %dma_wait3A_205 = tpu.memref_slice %arg5[%arg0, %mul3A_197, %dma_wait3A_204] : memref<2x10240x128xf32, #tpu.memory_space<hbm>> -> memref<1x640x128xf32, #tpu.memory_space<hbm>>
      %dma_wait3A_206 = tpu.memref_squeeze %dma_wait3A_205 : memref<1x640x128xf32, #tpu.memory_space<hbm>> -> memref<640x128xf32, #tpu.memory_space<hbm>>
      %dma_wait3A_207 = arith.constant 0 : i32
      %dma_wait3A_208 = tpu.memref_slice %arg9[%mul3A_195, %dma_wait3A_207] : memref<10240x128xf32, #tpu.memory_space<vmem_shared>> -> memref<640x128xf32, #tpu.memory_space<vmem_shared>>
      tpu.wait_dma2 semaphore(%run_scoped3A_198 : memref<!tpu.dma_semaphore, #tpu.memory_space<semaphore_mem>>) src(%dma_wait3A_208 : memref<640x128xf32, #tpu.memory_space<vmem_shared>>) dst(%dma_wait3A_206 : memref<640x128xf32, #tpu.memory_space<hbm>>)
      tpu.yield
    }) : () -> ()
    return
  }
}

module attributes {stable_mosaic.version = 14 : i64} {
  func.func @body(%arg0: i32, %arg1: memref<2000x128xf32, #tpu.memory_space<vmem>>, %arg2: memref<128x128xf32, #tpu.memory_space<vmem>>, %arg3: memref<2000x128xf32, #tpu.memory_space<vmem>>) attributes {dimension_semantics = [#tpu.dimension_semantics<arbitrary>], iteration_bounds = array<i64: 5>, scalar_prefetch = 0 : i64, scratch_operands = 0 : i64, tpu.core_type = #tpu.core_type<tc>, window_params = [{transform_indices = @transform_0, window_bounds = array<i64: 2000, 128>}, {pipeline_mode = #tpu.pipeline_mode<synchronous>, transform_indices = @transform_1, window_bounds = array<i64: 128, 128>}, {transform_indices = @transform_2, window_bounds = array<i64: 2000, 128>}]} {
    %get3A = arith.constant 0 : index
    %get3A_0 = arith.constant 0 : index
    %get3A_1 = vector.load %arg1[%get3A, %get3A_0] : memref<2000x128xf32, #tpu.memory_space<vmem>>, vector<2000x128xf32>
    %get3A_2 = arith.constant 0 : index
    %get3A_3 = arith.constant 0 : index
    %get3A_4 = vector.load %arg2[%get3A_2, %get3A_3] : memref<128x128xf32, #tpu.memory_space<vmem>>, vector<128x128xf32>
    %dot_general3A = arith.constant dense<0.000000e+00> : vector<2000x128xf32>
    %dot_general3A_5 = tpu.matmul %get3A_1, %get3A_4, %dot_general3A {dimension_numbers = #tpu.dot_dimension_numbers<[1], [0], [0], [1], [0, 0, 1, 1], [], []>, transpose_lhs_hint = false} : vector<2000x128xf32>, vector<128x128xf32>, vector<2000x128xf32> -> vector<2000x128xf32>
    %swap3A = arith.constant 0 : index
    %swap3A_6 = arith.constant 0 : index
    %swap3A_7 = vector.load %arg3[%swap3A, %swap3A_6] : memref<2000x128xf32, #tpu.memory_space<vmem>>, vector<2000x128xf32>
    tpu.vector_store %arg3[%swap3A, %swap3A_6], %dot_general3A_5 {strides = array<i32>} : memref<2000x128xf32, #tpu.memory_space<vmem>>, vector<2000x128xf32>,
    return
  }
  func.func @transform_0(%arg0: i32) -> (i32, i32) {
    %c0_i32 = arith.constant 0 : i32
    %c0_i32_0 = arith.constant 0 : i32
    return %arg0, %c0_i32 : i32, i32
  }
  func.func @transform_1(%arg0: i32) -> (i32, i32) {
    %c0_i32 = arith.constant 0 : i32
    %c0_i32_0 = arith.constant 0 : i32
    %c0_i32_1 = arith.constant 0 : i32
    return %c0_i32, %c0_i32_0 : i32, i32
  }
  func.func @transform_2(%arg0: i32) -> (i32, i32) {
    %c0_i32 = arith.constant 0 : i32
    %c0_i32_0 = arith.constant 0 : i32
    return %arg0, %c0_i32 : i32, i32
  }
}

module attributes {stable_mosaic.version = 14 : i64} {
  func.func @body(%arg0: i32, %arg1: memref<2000x128xf32, #tpu.memory_space<vmem>>, %arg2: memref<1x2000x1xf32, #tpu.memory_space<vmem>>, %arg3: memref<1x2000x1xf32, #tpu.memory_space<vmem>>, %arg4: memref<2000x128xf32, #tpu.memory_space<vmem>>, %arg5: memref<2000x1xf32, #tpu.memory_space<vmem>>) attributes {dimension_semantics = [#tpu.dimension_semantics<arbitrary>], iteration_bounds = array<i64: 5>, scalar_prefetch = 0 : i64, scratch_operands = 0 : i64, tpu.core_type = #tpu.core_type<tc>, window_params = [{transform_indices = @transform_0, window_bounds = array<i64: 2000, 128>}, {transform_indices = @transform_1, window_bounds = array<i64: 1, 2000, 1>}, {transform_indices = @transform_2, window_bounds = array<i64: 1, 2000, 1>}, {transform_indices = @transform_3, window_bounds = array<i64: 2000, 128>}, {transform_indices = @transform_4, window_bounds = array<i64: 2000, 1>}]} {
    %get3A = arith.constant 0 : index
    %get3A_0 = arith.constant 0 : index
    %get3A_1 = arith.constant 0 : index
    %get3A_2 = vector.load %arg2[%get3A, %get3A_0, %get3A_1] : memref<1x2000x1xf32, #tpu.memory_space<vmem>>, vector<1x2000x1xf32>
    %get3A_3 = vector.shape_cast %get3A_2 : vector<1x2000x1xf32> to vector<2000x1xf32>
    %get3A_4 = arith.constant 0 : index
    %get3A_5 = arith.constant 0 : index
    %get3A_6 = arith.constant 0 : index
    %get3A_7 = vector.load %arg3[%get3A_4, %get3A_5, %get3A_6] : memref<1x2000x1xf32, #tpu.memory_space<vmem>>, vector<1x2000x1xf32>
    %get3A_8 = vector.shape_cast %get3A_7 : vector<1x2000x1xf32> to vector<2000x1xf32>
    %add3A = arith.addf %get3A_3, %get3A_8 : vector<2000x1xf32>
    %add3A_9 = arith.constant 1.000000e+00 : f32
    %add3A_10 = vector.broadcast %add3A_9 : f32 to vector<2000x1xf32>
    %add3A_11 = arith.addf %add3A, %add3A_10 : vector<2000x1xf32>
    %rsqrt3A = math.rsqrt %add3A_11 : vector<2000x1xf32>
    %get3A_12 = arith.constant 0 : index
    %get3A_13 = arith.constant 0 : index
    %get3A_14 = vector.load %arg1[%get3A_12, %get3A_13] : memref<2000x128xf32, #tpu.memory_space<vmem>>, vector<2000x128xf32>
    %mul3A = vector.broadcast %rsqrt3A : vector<2000x1xf32> to vector<2000x128xf32>
    %mul3A_15 = arith.mulf %get3A_14, %mul3A : vector<2000x128xf32>
    %swap3A = arith.constant 0 : index
    %swap3A_16 = arith.constant 0 : index
    %swap3A_17 = vector.load %arg4[%swap3A, %swap3A_16] : memref<2000x128xf32, #tpu.memory_space<vmem>>, vector<2000x128xf32>
    tpu.vector_store %arg4[%swap3A, %swap3A_16], %mul3A_15 {strides = array<i32>} : memref<2000x128xf32, #tpu.memory_space<vmem>>, vector<2000x128xf32>,
    %swap3A_18 = arith.constant 0 : index
    %swap3A_19 = arith.constant 0 : index
    %swap3A_20 = vector.load %arg5[%swap3A_18, %swap3A_19] : memref<2000x1xf32, #tpu.memory_space<vmem>>, vector<2000x1xf32>
    tpu.vector_store %arg5[%swap3A_18, %swap3A_19], %rsqrt3A {strides = array<i32>} : memref<2000x1xf32, #tpu.memory_space<vmem>>, vector<2000x1xf32>,
    return
  }
  func.func @transform_0(%arg0: i32) -> (i32, i32) {
    %c0_i32 = arith.constant 0 : i32
    %c0_i32_0 = arith.constant 0 : i32
    return %arg0, %c0_i32 : i32, i32
  }
  func.func @transform_1(%arg0: i32) -> (i32, i32, i32) {
    %c0_i32 = arith.constant 0 : i32
    %c0_i32_0 = arith.constant 0 : i32
    %c0_i32_1 = arith.constant 0 : i32
    return %c0_i32, %arg0, %c0_i32_0 : i32, i32, i32
  }
  func.func @transform_2(%arg0: i32) -> (i32, i32, i32) {
    %c1_i32 = arith.constant 1 : i32
    %c0_i32 = arith.constant 0 : i32
    %c0_i32_0 = arith.constant 0 : i32
    return %c1_i32, %arg0, %c0_i32 : i32, i32, i32
  }
  func.func @transform_3(%arg0: i32) -> (i32, i32) {
    %c0_i32 = arith.constant 0 : i32
    %c0_i32_0 = arith.constant 0 : i32
    return %arg0, %c0_i32 : i32, i32
  }
  func.func @transform_4(%arg0: i32) -> (i32, i32) {
    %c0_i32 = arith.constant 0 : i32
    %c0_i32_0 = arith.constant 0 : i32
    return %arg0, %c0_i32 : i32, i32
  }
}

module attributes {stable_mosaic.version = 14 : i64} {
  func.func @body(%arg0: i32, %arg1: memref<1x2000x128xf32, #tpu.memory_space<vmem>>, %arg2: memref<1x2000x128xf32, #tpu.memory_space<vmem>>, %arg3: memref<2000x128xf32, #tpu.memory_space<vmem>>, %arg4: memref<2000x1xf32, #tpu.memory_space<vmem>>, %arg5: memref<1x128xf32, #tpu.memory_space<vmem>>, %arg6: memref<128x128xf32, #tpu.memory_space<vmem>>, %arg7: memref<2000x128xf32, #tpu.memory_space<vmem>>) attributes {dimension_semantics = [#tpu.dimension_semantics<arbitrary>], iteration_bounds = array<i64: 5>, scalar_prefetch = 0 : i64, scratch_operands = 0 : i64, tpu.core_type = #tpu.core_type<tc>, window_params = [{transform_indices = @transform_0, window_bounds = array<i64: 1, 2000, 128>}, {transform_indices = @transform_1, window_bounds = array<i64: 1, 2000, 128>}, {transform_indices = @transform_2, window_bounds = array<i64: 2000, 128>}, {transform_indices = @transform_3, window_bounds = array<i64: 2000, 1>}, {pipeline_mode = #tpu.pipeline_mode<synchronous>, transform_indices = @transform_4, window_bounds = array<i64: 1, 128>}, {pipeline_mode = #tpu.pipeline_mode<synchronous>, transform_indices = @transform_5, window_bounds = array<i64: 128, 128>}, {transform_indices = @transform_6, window_bounds = array<i64: 2000, 128>}]} {
    %get3A = arith.constant 0 : index
    %get3A_0 = arith.constant 0 : index
    %get3A_1 = vector.load %arg4[%get3A, %get3A_0] : memref<2000x1xf32, #tpu.memory_space<vmem>>, vector<2000x1xf32>
    %get3A_2 = arith.constant 0 : index
    %get3A_3 = arith.constant 0 : index
    %get3A_4 = arith.constant 0 : index
    %get3A_5 = vector.load %arg1[%get3A_2, %get3A_3, %get3A_4] : memref<1x2000x128xf32, #tpu.memory_space<vmem>>, vector<1x2000x128xf32>
    %get3A_6 = vector.shape_cast %get3A_5 : vector<1x2000x128xf32> to vector<2000x128xf32>
    %get3A_7 = arith.constant 0 : index
    %get3A_8 = arith.constant 0 : index
    %get3A_9 = arith.constant 0 : index
    %get3A_10 = vector.load %arg2[%get3A_7, %get3A_8, %get3A_9] : memref<1x2000x128xf32, #tpu.memory_space<vmem>>, vector<1x2000x128xf32>
    %get3A_11 = vector.shape_cast %get3A_10 : vector<1x2000x128xf32> to vector<2000x128xf32>
    %add3A = arith.addf %get3A_6, %get3A_11 : vector<2000x128xf32>
    %get3A_12 = arith.constant 0 : index
    %get3A_13 = arith.constant 0 : index
    %get3A_14 = vector.load %arg3[%get3A_12, %get3A_13] : memref<2000x128xf32, #tpu.memory_space<vmem>>, vector<2000x128xf32>
    %add3A_15 = arith.addf %add3A, %get3A_14 : vector<2000x128xf32>
    %mul3A = vector.broadcast %get3A_1 : vector<2000x1xf32> to vector<2000x128xf32>
    %mul3A_16 = arith.mulf %add3A_15, %mul3A : vector<2000x128xf32>
    %get3A_17 = arith.constant 0 : index
    %get3A_18 = arith.constant 0 : index
    %get3A_19 = vector.load %arg5[%get3A_17, %get3A_18] : memref<1x128xf32, #tpu.memory_space<vmem>>, vector<1x128xf32>
    %add3A_20 = vector.broadcast %get3A_19 : vector<1x128xf32> to vector<2000x128xf32>
    %add3A_21 = arith.addf %mul3A_16, %add3A_20 : vector<2000x128xf32>
    %max3A = arith.constant 0.000000e+00 : f32
    %max3A_22 = vector.broadcast %max3A : f32 to vector<2000x128xf32>
    %max3A_23 = arith.maximumf %add3A_21, %max3A_22 : vector<2000x128xf32>
    %get3A_24 = arith.constant 0 : index
    %get3A_25 = arith.constant 0 : index
    %get3A_26 = vector.load %arg6[%get3A_24, %get3A_25] : memref<128x128xf32, #tpu.memory_space<vmem>>, vector<128x128xf32>
    %dot_general3A = arith.constant dense<0.000000e+00> : vector<2000x128xf32>
    %dot_general3A_27 = tpu.matmul %max3A_23, %get3A_26, %dot_general3A {dimension_numbers = #tpu.dot_dimension_numbers<[1], [0], [0], [1], [0, 0, 1, 1], [], []>, transpose_lhs_hint = false} : vector<2000x128xf32>, vector<128x128xf32>, vector<2000x128xf32> -> vector<2000x128xf32>
    %mul3A_28 = vector.broadcast %get3A_1 : vector<2000x1xf32> to vector<2000x128xf32>
    %mul3A_29 = arith.mulf %dot_general3A_27, %mul3A_28 : vector<2000x128xf32>
    %swap3A = arith.constant 0 : index
    %swap3A_30 = arith.constant 0 : index
    %swap3A_31 = vector.load %arg7[%swap3A, %swap3A_30] : memref<2000x128xf32, #tpu.memory_space<vmem>>, vector<2000x128xf32>
    tpu.vector_store %arg7[%swap3A, %swap3A_30], %mul3A_29 {strides = array<i32>} : memref<2000x128xf32, #tpu.memory_space<vmem>>, vector<2000x128xf32>,
    return
  }
  func.func @transform_0(%arg0: i32) -> (i32, i32, i32) {
    %c0_i32 = arith.constant 0 : i32
    %c0_i32_0 = arith.constant 0 : i32
    %c0_i32_1 = arith.constant 0 : i32
    return %c0_i32, %arg0, %c0_i32_0 : i32, i32, i32
  }
  func.func @transform_1(%arg0: i32) -> (i32, i32, i32) {
    %c1_i32 = arith.constant 1 : i32
    %c0_i32 = arith.constant 0 : i32
    %c0_i32_0 = arith.constant 0 : i32
    return %c1_i32, %arg0, %c0_i32 : i32, i32, i32
  }
  func.func @transform_2(%arg0: i32) -> (i32, i32) {
    %c0_i32 = arith.constant 0 : i32
    %c0_i32_0 = arith.constant 0 : i32
    return %arg0, %c0_i32 : i32, i32
  }
  func.func @transform_3(%arg0: i32) -> (i32, i32) {
    %c0_i32 = arith.constant 0 : i32
    %c0_i32_0 = arith.constant 0 : i32
    return %arg0, %c0_i32 : i32, i32
  }
  func.func @transform_4(%arg0: i32) -> (i32, i32) {
    %c0_i32 = arith.constant 0 : i32
    %c0_i32_0 = arith.constant 0 : i32
    %c0_i32_1 = arith.constant 0 : i32
    return %c0_i32, %c0_i32_0 : i32, i32
  }
  func.func @transform_5(%arg0: i32) -> (i32, i32) {
    %c0_i32 = arith.constant 0 : i32
    %c0_i32_0 = arith.constant 0 : i32
    %c0_i32_1 = arith.constant 0 : i32
    return %c0_i32, %c0_i32_0 : i32, i32
  }
  func.func @transform_6(%arg0: i32) -> (i32, i32) {
    %c0_i32 = arith.constant 0 : i32
    %c0_i32_0 = arith.constant 0 : i32
    return %arg0, %c0_i32 : i32, i32
  }
}

module attributes {stable_mosaic.version = 14 : i64} {
  func.func @body(%arg0: i32, %arg1: memref<1x2000x128xf32, #tpu.memory_space<vmem>>, %arg2: memref<1x2000x128xf32, #tpu.memory_space<vmem>>, %arg3: memref<2000x128xf32, #tpu.memory_space<vmem>>, %arg4: memref<2000x1xf32, #tpu.memory_space<vmem>>, %arg5: memref<1x128xf32, #tpu.memory_space<vmem>>, %arg6: memref<128x64xf32, #tpu.memory_space<vmem>>, %arg7: memref<1x64xf32, #tpu.memory_space<vmem>>, %arg8: memref<2000x64xf32, #tpu.memory_space<vmem>>) attributes {dimension_semantics = [#tpu.dimension_semantics<arbitrary>], iteration_bounds = array<i64: 5>, scalar_prefetch = 0 : i64, scratch_operands = 0 : i64, tpu.core_type = #tpu.core_type<tc>, window_params = [{transform_indices = @transform_0, window_bounds = array<i64: 1, 2000, 128>}, {transform_indices = @transform_1, window_bounds = array<i64: 1, 2000, 128>}, {transform_indices = @transform_2, window_bounds = array<i64: 2000, 128>}, {transform_indices = @transform_3, window_bounds = array<i64: 2000, 1>}, {pipeline_mode = #tpu.pipeline_mode<synchronous>, transform_indices = @transform_4, window_bounds = array<i64: 1, 128>}, {pipeline_mode = #tpu.pipeline_mode<synchronous>, transform_indices = @transform_5, window_bounds = array<i64: 128, 64>}, {pipeline_mode = #tpu.pipeline_mode<synchronous>, transform_indices = @transform_6, window_bounds = array<i64: 1, 64>}, {transform_indices = @transform_7, window_bounds = array<i64: 2000, 64>}]} {
    %get3A = arith.constant 0 : index
    %get3A_0 = arith.constant 0 : index
    %get3A_1 = arith.constant 0 : index
    %get3A_2 = vector.load %arg1[%get3A, %get3A_0, %get3A_1] : memref<1x2000x128xf32, #tpu.memory_space<vmem>>, vector<1x2000x128xf32>
    %get3A_3 = vector.shape_cast %get3A_2 : vector<1x2000x128xf32> to vector<2000x128xf32>
    %get3A_4 = arith.constant 0 : index
    %get3A_5 = arith.constant 0 : index
    %get3A_6 = arith.constant 0 : index
    %get3A_7 = vector.load %arg2[%get3A_4, %get3A_5, %get3A_6] : memref<1x2000x128xf32, #tpu.memory_space<vmem>>, vector<1x2000x128xf32>
    %get3A_8 = vector.shape_cast %get3A_7 : vector<1x2000x128xf32> to vector<2000x128xf32>
    %add3A = arith.addf %get3A_3, %get3A_8 : vector<2000x128xf32>
    %get3A_9 = arith.constant 0 : index
    %get3A_10 = arith.constant 0 : index
    %get3A_11 = vector.load %arg3[%get3A_9, %get3A_10] : memref<2000x128xf32, #tpu.memory_space<vmem>>, vector<2000x128xf32>
    %add3A_12 = arith.addf %add3A, %get3A_11 : vector<2000x128xf32>
    %get3A_13 = arith.constant 0 : index
    %get3A_14 = arith.constant 0 : index
    %get3A_15 = vector.load %arg4[%get3A_13, %get3A_14] : memref<2000x1xf32, #tpu.memory_space<vmem>>, vector<2000x1xf32>
    %mul3A = vector.broadcast %get3A_15 : vector<2000x1xf32> to vector<2000x128xf32>
    %mul3A_16 = arith.mulf %add3A_12, %mul3A : vector<2000x128xf32>
    %get3A_17 = arith.constant 0 : index
    %get3A_18 = arith.constant 0 : index
    %get3A_19 = vector.load %arg5[%get3A_17, %get3A_18] : memref<1x128xf32, #tpu.memory_space<vmem>>, vector<1x128xf32>
    %add3A_20 = vector.broadcast %get3A_19 : vector<1x128xf32> to vector<2000x128xf32>
    %add3A_21 = arith.addf %mul3A_16, %add3A_20 : vector<2000x128xf32>
    %max3A = arith.constant 0.000000e+00 : f32
    %max3A_22 = vector.broadcast %max3A : f32 to vector<2000x128xf32>
    %max3A_23 = arith.maximumf %add3A_21, %max3A_22 : vector<2000x128xf32>
    %get3A_24 = arith.constant 0 : index
    %get3A_25 = arith.constant 0 : index
    %get3A_26 = vector.load %arg6[%get3A_24, %get3A_25] : memref<128x64xf32, #tpu.memory_space<vmem>>, vector<128x64xf32>
    %dot_general3A = arith.constant dense<0.000000e+00> : vector<2000x64xf32>
    %dot_general3A_27 = tpu.matmul %max3A_23, %get3A_26, %dot_general3A {dimension_numbers = #tpu.dot_dimension_numbers<[1], [0], [0], [1], [0, 0, 1, 1], [], []>, transpose_lhs_hint = false} : vector<2000x128xf32>, vector<128x64xf32>, vector<2000x64xf32> -> vector<2000x64xf32>
    %get3A_28 = arith.constant 0 : index
    %get3A_29 = arith.constant 0 : index
    %get3A_30 = vector.load %arg7[%get3A_28, %get3A_29] : memref<1x64xf32, #tpu.memory_space<vmem>>, vector<1x64xf32>
    %add3A_31 = vector.broadcast %get3A_30 : vector<1x64xf32> to vector<2000x64xf32>
    %add3A_32 = arith.addf %dot_general3A_27, %add3A_31 : vector<2000x64xf32>
    %swap3A = arith.constant 0 : index
    %swap3A_33 = arith.constant 0 : index
    %swap3A_34 = vector.load %arg8[%swap3A, %swap3A_33] : memref<2000x64xf32, #tpu.memory_space<vmem>>, vector<2000x64xf32>
    tpu.vector_store %arg8[%swap3A, %swap3A_33], %add3A_32 {strides = array<i32>} : memref<2000x64xf32, #tpu.memory_space<vmem>>, vector<2000x64xf32>,
    return
  }
  func.func @transform_0(%arg0: i32) -> (i32, i32, i32) {
    %c0_i32 = arith.constant 0 : i32
    %c0_i32_0 = arith.constant 0 : i32
    %c0_i32_1 = arith.constant 0 : i32
    return %c0_i32, %arg0, %c0_i32_0 : i32, i32, i32
  }
  func.func @transform_1(%arg0: i32) -> (i32, i32, i32) {
    %c1_i32 = arith.constant 1 : i32
    %c0_i32 = arith.constant 0 : i32
    %c0_i32_0 = arith.constant 0 : i32
    return %c1_i32, %arg0, %c0_i32 : i32, i32, i32
  }
  func.func @transform_2(%arg0: i32) -> (i32, i32) {
    %c0_i32 = arith.constant 0 : i32
    %c0_i32_0 = arith.constant 0 : i32
    return %arg0, %c0_i32 : i32, i32
  }
  func.func @transform_3(%arg0: i32) -> (i32, i32) {
    %c0_i32 = arith.constant 0 : i32
    %c0_i32_0 = arith.constant 0 : i32
    return %arg0, %c0_i32 : i32, i32
  }
  func.func @transform_4(%arg0: i32) -> (i32, i32) {
    %c0_i32 = arith.constant 0 : i32
    %c0_i32_0 = arith.constant 0 : i32
    %c0_i32_1 = arith.constant 0 : i32
    return %c0_i32, %c0_i32_0 : i32, i32
  }
  func.func @transform_5(%arg0: i32) -> (i32, i32) {
    %c0_i32 = arith.constant 0 : i32
    %c0_i32_0 = arith.constant 0 : i32
    %c0_i32_1 = arith.constant 0 : i32
    return %c0_i32, %c0_i32_0 : i32, i32
  }
  func.func @transform_6(%arg0: i32) -> (i32, i32) {
    %c0_i32 = arith.constant 0 : i32
    %c0_i32_0 = arith.constant 0 : i32
    %c0_i32_1 = arith.constant 0 : i32
    return %c0_i32, %c0_i32_0 : i32, i32
  }
  func.func @transform_7(%arg0: i32) -> (i32, i32) {
    %c0_i32 = arith.constant 0 : i32
    %c0_i32_0 = arith.constant 0 : i32
    return %arg0, %c0_i32 : i32, i32
  }
}

</mosaic_0001>

<sc_bundles>
// kernel: kernel.12.cloned.1.call-start
scs
__scs_entry_jumppad:
0x0: {  	(pc) =	sbr.rel $0x88, $3  }
0x1: {  	(tag) =	ssettag $0x0;
	lr =	simm.s32 $0x1  }
0x2: {  	[smem:$0x3F99] =	sst lr;
	_ =	strace $0xD0000000  }
0x3: {  	_ = 	snop  }
0x4: {  	_ = 	snop  }
0x5: {  	_ = 	snop  }
0x6: {  	_ = 	snop  }
0x7: {  	_ = 	snop  }
__scs_overlays_trampoline_lowered:
0x8: {  	[smem:$0x3FA8] =	sst s0  }
0x9: {  	[smem:$0x3FA9] =	sst s1  }
0xa: {  	[smem:$0x3FAA] =	sst s2  }
0xb: {  	[smem:$0x3FAB] =	sst s3  }
0xc: {  	[smem:$0x3FAC] =	sst s4  }
0xd: {  	[smem:$0x3FAD] =	sst s5  }
0xe: {  	[smem:$0x3FAE] =	sst s6  }
0xf: {  	[smem:$0x3FAF] =	sst s7  }
0x10: {  	[smem:$0x3FB0] =	sst s8  }
0x11: {  	[smem:$0x3FB1] =	sst s9;
	s0 =	simm.s32 @!p0 $0x0  }
0x12: {  	s1 =	sld [smem:$0x3F97];
	s0 =	simm.s32 @p0 $0x1  }
0x13: {  	[smem:$0x3FB2] =	sst s0;
	s0 =	simm.s32 @!p1 $0x0  }
0x14: {  	s2 =	sld [smem:$0x3F96];
	s0 =	simm.s32 @p1 $0x1  }
0x15: {  	[smem:$0x3FB3] =	sst s0;
	s0 =	simm.s32 @!p2 $0x0  }
0x16: {  	s3 =	sld [smem:$0x3FDB];
	s0 =	simm.s32 @p2 $0x1  }
0x17: {  	s4 =	simm.s32 $0x1BF5;
	[smem:$0x3FB5] =	sst s0  }
0x18: {  	s0 =	sld [smem:$0x3F98];
	_ =	swait.ge [sflag:s4], $0x0  }
0x19: {  	s7 =	sld [smem:$0x3F99]  }
0x1a: {  	s8 =	sadd.s32 $0xFFFFE003, lr  }
0x1b: {  	s9 =	sadd.s32 $0xFFFFFEF7, lr;
	s5 =	simm.s32 $0xFFFFFFFF;
	p2 =	slt.u32 s8, $0xFFFFF086  }
0x1c: {  	p1 =	slt.u32 s9, $0xF7A;
	s5 =	simm.s32 @!p2 $0x0  }
0x1d: {  	s5 =	simm.s32 @p1 $0x1;
	p0 =	seq.s32 s7, s2  }
0x1e: {  	s7 =	smul.u32 @!p0 $0xF7A, s2;
	p2 =	seq.s32 @!p0 s5, $0x0  }
0x1f: {  	s9 =	smul.u32 $0xF7A, s1;
	s8 =	simm.s32 @!p0 $0x1BF5;
	p2 =	por !p2, p0  }
0x20: {  	[sflag:s8] =	ssyncset.s32 @!p0 $0xFFFFF086;
	s6 =	sadd.s32 @!p0 s3, s7;
	s7 =	simm.s32 @!p0 $0x108  }
0x21: {  	s3 =	sadd.s32 s3, s9;
	s6 =	sadd.s32 @!p0 $0x88, s6;
	s7 =	simm.s32 @p2 $0x1082  }
0x22: {  	[simem:s7], [sflag:s8] =	dma.local @!p0 [hbm:s6], $0xF7A  }
0x23: {  	s9 =	sor.u32 $0xD0000000, s2;
	s6 =	simm.s32 $0x108;
	_ =	swait.ge @!p0 [sflag:s8], $0x0  }
0x24: {  	s3 =	sadd.s32 $0x88, s3;
	s6 =	simm.s32 @!p1 $0x1082;
	[sflag:s4] =	ssyncset.s32 $0xFFFFF086  }
0x25: {  	[simem:s6], [sflag:s4] =	dma.local [hbm:s3], $0xF7A  }
0x26: {  	[smem:$0x3F99] =	sst s1;
	(tag) =	ssettag s2;
	_ =	strace s9  }
0x27: {  	s1 =	sld [smem:$0x3FA9]  }
0x28: {  	s2 =	sld [smem:$0x3FAA]  }
0x29: {  	s4 =	sld [smem:$0x3FAC]  }
0x2a: {  	p0 =	seq.s32 s5, $0x0;
	s5 =	sld [smem:$0x3FAD]  }
0x2b: {  	s6 =	sld [smem:$0x3FAE]  }
0x2c: {  	s7 =	sld [smem:$0x3FAF]  }
0x2d: {  	s3 =	simm.s32 $0x108;
	s8 =	sld [smem:$0x3FB0]  }
0x2e: {  	s3 =	simm.s32 @!p0 $0x1082;
	s9 =	sld [smem:$0x3FB1]  }
0x2f: {  	lr =	sadd.s32 s0, s3;
	s0 =	sld [smem:$0x3FA8]  }
0x30: {  	s3 =	sld [smem:$0x3FAB]  }
0x31: {  	[smem:$0x3FB4] =	sst s10  }
0x32: {  	s10 =	sld [smem:$0x3FB2];
	_ =	sdelay $0x3  }
0x33: {  	p0 =	seq.s32 s10, $0x1;
	s10 =	sld [smem:$0x3FB4];
	_ =	sdelay $0x3  }
0x34: {  	[smem:$0x3FB4] =	sst s10  }
0x35: {  	s10 =	sld [smem:$0x3FB3];
	_ =	sdelay $0x3  }
0x36: {  	p1 =	seq.s32 s10, $0x1;
	s10 =	sld [smem:$0x3FB4];
	_ =	sdelay $0x3  }
0x37: {  	[smem:$0x3FB4] =	sst s10  }
0x38: {  	s10 =	sld [smem:$0x3FB5]  }
0x39: {  	_ = 	snop;
	(pc) =	sbr.ind lr, $3  }
0x3a: {  	_ = 	snop  }
0x3b: {  	_ = 	snop  }
0x3c: {  	p2 =	seq.s32 s10, $0x1;
	s10 =	sld [smem:$0x3FB4]  }
0x3d: {  	_ =	shalt  }
0x3e: {  	_ =	shalt  }
0x3f: {  	_ =	shalt  }
0x40: {  	_ =	shalt  }
0x41: {  	_ =	shalt  }
0x42: {  	_ =	shalt  }
0x43: {  	_ =	shalt  }
0x44: {  	_ =	shalt  }
0x45: {  	_ =	shalt  }
0x46: {  	_ =	shalt  }
0x47: {  	_ =	shalt  }
0x48: {  	_ =	shalt  }
0x49: {  	_ =	shalt  }
0x4a: {  	_ =	shalt  }
0x4b: {  	_ =	shalt  }
0x4c: {  	_ =	shalt  }
0x4d: {  	_ =	shalt  }
0x4e: {  	_ =	shalt  }
0x4f: {  	_ =	shalt  }
0x50: {  	_ =	shalt  }
0x51: {  	_ =	shalt  }
0x52: {  	_ =	shalt  }
0x53: {  	_ =	shalt  }
0x54: {  	_ =	shalt  }
0x55: {  	_ =	shalt  }
0x56: {  	_ =	shalt  }
0x57: {  	_ =	shalt  }
0x58: {  	_ =	shalt  }
0x59: {  	_ =	shalt  }
0x5a: {  	_ =	shalt  }
0x5b: {  	_ =	shalt  }
0x5c: {  	_ =	shalt  }
0x5d: {  	_ =	shalt  }
0x5e: {  	_ =	shalt  }
0x5f: {  	_ =	shalt  }
0x60: {  	_ =	shalt  }
0x61: {  	_ =	shalt  }
0x62: {  	_ =	shalt  }
0x63: {  	_ =	shalt  }
0x64: {  	_ =	shalt  }
0x65: {  	_ =	shalt  }
0x66: {  	_ =	shalt  }
0x67: {  	_ =	shalt  }
0x68: {  	_ =	shalt  }
0x69: {  	_ =	shalt  }
0x6a: {  	_ =	shalt  }
0x6b: {  	_ =	shalt  }
0x6c: {  	_ =	shalt  }
0x6d: {  	_ =	shalt  }
0x6e: {  	_ =	shalt  }
0x6f: {  	_ =	shalt  }
0x70: {  	_ =	shalt  }
0x71: {  	_ =	shalt  }
0x72: {  	_ =	shalt  }
0x73: {  	_ =	shalt  }
0x74: {  	_ =	shalt  }
0x75: {  	_ =	shalt  }
0x76: {  	_ =	shalt  }
0x77: {  	_ =	shalt  }
0x78: {  	_ =	shalt  }
0x79: {  	_ =	shalt  }
0x7a: {  	_ =	shalt  }
0x7b: {  	_ =	shalt  }
0x7c: {  	_ =	shalt  }
0x7d: {  	_ =	shalt  }
0x7e: {  	_ =	shalt  }
0x7f: {  	_ =	shalt  }
0x80: {  	_ =	shalt  }
0x81: {  	_ =	shalt  }
0x82: {  	_ =	shalt  }
0x83: {  	_ =	shalt  }
0x84: {  	_ =	shalt  }
0x85: {  	_ =	shalt  }
0x86: {  	_ =	shalt  }
0x87: {  	_ =	shalt  }
.Lfunc_end0:
.L_simem_size_0:
called_computation.1_lowered:
.L_overlay_start_0:
0x88: {  	s2 =	sld [smem:$0x3FD9]  }
0x89: {  	s3 =	sld [smem:$0x3FFE];
	_ =	sdelay $0x1  }
0x8a: {  	s1 =	srdreg.scid  }
0x8b: {  	s0 =	sand.u32 $0x1, s1  }
0x8c: {  	s16 =	sshll.u32 s0, $0xA;
	s2 =	sadd.s32 s3, s2  }
0x8d: {  	s2 =	sadd.s32 s2, s16  }
0x8e: {  	[smem:$0x3FC0] =	sst s2  }
0x8f: {  	_ = 	snop  }
0x90: {  	(tm) =	ssettm $0x1  }
0x91: {  	s17 =	sld [smem:$0x3FFB];
	_ =	sdelay $0x3  }
0x92: {  	_ =	strace s17  }
0x93: {  	s2 =	sld [smem:$0x3FFC];
	_ =	sdelay $0x3  }
0x94: {  	_ =	strace s2  }
0x95: {  	s2 =	sld [smem:$0x3FFD];
	_ =	sdelay $0x3  }
0x96: {  	_ =	strace s2  }
0x97: {  	_ =	strace $0x8FFFFFFF  }
0x98: {  	s18 =	sld [smem:$0x3FDB];
	_ =	sdelay $0x1  }
0x99: {  	s19 =	simm.s32 $_scs_section_size  }
0x9a: {  	s4 =	simm.s32 $_size__tile_overlayer_lowered;
	s5 =	simm.s32 $_tile_overlayer_lowered  }
0x9b: {  	s22 =	simm.s32 $0x1BFF;
	s21 =	sshll.u32 s5, $0x1;
	s2 =	sadd.s32 s19, s18  }
0x9c: {  	s6 =	simm.s32 $0x0;
	s20 =	sshll.u32 s4, $0x1;
	s4 =	sadd.s32 s21, s2  }
0x9d: {  	[timem:s6], [sflag:s22] =	dma.local [hbm:s4], s20  }
0x9e: {  	_ =	swait.ge [sflag:s22], s20  }
0x9f: {  	s3 =	ssub.s32 $0x0, s20;
	[sflag:s22] =	ssyncset.done $0x0  }
0xa0: {  	[sflag:s22] =	ssyncadd.s32 s3;
	_ =	sdelay $0x1  }
0xa1: {  	s23 =	simm.s32 $0x1B8B  }
0xa2: {  	_ =	swait.ge [sflag:s23], $0x1  }
0xa3: {  	[sflag:s23] =	ssyncset.done $0x0  }
0xa4: {  	s25 =	simm.s32 $0x1B8E;
	s24 =	sld [smem:$0x3FFE];
	[sflag:s23] =	ssyncadd.s32 $0xFFFFFFFF  }
0xa5: {  	s26 =	simm.s32 $execute0_lowered;
	[smem:$0x3FD2] =	sst s25  }
0xa6: {  	s4 =	sshll.u32 s26, $0x1;
	_ =	strace $0x80000049;
	[dreg:$0x1] =	wrdreg $0xFFFFFFFF  }
0xa7: {  	s28 =	simm.s32 $_size_execute0_lowered;
	s2 =	sadd.s32 s2, s4;
	[dreg:$0x0] =	wrdreg $0x0  }
0xa8: {  	s4 =	sshll.u32 s28, $0x1;
	[dreg:$0x2] =	wrdreg s2  }
0xa9: {  	[dreg:$0x3] =	wrdreg s4  }
0xaa: {  	[dreg:$0x4] =	wrdreg $0xC0  }
0xab: {  	_ =	task [dreg:s6], $0x5FFFF  }
0xac: {  	[dreg:$0x1] =	wrdreg $0xFFFFFFFF  }
0xad: {  	[dreg:$0x0] =	wrdreg $0x60  }
0xae: {  	[dreg:$0x2] =	wrdreg s24  }
0xaf: {  	[dreg:$0x3] =	wrdreg $0xB8000  }
0xb0: {  	[dreg:$0x4] =	wrdreg $0x9  }
0xb1: {  	_ =	task.clear_ibuf [dreg:s6], $0x5FFFF;
	_ =	strace $0x90000049  }
0xb2: {  	s29 =	simm.s32 $0x9;
	_ =	strace $0x8000004B  }
0xb3: {  	_ =	swait.ge [sflag:s29], $0x1  }
0xb4: {  	[sflag:s29] =	ssyncadd.s32 $0xFFFFFFFF  }
0xb5: {  	_ =	strace $0x9000004B  }
0xb6: {  	_ =	sfence  }
0xb7: {  	s30 =	sld [smem:$0x0];
	_ =	sdelay $0x2  }
0xb8: {  	s31 =	sshll.u32 s1, $0xD;
	s1 =	sshrl.u32 s1, $0x2  }
0xb9: {  	s3 =	sand.u32 $0x4000, s31;
	s1 =	sadd.s32 s1, s30  }
0xba: {  	s0 =	sor.u32 s3, s0;
	s1 =	sshll.u32 s1, $0x11  }
0xbb: {  	s0 =	sor.u32 s1, s0  }
0xbc: {  	s0 =	sadd.s32 $0x8F2B, s0  }
0xbd: {  	[sflag:s0] =	ssyncadd.remote.s32 $0x1  }
0xbe: {  	_ =	sfence.sel $0xFFFF  }
0xbf: {  	[dreg:$0x0] =	wrdreg $0xFFFFFFFF;
	(pc) =	sbr.abs _section_cstart, $3  }
0xc0: {  	[dreg:$0x1] =	wrdreg $0xFFFFFFFF  }
0xc1: {  	_ =	task.clear_ibuf [dreg:s6], $0x2FFFF;
	_ =	strace $0x9FFFFFFF  }
0xc2: {  	(tm) =	ssettm $0x7FFFFFFF  }
0xc3: {  	_ =	shalt  }
tec
execute0_lowered:
.L_overlay_start_1:
0x0: {  	(tag) =	ssettag $0x1  }
0x1: {  	s0 =	rddreg [dreg:$0x0]  }
0x2: {  	s2 =	rddreg [dreg:$0x1];
	s11 =	stileid.u32  }
0x3: {  	s1 =	srdreg.scid;
	s4 =	simm.s32 $0x0;
	s3 =	smul.u32 $0x14000, s11  }
0x4: {  	s1 =	sand.u32 $0x1, s1;
	[smem:$0x7FF] =	sst s4;
	s9 =	smul.u32 $0x50000, s11  }
0x5: {  	s4 =	sadd.s32 $0x34600, s0;
	s6 =	sadd.s32 $0x2600, s0;
	s20 =	smul.u32 $0x6400, s11  }
0x6: {  	s12 =	sshll.u32 s11, $0x6;
	s24 =	sadd.s32 $0x1B600, s0;
	s5 =	smul.u32 $0x140000, s1  }
0x7: {  	_ =	strace $0x8000004A;
	s19 =	sshll.u32 s1, $0x4;
	s8 =	ssub.s32 $0x2, s1  }
0x8: {  	s1 =	smul.u32 $0x64000, s1;
	[dreg:$0x3] =	wrdreg s12;
	s21 =	sor.u32 $0x1C03, s12  }
0x9: {  	[dreg:$0x7] =	wrdreg s24;
	s7 =	sshrl.u32 s3, $0x3;
	s10 =	sshrl.u32 s8, $0x1  }
0xa: {  	s9 =	sshrl.u32 s9, $0x2;
	[dreg:$0x5] =	wrdreg s21;
	s3 =	sadd.s32 s3, s5  }
0xb: {  	s18 =	sadd.s32 s7, s0;
	s7 =	sor.u32 s11, s19;
	s8 =	ssub.s32 s8, s10  }
0xc: {  	s1 =	sadd.s32 s20, s1;
	s3 =	sshrl.u32 s3, $0x3;
	s5 =	sadd.s32 $0x5B800, s18  }
0xd: {  	s26 =	sadd.s32 $0x800, s1;
	s29 =	smax.u32 s8, $0x1;
	[dreg:$0x4] =	wrdreg s5  }
0xe: {  	s3 =	sadd.s32 s3, s0;
	[dreg:$0xa] =	wrdreg s29;
	s0 =	sshrl.u32 s26, $0x3  }
0xf: {  	s7 =	smul.u32 $0x6400, s7;
	s28 =	sadd.s32 $0x83800, s3;
	[dreg:$0xb] =	wrdreg s0  }
0x10: {  	s9 =	sadd.s32 s9, s2;
	s0 =	sadd.s32 s0, s6;
	[dreg:$0x9] =	wrdreg s28  }
0x11: {  	s22 =	sshrl.u32 s7, $0x3;
	s3 =	sshrl.u32 s9, $0x3;
	[dreg:$0xc] =	wrdreg s0  }
0x12: {  	s7 =	sadd.s32 s6, s22;
	[dreg:$0xd] =	wrdreg s3  }
0x13: {  	s23 =	sadd.s32 $0x80, s22;
	s30 =	sadd.s32 s22, s24;
	[dreg:$0x6] =	wrdreg s7  }
0x14: {  	s25 =	sadd.s32 s6, s23;
	[dreg:$0xe] =	wrdreg s30  }
0x15: {  	s1 =	simm.s32 $0x0;
	s31 =	sadd.s32 s23, s24;
	[dreg:$0x8] =	wrdreg s25  }
0x16: {  	s6 =	simm.s32 $0xC;
	s23 =	simm.s32 $0x50;
	[dreg:$0xf] =	wrdreg s31  }
.LBB2_1:
0x17: {  	[dreg:$0x10] =	wrdreg s1  }
0x18: {  	s0 =	rddreg [dreg:$0x4]  }
0x19: {  	s24 =	rddreg [dreg:$0x5]  }
0x1a: {  	[spmem:s3], [sflag:s24] =	dma.local [hbm:s0], $0x2800  }
0x1b: {  	s25 =	simm.s32 $0x0;
	s1 =	rddreg [dreg:$0x6]  }
0x1c: {  	[tilespmem:s25], [sflag:$0xC] =	stream.linear.gather [hbm4b:s1+s25], $0x280, $0x38;
	[tilespmem:$0x1F800] =	vst v63  }
0x1d: {  	_ =	swait.ge [sflag:s6], $0x280  }
0x1e: {  	[sflag:s6] =	ssyncset.done $0x0  }
0x1f: {  	s28 =	simm.s32 $0xC00;
	s26 =	rddreg [dreg:$0xe];
	[sflag:s6] =	ssyncadd.s32 $0xFFFFFD80  }
0x20: {  	[tilespmem:s28], [sflag:$0xC] =	stream.linear.gather [hbm4b:s26+s25], $0x280, $0x38;
	[tilespmem:$0x1F800] =	vst v63  }
0x21: {  	_ =	swait.ge [sflag:s6], $0x280  }
0x22: {  	s31 =	simm.s32 $0x400;
	s5 =	simm.s32 $0x1000;
	[sflag:s6] =	ssyncset.done $0x0  }
0x23: {  	s8 =	simm.s32 $0x2;
	s30 =	rddreg [dreg:$0x8];
	[sflag:s6] =	ssyncadd.s32 $0xFFFFFD80  }
0x24: {  	[tilespmem:s31], [sflag:$0xA] =	stream.linear.gather [hbm4b:s30+s25], $0x280, $0x38;
	[tilespmem:$0x1F800] =	vst v63  }
0x25: {  	s1 =	smul.u32 $0xAB, s8;
	s3 =	rddreg [dreg:$0xf];
	s6 =	simm.s32 $0x3  }
0x26: {  	[tilespmem:s5], [sflag:$0xA] =	stream.linear.gather [hbm4b:s3+s25], $0x280, $0x38;
	[tilespmem:$0x1F800] =	vst v63  }
0x27: {  	_ =	swait.ge [sflag:s6], $0x2800  }
0x28: {  	s10 =	sadd.s32 $0xFFFFFEAA, s1;
	[sflag:s6] =	ssyncset.done $0x0  }
0x29: {  	s7 =	simm.s32 $0x1800;
	s3 =	sshrl.u32 s10, $0x9;
	[sflag:s6] =	ssyncadd.s32 $0xFFFFD800  }
0x2a: {  	s9 =	simm.s32 $0x80;
	s3 =	sand.u32 $0x7F, s3;
	[bflag:$0x0] =	sbarrier.arrive $0xFFFF  }
0x2b: {  	[tilespmem:s7], [sflag:$0x1] =	stream.indirect.gather [hbm4b:s4+s23], $0x80, s25, s23, $0xb8;
	[tilespmem:$0x1F800] =	vst v63  }
0x2c: {  	p0 =	por $0x1, $0x1;
	s11 =	smul.u32 $0x3, s3;
	s7 =	sand.u32 $0x3, s25  }
0x2d: {  	s13 =	simm.s32 $0xFFFFFFFF;
	s5 =	simm.s32 $0x4000;
	s12 =	smul.u32 $0xA000, s7  }
0x2e: {  	[tilespmem:s5], [sflag:$0x2] =	stream.indirect.gather [hbm4b:s4+s23], $0x80, s9, s23, $0xb8;
	[tilespmem:$0x1F800] =	vst v63  }
0x2f: {  	s3 =	sxor.u32 $0x2, s7;
	s24 =	sadd.s32 $0x1, s7;
	s5 =	ssub.s32 $0x0, s11  }
0x30: {  	s8 =	smul.u32 $0xA000, s3;
	s10 =	sadd.s32 @!p0 $0x5, s3;
	s6 =	sadd.s32 $0x1, s3  }
0x31: {  	s5 =	sand.u32 $0xFF, s5;
	s9 =	sshrl.u32 s12, $0x2;
	_ =	swait.ge @!p0 [sflag:s10], $0x2800  }
0x32: {  	s8 =	sshrl.u32 s8, $0x2;
	s25 =	sshll.u32 s5, $0xA;
	[sflag:s10] =	ssyncset.done @!p0 $0x0  }
0x33: {  	s5 =	sor.u32 $0x100, s25;
	[sflag:s10] =	ssyncadd.s32 @!p0 $0xFFFFD800;
	s8 =	sadd.s32 $0x1800, s8  }
0x34: {  	[tilespmem:s8], [sflag:s6] =	stream.indirect.gather [hbm4b:s4+s23], $0x80, s5, s23, $0xb8;
	[tilespmem:$0x1F800] =	vst v63  }
0x35: {  	s26 =	sadd.s32 $0x5, s7;
	s7 =	sadd.s32 $0x1800, s9;
	_ =	swait.ge [sflag:s24], $0x2800  }
0x36: {  	s14 =	sadd.s32 $0xC00, s25;
	s5 =	sand.u32 $0x3, s13;
	[sflag:s24] =	ssyncset.done $0x0  }
0x37: {  	s11 =	smul.u32 $0xA000, s5;
	s12 =	sadd.s32 @!p0 $0x5, s5;
	[sflag:s24] =	ssyncadd.s32 $0xFFFFD800  }
0x38: {  	[spmem:s2] =	stream.indirect.scatter.add.f32 [tilespmem:s7], [sflag:s26], $0x80, s14, s23, $0xb8;
	[tilespmem:$0x1F800] =	vst v63  }
0x39: {  	s16 =	simm.s32 $0x1;
	s13 =	sadd.s32 $0x180, s25;
	_ =	swait.ge @!p0 [sflag:s12], $0x2800  }
0x3a: {  	s9 =	sadd.s32 $0x1, s5;
	s15 =	sshrl.u32 s11, $0x2;
	[sflag:s12] =	ssyncset.done @!p0 $0x0  }
0x3b: {  	s11 =	sand.u32 $0x3, s16;
	[sflag:s12] =	ssyncadd.s32 @!p0 $0xFFFFD800;
	s12 =	sadd.s32 $0x1800, s15  }
0x3c: {  	[tilespmem:s12], [sflag:s9] =	stream.indirect.gather [hbm4b:s4+s23], $0x80, s13, s23, $0xb8;
	[tilespmem:$0x1F800] =	vst v63  }
0x3d: {  	s17 =	smul.u32 $0xA000, s11;
	s13 =	sadd.s32 $0x1, s11  }
0x3e: {  	_ =	swait.ge [sflag:s13], $0x2800  }
0x3f: {  	s20 =	sadd.s32 $0x5, s11;
	s10 =	sshrl.u32 s17, $0x2;
	[sflag:s13] =	ssyncset.done $0x0  }
0x40: {  	s15 =	sadd.s32 $0xC80, s25;
	s19 =	sadd.s32 $0x1800, s10;
	[sflag:s13] =	ssyncadd.s32 $0xFFFFD800  }
0x41: {  	[spmem:s2] =	stream.indirect.scatter.add.f32 [tilespmem:s19], [sflag:s20], $0x80, s15, s23, $0xb8;
	[tilespmem:$0x1F800] =	vst v63  }
0x42: {  	s14 =	sadd.s32 $0xFFFFFF55, s1;
	_ =	swait.ge [sflag:s26], $0x2800  }
0x43: {  	s18 =	sshrl.u32 s14, $0x9;
	[sflag:s26] =	ssyncset.done $0x0  }
0x44: {  	s21 =	sadd.s32 $0x200, s25;
	s10 =	sand.u32 $0x7F, s18;
	[sflag:s26] =	ssyncadd.s32 $0xFFFFD800  }
0x45: {  	[tilespmem:s7], [sflag:s24] =	stream.indirect.gather [hbm4b:s4+s23], $0x80, s21, s23, $0xb8;
	[tilespmem:$0x1F800] =	vst v63  }
0x46: {  	p1 =	por $0x0, $0x0;
	s10 =	smul.u32 $0x3, s10;
	_ =	swait.ge [sflag:s6], $0x2800  }
0x47: {  	s22 =	sadd.s32 $0xD00, s25;
	s1 =	sshrl.u32 s1, $0x9;
	[sflag:s6] =	ssyncset.done $0x0  }
0x48: {  	s17 =	sadd.s32 $0x5, s3;
	s10 =	sxor.u32 $0xFFFFFFFF, s10;
	[sflag:s6] =	ssyncadd.s32 $0xFFFFD800  }
0x49: {  	[spmem:s2] =	stream.indirect.scatter.add.f32 [tilespmem:s8], [sflag:s17], $0x80, s22, s23, $0xb8;
	[tilespmem:$0x1F800] =	vst v63  }
0x4a: {  	s14 =	sadd.s32 @p1 $0xD80, s25;
	s10 =	sadd.s32 $0x2, s10;
	_ =	swait.ge @p1 [sflag:s9], $0x2800  }
0x4b: {  	s11 =	simm.s32 @p1 $0x50;
	s3 =	sand.u32 $0xFF, s10;
	[sflag:s9] =	ssyncset.done @p1 $0x0  }
0x4c: {  	s10 =	sadd.s32 @p1 $0x5, s5;
	s15 =	sadd.s32 @!p1 $0x9, s3;
	[sflag:s9] =	ssyncadd.s32 @p1 $0xFFFFD800  }
0x4d: {  	[spmem:s2] =	stream.indirect.scatter.add.f32 @p1 [tilespmem:s12], [sflag:s10], $0x80, s14, s11, $0xb8;
	[tilespmem:$0x1F800] =	vst v63  }
0x4e: {  	s1 =	sand.u32 $0x7F, s1;
	_ =	swait.ge @!p1 [sflag:s15], $0x280  }
0x4f: {  	s1 =	smul.u32 $0x3, s1;
	[sflag:s15] =	ssyncset.done @!p1 $0x0  }
0x50: {  	p2 =	por $0x0, $0x0;
	[sflag:s15] =	ssyncadd.s32 @!p1 $0xFFFFFD80  }
0x51: {  	p0 =	por $0x0, $0x0;
	s31 =	ssub.s32 $0x2, s1;
	_ =	swait.ge @!p1 [sflag:s15], $0x280  }
0x52: {  	s5 =	sadd.s32 @!p1 $0x5, s5;
	s3 =	sshll.u32 @!p1 s3, $0xA;
	[sflag:s15] =	ssyncset.done @!p1 $0x0  }
0x53: {  	s29 =	sor.u32 @!p1 $0x80, s3;
	s28 =	rddreg [dreg:$0x7];
	[sflag:s15] =	ssyncadd.s32 @!p1 $0xFFFFFD80  }
0x54: {  	s21 =	simm.s32 $0x5;
	s30 =	rddreg [dreg:$0xb];
	_ =	swait.ge @!p1 [sflag:s20], $0x2800  }
0x55: {  	s22 =	simm.s32 @!p2 $0x0;
	s10 =	simm.s32 $0xA;
	[sflag:s20] =	ssyncset.done @!p1 $0x0  }
0x56: {  	s11 =	sadd.s32 s28, s30;
	s15 =	simm.s32 @!p1 $0x50;
	[sflag:s20] =	ssyncadd.s32 @!p1 $0xFFFFD800  }
0x57: {  	[tilespmem:s19], [sflag:s13] =	stream.indirect.gather @!p1 [hbm4b:s4+s15], $0x80, s3, s15, $0xb8;
	[tilespmem:$0x1F800] =	vst v63  }
0x58: {  	s14 =	sand.u32 $0xFF, s31;
	s1 =	sadd.s32 $0x80, s11;
	s19 =	simm.s32 $0x3  }
0x59: {  	s0 =	rddreg [dreg:$0xc];
	s16 =	smul.u32 $0xAB, s19;
	_ =	swait.ge @!p1 [sflag:s9], $0x2800  }
0x5a: {  	s18 =	sadd.s32 $0x80, s0;
	s13 =	sadd.s32 @!p1 $0xD80, s25;
	[sflag:s9] =	ssyncset.done @!p1 $0x0  }
0x5b: {  	s3 =	sshll.u32 @!p2 s14, $0xA;
	[sflag:s9] =	ssyncadd.s32 @!p1 $0xFFFFD800;
	s28 =	sadd.s32 $0xFFFFFEAA, s16  }
0x5c: {  	s9 =	sadd.s32 @!p2 $0x9, s14;
	s30 =	sadd.s32 $0xFFFFFF55, s16;
	s14 =	smov.u32 s0  }
0x5d: {  	[spmem:s2] =	stream.indirect.scatter.add.f32 @!p1 [tilespmem:s12], [sflag:s5], $0x80, s13, s15, $0xb8;
	[tilespmem:$0x1F800] =	vst v63  }
0x5e: {  	s31 =	sshrl.u32 s28, $0x9;
	s5 =	sshrl.u32 s30, $0x9;
	s13 =	sshrl.u32 s16, $0x9  }
0x5f: {  	s20 =	sand.u32 $0x7F, s31;
	s12 =	sand.u32 $0x7F, s5;
	_ =	swait.ge @!p1 [sflag:s17], $0x2800  }
.LBB2_2:
0x60: {  	s5 =	sadd.s32 $0xFFFFFFFE, s19  }
0x61: {  	s28 =	sand.u32 $0x7F, s13;
	[sflag:s17] =	ssyncset.done @!p1 $0x0;
	s13 =	smov.u32 s10  }
0x62: {  	s25 =	sadd.s32 $0xE00, s25;
	s28 =	smul.u32 $0x3, s28;
	[sflag:s17] =	ssyncadd.s32 @!p1 $0xFFFFD800  }
0x63: {  	[tilespmem:s8], [sflag:s6] =	stream.indirect.gather @!p1 [hbm4b:s4+s15], $0x80, s29, s15, $0xb8;
	[tilespmem:$0x1F800] =	vst v63  }
0x64: {  	s6 =	smul.u32 $0x3, s20;
	s15 =	sand.u32 $0x3, s21;
	_ =	swait.ge [sflag:s24], $0x2800  }
0x65: {  	s20 =	sadd.s32 @!p2 $0xC00, s3;
	s8 =	smul.u32 $0xA000, s15;
	[sflag:s24] =	ssyncset.done $0x0  }
0x66: {  	s17 =	sxor.u32 $0x2, s15;
	s6 =	ssub.s32 s5, s6;
	[sflag:s24] =	ssyncadd.s32 $0xFFFFD800  }
0x67: {  	[spmem:s2] =	stream.indirect.scatter.add.f32 [tilespmem:s7], [sflag:s26], $0x80, s25, s23, $0xb8;
	[tilespmem:$0x1F800] =	vst v63  }
0x68: {  	s6 =	sand.u32 $0xFF, s6;
	s30 =	sshrl.u32 s8, $0x2;
	s7 =	smul.u32 $0xA000, s17  }
0x69: {  	[tilespmem:s3], [sflag:s9] =	stream.linear.gather @!p2 [hbm4b:s14+s22], $0x280, $0x38;
	[tilespmem:$0x1F800] =	vst v63  }
0x6a: {  	s25 =	sshll.u32 s6, $0xA;
	s3 =	sadd.s32 @!p0 $0x5, s17;
	s7 =	sshrl.u32 s7, $0x2  }
0x6b: {  	[tilespmem:s20], [sflag:s9] =	stream.linear.gather @!p2 [hbm4b:s11+s22], $0x280, $0x38;
	[tilespmem:$0x1F800] =	vst v63  }
0x6c: {  	s24 =	sadd.s32 $0x1, s15;
	s6 =	sadd.s32 $0x1, s17;
	_ =	swait.ge @!p0 [sflag:s3], $0x2800  }
0x6d: {  	s9 =	ssub.s32 s19, s28;
	s11 =	sor.u32 $0x100, s25;
	[sflag:s3] =	ssyncset.done @!p0 $0x0  }
0x6e: {  	s8 =	sadd.s32 $0x1800, s7;
	[sflag:s3] =	ssyncadd.s32 @!p0 $0xFFFFD800;
	s3 =	sadd.s32 $0xFFFFFFFF, s21  }
0x6f: {  	[tilespmem:s8], [sflag:s6] =	stream.indirect.gather [hbm4b:s4+s23], $0x80, s11, s23, $0xb8;
	[tilespmem:$0x1F800] =	vst v63  }
0x70: {  	s26 =	sadd.s32 $0x5, s15;
	s29 =	sand.u32 $0x3, s3;
	_ =	swait.ge [sflag:s24], $0x2800  }
0x71: {  	s3 =	sadd.s32 $0xC00, s25;
	s11 =	smul.u32 $0xA000, s29;
	[sflag:s24] =	ssyncset.done $0x0  }
0x72: {  	s7 =	sadd.s32 $0x1800, s30;
	s14 =	sadd.s32 @!p0 $0x5, s29;
	[sflag:s24] =	ssyncadd.s32 $0xFFFFD800  }
0x73: {  	[spmem:s2] =	stream.indirect.scatter.add.f32 [tilespmem:s7], [sflag:s26], $0x80, s3, s23, $0xb8;
	[tilespmem:$0x1F800] =	vst v63  }
0x74: {  	s28 =	sadd.s32 $0x1, s29;
	s3 =	sshrl.u32 s11, $0x2;
	_ =	swait.ge @!p0 [sflag:s14], $0x2800  }
0x75: {  	s15 =	sadd.s32 $0x180, s25;
	s11 =	sadd.s32 $0x1, s21;
	[sflag:s14] =	ssyncset.done @!p0 $0x0  }
0x76: {  	s22 =	sand.u32 $0x3, s11;
	s30 =	sadd.s32 $0x1800, s3;
	[sflag:s14] =	ssyncadd.s32 @!p0 $0xFFFFD800  }
0x77: {  	[tilespmem:s30], [sflag:s28] =	stream.indirect.gather [hbm4b:s4+s23], $0x80, s15, s23, $0xb8;
	[tilespmem:$0x1F800] =	vst v63  }
0x78: {  	s10 =	sadd.s32 $0x5, s10;
	s3 =	smul.u32 $0xA000, s22;
	s31 =	sadd.s32 $0x1, s22  }
0x79: {  	p3 =	sne.s32 s10, $0x7D;
	s14 =	sadd.s32 $0xC80, s25;
	_ =	swait.ge [sflag:s31], $0x2800  }
0x7a: {  	s11 =	smov.u32 s1;
	s3 =	sshrl.u32 s3, $0x2;
	[sflag:s31] =	ssyncset.done $0x0  }
0x7b: {  	s20 =	sadd.s32 $0x1800, s3;
	s3 =	sadd.s32 $0x5, s22;
	[sflag:s31] =	ssyncadd.s32 $0xFFFFD800  }
0x7c: {  	[spmem:s2] =	stream.indirect.scatter.add.f32 [tilespmem:s20], [sflag:s3], $0x80, s14, s23, $0xb8;
	[tilespmem:$0x1F800] =	vst v63  }
0x7d: {  	s12 =	smul.u32 $0x3, s12;
	s15 =	sadd.s32 $0x200, s25;
	_ =	swait.ge [sflag:s26], $0x2800  }
0x7e: {  	s14 =	smov.u32 s18;
	[sflag:s26] =	ssyncset.done $0x0  }
0x7f: {  	s12 =	sxor.u32 $0xFFFFFFFF, s12;
	[sflag:s26] =	ssyncadd.s32 $0xFFFFD800  }
0x80: {  	[tilespmem:s7], [sflag:s24] =	stream.indirect.gather [hbm4b:s4+s23], $0x80, s15, s23, $0xb8;
	[tilespmem:$0x1F800] =	vst v63  }
0x81: {  	s12 =	sadd.s32 s19, s12;
	s15 =	sadd.s32 $0xD00, s25;
	_ =	swait.ge [sflag:s6], $0x2800  }
0x82: {  	s12 =	sand.u32 $0xFF, s12;
	[sflag:s6] =	ssyncset.done $0x0  }
0x83: {  	p1 =	seq.s32 s21, $0x78;
	s17 =	sadd.s32 $0x5, s17;
	[sflag:s6] =	ssyncadd.s32 $0xFFFFD800  }
0x84: {  	[spmem:s2] =	stream.indirect.scatter.add.f32 [tilespmem:s8], [sflag:s17], $0x80, s15, s23, $0xb8;
	[tilespmem:$0x1F800] =	vst v63  }
0x85: {  	s21 =	smov.u32 s13;
	_ =	swait.ge @p1 [sflag:s28], $0x2800  }
0x86: {  	s13 =	sadd.s32 @p1 $0x5, s29;
	s15 =	simm.s32 @p1 $0x50;
	[sflag:s28] =	ssyncset.done @p1 $0x0  }
0x87: {  	s16 =	sadd.s32 @!p1 $0x9, s12;
	s22 =	sadd.s32 @p1 $0xD80, s25;
	[sflag:s28] =	ssyncadd.s32 @p1 $0xFFFFD800  }
0x88: {  	[spmem:s2] =	stream.indirect.scatter.add.f32 @p1 [tilespmem:s30], [sflag:s13], $0x80, s22, s15, $0xb8;
	[tilespmem:$0x1F800] =	vst v63  }
0x89: {  	_ =	swait.ge @!p1 [sflag:s16], $0x280  }
0x8a: {  	s12 =	sshll.u32 @!p1 s12, $0xA;
	[sflag:s16] =	ssyncset.done @!p1 $0x0  }
0x8b: {  	s1 =	sadd.s32 $0x80, s1;
	s18 =	sadd.s32 $0x80, s18;
	[sflag:s16] =	ssyncadd.s32 @!p1 $0xFFFFFD80  }
0x8c: {  	s19 =	sadd.s32 $0x1, s19;
	p2 =	sgt.u32 s5, $0x16;
	_ =	swait.ge @!p1 [sflag:s16], $0x280  }
0x8d: {  	s5 =	sadd.s32 @!p1 $0xD80, s25;
	s15 =	simm.s32 @!p1 $0x50;
	[sflag:s16] =	ssyncset.done @!p1 $0x0  }
0x8e: {  	s0 =	sadd.s32 @!p1 $0x5, s29;
	s22 =	simm.s32 @!p2 $0x0;
	[sflag:s16] =	ssyncadd.s32 @!p1 $0xFFFFFD80  }
0x8f: {  	p0 =	seq.s32 s21, $0x0;
	s13 =	smul.u32 $0xAB, s19;
	_ =	swait.ge @!p1 [sflag:s3], $0x2800  }
0x90: {  	s29 =	sor.u32 @!p1 $0x80, s12;
	s16 =	sand.u32 $0xFF, s9;
	[sflag:s3] =	ssyncset.done @!p1 $0x0  }
0x91: {  	s9 =	sadd.s32 @!p2 $0x9, s16;
	[sflag:s3] =	ssyncadd.s32 @!p1 $0xFFFFD800;
	s3 =	sadd.s32 $0xFFFFFEAA, s13  }
0x92: {  	[tilespmem:s20], [sflag:s31] =	stream.indirect.gather @!p1 [hbm4b:s4+s15], $0x80, s12, s15, $0xb8;
	[tilespmem:$0x1F800] =	vst v63  }
.Ltmp0:
0x93: {  	s12 =	sadd.s32 $0xFFFFFF55, s13;
	_ =	swait.ge @!p1 [sflag:s28], $0x2800;
	(pc) =	sbr.rel @p3 .LBB2_2-.Ltmp0, $4  }
0x94: {  	s20 =	sshrl.u32 s3, $0x9;
	s12 =	sshrl.u32 s12, $0x9;
	[sflag:s28] =	ssyncset.done @!p1 $0x0  }
0x95: {  	s13 =	sshrl.u32 s13, $0x9;
	s3 =	sshll.u32 @!p2 s16, $0xA;
	[sflag:s28] =	ssyncadd.s32 @!p1 $0xFFFFD800  }
0x96: {  	[spmem:s2] =	stream.indirect.scatter.add.f32 @!p1 [tilespmem:s30], [sflag:s0], $0x80, s5, s15, $0xb8;
	[tilespmem:$0x1F800] =	vst v63  }
0x97: {  	s20 =	sand.u32 $0x7F, s20;
	s12 =	sand.u32 $0x7F, s12;
	_ =	swait.ge @!p1 [sflag:s17], $0x2800  }
0x98: {  	[sflag:s17] =	ssyncset.done @!p1 $0x0;
	s5 =	sadd.s32 $0xFFFFFFFE, s19  }
0x99: {  	s0 =	smul.u32 $0x3, s20;
	s20 =	sand.u32 $0x3, s21;
	[sflag:s17] =	ssyncadd.s32 @!p1 $0xFFFFD800  }
0x9a: {  	[tilespmem:s8], [sflag:s6] =	stream.indirect.gather @!p1 [hbm4b:s4+s15], $0x80, s29, s15, $0xb8;
	[tilespmem:$0x1F800] =	vst v63  }
0x9b: {  	s28 =	sadd.s32 $0xE00, s25;
	s25 =	sadd.s32 $0x1, s21;
	_ =	swait.ge [sflag:s24], $0x2800  }
0x9c: {  	s16 =	sxor.u32 $0x2, s20;
	s17 =	sadd.s32 $0xFFFFFFFF, s21;
	[sflag:s24] =	ssyncset.done $0x0  }
0x9d: {  	s29 =	smul.u32 $0xA000, s20;
	s0 =	ssub.s32 s5, s0;
	[sflag:s24] =	ssyncadd.s32 $0xFFFFD800  }
0x9e: {  	[spmem:s2] =	stream.indirect.scatter.add.f32 [tilespmem:s7], [sflag:s26], $0x80, s28, s23, $0xb8;
	[tilespmem:$0x1F800] =	vst v63  }
0x9f: {  	s6 =	sadd.s32 @!p2 $0xC00, s3;
	s30 =	smul.u32 $0xA000, s16;
	s8 =	sadd.s32 $0x1, s16  }
0xa0: {  	[tilespmem:s3], [sflag:s9] =	stream.linear.gather @!p2 [hbm4b:s14+s22], $0x280, $0x38;
	[tilespmem:$0x1F800] =	vst v63  }
0xa1: {  	s0 =	sand.u32 $0xFF, s0;
	s10 =	sshrl.u32 s30, $0x2;
	s3 =	sadd.s32 @!p0 $0x5, s16  }
0xa2: {  	[tilespmem:s6], [sflag:s9] =	stream.linear.gather @!p2 [hbm4b:s11+s22], $0x280, $0x38;
	[tilespmem:$0x1F800] =	vst v63  }
0xa3: {  	s31 =	sshrl.u32 s29, $0x2;
	s10 =	sadd.s32 $0x1800, s10;
	_ =	swait.ge @!p0 [sflag:s3], $0x2800  }
0xa4: {  	s7 =	sadd.s32 $0x1, s20;
	s6 =	sshll.u32 s0, $0xA;
	[sflag:s3] =	ssyncset.done @!p0 $0x0  }
0xa5: {  	s9 =	sadd.s32 $0x5, s20;
	s0 =	sor.u32 $0x100, s6;
	[sflag:s3] =	ssyncadd.s32 @!p0 $0xFFFFD800  }
0xa6: {  	[tilespmem:s10], [sflag:s8] =	stream.indirect.gather [hbm4b:s4+s23], $0x80, s0, s23, $0xb8;
	[tilespmem:$0x1F800] =	vst v63  }
0xa7: {  	s11 =	sadd.s32 $0x1800, s31;
	s20 =	sadd.s32 $0xC00, s6;
	_ =	swait.ge [sflag:s7], $0x2800  }
0xa8: {  	s26 =	sadd.s32 $0x180, s6;
	s3 =	sand.u32 $0x3, s17;
	[sflag:s7] =	ssyncset.done $0x0  }
0xa9: {  	s22 =	smul.u32 $0xA000, s3;
	s14 =	sadd.s32 @!p0 $0x5, s3;
	[sflag:s7] =	ssyncadd.s32 $0xFFFFD800  }
0xaa: {  	[spmem:s2] =	stream.indirect.scatter.add.f32 [tilespmem:s11], [sflag:s9], $0x80, s20, s23, $0xb8;
	[tilespmem:$0x1F800] =	vst v63  }
0xab: {  	s17 =	sand.u32 $0x3, s25;
	s15 =	sadd.s32 $0x1, s3;
	_ =	swait.ge @!p0 [sflag:s14], $0x2800  }
0xac: {  	s28 =	smul.u32 $0xA000, s17;
	s24 =	sshrl.u32 s22, $0x2;
	[sflag:s14] =	ssyncset.done @!p0 $0x0  }
0xad: {  	s0 =	sadd.s32 $0x1800, s24;
	s20 =	sadd.s32 $0x1, s17;
	[sflag:s14] =	ssyncadd.s32 @!p0 $0xFFFFD800  }
0xae: {  	[tilespmem:s0], [sflag:s15] =	stream.indirect.gather [hbm4b:s4+s23], $0x80, s26, s23, $0xb8;
	[tilespmem:$0x1F800] =	vst v63  }
0xaf: {  	_ =	swait.ge [sflag:s20], $0x2800  }
0xb0: {  	s29 =	sadd.s32 $0xC80, s6;
	s14 =	sshrl.u32 s28, $0x2;
	[sflag:s20] =	ssyncset.done $0x0  }
0xb1: {  	s17 =	sadd.s32 $0x5, s17;
	s14 =	sadd.s32 $0x1800, s14;
	[sflag:s20] =	ssyncadd.s32 $0xFFFFD800  }
0xb2: {  	[spmem:s2] =	stream.indirect.scatter.add.f32 [tilespmem:s14], [sflag:s17], $0x80, s29, s23, $0xb8;
	[tilespmem:$0x1F800] =	vst v63  }
0xb3: {  	_ =	swait.ge [sflag:s9], $0x2800  }
0xb4: {  	[sflag:s9] =	ssyncset.done $0x0  }
0xb5: {  	s12 =	smul.u32 $0x3, s12;
	s30 =	sadd.s32 $0x200, s6;
	[sflag:s9] =	ssyncadd.s32 $0xFFFFD800  }
0xb6: {  	[tilespmem:s11], [sflag:s7] =	stream.indirect.gather [hbm4b:s4+s23], $0x80, s30, s23, $0xb8;
	[tilespmem:$0x1F800] =	vst v63  }
0xb7: {  	_ =	swait.ge [sflag:s8], $0x2800  }
0xb8: {  	s12 =	sxor.u32 $0xFFFFFFFF, s12;
	s16 =	sadd.s32 $0x5, s16;
	[sflag:s8] =	ssyncset.done $0x0  }
0xb9: {  	s31 =	sadd.s32 $0xD00, s6;
	p0 =	seq.s32 s21, $0x78;
	[sflag:s8] =	ssyncadd.s32 $0xFFFFD800  }
0xba: {  	[spmem:s2] =	stream.indirect.scatter.add.f32 [tilespmem:s10], [sflag:s16], $0x80, s31, s23, $0xb8;
	[tilespmem:$0x1F800] =	vst v63  }
0xbb: {  	s12 =	sadd.s32 s19, s12;
	_ =	swait.ge @p0 [sflag:s15], $0x2800  }
0xbc: {  	s12 =	sand.u32 $0xFF, s12;
	s21 =	sadd.s32 @p0 $0x5, s3;
	[sflag:s15] =	ssyncset.done @p0 $0x0  }
0xbd: {  	s22 =	simm.s32 @p0 $0x50;
	s24 =	sadd.s32 @p0 $0xD80, s6;
	[sflag:s15] =	ssyncadd.s32 @p0 $0xFFFFD800  }
0xbe: {  	[spmem:s2] =	stream.indirect.scatter.add.f32 @p0 [tilespmem:s0], [sflag:s21], $0x80, s24, s22, $0xb8;
	[tilespmem:$0x1F800] =	vst v63  }
0xbf: {  	s21 =	sadd.s32 @!p0 $0x9, s12  }
0xc0: {  	_ =	swait.ge @!p0 [sflag:s21], $0x280  }
0xc1: {  	[sflag:s21] =	ssyncset.done @!p0 $0x0  }
0xc2: {  	[sflag:s21] =	ssyncadd.s32 @!p0 $0xFFFFFD80  }
0xc3: {  	_ =	swait.ge @!p0 [sflag:s21], $0x280  }
0xc4: {  	[sflag:s21] =	ssyncset.done @!p0 $0x0  }
0xc5: {  	[sflag:s21] =	ssyncadd.s32 @!p0 $0xFFFFFD80  }
0xc6: {  	_ =	swait.ge @!p0 [sflag:s17], $0x2800  }
0xc7: {  	[sflag:s17] =	ssyncset.done @!p0 $0x0  }
0xc8: {  	s12 =	sshll.u32 @!p0 s12, $0xA;
	[sflag:s17] =	ssyncadd.s32 @!p0 $0xFFFFD800;
	s17 =	simm.s32 @!p0 $0x50  }
0xc9: {  	[tilespmem:s14], [sflag:s20] =	stream.indirect.gather @!p0 [hbm4b:s4+s17], $0x80, s12, s17, $0xb8;
	[tilespmem:$0x1F800] =	vst v63  }
0xca: {  	_ =	swait.ge @!p0 [sflag:s15], $0x2800  }
0xcb: {  	[sflag:s15] =	ssyncset.done @!p0 $0x0  }
0xcc: {  	s3 =	sadd.s32 @!p0 $0x5, s3;
	s14 =	sadd.s32 @!p0 $0xD80, s6;
	[sflag:s15] =	ssyncadd.s32 @!p0 $0xFFFFD800  }
0xcd: {  	[spmem:s2] =	stream.indirect.scatter.add.f32 @!p0 [tilespmem:s0], [sflag:s3], $0x80, s14, s17, $0xb8;
	[tilespmem:$0x1F800] =	vst v63  }
0xce: {  	_ =	swait.ge @!p0 [sflag:s16], $0x2800  }
0xcf: {  	[sflag:s16] =	ssyncset.done @!p0 $0x0  }
0xd0: {  	s20 =	sand.u32 $0x7F, s13;
	s0 =	sor.u32 @!p0 $0x80, s12;
	[sflag:s16] =	ssyncadd.s32 @!p0 $0xFFFFD800  }
0xd1: {  	[tilespmem:s10], [sflag:s8] =	stream.indirect.gather @!p0 [hbm4b:s4+s17], $0x80, s0, s17, $0xb8;
	[tilespmem:$0x1F800] =	vst v63  }
0xd2: {  	s0 =	smul.u32 $0x3, s20  }
0xd3: {  	_ =	swait.ge [sflag:s7], $0x2800  }
0xd4: {  	s21 =	sadd.s32 $0xE00, s6;
	[sflag:s7] =	ssyncset.done $0x0;
	s0 =	ssub.s32 s19, s0  }
0xd5: {  	p0 =	sgt.u32 s5, $0x16;
	[sflag:s7] =	ssyncadd.s32 $0xFFFFD800;
	s0 =	sand.u32 $0xFF, s0  }
0xd6: {  	[spmem:s2] =	stream.indirect.scatter.add.f32 [tilespmem:s11], [sflag:s9], $0x80, s21, s23, $0xb8;
	[tilespmem:$0x1F800] =	vst v63  }
0xd7: {  	s3 =	simm.s32 @!p0 $0x0;
	s5 =	sadd.s32 @!p0 $0x9, s0;
	s0 =	sshll.u32 @!p0 s0, $0xA  }
0xd8: {  	[tilespmem:s0], [sflag:s5] =	stream.linear.gather @!p0 [hbm4b:s18+s3], $0x280, $0x38;
	[tilespmem:$0x1F800] =	vst v63  }
0xd9: {  	s22 =	simm.s32 $0x5;
	s0 =	sadd.s32 @!p0 $0xC00, s0  }
0xda: {  	[tilespmem:s0], [sflag:s5] =	stream.linear.gather @!p0 [hbm4b:s1+s3], $0x280, $0x38;
	[tilespmem:$0x1F800] =	vst v63  }
0xdb: {  	_ =	swait.ge [sflag:s22], $0x2800  }
0xdc: {  	[sflag:s22] =	ssyncset.done $0x0  }
0xdd: {  	s24 =	simm.s32 $0x6;
	[sflag:s22] =	ssyncadd.s32 $0xFFFFD800  }
0xde: {  	_ =	swait.ge [sflag:s24], $0x2800  }
0xdf: {  	[sflag:s24] =	ssyncset.done $0x0  }
0xe0: {  	s25 =	simm.s32 $0x7;
	[sflag:s24] =	ssyncadd.s32 $0xFFFFD800  }
0xe1: {  	_ =	swait.ge [sflag:s25], $0x2800  }
0xe2: {  	[sflag:s25] =	ssyncset.done $0x0  }
0xe3: {  	s26 =	simm.s32 $0x8;
	[sflag:s25] =	ssyncadd.s32 $0xFFFFD800  }
0xe4: {  	_ =	swait.ge [sflag:s26], $0x2800  }
0xe5: {  	[sflag:s26] =	ssyncset.done $0x0  }
0xe6: {  	[sflag:s26] =	ssyncadd.s32 $0xFFFFD800  }
0xe7: {  	[bflag:$0x0] =	sbarrier.arrive $0xFFFF  }
0xe8: {  	s28 =	rddreg [dreg:$0x3]  }
0xe9: {  	s29 =	rddreg [dreg:$0x9]  }
0xea: {  	s6 =	simm.s32 $0xC;
	s3 =	rddreg [dreg:$0xd];
	s0 =	sor.u32 $0x1C0C, s28  }
0xeb: {  	[hbm:s29], [sflag:s0] =	dma.local [spmem:s3], $0x2800  }
0xec: {  	_ =	swait.ge [sflag:s6], $0x2800  }
0xed: {  	s30 =	rddreg [dreg:$0x10]  }
0xee: {  	s31 =	rddreg [dreg:$0xa];
	s1 =	sadd.s32 $0x1, s30  }
0xef: {  	p0 =	sne.s32 s1, s31  }
.Ltmp1:
0xf0: {  	_ = 	snop;
	(pc) =	sbr.rel @p0 .LBB2_1-.Ltmp1, $3  }
0xf1: {  	_ =	sdelay $0x1  }
0xf2: {  	[sflag:s6] =	ssyncset.done $0x0  }
0xf3: {  	[sflag:s6] =	ssyncadd.s32 $0xFFFFD800  }
0xf4: {  	_ =	sfence.sel $0x180000  }
0xf5: {  	[bflag:$0x0] =	sbarrier.arrive $0xFFFF  }
0xf6: {  	_ =	strace $0x9000004A  }
0xf7: {  	s0 =	stileid.u32;
	[bflag:$0x2] =	sbarrier.arrive $0xFFFF  }
0xf8: {  	p0 =	sne.s32 s0, $0x0;
	s0 =	rddreg [dreg:$0x2]  }
0xf9: {  	s0 =	sadd.s32 @!p0 $0x100000, s0  }
0xfa: {  	[sflag:s0] =	ssyncadd.tile.s32 @!p0 $0x1;
	_ =	shalt  }
.Lfunc_end2:
_tile_overlayer_lowered:
.L_overlay_start_2:
0xfb: {  	(tag) =	ssettag $0x2  }
0xfc: {  	s0 =	rddreg [dreg:$0x0];
	s2 =	stileid.u32  }
0xfd: {  	s1 =	rddreg [dreg:$0x1];
	p0 =	sne.s32 s2, $0x0  }
0xfe: {  	s3 =	rddreg [dreg:$0x2];
	[bflag:$0x3] =	sbarrier.arrive $0xFFFF;
	s2 =	simm.s32 @!p0 $0x1C0C  }
0xff: {  	[timem:s3], [sflag:s2] =	dma.local @!p0 [hbm:s0], s1  }
0x100: {  	s0 =	simm.s32 @!p0 $0xC  }
0x101: {  	_ =	swait.ge @!p0 [sflag:s0], s1  }
0x102: {  	s1 =	ssub.s32 @!p0 $0x0, s1;
	[sflag:s0] =	ssyncset.done @!p0 $0x0  }
0x103: {  	[sflag:s0] =	ssyncadd.s32 @!p0 s1  }
0x104: {  	[bflag:$0x3] =	sbarrier.arrive $0xFFFF  }
0x105: {  	_ =	shalt  }

// kernel: kernel.15.cloned.1.call-start
scs
__scs_entry_jumppad:
0x0: {  	(pc) =	sbr.rel $0x88, $3  }
0x1: {  	(tag) =	ssettag $0x0;
	lr =	simm.s32 $0x1  }
0x2: {  	[smem:$0x3F99] =	sst lr;
	_ =	strace $0xD0000000  }
0x3: {  	_ = 	snop  }
0x4: {  	_ = 	snop  }
0x5: {  	_ = 	snop  }
0x6: {  	_ = 	snop  }
0x7: {  	_ = 	snop  }
__scs_overlays_trampoline_lowered:
0x8: {  	[smem:$0x3FA8] =	sst s0  }
0x9: {  	[smem:$0x3FA9] =	sst s1  }
0xa: {  	[smem:$0x3FAA] =	sst s2  }
0xb: {  	[smem:$0x3FAB] =	sst s3  }
0xc: {  	[smem:$0x3FAC] =	sst s4  }
0xd: {  	[smem:$0x3FAD] =	sst s5  }
0xe: {  	[smem:$0x3FAE] =	sst s6  }
0xf: {  	[smem:$0x3FAF] =	sst s7  }
0x10: {  	[smem:$0x3FB0] =	sst s8  }
0x11: {  	[smem:$0x3FB1] =	sst s9;
	s0 =	simm.s32 @!p0 $0x0  }
0x12: {  	s1 =	sld [smem:$0x3F97];
	s0 =	simm.s32 @p0 $0x1  }
0x13: {  	[smem:$0x3FB2] =	sst s0;
	s0 =	simm.s32 @!p1 $0x0  }
0x14: {  	s2 =	sld [smem:$0x3F96];
	s0 =	simm.s32 @p1 $0x1  }
0x15: {  	[smem:$0x3FB3] =	sst s0;
	s0 =	simm.s32 @!p2 $0x0  }
0x16: {  	s3 =	sld [smem:$0x3FDB];
	s0 =	simm.s32 @p2 $0x1  }
0x17: {  	s4 =	simm.s32 $0x1BF5;
	[smem:$0x3FB5] =	sst s0  }
0x18: {  	s0 =	sld [smem:$0x3F98];
	_ =	swait.ge [sflag:s4], $0x0  }
0x19: {  	s7 =	sld [smem:$0x3F99]  }
0x1a: {  	s8 =	sadd.s32 $0xFFFFE003, lr  }
0x1b: {  	s9 =	sadd.s32 $0xFFFFFEF7, lr;
	s5 =	simm.s32 $0xFFFFFFFF;
	p2 =	slt.u32 s8, $0xFFFFF086  }
0x1c: {  	p1 =	slt.u32 s9, $0xF7A;
	s5 =	simm.s32 @!p2 $0x0  }
0x1d: {  	s5 =	simm.s32 @p1 $0x1;
	p0 =	seq.s32 s7, s2  }
0x1e: {  	s7 =	smul.u32 @!p0 $0xF7A, s2;
	p2 =	seq.s32 @!p0 s5, $0x0  }
0x1f: {  	s9 =	smul.u32 $0xF7A, s1;
	s8 =	simm.s32 @!p0 $0x1BF5;
	p2 =	por !p2, p0  }
0x20: {  	[sflag:s8] =	ssyncset.s32 @!p0 $0xFFFFF086;
	s6 =	sadd.s32 @!p0 s3, s7;
	s7 =	simm.s32 @!p0 $0x108  }
0x21: {  	s3 =	sadd.s32 s3, s9;
	s6 =	sadd.s32 @!p0 $0x88, s6;
	s7 =	simm.s32 @p2 $0x1082  }
0x22: {  	[simem:s7], [sflag:s8] =	dma.local @!p0 [hbm:s6], $0xF7A  }
0x23: {  	s9 =	sor.u32 $0xD0000000, s2;
	s6 =	simm.s32 $0x108;
	_ =	swait.ge @!p0 [sflag:s8], $0x0  }
0x24: {  	s3 =	sadd.s32 $0x88, s3;
	s6 =	simm.s32 @!p1 $0x1082;
	[sflag:s4] =	ssyncset.s32 $0xFFFFF086  }
0x25: {  	[simem:s6], [sflag:s4] =	dma.local [hbm:s3], $0xF7A  }
0x26: {  	[smem:$0x3F99] =	sst s1;
	(tag) =	ssettag s2;
	_ =	strace s9  }
0x27: {  	s1 =	sld [smem:$0x3FA9]  }
0x28: {  	s2 =	sld [smem:$0x3FAA]  }
0x29: {  	s4 =	sld [smem:$0x3FAC]  }
0x2a: {  	p0 =	seq.s32 s5, $0x0;
	s5 =	sld [smem:$0x3FAD]  }
0x2b: {  	s6 =	sld [smem:$0x3FAE]  }
0x2c: {  	s7 =	sld [smem:$0x3FAF]  }
0x2d: {  	s3 =	simm.s32 $0x108;
	s8 =	sld [smem:$0x3FB0]  }
0x2e: {  	s3 =	simm.s32 @!p0 $0x1082;
	s9 =	sld [smem:$0x3FB1]  }
0x2f: {  	lr =	sadd.s32 s0, s3;
	s0 =	sld [smem:$0x3FA8]  }
0x30: {  	s3 =	sld [smem:$0x3FAB]  }
0x31: {  	[smem:$0x3FB4] =	sst s10  }
0x32: {  	s10 =	sld [smem:$0x3FB2];
	_ =	sdelay $0x3  }
0x33: {  	p0 =	seq.s32 s10, $0x1;
	s10 =	sld [smem:$0x3FB4];
	_ =	sdelay $0x3  }
0x34: {  	[smem:$0x3FB4] =	sst s10  }
0x35: {  	s10 =	sld [smem:$0x3FB3];
	_ =	sdelay $0x3  }
0x36: {  	p1 =	seq.s32 s10, $0x1;
	s10 =	sld [smem:$0x3FB4];
	_ =	sdelay $0x3  }
0x37: {  	[smem:$0x3FB4] =	sst s10  }
0x38: {  	s10 =	sld [smem:$0x3FB5]  }
0x39: {  	_ = 	snop;
	(pc) =	sbr.ind lr, $3  }
0x3a: {  	_ = 	snop  }
0x3b: {  	_ = 	snop  }
0x3c: {  	p2 =	seq.s32 s10, $0x1;
	s10 =	sld [smem:$0x3FB4]  }
0x3d: {  	_ =	shalt  }
0x3e: {  	_ =	shalt  }
0x3f: {  	_ =	shalt  }
0x40: {  	_ =	shalt  }
0x41: {  	_ =	shalt  }
0x42: {  	_ =	shalt  }
0x43: {  	_ =	shalt  }
0x44: {  	_ =	shalt  }
0x45: {  	_ =	shalt  }
0x46: {  	_ =	shalt  }
0x47: {  	_ =	shalt  }
0x48: {  	_ =	shalt  }
0x49: {  	_ =	shalt  }
0x4a: {  	_ =	shalt  }
0x4b: {  	_ =	shalt  }
0x4c: {  	_ =	shalt  }
0x4d: {  	_ =	shalt  }
0x4e: {  	_ =	shalt  }
0x4f: {  	_ =	shalt  }
0x50: {  	_ =	shalt  }
0x51: {  	_ =	shalt  }
0x52: {  	_ =	shalt  }
0x53: {  	_ =	shalt  }
0x54: {  	_ =	shalt  }
0x55: {  	_ =	shalt  }
0x56: {  	_ =	shalt  }
0x57: {  	_ =	shalt  }
0x58: {  	_ =	shalt  }
0x59: {  	_ =	shalt  }
0x5a: {  	_ =	shalt  }
0x5b: {  	_ =	shalt  }
0x5c: {  	_ =	shalt  }
0x5d: {  	_ =	shalt  }
0x5e: {  	_ =	shalt  }
0x5f: {  	_ =	shalt  }
0x60: {  	_ =	shalt  }
0x61: {  	_ =	shalt  }
0x62: {  	_ =	shalt  }
0x63: {  	_ =	shalt  }
0x64: {  	_ =	shalt  }
0x65: {  	_ =	shalt  }
0x66: {  	_ =	shalt  }
0x67: {  	_ =	shalt  }
0x68: {  	_ =	shalt  }
0x69: {  	_ =	shalt  }
0x6a: {  	_ =	shalt  }
0x6b: {  	_ =	shalt  }
0x6c: {  	_ =	shalt  }
0x6d: {  	_ =	shalt  }
0x6e: {  	_ =	shalt  }
0x6f: {  	_ =	shalt  }
0x70: {  	_ =	shalt  }
0x71: {  	_ =	shalt  }
0x72: {  	_ =	shalt  }
0x73: {  	_ =	shalt  }
0x74: {  	_ =	shalt  }
0x75: {  	_ =	shalt  }
0x76: {  	_ =	shalt  }
0x77: {  	_ =	shalt  }
0x78: {  	_ =	shalt  }
0x79: {  	_ =	shalt  }
0x7a: {  	_ =	shalt  }
0x7b: {  	_ =	shalt  }
0x7c: {  	_ =	shalt  }
0x7d: {  	_ =	shalt  }
0x7e: {  	_ =	shalt  }
0x7f: {  	_ =	shalt  }
0x80: {  	_ =	shalt  }
0x81: {  	_ =	shalt  }
0x82: {  	_ =	shalt  }
0x83: {  	_ =	shalt  }
0x84: {  	_ =	shalt  }
0x85: {  	_ =	shalt  }
0x86: {  	_ =	shalt  }
0x87: {  	_ =	shalt  }
.Lfunc_end0:
.L_simem_size_0:
called_computation.2_lowered:
.L_overlay_start_0:
0x88: {  	s2 =	sld [smem:$0x3FD9]  }
0x89: {  	s3 =	sld [smem:$0x3FFE];
	_ =	sdelay $0x1  }
0x8a: {  	s1 =	srdreg.scid  }
0x8b: {  	s0 =	sand.u32 $0x1, s1  }
0x8c: {  	s16 =	sshll.u32 s0, $0xA;
	s2 =	sadd.s32 s3, s2  }
0x8d: {  	s2 =	sadd.s32 s2, s16  }
0x8e: {  	[smem:$0x3FC0] =	sst s2  }
0x8f: {  	_ = 	snop  }
0x90: {  	(tm) =	ssettm $0x1  }
0x91: {  	s17 =	sld [smem:$0x3FFB];
	_ =	sdelay $0x3  }
0x92: {  	_ =	strace s17  }
0x93: {  	s2 =	sld [smem:$0x3FFC];
	_ =	sdelay $0x3  }
0x94: {  	_ =	strace s2  }
0x95: {  	s2 =	sld [smem:$0x3FFD];
	_ =	sdelay $0x3  }
0x96: {  	_ =	strace s2  }
0x97: {  	_ =	strace $0x8FFFFFFF  }
0x98: {  	s18 =	sld [smem:$0x3FDB];
	_ =	sdelay $0x1  }
0x99: {  	s19 =	simm.s32 $_scs_section_size  }
0x9a: {  	s4 =	simm.s32 $_size__tile_overlayer_lowered;
	s5 =	simm.s32 $_tile_overlayer_lowered  }
0x9b: {  	s22 =	simm.s32 $0x1BFF;
	s21 =	sshll.u32 s5, $0x1;
	s2 =	sadd.s32 s19, s18  }
0x9c: {  	s6 =	simm.s32 $0x0;
	s20 =	sshll.u32 s4, $0x1;
	s4 =	sadd.s32 s21, s2  }
0x9d: {  	[timem:s6], [sflag:s22] =	dma.local [hbm:s4], s20  }
0x9e: {  	_ =	swait.ge [sflag:s22], s20  }
0x9f: {  	s3 =	ssub.s32 $0x0, s20;
	[sflag:s22] =	ssyncset.done $0x0  }
0xa0: {  	[sflag:s22] =	ssyncadd.s32 s3;
	_ =	sdelay $0x1  }
0xa1: {  	s23 =	simm.s32 $0x1B8B  }
0xa2: {  	_ =	swait.ge [sflag:s23], $0x1  }
0xa3: {  	[sflag:s23] =	ssyncset.done $0x0  }
0xa4: {  	s25 =	simm.s32 $0x1B8E;
	s24 =	sld [smem:$0x3FFE];
	[sflag:s23] =	ssyncadd.s32 $0xFFFFFFFF  }
0xa5: {  	s26 =	simm.s32 $execute0_lowered;
	[smem:$0x3FD2] =	sst s25  }
0xa6: {  	s4 =	sshll.u32 s26, $0x1;
	_ =	strace $0x8000004C;
	[dreg:$0x1] =	wrdreg $0xFFFFFFFF  }
0xa7: {  	s28 =	simm.s32 $_size_execute0_lowered;
	s2 =	sadd.s32 s2, s4;
	[dreg:$0x0] =	wrdreg $0x0  }
0xa8: {  	s4 =	sshll.u32 s28, $0x1;
	[dreg:$0x2] =	wrdreg s2  }
0xa9: {  	[dreg:$0x3] =	wrdreg s4  }
0xaa: {  	[dreg:$0x4] =	wrdreg $0xC0  }
0xab: {  	_ =	task [dreg:s6], $0x5FFFF  }
0xac: {  	[dreg:$0x1] =	wrdreg $0xFFFFFFFF  }
0xad: {  	[dreg:$0x0] =	wrdreg $0x60  }
0xae: {  	[dreg:$0x2] =	wrdreg s24  }
0xaf: {  	[dreg:$0x3] =	wrdreg $0xB8000  }
0xb0: {  	[dreg:$0x4] =	wrdreg $0x9  }
0xb1: {  	_ =	task.clear_ibuf [dreg:s6], $0x5FFFF;
	_ =	strace $0x9000004C  }
0xb2: {  	s29 =	simm.s32 $0x9;
	_ =	strace $0x8000004E  }
0xb3: {  	_ =	swait.ge [sflag:s29], $0x1  }
0xb4: {  	[sflag:s29] =	ssyncadd.s32 $0xFFFFFFFF  }
0xb5: {  	_ =	strace $0x9000004E  }
0xb6: {  	_ =	sfence  }
0xb7: {  	s30 =	sld [smem:$0x0];
	_ =	sdelay $0x2  }
0xb8: {  	s31 =	sshll.u32 s1, $0xD;
	s1 =	sshrl.u32 s1, $0x2  }
0xb9: {  	s3 =	sand.u32 $0x4000, s31;
	s1 =	sadd.s32 s1, s30  }
0xba: {  	s0 =	sor.u32 s3, s0;
	s1 =	sshll.u32 s1, $0x11  }
0xbb: {  	s0 =	sor.u32 s1, s0  }
0xbc: {  	s0 =	sadd.s32 $0x8F2B, s0  }
0xbd: {  	[sflag:s0] =	ssyncadd.remote.s32 $0x1  }
0xbe: {  	_ =	sfence.sel $0xFFFF  }
0xbf: {  	[dreg:$0x0] =	wrdreg $0xFFFFFFFF;
	(pc) =	sbr.abs _section_cstart, $3  }
0xc0: {  	[dreg:$0x1] =	wrdreg $0xFFFFFFFF  }
0xc1: {  	_ =	task.clear_ibuf [dreg:s6], $0x2FFFF;
	_ =	strace $0x9FFFFFFF  }
0xc2: {  	(tm) =	ssettm $0x7FFFFFFF  }
0xc3: {  	_ =	shalt  }
tec
execute0_lowered:
.L_overlay_start_1:
0x0: {  	(tag) =	ssettag $0x1  }
0x1: {  	s0 =	rddreg [dreg:$0x0]  }
0x2: {  	s2 =	rddreg [dreg:$0x1];
	s11 =	stileid.u32  }
0x3: {  	s1 =	srdreg.scid;
	s4 =	simm.s32 $0x0;
	s3 =	smul.u32 $0x14000, s11  }
0x4: {  	s1 =	sand.u32 $0x1, s1;
	[smem:$0x7FF] =	sst s4;
	s9 =	smul.u32 $0x50000, s11  }
0x5: {  	s4 =	sadd.s32 $0x34600, s0;
	s6 =	sadd.s32 $0x2600, s0;
	s20 =	smul.u32 $0x6400, s11  }
0x6: {  	s12 =	sshll.u32 s11, $0x6;
	s24 =	sadd.s32 $0x1B600, s0;
	s5 =	smul.u32 $0x140000, s1  }
0x7: {  	_ =	strace $0x8000004D;
	s19 =	sshll.u32 s1, $0x4;
	s8 =	ssub.s32 $0x2, s1  }
0x8: {  	s1 =	smul.u32 $0x64000, s1;
	[dreg:$0x3] =	wrdreg s12;
	s21 =	sor.u32 $0x1C03, s12  }
0x9: {  	[dreg:$0x7] =	wrdreg s24;
	s7 =	sshrl.u32 s3, $0x3;
	s10 =	sshrl.u32 s8, $0x1  }
0xa: {  	s9 =	sshrl.u32 s9, $0x2;
	[dreg:$0x5] =	wrdreg s21;
	s3 =	sadd.s32 s3, s5  }
0xb: {  	s18 =	sadd.s32 s7, s0;
	s7 =	sor.u32 s11, s19;
	s8 =	ssub.s32 s8, s10  }
0xc: {  	s1 =	sadd.s32 s20, s1;
	s3 =	sshrl.u32 s3, $0x3;
	s5 =	sadd.s32 $0x5B800, s18  }
0xd: {  	s26 =	sadd.s32 $0x800, s1;
	s29 =	smax.u32 s8, $0x1;
	[dreg:$0x4] =	wrdreg s5  }
0xe: {  	s3 =	sadd.s32 s3, s0;
	[dreg:$0xa] =	wrdreg s29;
	s0 =	sshrl.u32 s26, $0x3  }
0xf: {  	s7 =	smul.u32 $0x6400, s7;
	s28 =	sadd.s32 $0x83800, s3;
	[dreg:$0xb] =	wrdreg s0  }
0x10: {  	s9 =	sadd.s32 s9, s2;
	s0 =	sadd.s32 s0, s6;
	[dreg:$0x9] =	wrdreg s28  }
0x11: {  	s22 =	sshrl.u32 s7, $0x3;
	s3 =	sshrl.u32 s9, $0x3;
	[dreg:$0xc] =	wrdreg s0  }
0x12: {  	s7 =	sadd.s32 s6, s22;
	[dreg:$0xd] =	wrdreg s3  }
0x13: {  	s23 =	sadd.s32 $0x80, s22;
	s30 =	sadd.s32 s22, s24;
	[dreg:$0x6] =	wrdreg s7  }
0x14: {  	s25 =	sadd.s32 s6, s23;
	[dreg:$0xe] =	wrdreg s30  }
0x15: {  	s1 =	simm.s32 $0x0;
	s31 =	sadd.s32 s23, s24;
	[dreg:$0x8] =	wrdreg s25  }
0x16: {  	s6 =	simm.s32 $0xC;
	s23 =	simm.s32 $0x50;
	[dreg:$0xf] =	wrdreg s31  }
.LBB2_1:
0x17: {  	[dreg:$0x10] =	wrdreg s1  }
0x18: {  	s0 =	rddreg [dreg:$0x4]  }
0x19: {  	s24 =	rddreg [dreg:$0x5]  }
0x1a: {  	[spmem:s3], [sflag:s24] =	dma.local [hbm:s0], $0x2800  }
0x1b: {  	s25 =	simm.s32 $0x0;
	s1 =	rddreg [dreg:$0x6]  }
0x1c: {  	[tilespmem:s25], [sflag:$0xC] =	stream.linear.gather [hbm4b:s1+s25], $0x280, $0x38;
	[tilespmem:$0x1F800] =	vst v63  }
0x1d: {  	_ =	swait.ge [sflag:s6], $0x280  }
0x1e: {  	[sflag:s6] =	ssyncset.done $0x0  }
0x1f: {  	s28 =	simm.s32 $0xC00;
	s26 =	rddreg [dreg:$0xe];
	[sflag:s6] =	ssyncadd.s32 $0xFFFFFD80  }
0x20: {  	[tilespmem:s28], [sflag:$0xC] =	stream.linear.gather [hbm4b:s26+s25], $0x280, $0x38;
	[tilespmem:$0x1F800] =	vst v63  }
0x21: {  	_ =	swait.ge [sflag:s6], $0x280  }
0x22: {  	s31 =	simm.s32 $0x400;
	s5 =	simm.s32 $0x1000;
	[sflag:s6] =	ssyncset.done $0x0  }
0x23: {  	s8 =	simm.s32 $0x2;
	s30 =	rddreg [dreg:$0x8];
	[sflag:s6] =	ssyncadd.s32 $0xFFFFFD80  }
0x24: {  	[tilespmem:s31], [sflag:$0xA] =	stream.linear.gather [hbm4b:s30+s25], $0x280, $0x38;
	[tilespmem:$0x1F800] =	vst v63  }
0x25: {  	s1 =	smul.u32 $0xAB, s8;
	s3 =	rddreg [dreg:$0xf];
	s6 =	simm.s32 $0x3  }
0x26: {  	[tilespmem:s5], [sflag:$0xA] =	stream.linear.gather [hbm4b:s3+s25], $0x280, $0x38;
	[tilespmem:$0x1F800] =	vst v63  }
0x27: {  	_ =	swait.ge [sflag:s6], $0x2800  }
0x28: {  	s10 =	sadd.s32 $0xFFFFFEAA, s1;
	[sflag:s6] =	ssyncset.done $0x0  }
0x29: {  	s7 =	simm.s32 $0x1800;
	s3 =	sshrl.u32 s10, $0x9;
	[sflag:s6] =	ssyncadd.s32 $0xFFFFD800  }
0x2a: {  	s9 =	simm.s32 $0x80;
	s3 =	sand.u32 $0x7F, s3;
	[bflag:$0x0] =	sbarrier.arrive $0xFFFF  }
0x2b: {  	[tilespmem:s7], [sflag:$0x1] =	stream.indirect.gather [hbm4b:s4+s23], $0x80, s25, s23, $0xb8;
	[tilespmem:$0x1F800] =	vst v63  }
0x2c: {  	p0 =	por $0x1, $0x1;
	s11 =	smul.u32 $0x3, s3;
	s7 =	sand.u32 $0x3, s25  }
0x2d: {  	s13 =	simm.s32 $0xFFFFFFFF;
	s5 =	simm.s32 $0x4000;
	s12 =	smul.u32 $0xA000, s7  }
0x2e: {  	[tilespmem:s5], [sflag:$0x2] =	stream.indirect.gather [hbm4b:s4+s23], $0x80, s9, s23, $0xb8;
	[tilespmem:$0x1F800] =	vst v63  }
0x2f: {  	s3 =	sxor.u32 $0x2, s7;
	s24 =	sadd.s32 $0x1, s7;
	s5 =	ssub.s32 $0x0, s11  }
0x30: {  	s8 =	smul.u32 $0xA000, s3;
	s10 =	sadd.s32 @!p0 $0x5, s3;
	s6 =	sadd.s32 $0x1, s3  }
0x31: {  	s5 =	sand.u32 $0xFF, s5;
	s9 =	sshrl.u32 s12, $0x2;
	_ =	swait.ge @!p0 [sflag:s10], $0x2800  }
0x32: {  	s8 =	sshrl.u32 s8, $0x2;
	s25 =	sshll.u32 s5, $0xA;
	[sflag:s10] =	ssyncset.done @!p0 $0x0  }
0x33: {  	s5 =	sor.u32 $0x100, s25;
	[sflag:s10] =	ssyncadd.s32 @!p0 $0xFFFFD800;
	s8 =	sadd.s32 $0x1800, s8  }
0x34: {  	[tilespmem:s8], [sflag:s6] =	stream.indirect.gather [hbm4b:s4+s23], $0x80, s5, s23, $0xb8;
	[tilespmem:$0x1F800] =	vst v63  }
0x35: {  	s26 =	sadd.s32 $0x5, s7;
	s7 =	sadd.s32 $0x1800, s9;
	_ =	swait.ge [sflag:s24], $0x2800  }
0x36: {  	s14 =	sadd.s32 $0xC00, s25;
	s5 =	sand.u32 $0x3, s13;
	[sflag:s24] =	ssyncset.done $0x0  }
0x37: {  	s11 =	smul.u32 $0xA000, s5;
	s12 =	sadd.s32 @!p0 $0x5, s5;
	[sflag:s24] =	ssyncadd.s32 $0xFFFFD800  }
0x38: {  	[spmem:s2] =	stream.indirect.scatter.add.f32 [tilespmem:s7], [sflag:s26], $0x80, s14, s23, $0xb8;
	[tilespmem:$0x1F800] =	vst v63  }
0x39: {  	s16 =	simm.s32 $0x1;
	s13 =	sadd.s32 $0x180, s25;
	_ =	swait.ge @!p0 [sflag:s12], $0x2800  }
0x3a: {  	s9 =	sadd.s32 $0x1, s5;
	s15 =	sshrl.u32 s11, $0x2;
	[sflag:s12] =	ssyncset.done @!p0 $0x0  }
0x3b: {  	s11 =	sand.u32 $0x3, s16;
	[sflag:s12] =	ssyncadd.s32 @!p0 $0xFFFFD800;
	s12 =	sadd.s32 $0x1800, s15  }
0x3c: {  	[tilespmem:s12], [sflag:s9] =	stream.indirect.gather [hbm4b:s4+s23], $0x80, s13, s23, $0xb8;
	[tilespmem:$0x1F800] =	vst v63  }
0x3d: {  	s17 =	smul.u32 $0xA000, s11;
	s13 =	sadd.s32 $0x1, s11  }
0x3e: {  	_ =	swait.ge [sflag:s13], $0x2800  }
0x3f: {  	s20 =	sadd.s32 $0x5, s11;
	s10 =	sshrl.u32 s17, $0x2;
	[sflag:s13] =	ssyncset.done $0x0  }
0x40: {  	s15 =	sadd.s32 $0xC80, s25;
	s19 =	sadd.s32 $0x1800, s10;
	[sflag:s13] =	ssyncadd.s32 $0xFFFFD800  }
0x41: {  	[spmem:s2] =	stream.indirect.scatter.add.f32 [tilespmem:s19], [sflag:s20], $0x80, s15, s23, $0xb8;
	[tilespmem:$0x1F800] =	vst v63  }
0x42: {  	s14 =	sadd.s32 $0xFFFFFF55, s1;
	_ =	swait.ge [sflag:s26], $0x2800  }
0x43: {  	s18 =	sshrl.u32 s14, $0x9;
	[sflag:s26] =	ssyncset.done $0x0  }
0x44: {  	s21 =	sadd.s32 $0x200, s25;
	s10 =	sand.u32 $0x7F, s18;
	[sflag:s26] =	ssyncadd.s32 $0xFFFFD800  }
0x45: {  	[tilespmem:s7], [sflag:s24] =	stream.indirect.gather [hbm4b:s4+s23], $0x80, s21, s23, $0xb8;
	[tilespmem:$0x1F800] =	vst v63  }
0x46: {  	p1 =	por $0x0, $0x0;
	s10 =	smul.u32 $0x3, s10;
	_ =	swait.ge [sflag:s6], $0x2800  }
0x47: {  	s22 =	sadd.s32 $0xD00, s25;
	s1 =	sshrl.u32 s1, $0x9;
	[sflag:s6] =	ssyncset.done $0x0  }
0x48: {  	s17 =	sadd.s32 $0x5, s3;
	s10 =	sxor.u32 $0xFFFFFFFF, s10;
	[sflag:s6] =	ssyncadd.s32 $0xFFFFD800  }
0x49: {  	[spmem:s2] =	stream.indirect.scatter.add.f32 [tilespmem:s8], [sflag:s17], $0x80, s22, s23, $0xb8;
	[tilespmem:$0x1F800] =	vst v63  }
0x4a: {  	s14 =	sadd.s32 @p1 $0xD80, s25;
	s10 =	sadd.s32 $0x2, s10;
	_ =	swait.ge @p1 [sflag:s9], $0x2800  }
0x4b: {  	s11 =	simm.s32 @p1 $0x50;
	s3 =	sand.u32 $0xFF, s10;
	[sflag:s9] =	ssyncset.done @p1 $0x0  }
0x4c: {  	s10 =	sadd.s32 @p1 $0x5, s5;
	s15 =	sadd.s32 @!p1 $0x9, s3;
	[sflag:s9] =	ssyncadd.s32 @p1 $0xFFFFD800  }
0x4d: {  	[spmem:s2] =	stream.indirect.scatter.add.f32 @p1 [tilespmem:s12], [sflag:s10], $0x80, s14, s11, $0xb8;
	[tilespmem:$0x1F800] =	vst v63  }
0x4e: {  	s1 =	sand.u32 $0x7F, s1;
	_ =	swait.ge @!p1 [sflag:s15], $0x280  }
0x4f: {  	s1 =	smul.u32 $0x3, s1;
	[sflag:s15] =	ssyncset.done @!p1 $0x0  }
0x50: {  	p2 =	por $0x0, $0x0;
	[sflag:s15] =	ssyncadd.s32 @!p1 $0xFFFFFD80  }
0x51: {  	p0 =	por $0x0, $0x0;
	s31 =	ssub.s32 $0x2, s1;
	_ =	swait.ge @!p1 [sflag:s15], $0x280  }
0x52: {  	s5 =	sadd.s32 @!p1 $0x5, s5;
	s3 =	sshll.u32 @!p1 s3, $0xA;
	[sflag:s15] =	ssyncset.done @!p1 $0x0  }
0x53: {  	s29 =	sor.u32 @!p1 $0x80, s3;
	s28 =	rddreg [dreg:$0x7];
	[sflag:s15] =	ssyncadd.s32 @!p1 $0xFFFFFD80  }
0x54: {  	s21 =	simm.s32 $0x5;
	s30 =	rddreg [dreg:$0xb];
	_ =	swait.ge @!p1 [sflag:s20], $0x2800  }
0x55: {  	s22 =	simm.s32 @!p2 $0x0;
	s10 =	simm.s32 $0xA;
	[sflag:s20] =	ssyncset.done @!p1 $0x0  }
0x56: {  	s11 =	sadd.s32 s28, s30;
	s15 =	simm.s32 @!p1 $0x50;
	[sflag:s20] =	ssyncadd.s32 @!p1 $0xFFFFD800  }
0x57: {  	[tilespmem:s19], [sflag:s13] =	stream.indirect.gather @!p1 [hbm4b:s4+s15], $0x80, s3, s15, $0xb8;
	[tilespmem:$0x1F800] =	vst v63  }
0x58: {  	s14 =	sand.u32 $0xFF, s31;
	s1 =	sadd.s32 $0x80, s11;
	s19 =	simm.s32 $0x3  }
0x59: {  	s0 =	rddreg [dreg:$0xc];
	s16 =	smul.u32 $0xAB, s19;
	_ =	swait.ge @!p1 [sflag:s9], $0x2800  }
0x5a: {  	s18 =	sadd.s32 $0x80, s0;
	s13 =	sadd.s32 @!p1 $0xD80, s25;
	[sflag:s9] =	ssyncset.done @!p1 $0x0  }
0x5b: {  	s3 =	sshll.u32 @!p2 s14, $0xA;
	[sflag:s9] =	ssyncadd.s32 @!p1 $0xFFFFD800;
	s28 =	sadd.s32 $0xFFFFFEAA, s16  }
0x5c: {  	s9 =	sadd.s32 @!p2 $0x9, s14;
	s30 =	sadd.s32 $0xFFFFFF55, s16;
	s14 =	smov.u32 s0  }
0x5d: {  	[spmem:s2] =	stream.indirect.scatter.add.f32 @!p1 [tilespmem:s12], [sflag:s5], $0x80, s13, s15, $0xb8;
	[tilespmem:$0x1F800] =	vst v63  }
0x5e: {  	s31 =	sshrl.u32 s28, $0x9;
	s5 =	sshrl.u32 s30, $0x9;
	s13 =	sshrl.u32 s16, $0x9  }
0x5f: {  	s20 =	sand.u32 $0x7F, s31;
	s12 =	sand.u32 $0x7F, s5;
	_ =	swait.ge @!p1 [sflag:s17], $0x2800  }
.LBB2_2:
0x60: {  	s5 =	sadd.s32 $0xFFFFFFFE, s19  }
0x61: {  	s28 =	sand.u32 $0x7F, s13;
	[sflag:s17] =	ssyncset.done @!p1 $0x0;
	s13 =	smov.u32 s10  }
0x62: {  	s25 =	sadd.s32 $0xE00, s25;
	s28 =	smul.u32 $0x3, s28;
	[sflag:s17] =	ssyncadd.s32 @!p1 $0xFFFFD800  }
0x63: {  	[tilespmem:s8], [sflag:s6] =	stream.indirect.gather @!p1 [hbm4b:s4+s15], $0x80, s29, s15, $0xb8;
	[tilespmem:$0x1F800] =	vst v63  }
0x64: {  	s6 =	smul.u32 $0x3, s20;
	s15 =	sand.u32 $0x3, s21;
	_ =	swait.ge [sflag:s24], $0x2800  }
0x65: {  	s20 =	sadd.s32 @!p2 $0xC00, s3;
	s8 =	smul.u32 $0xA000, s15;
	[sflag:s24] =	ssyncset.done $0x0  }
0x66: {  	s17 =	sxor.u32 $0x2, s15;
	s6 =	ssub.s32 s5, s6;
	[sflag:s24] =	ssyncadd.s32 $0xFFFFD800  }
0x67: {  	[spmem:s2] =	stream.indirect.scatter.add.f32 [tilespmem:s7], [sflag:s26], $0x80, s25, s23, $0xb8;
	[tilespmem:$0x1F800] =	vst v63  }
0x68: {  	s6 =	sand.u32 $0xFF, s6;
	s30 =	sshrl.u32 s8, $0x2;
	s7 =	smul.u32 $0xA000, s17  }
0x69: {  	[tilespmem:s3], [sflag:s9] =	stream.linear.gather @!p2 [hbm4b:s14+s22], $0x280, $0x38;
	[tilespmem:$0x1F800] =	vst v63  }
0x6a: {  	s25 =	sshll.u32 s6, $0xA;
	s3 =	sadd.s32 @!p0 $0x5, s17;
	s7 =	sshrl.u32 s7, $0x2  }
0x6b: {  	[tilespmem:s20], [sflag:s9] =	stream.linear.gather @!p2 [hbm4b:s11+s22], $0x280, $0x38;
	[tilespmem:$0x1F800] =	vst v63  }
0x6c: {  	s24 =	sadd.s32 $0x1, s15;
	s6 =	sadd.s32 $0x1, s17;
	_ =	swait.ge @!p0 [sflag:s3], $0x2800  }
0x6d: {  	s9 =	ssub.s32 s19, s28;
	s11 =	sor.u32 $0x100, s25;
	[sflag:s3] =	ssyncset.done @!p0 $0x0  }
0x6e: {  	s8 =	sadd.s32 $0x1800, s7;
	[sflag:s3] =	ssyncadd.s32 @!p0 $0xFFFFD800;
	s3 =	sadd.s32 $0xFFFFFFFF, s21  }
0x6f: {  	[tilespmem:s8], [sflag:s6] =	stream.indirect.gather [hbm4b:s4+s23], $0x80, s11, s23, $0xb8;
	[tilespmem:$0x1F800] =	vst v63  }
0x70: {  	s26 =	sadd.s32 $0x5, s15;
	s29 =	sand.u32 $0x3, s3;
	_ =	swait.ge [sflag:s24], $0x2800  }
0x71: {  	s3 =	sadd.s32 $0xC00, s25;
	s11 =	smul.u32 $0xA000, s29;
	[sflag:s24] =	ssyncset.done $0x0  }
0x72: {  	s7 =	sadd.s32 $0x1800, s30;
	s14 =	sadd.s32 @!p0 $0x5, s29;
	[sflag:s24] =	ssyncadd.s32 $0xFFFFD800  }
0x73: {  	[spmem:s2] =	stream.indirect.scatter.add.f32 [tilespmem:s7], [sflag:s26], $0x80, s3, s23, $0xb8;
	[tilespmem:$0x1F800] =	vst v63  }
0x74: {  	s28 =	sadd.s32 $0x1, s29;
	s3 =	sshrl.u32 s11, $0x2;
	_ =	swait.ge @!p0 [sflag:s14], $0x2800  }
0x75: {  	s15 =	sadd.s32 $0x180, s25;
	s11 =	sadd.s32 $0x1, s21;
	[sflag:s14] =	ssyncset.done @!p0 $0x0  }
0x76: {  	s22 =	sand.u32 $0x3, s11;
	s30 =	sadd.s32 $0x1800, s3;
	[sflag:s14] =	ssyncadd.s32 @!p0 $0xFFFFD800  }
0x77: {  	[tilespmem:s30], [sflag:s28] =	stream.indirect.gather [hbm4b:s4+s23], $0x80, s15, s23, $0xb8;
	[tilespmem:$0x1F800] =	vst v63  }
0x78: {  	s10 =	sadd.s32 $0x5, s10;
	s3 =	smul.u32 $0xA000, s22;
	s31 =	sadd.s32 $0x1, s22  }
0x79: {  	p3 =	sne.s32 s10, $0x7D;
	s14 =	sadd.s32 $0xC80, s25;
	_ =	swait.ge [sflag:s31], $0x2800  }
0x7a: {  	s11 =	smov.u32 s1;
	s3 =	sshrl.u32 s3, $0x2;
	[sflag:s31] =	ssyncset.done $0x0  }
0x7b: {  	s20 =	sadd.s32 $0x1800, s3;
	s3 =	sadd.s32 $0x5, s22;
	[sflag:s31] =	ssyncadd.s32 $0xFFFFD800  }
0x7c: {  	[spmem:s2] =	stream.indirect.scatter.add.f32 [tilespmem:s20], [sflag:s3], $0x80, s14, s23, $0xb8;
	[tilespmem:$0x1F800] =	vst v63  }
0x7d: {  	s12 =	smul.u32 $0x3, s12;
	s15 =	sadd.s32 $0x200, s25;
	_ =	swait.ge [sflag:s26], $0x2800  }
0x7e: {  	s14 =	smov.u32 s18;
	[sflag:s26] =	ssyncset.done $0x0  }
0x7f: {  	s12 =	sxor.u32 $0xFFFFFFFF, s12;
	[sflag:s26] =	ssyncadd.s32 $0xFFFFD800  }
0x80: {  	[tilespmem:s7], [sflag:s24] =	stream.indirect.gather [hbm4b:s4+s23], $0x80, s15, s23, $0xb8;
	[tilespmem:$0x1F800] =	vst v63  }
0x81: {  	s12 =	sadd.s32 s19, s12;
	s15 =	sadd.s32 $0xD00, s25;
	_ =	swait.ge [sflag:s6], $0x2800  }
0x82: {  	s12 =	sand.u32 $0xFF, s12;
	[sflag:s6] =	ssyncset.done $0x0  }
0x83: {  	p1 =	seq.s32 s21, $0x78;
	s17 =	sadd.s32 $0x5, s17;
	[sflag:s6] =	ssyncadd.s32 $0xFFFFD800  }
0x84: {  	[spmem:s2] =	stream.indirect.scatter.add.f32 [tilespmem:s8], [sflag:s17], $0x80, s15, s23, $0xb8;
	[tilespmem:$0x1F800] =	vst v63  }
0x85: {  	s21 =	smov.u32 s13;
	_ =	swait.ge @p1 [sflag:s28], $0x2800  }
0x86: {  	s13 =	sadd.s32 @p1 $0x5, s29;
	s15 =	simm.s32 @p1 $0x50;
	[sflag:s28] =	ssyncset.done @p1 $0x0  }
0x87: {  	s16 =	sadd.s32 @!p1 $0x9, s12;
	s22 =	sadd.s32 @p1 $0xD80, s25;
	[sflag:s28] =	ssyncadd.s32 @p1 $0xFFFFD800  }
0x88: {  	[spmem:s2] =	stream.indirect.scatter.add.f32 @p1 [tilespmem:s30], [sflag:s13], $0x80, s22, s15, $0xb8;
	[tilespmem:$0x1F800] =	vst v63  }
0x89: {  	_ =	swait.ge @!p1 [sflag:s16], $0x280  }
0x8a: {  	s12 =	sshll.u32 @!p1 s12, $0xA;
	[sflag:s16] =	ssyncset.done @!p1 $0x0  }
0x8b: {  	s1 =	sadd.s32 $0x80, s1;
	s18 =	sadd.s32 $0x80, s18;
	[sflag:s16] =	ssyncadd.s32 @!p1 $0xFFFFFD80  }
0x8c: {  	s19 =	sadd.s32 $0x1, s19;
	p2 =	sgt.u32 s5, $0x16;
	_ =	swait.ge @!p1 [sflag:s16], $0x280  }
0x8d: {  	s5 =	sadd.s32 @!p1 $0xD80, s25;
	s15 =	simm.s32 @!p1 $0x50;
	[sflag:s16] =	ssyncset.done @!p1 $0x0  }
0x8e: {  	s0 =	sadd.s32 @!p1 $0x5, s29;
	s22 =	simm.s32 @!p2 $0x0;
	[sflag:s16] =	ssyncadd.s32 @!p1 $0xFFFFFD80  }
0x8f: {  	p0 =	seq.s32 s21, $0x0;
	s13 =	smul.u32 $0xAB, s19;
	_ =	swait.ge @!p1 [sflag:s3], $0x2800  }
0x90: {  	s29 =	sor.u32 @!p1 $0x80, s12;
	s16 =	sand.u32 $0xFF, s9;
	[sflag:s3] =	ssyncset.done @!p1 $0x0  }
0x91: {  	s9 =	sadd.s32 @!p2 $0x9, s16;
	[sflag:s3] =	ssyncadd.s32 @!p1 $0xFFFFD800;
	s3 =	sadd.s32 $0xFFFFFEAA, s13  }
0x92: {  	[tilespmem:s20], [sflag:s31] =	stream.indirect.gather @!p1 [hbm4b:s4+s15], $0x80, s12, s15, $0xb8;
	[tilespmem:$0x1F800] =	vst v63  }
.Ltmp0:
0x93: {  	s12 =	sadd.s32 $0xFFFFFF55, s13;
	_ =	swait.ge @!p1 [sflag:s28], $0x2800;
	(pc) =	sbr.rel @p3 .LBB2_2-.Ltmp0, $4  }
0x94: {  	s20 =	sshrl.u32 s3, $0x9;
	s12 =	sshrl.u32 s12, $0x9;
	[sflag:s28] =	ssyncset.done @!p1 $0x0  }
0x95: {  	s13 =	sshrl.u32 s13, $0x9;
	s3 =	sshll.u32 @!p2 s16, $0xA;
	[sflag:s28] =	ssyncadd.s32 @!p1 $0xFFFFD800  }
0x96: {  	[spmem:s2] =	stream.indirect.scatter.add.f32 @!p1 [tilespmem:s30], [sflag:s0], $0x80, s5, s15, $0xb8;
	[tilespmem:$0x1F800] =	vst v63  }
0x97: {  	s20 =	sand.u32 $0x7F, s20;
	s12 =	sand.u32 $0x7F, s12;
	_ =	swait.ge @!p1 [sflag:s17], $0x2800  }
0x98: {  	[sflag:s17] =	ssyncset.done @!p1 $0x0;
	s5 =	sadd.s32 $0xFFFFFFFE, s19  }
0x99: {  	s0 =	smul.u32 $0x3, s20;
	s20 =	sand.u32 $0x3, s21;
	[sflag:s17] =	ssyncadd.s32 @!p1 $0xFFFFD800  }
0x9a: {  	[tilespmem:s8], [sflag:s6] =	stream.indirect.gather @!p1 [hbm4b:s4+s15], $0x80, s29, s15, $0xb8;
	[tilespmem:$0x1F800] =	vst v63  }
0x9b: {  	s28 =	sadd.s32 $0xE00, s25;
	s25 =	sadd.s32 $0x1, s21;
	_ =	swait.ge [sflag:s24], $0x2800  }
0x9c: {  	s16 =	sxor.u32 $0x2, s20;
	s17 =	sadd.s32 $0xFFFFFFFF, s21;
	[sflag:s24] =	ssyncset.done $0x0  }
0x9d: {  	s29 =	smul.u32 $0xA000, s20;
	s0 =	ssub.s32 s5, s0;
	[sflag:s24] =	ssyncadd.s32 $0xFFFFD800  }
0x9e: {  	[spmem:s2] =	stream.indirect.scatter.add.f32 [tilespmem:s7], [sflag:s26], $0x80, s28, s23, $0xb8;
	[tilespmem:$0x1F800] =	vst v63  }
0x9f: {  	s6 =	sadd.s32 @!p2 $0xC00, s3;
	s30 =	smul.u32 $0xA000, s16;
	s8 =	sadd.s32 $0x1, s16  }
0xa0: {  	[tilespmem:s3], [sflag:s9] =	stream.linear.gather @!p2 [hbm4b:s14+s22], $0x280, $0x38;
	[tilespmem:$0x1F800] =	vst v63  }
0xa1: {  	s0 =	sand.u32 $0xFF, s0;
	s10 =	sshrl.u32 s30, $0x2;
	s3 =	sadd.s32 @!p0 $0x5, s16  }
0xa2: {  	[tilespmem:s6], [sflag:s9] =	stream.linear.gather @!p2 [hbm4b:s11+s22], $0x280, $0x38;
	[tilespmem:$0x1F800] =	vst v63  }
0xa3: {  	s31 =	sshrl.u32 s29, $0x2;
	s10 =	sadd.s32 $0x1800, s10;
	_ =	swait.ge @!p0 [sflag:s3], $0x2800  }
0xa4: {  	s7 =	sadd.s32 $0x1, s20;
	s6 =	sshll.u32 s0, $0xA;
	[sflag:s3] =	ssyncset.done @!p0 $0x0  }
0xa5: {  	s9 =	sadd.s32 $0x5, s20;
	s0 =	sor.u32 $0x100, s6;
	[sflag:s3] =	ssyncadd.s32 @!p0 $0xFFFFD800  }
0xa6: {  	[tilespmem:s10], [sflag:s8] =	stream.indirect.gather [hbm4b:s4+s23], $0x80, s0, s23, $0xb8;
	[tilespmem:$0x1F800] =	vst v63  }
0xa7: {  	s11 =	sadd.s32 $0x1800, s31;
	s20 =	sadd.s32 $0xC00, s6;
	_ =	swait.ge [sflag:s7], $0x2800  }
0xa8: {  	s26 =	sadd.s32 $0x180, s6;
	s3 =	sand.u32 $0x3, s17;
	[sflag:s7] =	ssyncset.done $0x0  }
0xa9: {  	s22 =	smul.u32 $0xA000, s3;
	s14 =	sadd.s32 @!p0 $0x5, s3;
	[sflag:s7] =	ssyncadd.s32 $0xFFFFD800  }
0xaa: {  	[spmem:s2] =	stream.indirect.scatter.add.f32 [tilespmem:s11], [sflag:s9], $0x80, s20, s23, $0xb8;
	[tilespmem:$0x1F800] =	vst v63  }
0xab: {  	s17 =	sand.u32 $0x3, s25;
	s15 =	sadd.s32 $0x1, s3;
	_ =	swait.ge @!p0 [sflag:s14], $0x2800  }
0xac: {  	s28 =	smul.u32 $0xA000, s17;
	s24 =	sshrl.u32 s22, $0x2;
	[sflag:s14] =	ssyncset.done @!p0 $0x0  }
0xad: {  	s0 =	sadd.s32 $0x1800, s24;
	s20 =	sadd.s32 $0x1, s17;
	[sflag:s14] =	ssyncadd.s32 @!p0 $0xFFFFD800  }
0xae: {  	[tilespmem:s0], [sflag:s15] =	stream.indirect.gather [hbm4b:s4+s23], $0x80, s26, s23, $0xb8;
	[tilespmem:$0x1F800] =	vst v63  }
0xaf: {  	_ =	swait.ge [sflag:s20], $0x2800  }
0xb0: {  	s29 =	sadd.s32 $0xC80, s6;
	s14 =	sshrl.u32 s28, $0x2;
	[sflag:s20] =	ssyncset.done $0x0  }
0xb1: {  	s17 =	sadd.s32 $0x5, s17;
	s14 =	sadd.s32 $0x1800, s14;
	[sflag:s20] =	ssyncadd.s32 $0xFFFFD800  }
0xb2: {  	[spmem:s2] =	stream.indirect.scatter.add.f32 [tilespmem:s14], [sflag:s17], $0x80, s29, s23, $0xb8;
	[tilespmem:$0x1F800] =	vst v63  }
0xb3: {  	_ =	swait.ge [sflag:s9], $0x2800  }
0xb4: {  	[sflag:s9] =	ssyncset.done $0x0  }
0xb5: {  	s12 =	smul.u32 $0x3, s12;
	s30 =	sadd.s32 $0x200, s6;
	[sflag:s9] =	ssyncadd.s32 $0xFFFFD800  }
0xb6: {  	[tilespmem:s11], [sflag:s7] =	stream.indirect.gather [hbm4b:s4+s23], $0x80, s30, s23, $0xb8;
	[tilespmem:$0x1F800] =	vst v63  }
0xb7: {  	_ =	swait.ge [sflag:s8], $0x2800  }
0xb8: {  	s12 =	sxor.u32 $0xFFFFFFFF, s12;
	s16 =	sadd.s32 $0x5, s16;
	[sflag:s8] =	ssyncset.done $0x0  }
0xb9: {  	s31 =	sadd.s32 $0xD00, s6;
	p0 =	seq.s32 s21, $0x78;
	[sflag:s8] =	ssyncadd.s32 $0xFFFFD800  }
0xba: {  	[spmem:s2] =	stream.indirect.scatter.add.f32 [tilespmem:s10], [sflag:s16], $0x80, s31, s23, $0xb8;
	[tilespmem:$0x1F800] =	vst v63  }
0xbb: {  	s12 =	sadd.s32 s19, s12;
	_ =	swait.ge @p0 [sflag:s15], $0x2800  }
0xbc: {  	s12 =	sand.u32 $0xFF, s12;
	s21 =	sadd.s32 @p0 $0x5, s3;
	[sflag:s15] =	ssyncset.done @p0 $0x0  }
0xbd: {  	s22 =	simm.s32 @p0 $0x50;
	s24 =	sadd.s32 @p0 $0xD80, s6;
	[sflag:s15] =	ssyncadd.s32 @p0 $0xFFFFD800  }
0xbe: {  	[spmem:s2] =	stream.indirect.scatter.add.f32 @p0 [tilespmem:s0], [sflag:s21], $0x80, s24, s22, $0xb8;
	[tilespmem:$0x1F800] =	vst v63  }
0xbf: {  	s21 =	sadd.s32 @!p0 $0x9, s12  }
0xc0: {  	_ =	swait.ge @!p0 [sflag:s21], $0x280  }
0xc1: {  	[sflag:s21] =	ssyncset.done @!p0 $0x0  }
0xc2: {  	[sflag:s21] =	ssyncadd.s32 @!p0 $0xFFFFFD80  }
0xc3: {  	_ =	swait.ge @!p0 [sflag:s21], $0x280  }
0xc4: {  	[sflag:s21] =	ssyncset.done @!p0 $0x0  }
0xc5: {  	[sflag:s21] =	ssyncadd.s32 @!p0 $0xFFFFFD80  }
0xc6: {  	_ =	swait.ge @!p0 [sflag:s17], $0x2800  }
0xc7: {  	[sflag:s17] =	ssyncset.done @!p0 $0x0  }
0xc8: {  	s12 =	sshll.u32 @!p0 s12, $0xA;
	[sflag:s17] =	ssyncadd.s32 @!p0 $0xFFFFD800;
	s17 =	simm.s32 @!p0 $0x50  }
0xc9: {  	[tilespmem:s14], [sflag:s20] =	stream.indirect.gather @!p0 [hbm4b:s4+s17], $0x80, s12, s17, $0xb8;
	[tilespmem:$0x1F800] =	vst v63  }
0xca: {  	_ =	swait.ge @!p0 [sflag:s15], $0x2800  }
0xcb: {  	[sflag:s15] =	ssyncset.done @!p0 $0x0  }
0xcc: {  	s3 =	sadd.s32 @!p0 $0x5, s3;
	s14 =	sadd.s32 @!p0 $0xD80, s6;
	[sflag:s15] =	ssyncadd.s32 @!p0 $0xFFFFD800  }
0xcd: {  	[spmem:s2] =	stream.indirect.scatter.add.f32 @!p0 [tilespmem:s0], [sflag:s3], $0x80, s14, s17, $0xb8;
	[tilespmem:$0x1F800] =	vst v63  }
0xce: {  	_ =	swait.ge @!p0 [sflag:s16], $0x2800  }
0xcf: {  	[sflag:s16] =	ssyncset.done @!p0 $0x0  }
0xd0: {  	s20 =	sand.u32 $0x7F, s13;
	s0 =	sor.u32 @!p0 $0x80, s12;
	[sflag:s16] =	ssyncadd.s32 @!p0 $0xFFFFD800  }
0xd1: {  	[tilespmem:s10], [sflag:s8] =	stream.indirect.gather @!p0 [hbm4b:s4+s17], $0x80, s0, s17, $0xb8;
	[tilespmem:$0x1F800] =	vst v63  }
0xd2: {  	s0 =	smul.u32 $0x3, s20  }
0xd3: {  	_ =	swait.ge [sflag:s7], $0x2800  }
0xd4: {  	s21 =	sadd.s32 $0xE00, s6;
	[sflag:s7] =	ssyncset.done $0x0;
	s0 =	ssub.s32 s19, s0  }
0xd5: {  	p0 =	sgt.u32 s5, $0x16;
	[sflag:s7] =	ssyncadd.s32 $0xFFFFD800;
	s0 =	sand.u32 $0xFF, s0  }
0xd6: {  	[spmem:s2] =	stream.indirect.scatter.add.f32 [tilespmem:s11], [sflag:s9], $0x80, s21, s23, $0xb8;
	[tilespmem:$0x1F800] =	vst v63  }
0xd7: {  	s3 =	simm.s32 @!p0 $0x0;
	s5 =	sadd.s32 @!p0 $0x9, s0;
	s0 =	sshll.u32 @!p0 s0, $0xA  }
0xd8: {  	[tilespmem:s0], [sflag:s5] =	stream.linear.gather @!p0 [hbm4b:s18+s3], $0x280, $0x38;
	[tilespmem:$0x1F800] =	vst v63  }
0xd9: {  	s22 =	simm.s32 $0x5;
	s0 =	sadd.s32 @!p0 $0xC00, s0  }
0xda: {  	[tilespmem:s0], [sflag:s5] =	stream.linear.gather @!p0 [hbm4b:s1+s3], $0x280, $0x38;
	[tilespmem:$0x1F800] =	vst v63  }
0xdb: {  	_ =	swait.ge [sflag:s22], $0x2800  }
0xdc: {  	[sflag:s22] =	ssyncset.done $0x0  }
0xdd: {  	s24 =	simm.s32 $0x6;
	[sflag:s22] =	ssyncadd.s32 $0xFFFFD800  }
0xde: {  	_ =	swait.ge [sflag:s24], $0x2800  }
0xdf: {  	[sflag:s24] =	ssyncset.done $0x0  }
0xe0: {  	s25 =	simm.s32 $0x7;
	[sflag:s24] =	ssyncadd.s32 $0xFFFFD800  }
0xe1: {  	_ =	swait.ge [sflag:s25], $0x2800  }
0xe2: {  	[sflag:s25] =	ssyncset.done $0x0  }
0xe3: {  	s26 =	simm.s32 $0x8;
	[sflag:s25] =	ssyncadd.s32 $0xFFFFD800  }
0xe4: {  	_ =	swait.ge [sflag:s26], $0x2800  }
0xe5: {  	[sflag:s26] =	ssyncset.done $0x0  }
0xe6: {  	[sflag:s26] =	ssyncadd.s32 $0xFFFFD800  }
0xe7: {  	[bflag:$0x0] =	sbarrier.arrive $0xFFFF  }
0xe8: {  	s28 =	rddreg [dreg:$0x3]  }
0xe9: {  	s29 =	rddreg [dreg:$0x9]  }
0xea: {  	s6 =	simm.s32 $0xC;
	s3 =	rddreg [dreg:$0xd];
	s0 =	sor.u32 $0x1C0C, s28  }
0xeb: {  	[hbm:s29], [sflag:s0] =	dma.local [spmem:s3], $0x2800  }
0xec: {  	_ =	swait.ge [sflag:s6], $0x2800  }
0xed: {  	s30 =	rddreg [dreg:$0x10]  }
0xee: {  	s31 =	rddreg [dreg:$0xa];
	s1 =	sadd.s32 $0x1, s30  }
0xef: {  	p0 =	sne.s32 s1, s31  }
.Ltmp1:
0xf0: {  	_ = 	snop;
	(pc) =	sbr.rel @p0 .LBB2_1-.Ltmp1, $3  }
0xf1: {  	_ =	sdelay $0x1  }
0xf2: {  	[sflag:s6] =	ssyncset.done $0x0  }
0xf3: {  	[sflag:s6] =	ssyncadd.s32 $0xFFFFD800  }
0xf4: {  	_ =	sfence.sel $0x180000  }
0xf5: {  	[bflag:$0x0] =	sbarrier.arrive $0xFFFF  }
0xf6: {  	_ =	strace $0x9000004D  }
0xf7: {  	s0 =	stileid.u32;
	[bflag:$0x2] =	sbarrier.arrive $0xFFFF  }
0xf8: {  	p0 =	sne.s32 s0, $0x0;
	s0 =	rddreg [dreg:$0x2]  }
0xf9: {  	s0 =	sadd.s32 @!p0 $0x100000, s0  }
0xfa: {  	[sflag:s0] =	ssyncadd.tile.s32 @!p0 $0x1;
	_ =	shalt  }
.Lfunc_end2:
_tile_overlayer_lowered:
.L_overlay_start_2:
0xfb: {  	(tag) =	ssettag $0x2  }
0xfc: {  	s0 =	rddreg [dreg:$0x0];
	s2 =	stileid.u32  }
0xfd: {  	s1 =	rddreg [dreg:$0x1];
	p0 =	sne.s32 s2, $0x0  }
0xfe: {  	s3 =	rddreg [dreg:$0x2];
	[bflag:$0x3] =	sbarrier.arrive $0xFFFF;
	s2 =	simm.s32 @!p0 $0x1C0C  }
0xff: {  	[timem:s3], [sflag:s2] =	dma.local @!p0 [hbm:s0], s1  }
0x100: {  	s0 =	simm.s32 @!p0 $0xC  }
0x101: {  	_ =	swait.ge @!p0 [sflag:s0], s1  }
0x102: {  	s1 =	ssub.s32 @!p0 $0x0, s1;
	[sflag:s0] =	ssyncset.done @!p0 $0x0  }
0x103: {  	[sflag:s0] =	ssyncadd.s32 @!p0 s1  }
0x104: {  	[bflag:$0x3] =	sbarrier.arrive $0xFFFF  }
0x105: {  	_ =	shalt  }

// kernel: kernel.9.cloned.1.call-start
scs
__scs_entry_jumppad:
0x0: {  	(pc) =	sbr.rel $0x88, $3  }
0x1: {  	(tag) =	ssettag $0x0;
	lr =	simm.s32 $0x1  }
0x2: {  	[smem:$0x3F99] =	sst lr;
	_ =	strace $0xD0000000  }
0x3: {  	_ = 	snop  }
0x4: {  	_ = 	snop  }
0x5: {  	_ = 	snop  }
0x6: {  	_ = 	snop  }
0x7: {  	_ = 	snop  }
__scs_overlays_trampoline_lowered:
0x8: {  	[smem:$0x3FA8] =	sst s0  }
0x9: {  	[smem:$0x3FA9] =	sst s1  }
0xa: {  	[smem:$0x3FAA] =	sst s2  }
0xb: {  	[smem:$0x3FAB] =	sst s3  }
0xc: {  	[smem:$0x3FAC] =	sst s4  }
0xd: {  	[smem:$0x3FAD] =	sst s5  }
0xe: {  	[smem:$0x3FAE] =	sst s6  }
0xf: {  	[smem:$0x3FAF] =	sst s7  }
0x10: {  	[smem:$0x3FB0] =	sst s8  }
0x11: {  	[smem:$0x3FB1] =	sst s9;
	s0 =	simm.s32 @!p0 $0x0  }
0x12: {  	s1 =	sld [smem:$0x3F97];
	s0 =	simm.s32 @p0 $0x1  }
0x13: {  	[smem:$0x3FB2] =	sst s0;
	s0 =	simm.s32 @!p1 $0x0  }
0x14: {  	s2 =	sld [smem:$0x3F96];
	s0 =	simm.s32 @p1 $0x1  }
0x15: {  	[smem:$0x3FB3] =	sst s0;
	s0 =	simm.s32 @!p2 $0x0  }
0x16: {  	s3 =	sld [smem:$0x3FDB];
	s0 =	simm.s32 @p2 $0x1  }
0x17: {  	s4 =	simm.s32 $0x1BF5;
	[smem:$0x3FB5] =	sst s0  }
0x18: {  	s0 =	sld [smem:$0x3F98];
	_ =	swait.ge [sflag:s4], $0x0  }
0x19: {  	s7 =	sld [smem:$0x3F99]  }
0x1a: {  	s8 =	sadd.s32 $0xFFFFE003, lr  }
0x1b: {  	s9 =	sadd.s32 $0xFFFFFEF7, lr;
	s5 =	simm.s32 $0xFFFFFFFF;
	p2 =	slt.u32 s8, $0xFFFFF086  }
0x1c: {  	p1 =	slt.u32 s9, $0xF7A;
	s5 =	simm.s32 @!p2 $0x0  }
0x1d: {  	s5 =	simm.s32 @p1 $0x1;
	p0 =	seq.s32 s7, s2  }
0x1e: {  	s7 =	smul.u32 @!p0 $0xF7A, s2;
	p2 =	seq.s32 @!p0 s5, $0x0  }
0x1f: {  	s9 =	smul.u32 $0xF7A, s1;
	s8 =	simm.s32 @!p0 $0x1BF5;
	p2 =	por !p2, p0  }
0x20: {  	[sflag:s8] =	ssyncset.s32 @!p0 $0xFFFFF086;
	s6 =	sadd.s32 @!p0 s3, s7;
	s7 =	simm.s32 @!p0 $0x108  }
0x21: {  	s3 =	sadd.s32 s3, s9;
	s6 =	sadd.s32 @!p0 $0x88, s6;
	s7 =	simm.s32 @p2 $0x1082  }
0x22: {  	[simem:s7], [sflag:s8] =	dma.local @!p0 [hbm:s6], $0xF7A  }
0x23: {  	s9 =	sor.u32 $0xD0000000, s2;
	s6 =	simm.s32 $0x108;
	_ =	swait.ge @!p0 [sflag:s8], $0x0  }
0x24: {  	s3 =	sadd.s32 $0x88, s3;
	s6 =	simm.s32 @!p1 $0x1082;
	[sflag:s4] =	ssyncset.s32 $0xFFFFF086  }
0x25: {  	[simem:s6], [sflag:s4] =	dma.local [hbm:s3], $0xF7A  }
0x26: {  	[smem:$0x3F99] =	sst s1;
	(tag) =	ssettag s2;
	_ =	strace s9  }
0x27: {  	s1 =	sld [smem:$0x3FA9]  }
0x28: {  	s2 =	sld [smem:$0x3FAA]  }
0x29: {  	s4 =	sld [smem:$0x3FAC]  }
0x2a: {  	p0 =	seq.s32 s5, $0x0;
	s5 =	sld [smem:$0x3FAD]  }
0x2b: {  	s6 =	sld [smem:$0x3FAE]  }
0x2c: {  	s7 =	sld [smem:$0x3FAF]  }
0x2d: {  	s3 =	simm.s32 $0x108;
	s8 =	sld [smem:$0x3FB0]  }
0x2e: {  	s3 =	simm.s32 @!p0 $0x1082;
	s9 =	sld [smem:$0x3FB1]  }
0x2f: {  	lr =	sadd.s32 s0, s3;
	s0 =	sld [smem:$0x3FA8]  }
0x30: {  	s3 =	sld [smem:$0x3FAB]  }
0x31: {  	[smem:$0x3FB4] =	sst s10  }
0x32: {  	s10 =	sld [smem:$0x3FB2];
	_ =	sdelay $0x3  }
0x33: {  	p0 =	seq.s32 s10, $0x1;
	s10 =	sld [smem:$0x3FB4];
	_ =	sdelay $0x3  }
0x34: {  	[smem:$0x3FB4] =	sst s10  }
0x35: {  	s10 =	sld [smem:$0x3FB3];
	_ =	sdelay $0x3  }
0x36: {  	p1 =	seq.s32 s10, $0x1;
	s10 =	sld [smem:$0x3FB4];
	_ =	sdelay $0x3  }
0x37: {  	[smem:$0x3FB4] =	sst s10  }
0x38: {  	s10 =	sld [smem:$0x3FB5]  }
0x39: {  	_ = 	snop;
	(pc) =	sbr.ind lr, $3  }
0x3a: {  	_ = 	snop  }
0x3b: {  	_ = 	snop  }
0x3c: {  	p2 =	seq.s32 s10, $0x1;
	s10 =	sld [smem:$0x3FB4]  }
0x3d: {  	_ =	shalt  }
0x3e: {  	_ =	shalt  }
0x3f: {  	_ =	shalt  }
0x40: {  	_ =	shalt  }
0x41: {  	_ =	shalt  }
0x42: {  	_ =	shalt  }
0x43: {  	_ =	shalt  }
0x44: {  	_ =	shalt  }
0x45: {  	_ =	shalt  }
0x46: {  	_ =	shalt  }
0x47: {  	_ =	shalt  }
0x48: {  	_ =	shalt  }
0x49: {  	_ =	shalt  }
0x4a: {  	_ =	shalt  }
0x4b: {  	_ =	shalt  }
0x4c: {  	_ =	shalt  }
0x4d: {  	_ =	shalt  }
0x4e: {  	_ =	shalt  }
0x4f: {  	_ =	shalt  }
0x50: {  	_ =	shalt  }
0x51: {  	_ =	shalt  }
0x52: {  	_ =	shalt  }
0x53: {  	_ =	shalt  }
0x54: {  	_ =	shalt  }
0x55: {  	_ =	shalt  }
0x56: {  	_ =	shalt  }
0x57: {  	_ =	shalt  }
0x58: {  	_ =	shalt  }
0x59: {  	_ =	shalt  }
0x5a: {  	_ =	shalt  }
0x5b: {  	_ =	shalt  }
0x5c: {  	_ =	shalt  }
0x5d: {  	_ =	shalt  }
0x5e: {  	_ =	shalt  }
0x5f: {  	_ =	shalt  }
0x60: {  	_ =	shalt  }
0x61: {  	_ =	shalt  }
0x62: {  	_ =	shalt  }
0x63: {  	_ =	shalt  }
0x64: {  	_ =	shalt  }
0x65: {  	_ =	shalt  }
0x66: {  	_ =	shalt  }
0x67: {  	_ =	shalt  }
0x68: {  	_ =	shalt  }
0x69: {  	_ =	shalt  }
0x6a: {  	_ =	shalt  }
0x6b: {  	_ =	shalt  }
0x6c: {  	_ =	shalt  }
0x6d: {  	_ =	shalt  }
0x6e: {  	_ =	shalt  }
0x6f: {  	_ =	shalt  }
0x70: {  	_ =	shalt  }
0x71: {  	_ =	shalt  }
0x72: {  	_ =	shalt  }
0x73: {  	_ =	shalt  }
0x74: {  	_ =	shalt  }
0x75: {  	_ =	shalt  }
0x76: {  	_ =	shalt  }
0x77: {  	_ =	shalt  }
0x78: {  	_ =	shalt  }
0x79: {  	_ =	shalt  }
0x7a: {  	_ =	shalt  }
0x7b: {  	_ =	shalt  }
0x7c: {  	_ =	shalt  }
0x7d: {  	_ =	shalt  }
0x7e: {  	_ =	shalt  }
0x7f: {  	_ =	shalt  }
0x80: {  	_ =	shalt  }
0x81: {  	_ =	shalt  }
0x82: {  	_ =	shalt  }
0x83: {  	_ =	shalt  }
0x84: {  	_ =	shalt  }
0x85: {  	_ =	shalt  }
0x86: {  	_ =	shalt  }
0x87: {  	_ =	shalt  }
.Lfunc_end0:
.L_simem_size_0:
called_computation_lowered:
.L_overlay_start_0:
0x88: {  	s2 =	sld [smem:$0x3FD9]  }
0x89: {  	s3 =	sld [smem:$0x3FFE];
	_ =	sdelay $0x1  }
0x8a: {  	s1 =	srdreg.scid  }
0x8b: {  	s0 =	sand.u32 $0x1, s1  }
0x8c: {  	s17 =	sshll.u32 s0, $0xA;
	s2 =	sadd.s32 s3, s2  }
0x8d: {  	s2 =	sadd.s32 s2, s17  }
0x8e: {  	[smem:$0x3FC0] =	sst s2  }
0x8f: {  	_ = 	snop  }
0x90: {  	s2 =	sld [smem:$0x3FD0];
	(tm) =	ssettm $0x1  }
0x91: {  	s18 =	sld [smem:$0x3FFB];
	_ =	sdelay $0x3  }
0x92: {  	_ =	strace s18  }
0x93: {  	s3 =	sld [smem:$0x3FFC];
	_ =	sdelay $0x3  }
0x94: {  	_ =	strace s3  }
0x95: {  	s3 =	sld [smem:$0x3FFD];
	_ =	sdelay $0x3  }
0x96: {  	_ =	strace s3  }
0x97: {  	_ =	strace $0x8FFFFFFF  }
0x98: {  	s19 =	sld [smem:$0x3FDB];
	_ =	sdelay $0x1  }
0x99: {  	s4 =	simm.s32 $_scs_section_size  }
0x9a: {  	s5 =	simm.s32 $_size__tile_overlayer_lowered;
	s6 =	simm.s32 $_tile_overlayer_lowered  }
0x9b: {  	s22 =	simm.s32 $0x1BFF;
	s21 =	sshll.u32 s6, $0x1;
	s3 =	sadd.s32 s4, s19  }
0x9c: {  	s7 =	simm.s32 $0x0;
	s20 =	sshll.u32 s5, $0x1;
	s5 =	sadd.s32 s21, s3  }
0x9d: {  	[timem:s7], [sflag:s22] =	dma.local [hbm:s5], s20  }
0x9e: {  	_ =	swait.ge [sflag:s22], s20  }
0x9f: {  	s4 =	ssub.s32 $0x0, s20;
	[sflag:s22] =	ssyncset.done $0x0  }
0xa0: {  	[sflag:s22] =	ssyncadd.s32 s4;
	_ =	sdelay $0x1  }
0xa1: {  	s23 =	simm.s32 $0x1B8B  }
0xa2: {  	_ =	swait.ge [sflag:s23], $0x1  }
0xa3: {  	[sflag:s23] =	ssyncset.done $0x0  }
0xa4: {  	s25 =	simm.s32 $0x1B8E;
	s24 =	sld [smem:$0x3FFE];
	[sflag:s23] =	ssyncadd.s32 $0xFFFFFFFF  }
0xa5: {  	s26 =	simm.s32 $execute0_lowered;
	[smem:$0x3FD2] =	sst s25  }
0xa6: {  	s5 =	sshll.u32 s26, $0x1;
	_ =	strace $0x80000046;
	[dreg:$0x1] =	wrdreg $0xFFFFFFFF  }
0xa7: {  	s28 =	simm.s32 $_size_execute0_lowered;
	s3 =	sadd.s32 s3, s5;
	[dreg:$0x0] =	wrdreg $0x0  }
0xa8: {  	s5 =	sshll.u32 s28, $0x1;
	[dreg:$0x2] =	wrdreg s3  }
0xa9: {  	[dreg:$0x3] =	wrdreg s5  }
0xaa: {  	[dreg:$0x4] =	wrdreg $0xC0  }
0xab: {  	_ =	task [dreg:s7], $0x5FFFF  }
0xac: {  	[dreg:$0x1] =	wrdreg $0xFFFFFFFF  }
0xad: {  	[dreg:$0x0] =	wrdreg $0x60  }
0xae: {  	[dreg:$0x2] =	wrdreg s24  }
0xaf: {  	[dreg:$0x3] =	wrdreg s2  }
0xb0: {  	[dreg:$0x4] =	wrdreg $0x67000  }
0xb1: {  	[dreg:$0x5] =	wrdreg $0x9  }
0xb2: {  	_ =	task.clear_ibuf [dreg:s7], $0x6FFFF;
	_ =	strace $0x90000046  }
0xb3: {  	s29 =	simm.s32 $0x9;
	_ =	strace $0x80000048  }
0xb4: {  	_ =	swait.ge [sflag:s29], $0x1  }
0xb5: {  	[sflag:s29] =	ssyncadd.s32 $0xFFFFFFFF  }
0xb6: {  	_ =	strace $0x90000048  }
0xb7: {  	_ =	sfence  }
0xb8: {  	s30 =	sld [smem:$0x0];
	_ =	sdelay $0x2  }
0xb9: {  	s31 =	sshll.u32 s1, $0xD;
	s1 =	sshrl.u32 s1, $0x2  }
0xba: {  	s3 =	sand.u32 $0x4000, s31;
	s1 =	sadd.s32 s1, s30  }
0xbb: {  	s0 =	sor.u32 s3, s0;
	s1 =	sshll.u32 s1, $0x11  }
0xbc: {  	s0 =	sor.u32 s1, s0  }
0xbd: {  	s0 =	sadd.s32 $0x8F2B, s0  }
0xbe: {  	[sflag:s0] =	ssyncadd.remote.s32 $0x1  }
0xbf: {  	_ =	sfence.sel $0xFFFF  }
0xc0: {  	[dreg:$0x0] =	wrdreg $0xFFFFFFFF;
	(pc) =	sbr.abs _section_cstart, $3  }
0xc1: {  	[dreg:$0x1] =	wrdreg $0xFFFFFFFF  }
0xc2: {  	_ =	task.clear_ibuf [dreg:s7], $0x2FFFF;
	_ =	strace $0x9FFFFFFF  }
0xc3: {  	(tm) =	ssettm $0x7FFFFFFF  }
tec
execute0_lowered:
.L_overlay_start_1:
0x0: {  	(tag) =	ssettag $0x1  }
0x1: {  	s4 =	rddreg [dreg:$0x0]  }
0x2: {  	s6 =	rddreg [dreg:$0x1]  }
0x3: {  	s0 =	srdreg.scid;
	s2 =	rddreg [dreg:$0x2]  }
0x4: {  	s3 =	simm.s32 $0x0;
	s5 =	sand.u32 $0x1, s0;
	s0 =	stileid.u32  }
0x5: {  	s11 =	simm.s32 $0x6400;
	s14 =	simm.s32 $0x0;
	s8 =	smul.u32 $0x280, s0  }
0x6: {  	[smem:$0x7FF] =	sst s3;
	s1 =	sshll.u32 s5, $0x4;
	s9 =	smul.u32 $0x2800, s5  }
0x7: {  	s5 =	ssub.s32 $0x2, s5;
	s12 =	sshll.u32 s0, $0x6;
	s7 =	sor.u32 s0, s1  }
0x8: {  	s1 =	rddreg [dreg:$0x3];
	_ =	strace $0x80000047;
	s7 =	smul.u32 $0x6400, s7  }
0x9: {  	s10 =	sshrl.u32 s5, $0x1;
	s12 =	sor.u32 $0x1C01, s12;
	s9 =	sadd.s32 s8, s9  }
0xa: {  	s10 =	ssub.s32 s5, s10;
	s31 =	sshrl.u32 s9, $0x3;
	s7 =	sshrl.u32 s7, $0x3  }
0xb: {  	s9 =	simm.s32 $0x1;
	s6 =	sadd.s32 s6, s31;
	s30 =	sadd.s32 s4, s7  }
0xc: {  	s4 =	sadd.s32 s8, s2;
	s7 =	smax.u32 s10, $0x1;
	s8 =	simm.s32 $0x6480  }
0xd: {  	v0 =	vimm.f32 $0.0e+00;
	v1 =	vimm.f32 $1.000000000e+00;
	s10 =	simm.s32 $0x50;
	s5 =	sadd.s32 $0x1B600, s30;
	s13 =	sshrl.u32 s4, $0x3  }
.LBB2_1:
0xe: {  	[tilespmem:$0x6480] =	vst v0  }
0xf: {  	[tilespmem:$0x6490] =	vst v0  }
0x10: {  	[tilespmem:$0x64A0] =	vst v0  }
0x11: {  	[tilespmem:$0x64B0] =	vst v0  }
0x12: {  	[tilespmem:$0x64C0] =	vst v0  }
0x13: {  	[tilespmem:$0x64D0] =	vst v0  }
0x14: {  	[tilespmem:$0x64E0] =	vst v0  }
0x15: {  	[tilespmem:$0x64F0] =	vst v0  }
0x16: {  	[tilespmem:$0x6500] =	vst v0  }
0x17: {  	[tilespmem:$0x6510] =	vst v0  }
0x18: {  	[tilespmem:$0x6520] =	vst v0  }
0x19: {  	[tilespmem:$0x6530] =	vst v0  }
0x1a: {  	[tilespmem:$0x6540] =	vst v0  }
0x1b: {  	[tilespmem:$0x6550] =	vst v0  }
0x1c: {  	[tilespmem:$0x6560] =	vst v0  }
0x1d: {  	[tilespmem:$0x6570] =	vst v0  }
0x1e: {  	[tilespmem:$0x6580] =	vst v0  }
0x1f: {  	[tilespmem:$0x6590] =	vst v0  }
0x20: {  	[tilespmem:$0x65A0] =	vst v0  }
0x21: {  	[tilespmem:$0x65B0] =	vst v0  }
0x22: {  	[tilespmem:$0x65C0] =	vst v0  }
0x23: {  	[tilespmem:$0x65D0] =	vst v0  }
0x24: {  	[tilespmem:$0x65E0] =	vst v0  }
0x25: {  	[tilespmem:$0x65F0] =	vst v0  }
0x26: {  	[tilespmem:$0x6600] =	vst v0  }
0x27: {  	[tilespmem:$0x6610] =	vst v0  }
0x28: {  	[tilespmem:$0x6620] =	vst v0  }
0x29: {  	[tilespmem:$0x6630] =	vst v0  }
0x2a: {  	[tilespmem:$0x6640] =	vst v0  }
0x2b: {  	[tilespmem:$0x6650] =	vst v0  }
0x2c: {  	[tilespmem:$0x6660] =	vst v0  }
0x2d: {  	[tilespmem:$0x6670] =	vst v0  }
0x2e: {  	[tilespmem:$0x6680] =	vst v0  }
0x2f: {  	[tilespmem:$0x6690] =	vst v0  }
0x30: {  	[tilespmem:$0x66A0] =	vst v0  }
0x31: {  	[tilespmem:$0x66B0] =	vst v0  }
0x32: {  	[tilespmem:$0x66C0] =	vst v0  }
0x33: {  	[tilespmem:$0x66D0] =	vst v0  }
0x34: {  	[tilespmem:$0x66E0] =	vst v0  }
0x35: {  	[tilespmem:$0x66F0] =	vst v0  }
0x36: {  	[tilespmem:$0x6400] =	vst v1  }
0x37: {  	[tilespmem:$0x6410] =	vst v1  }
0x38: {  	[tilespmem:$0x6420] =	vst v1  }
0x39: {  	[tilespmem:$0x6430] =	vst v1  }
0x3a: {  	[tilespmem:$0x6440] =	vst v1  }
0x3b: {  	[spmem:s4] =	stream.linear.scatter [tilespmem:s8], [sflag:$0x1], $0x280, $0x38;
	[tilespmem:$0x6980] =	vst v63  }
0x3c: {  	_ =	swait.ge [sflag:s9], $0x280  }
0x3d: {  	s15 =	simm.s32 $0x80;
	s18 =	sadd.s32 $0x0, s5;
	[sflag:s9] =	ssyncset.done $0x0  }
0x3e: {  	s16 =	simm.s32 $0x400;
	s17 =	simm.s32 $0x0;
	[sflag:s9] =	ssyncadd.s32 $0xFFFFFD80  }
.LBB2_2:
0x3f: {  	[tilespmem:s17], [sflag:$0x1] =	stream.linear.gather [hbm4b:s18+s3], $0x280, $0x38;
	[tilespmem:$0x6980] =	vst v63  }
0x40: {  	s18 =	smov.u32 s15;
	s17 =	smov.u32 s16;
	p0 =	sne.s32 s15, $0xC00  }
.Ltmp0:
0x41: {  	s15 =	sadd.s32 $0x80, s15;
	(pc) =	sbr.rel @p0 .LBB2_2-.Ltmp0, $2  }
0x42: {  	_ =	sdelay $0x2  }
0x43: {  	s16 =	sadd.s32 $0x400, s16;
	s18 =	sadd.s32 s18, s5  }
0x44: {  	[tilespmem:s17], [sflag:$0x1] =	stream.linear.gather [hbm4b:s18+s3], $0x280, $0x38;
	[tilespmem:$0x6980] =	vst v63  }
0x45: {  	_ =	swait.ge [sflag:s9], $0x3E80  }
0x46: {  	[sflag:s9] =	ssyncset.done $0x0  }
0x47: {  	[sflag:s9] =	ssyncadd.s32 $0xFFFFC180  }
0x48: {  	s15 =	simm.s32 $0x0;
	[bflag:$0x0] =	sbarrier.arrive $0xFFFF  }
0x49: {  	[spmem:s2] =	stream.indirect.scatter.add.f32 [tilespmem:s11], [sflag:$0x1], $0x1, s15, s10, $0xb8;
	[tilespmem:$0x6980] =	vst v63  }
0x4a: {  	_ =	swait.ge [sflag:s9], $0x50  }
0x4b: {  	[sflag:s9] =	ssyncset.done $0x0  }
0x4c: {  	s28 =	simm.s32 $0x80;
	[sflag:s9] =	ssyncadd.s32 $0xFFFFFFB0  }
0x4d: {  	[spmem:s2] =	stream.indirect.scatter.add.f32 [tilespmem:s11], [sflag:$0x1], $0x1, s28, s10, $0xb8;
	[tilespmem:$0x6980] =	vst v63  }
0x4e: {  	_ =	swait.ge [sflag:s9], $0x50  }
0x4f: {  	[sflag:s9] =	ssyncset.done $0x0  }
0x50: {  	s29 =	simm.s32 $0x100;
	[sflag:s9] =	ssyncadd.s32 $0xFFFFFFB0  }
0x51: {  	[spmem:s2] =	stream.indirect.scatter.add.f32 [tilespmem:s11], [sflag:$0x1], $0x1, s29, s10, $0xb8;
	[tilespmem:$0x6980] =	vst v63  }
0x52: {  	_ =	swait.ge [sflag:s9], $0x50  }
0x53: {  	[sflag:s9] =	ssyncset.done $0x0  }
0x54: {  	s30 =	simm.s32 $0x180;
	[sflag:s9] =	ssyncadd.s32 $0xFFFFFFB0  }
0x55: {  	[spmem:s2] =	stream.indirect.scatter.add.f32 [tilespmem:s11], [sflag:$0x1], $0x1, s30, s10, $0xb8;
	[tilespmem:$0x6980] =	vst v63  }
0x56: {  	_ =	swait.ge [sflag:s9], $0x50  }
0x57: {  	[sflag:s9] =	ssyncset.done $0x0  }
0x58: {  	s31 =	simm.s32 $0x200;
	[sflag:s9] =	ssyncadd.s32 $0xFFFFFFB0  }
0x59: {  	[spmem:s2] =	stream.indirect.scatter.add.f32 [tilespmem:s11], [sflag:$0x1], $0x1, s31, s10, $0xb8;
	[tilespmem:$0x6980] =	vst v63  }
0x5a: {  	_ =	swait.ge [sflag:s9], $0x50  }
0x5b: {  	s16 =	simm.s32 $0x2000;
	s15 =	simm.s32 $0x1000;
	[sflag:s9] =	ssyncset.done $0x0  }
.LBB2_4:
0x5c: {  	s17 =	sshra.s32 s15, $0x2  }
0x5d: {  	[sflag:s9] =	ssyncadd.s32 $0xFFFFFFB0;
	s15 =	smov.u32 s16;
	s18 =	sadd.s32 $0x1000, s16  }
0x5e: {  	[spmem:s2] =	stream.indirect.scatter.add.f32 [tilespmem:s11], [sflag:$0x1], $0x1, s17, s10, $0xb8;
	[tilespmem:$0x6980] =	vst v63  }
0x5f: {  	p0 =	sne.s32 s16, $0x18000;
	_ =	swait.ge [sflag:s9], $0x50  }
0x60: {  	[sflag:s9] =	ssyncset.done $0x0  }
0x61: {  	s16 =	sadd.s32 $0x80, s17;
	[sflag:s9] =	ssyncadd.s32 $0xFFFFFFB0  }
0x62: {  	[spmem:s2] =	stream.indirect.scatter.add.f32 [tilespmem:s11], [sflag:$0x1], $0x1, s16, s10, $0xb8;
	[tilespmem:$0x6980] =	vst v63  }
0x63: {  	_ =	swait.ge [sflag:s9], $0x50  }
0x64: {  	[sflag:s9] =	ssyncset.done $0x0  }
0x65: {  	s16 =	sadd.s32 $0x100, s17;
	[sflag:s9] =	ssyncadd.s32 $0xFFFFFFB0  }
0x66: {  	[spmem:s2] =	stream.indirect.scatter.add.f32 [tilespmem:s11], [sflag:$0x1], $0x1, s16, s10, $0xb8;
	[tilespmem:$0x6980] =	vst v63  }
0x67: {  	_ =	swait.ge [sflag:s9], $0x50  }
0x68: {  	[sflag:s9] =	ssyncset.done $0x0  }
0x69: {  	s16 =	sadd.s32 $0x180, s17;
	[sflag:s9] =	ssyncadd.s32 $0xFFFFFFB0  }
0x6a: {  	[spmem:s2] =	stream.indirect.scatter.add.f32 [tilespmem:s11], [sflag:$0x1], $0x1, s16, s10, $0xb8;
	[tilespmem:$0x6980] =	vst v63  }
0x6b: {  	_ =	swait.ge [sflag:s9], $0x50  }
.Ltmp1:
0x6c: {  	[sflag:s9] =	ssyncset.done $0x0;
	(pc) =	sbr.rel @p0 .LBB2_4-.Ltmp1, $4  }
0x6d: {  	s16 =	sadd.s32 $0x200, s17;
	[sflag:s9] =	ssyncadd.s32 $0xFFFFFFB0  }
0x6e: {  	[spmem:s2] =	stream.indirect.scatter.add.f32 [tilespmem:s11], [sflag:$0x1], $0x1, s16, s10, $0xb8;
	[tilespmem:$0x6980] =	vst v63  }
0x6f: {  	_ =	swait.ge [sflag:s9], $0x50  }
0x70: {  	s16 =	smov.u32 s18;
	[sflag:s9] =	ssyncset.done $0x0  }
0x71: {  	s15 =	sshra.s32 s15, $0x2;
	[sflag:s9] =	ssyncadd.s32 $0xFFFFFFB0  }
0x72: {  	[spmem:s2] =	stream.indirect.scatter.add.f32 [tilespmem:s11], [sflag:$0x1], $0x1, s15, s10, $0xb8;
	[tilespmem:$0x6980] =	vst v63  }
0x73: {  	_ =	swait.ge [sflag:s9], $0x50  }
0x74: {  	[sflag:s9] =	ssyncset.done $0x0  }
0x75: {  	s16 =	sadd.s32 $0x80, s15;
	[sflag:s9] =	ssyncadd.s32 $0xFFFFFFB0  }
0x76: {  	[spmem:s2] =	stream.indirect.scatter.add.f32 [tilespmem:s11], [sflag:$0x1], $0x1, s16, s10, $0xb8;
	[tilespmem:$0x6980] =	vst v63  }
0x77: {  	_ =	swait.ge [sflag:s9], $0x50  }
0x78: {  	[sflag:s9] =	ssyncset.done $0x0  }
0x79: {  	s30 =	sadd.s32 $0x100, s15;
	[sflag:s9] =	ssyncadd.s32 $0xFFFFFFB0  }
0x7a: {  	[spmem:s2] =	stream.indirect.scatter.add.f32 [tilespmem:s11], [sflag:$0x1], $0x1, s30, s10, $0xb8;
	[tilespmem:$0x6980] =	vst v63  }
0x7b: {  	_ =	swait.ge [sflag:s9], $0x50  }
0x7c: {  	[sflag:s9] =	ssyncset.done $0x0  }
0x7d: {  	s31 =	sadd.s32 $0x180, s15;
	[sflag:s9] =	ssyncadd.s32 $0xFFFFFFB0  }
0x7e: {  	[spmem:s2] =	stream.indirect.scatter.add.f32 [tilespmem:s11], [sflag:$0x1], $0x1, s31, s10, $0xb8;
	[tilespmem:$0x6980] =	vst v63  }
0x7f: {  	_ =	swait.ge [sflag:s9], $0x50  }
0x80: {  	[sflag:s9] =	ssyncset.done $0x0  }
0x81: {  	s15 =	sadd.s32 $0x200, s15;
	[sflag:s9] =	ssyncadd.s32 $0xFFFFFFB0  }
0x82: {  	[spmem:s2] =	stream.indirect.scatter.add.f32 [tilespmem:s11], [sflag:$0x1], $0x1, s15, s10, $0xb8;
	[tilespmem:$0x6980] =	vst v63  }
0x83: {  	_ =	swait.ge [sflag:s9], $0x50  }
0x84: {  	s14 =	sadd.s32 $0x1, s14;
	[sflag:s9] =	ssyncset.done $0x0  }
0x85: {  	p0 =	sne.s32 s14, s7;
	[sflag:s9] =	ssyncadd.s32 $0xFFFFFFB0  }
.Ltmp2:
0x86: {  	[bflag:$0x0] =	sbarrier.arrive $0xFFFF;
	(pc) =	sbr.rel @p0 .LBB2_1-.Ltmp2, $4  }
0x87: {  	[hbm:s6], [sflag:s12] =	dma.local [spmem:s13], $0x50  }
0x88: {  	_ =	swait.ge [sflag:s9], $0x50  }
0x89: {  	[sflag:s9] =	ssyncset.done $0x0  }
0x8a: {  	[sflag:s9] =	ssyncadd.s32 $0xFFFFFFB0  }
0x8b: {  	_ =	sfence.sel $0x180000  }
0x8c: {  	[bflag:$0x0] =	sbarrier.arrive $0xFFFF  }
0x8d: {  	p0 =	sne.s32 s0, $0x0;
	_ =	strace $0x90000047  }
0x8e: {  	s0 =	sadd.s32 @!p0 $0x100000, s1;
	[bflag:$0x2] =	sbarrier.arrive $0xFFFF  }
0x8f: {  	[sflag:s0] =	ssyncadd.tile.s32 @!p0 $0x1;
	_ =	shalt  }
.Lfunc_end2:
_tile_overlayer_lowered:
.L_overlay_start_2:
0x90: {  	(tag) =	ssettag $0x2  }
0x91: {  	s0 =	rddreg [dreg:$0x0];
	s2 =	stileid.u32  }
0x92: {  	s1 =	rddreg [dreg:$0x1];
	p0 =	sne.s32 s2, $0x0  }
0x93: {  	s3 =	rddreg [dreg:$0x2];
	[bflag:$0x3] =	sbarrier.arrive $0xFFFF;
	s2 =	simm.s32 @!p0 $0x1C01  }
0x94: {  	[timem:s3], [sflag:s2] =	dma.local @!p0 [hbm:s0], s1  }
0x95: {  	s0 =	simm.s32 @!p0 $0x1  }
0x96: {  	_ =	swait.ge @!p0 [sflag:s0], s1  }
0x97: {  	s1 =	ssub.s32 @!p0 $0x0, s1;
	[sflag:s0] =	ssyncset.done @!p0 $0x0  }
0x98: {  	[sflag:s0] =	ssyncadd.s32 @!p0 s1  }
0x99: {  	[bflag:$0x3] =	sbarrier.arrive $0xFFFF  }
0x9a: {  	_ =	shalt  }

</sc_bundles>
